<compile_context>
chip_gen: v7x
topology: tpu7x:2x2x1
jax: 0.10.2.dev20260603
libtpu: 0.0.44.dev20260713+nightly
codegen_flags: <defaults>
</compile_context>

<pallas_src>
import functools

import jax
import jax.numpy as jnp
from jax import lax
from jax.experimental import pallas as pl
from jax.experimental.pallas import tpu as pltpu
from jax.experimental.pallas import tpu_sc as plsc

N_NODES = 10000
D = 256
DH = 128
EPS = 1e-5

NC = 2
NS = 16
CHUNK = 64
NCH = 160
SEC = 32
NSEC = NCH // SEC
NSLOT = 4
EPT = CHUNK * NCH
E_PAD = EPT * NS
ACC_ROWS = 10112
ROWS_PT = ACC_ROWS // NS

ACH_CHUNK = 128
ACH = 80

_mesh = plsc.VectorSubcoreMesh(core_axis_name="c", subcore_axis_name="s",
                               num_cores=NC, num_subcores=NS)


def _degrees_body(eh_ref, zero_ref, out_ref, idx_v, vals_v, hist_sh, sem):
    c = lax.axis_index("c")
    s = lax.axis_index("s")
    ones16 = jnp.ones((16,), jnp.float32)
    for r in range(ACH_CHUNK):
        vals_v[r, :] = ones16
    pltpu.sync_copy(zero_ref.at[pl.ds(s * ROWS_PT, ROWS_PT)],
                    hist_sh.at[pl.ds(s * ROWS_PT, ROWS_PT)])
    plsc.subcore_barrier()
    pltpu.sync_copy(eh_ref.at[c, s], idx_v)

    def group(g, carry):
        descs = []
        for k in range(8):
            descs.append(
                pltpu.async_copy(vals_v, hist_sh.at[idx_v.at[g * 8 + k]],
                                 sem, add=True))
        for d in descs:
            d.wait()
        return carry

    lax.fori_loop(0, ACH // 8, group, 0)
    plsc.subcore_barrier()
    pltpu.sync_copy(hist_sh.at[pl.ds(s * ROWS_PT, ROWS_PT)],
                    out_ref.at[c, pl.ds(s * ROWS_PT, ROWS_PT)])


_degrees_kernel = pl.kernel(
    _degrees_body,
    out_type=jax.ShapeDtypeStruct((NC, ACC_ROWS, 16), jnp.float32),
    mesh=_mesh,
    scratch_types=[
        pltpu.VMEM((ACH, ACH_CHUNK), jnp.int32),
        pltpu.VMEM((ACH_CHUNK, 16), jnp.float32),
        pltpu.VMEM_SHARED((ACC_ROWS, 16), jnp.float32),
        pltpu.SemaphoreType.DMA,
    ],
    compiler_params=pltpu.CompilerParams(use_tc_tiling_on_sc=False),
)


def _ln_scale_body(h_ref, deg_ref, g_ref, b_ref, out_ref):
    h = h_ref[...]
    mean = jnp.mean(h, axis=-1, keepdims=True)
    var = jnp.mean((h - mean) ** 2, axis=-1, keepdims=True)
    hn = (h - mean) * lax.rsqrt(var + EPS) * g_ref[...] + b_ref[...]
    deg = deg_ref[0, :, 0:1]
    ns = jnp.where(deg > 0, lax.rsqrt(jnp.maximum(deg, 1.0)), 0.0)
    sc = hn * ns
    out_ref[0, :, :] = sc[:, :DH]
    out_ref[1, :, :] = sc[:, DH:]


def _edge_body(tab_ref, src_ref, dst_ref, out_ref,
               sidx_v, didx_v, rows_v, zb_v, acc_sh, gsem, ssem, zsem):
    c = lax.axis_index("c")
    s = lax.axis_index("s")

    z16 = jnp.zeros((16,), jnp.float32)

    def zrow(rr, carry):
        for l in range(DH // 16):
            zb_v[rr, pl.ds(l * 16, 16)] = z16
        return carry

    lax.fori_loop(0, 16, zrow, 0)

    zd = []
    for t in range(39):
        zd.append(pltpu.async_copy(
            zb_v, acc_sh.at[pl.ds(s * ROWS_PT + t * 16, 16)], zsem))
    zd.append(pltpu.async_copy(
        zb_v.at[pl.ds(0, 8)],
        acc_sh.at[pl.ds(s * ROWS_PT + 624, 8)], zsem))
    pltpu.sync_copy(src_ref.at[c, s], sidx_v)
    for d in zd:
        d.wait()
    plsc.subcore_barrier()

    def gather(j, slot):
        pltpu.async_copy(tab_ref.at[sidx_v.at[j]], rows_v.at[slot], gsem)

    def gwait(j, slot):
        pltpu.make_async_copy(tab_ref.at[sidx_v.at[j]],
                              rows_v.at[slot], gsem).wait()

    def swait(l, slot):
        pltpu.make_async_copy(rows_v.at[slot],
                              acc_sh.at[didx_v.at[l]], ssem).wait()

    for k in range(NSLOT):
        gather(k, k)

    def section(sec, carry):
        @pl.when(sec > 0)
        def _():
            swait(0, NSLOT - 1)
            gather(sec * SEC + NSLOT - 1, NSLOT - 1)

        pltpu.sync_copy(dst_ref.at[s, pl.ds(sec * SEC, SEC)], didx_v)

        def step(ii, carry2):
            for b in range(NSLOT):
                l = ii * NSLOT + b
                j = sec * SEC + l
                gwait(j, b)
                pltpu.async_copy(rows_v.at[b], acc_sh.at[didx_v.at[l]],
                                 ssem, add=True)
                if not (b == 0):
                    @pl.when(j + NSLOT - 1 < NCH)
                    def _():
                        swait(l - 1, b - 1)
                        gather(j + NSLOT - 1, b - 1)
                else:
                    @pl.when(jnp.logical_and(l > 0, j + NSLOT - 1 < NCH))
                    def _():
                        swait(l - 1, NSLOT - 1)
                        gather(j + NSLOT - 1, NSLOT - 1)
            return carry2

        lax.fori_loop(0, SEC // NSLOT, step, 0)
        return carry

    lax.fori_loop(0, NSEC, section, 0)
    for k in range(NSLOT):
        swait(SEC - NSLOT + k, k)
    plsc.subcore_barrier()
    pltpu.sync_copy(acc_sh.at[pl.ds(s * ROWS_PT, ROWS_PT)],
                    out_ref.at[c, pl.ds(s * ROWS_PT, ROWS_PT)])


_edge_kernel = pl.kernel(
    _edge_body,
    out_type=jax.ShapeDtypeStruct((NC, ACC_ROWS, DH), jnp.float32),
    mesh=_mesh,
    scratch_types=[
        pltpu.VMEM((NCH, CHUNK), jnp.int32),
        pltpu.VMEM((SEC, CHUNK), jnp.int32),
        pltpu.VMEM((NSLOT, CHUNK, DH), jnp.float32),
        pltpu.VMEM((16, DH), jnp.float32),
        pltpu.VMEM_SHARED((ACC_ROWS, DH), jnp.float32),
        pltpu.SemaphoreType.DMA,
        pltpu.SemaphoreType.DMA,
        pltpu.SemaphoreType.DMA,
    ],
    compiler_params=pltpu.CompilerParams(use_tc_tiling_on_sc=False),
)


def _ffn_body(agg_ref, deg_ref, wt_ref, b_ref, out_ref):
    deg = deg_ref[0, :, 0:1]
    nd = jnp.where(deg > 0, lax.rsqrt(jnp.maximum(deg, 1.0)), 0.0)
    hc = jnp.concatenate([agg_ref[0, :, :] * nd, agg_ref[1, :, :] * nd],
                         axis=-1)
    out_ref[...] = jnp.dot(hc, wt_ref[...],
                           preferred_element_type=jnp.float32) + b_ref[...]


def kernel(h, edge_index, gamma, beta, W, b):
    N = h.shape[0]
    E = edge_index.shape[1]
    pad = E_PAD - E

    src = edge_index[0]
    dst = edge_index[1]

    eh = jnp.concatenate(
        [edge_index, jnp.full((2, pad), N, jnp.int32)], axis=1
    ).reshape(NC, NS, ACH, ACH_CHUNK)
    zero16 = jnp.zeros((ACC_ROWS, 16), jnp.float32)
    degs = _degrees_kernel(eh, zero16)

    nb = 10
    rows = N // nb
    hn2 = pl.pallas_call(
        _ln_scale_body,
        grid=(nb,),
        in_specs=[
            pl.BlockSpec((rows, D), lambda r: (r, 0)),
            pl.BlockSpec((1, rows, 16), lambda r: (0, r, 0)),
            pl.BlockSpec((1, D), lambda r: (0, 0)),
            pl.BlockSpec((1, D), lambda r: (0, 0)),
        ],
        out_specs=pl.BlockSpec((NC, rows, DH), lambda r: (0, r, 0)),
        out_shape=jax.ShapeDtypeStruct((NC, N, DH), jnp.float32),
    )(h, degs, gamma.reshape(1, D), beta.reshape(1, D))

    src_p = jnp.concatenate([src, jnp.zeros((pad,), jnp.int32)])
    dst_p = jnp.concatenate([dst, jnp.full((pad,), N, jnp.int32)])
    offs = jnp.arange(NC, dtype=jnp.int32).reshape(NC, 1) * N
    srcC = (src_p[None, :] + offs).reshape(NC, NS, NCH, CHUNK)
    dstC = dst_p.reshape(NS, NCH, CHUNK)
    agg = _edge_kernel(hn2.reshape(NC * N, DH), srcC, dstC)

    out = pl.pallas_call(
        _ffn_body,
        grid=(nb,),
        in_specs=[
            pl.BlockSpec((NC, rows, DH), lambda r: (0, r, 0)),
            pl.BlockSpec((1, rows, 16), lambda r: (1, r, 0)),
            pl.BlockSpec((D, D), lambda r: (0, 0)),
            pl.BlockSpec((1, D), lambda r: (0, 0)),
        ],
        out_specs=pl.BlockSpec((rows, D), lambda r: (r, 0)),
        out_shape=jax.ShapeDtypeStruct((N, D), jnp.float32),
    )(agg, degs, W.T, b.reshape(1, D))
    return out

# --- scband reference (transcript-rebuilt; emitter-appended) ---
"""Pipeline reference for scband-gcnmodule-10359461118093 (READ-ONLY COPY).

The authoritative reference and input builder live on the scoring server;
editing this copy changes nothing except your own understanding.
"""

import jax, jax.numpy as jnp
import numpy as np

N_NODES = 10000
N_EDGES = 160000
D = 256
EPS = 1e-5


def setup_inputs(seed: int = 0) -> dict:
    key = jax.random.key(seed)
    k1, k2, k3 = jax.random.split(key, 3)
    h = jax.random.normal(k1, (N_NODES, D), dtype=jnp.float32)
    edge_index = jax.random.randint(k2, (2, N_EDGES), 0, N_NODES, dtype=jnp.int32)
    # learned params: LayerNorm gamma/beta, FeedForward linear W/b
    gamma = jnp.ones((D,), dtype=jnp.float32)
    beta = jnp.zeros((D,), dtype=jnp.float32)
    W = jax.random.normal(k3, (D, D), dtype=jnp.float32) * (1.0 / np.sqrt(D))
    b = jnp.zeros((D,), dtype=jnp.float32)
    return {"h": h, "edge_index": edge_index, "gamma": gamma, "beta": beta, "W": W, "b": b}


def reference(h, edge_index, gamma, beta, W, b):
    N = h.shape[0]
    src = edge_index[0]
    dst = edge_index[1]

    # --- LayerNorm (self.normalization) ---
    mean = jnp.mean(h, axis=-1, keepdims=True)
    var = jnp.var(h, axis=-1, keepdims=True)
    hn = (h - mean) / jnp.sqrt(var + EPS) * gamma + beta

    # --- GraphConv(norm='both', weight=False, bias=False, allow_zero_in_degree=True) ---
    ones_e = jnp.ones((src.shape[0],), dtype=jnp.float32)
    out_deg = jax.ops.segment_sum(ones_e, src, num_segments=N)
    in_deg = jax.ops.segment_sum(ones_e, dst, num_segments=N)
    norm_src = jnp.where(out_deg > 0, jnp.power(jnp.maximum(out_deg, 1.0), -0.5), 0.0)
    norm_dst = jnp.where(in_deg > 0, jnp.power(jnp.maximum(in_deg, 1.0), -0.5), 0.0)

    hn_scaled = hn * norm_src[:, None]
    msg = jnp.take(hn_scaled, src, axis=0)  # gather per-edge messages
    agg = jnp.zeros((N, hn.shape[1]), dtype=hn.dtype).at[dst].add(msg)  # scatter-add
    hc = agg * norm_dst[:, None]

    # --- FeedForwardModule: linear (+ dropout p=0.0 -> identity) ---
    out = hc @ W.T + b
    return out

if __name__ == "__main__":
    import jax
    _d = setup_inputs()
    print(jax.jit(kernel)(*tuple(_d.values())))

</pallas_src>

<mosaic_0001>
#map = affine_map<(d0, d1) -> (0, 0)>
#map1 = affine_map<(d0, d1) -> (0, 0, 0, 0)>
#map2 = affine_map<(d0, d1) -> (0, 0, 0)>
module attributes {stable_mosaic.version = 14 : i64} {
  func.func @_edge_body(%arg0: i32, %arg1: i32, %arg2: memref<20000x128xf32, #tpu.memory_space<hbm>>, %arg3: memref<2x16x160x64xi32, #tpu.memory_space<hbm>>, %arg4: memref<16x160x64xi32, #tpu.memory_space<hbm>>, %arg5: memref<2x10112x128xf32, #tpu.memory_space<hbm>>, %arg6: memref<160x64xi32, #tpu.memory_space<vmem>>, %arg7: memref<32x64xi32, #tpu.memory_space<vmem>>, %arg8: memref<4x64x128xf32, #tpu.memory_space<vmem>>, %arg9: memref<16x128xf32, #tpu.memory_space<vmem>>, %arg10: memref<10112x128xf32, #tpu.memory_space<vmem_shared>>, %arg11: memref<!tpu.dma_semaphore, #tpu.memory_space<semaphore_mem>>, %arg12: memref<!tpu.dma_semaphore, #tpu.memory_space<semaphore_mem>>, %arg13: memref<!tpu.dma_semaphore, #tpu.memory_space<semaphore_mem>>) attributes {dimension_semantics = [#tpu.dimension_semantics<core_parallel>, #tpu.dimension_semantics<subcore_parallel>], iteration_bounds = array<i64: 2, 16>, scalar_prefetch = 0 : i64, scratch_operands = 8 : i64, tpu.core_type = #tpu.core_type<sc_vector_subcore>, window_params = [{transform_indices = #map}, {transform_indices = #map1}, {transform_indices = #map2}, {transform_indices = #map2}]} {
    %broadcast_in_dim3A = arith.constant 0.000000e+00 : f32
    %broadcast_in_dim3A_0 = vector.broadcast %broadcast_in_dim3A : f32 to vector<16xf32>
    %scan3A = arith.constant 0 : i32
    %scan3A_1 = arith.constant 0 : i32
    %scan3A_2 = arith.constant 16 : i32
    %scan3A_3 = arith.addi %scan3A_1, %scan3A_2 : i32
    %scan3A_4 = arith.constant 1 : i32
    scf.for %scan3A_601 = %scan3A_1 to %scan3A_3 step %scan3A_4  : i32 {
      %swap3A = arith.index_cast %scan3A_601 : i32 to index
      %swap3A_602 = arith.constant 0 : index
      %swap3A_603 = tpu.vector_load %arg9[%swap3A, %swap3A_602] {strides = array<i32>} : memref<16x128xf32, #tpu.memory_space<vmem>>, vector<1x16xf32>,
      %swap3A_604 = vector.shape_cast %swap3A_603 : vector<1x16xf32> to vector<16xf32>
      %swap3A_605 = vector.shape_cast %broadcast_in_dim3A_0 : vector<16xf32> to vector<1x16xf32>
      tpu.vector_store %arg9[%swap3A, %swap3A_602], %swap3A_605 {strides = array<i32>} : memref<16x128xf32, #tpu.memory_space<vmem>>, vector<1x16xf32>,
      %swap3A_606 = arith.index_cast %scan3A_601 : i32 to index
      %swap3A_607 = arith.constant 16 : index
      %swap3A_608 = tpu.vector_load %arg9[%swap3A_606, %swap3A_607] {strides = array<i32>} : memref<16x128xf32, #tpu.memory_space<vmem>>, vector<1x16xf32>,
      %swap3A_609 = vector.shape_cast %swap3A_608 : vector<1x16xf32> to vector<16xf32>
      %swap3A_610 = vector.shape_cast %broadcast_in_dim3A_0 : vector<16xf32> to vector<1x16xf32>
      tpu.vector_store %arg9[%swap3A_606, %swap3A_607], %swap3A_610 {strides = array<i32>} : memref<16x128xf32, #tpu.memory_space<vmem>>, vector<1x16xf32>,
      %swap3A_611 = arith.index_cast %scan3A_601 : i32 to index
      %swap3A_612 = arith.constant 32 : index
      %swap3A_613 = tpu.vector_load %arg9[%swap3A_611, %swap3A_612] {strides = array<i32>} : memref<16x128xf32, #tpu.memory_space<vmem>>, vector<1x16xf32>,
      %swap3A_614 = vector.shape_cast %swap3A_613 : vector<1x16xf32> to vector<16xf32>
      %swap3A_615 = vector.shape_cast %broadcast_in_dim3A_0 : vector<16xf32> to vector<1x16xf32>
      tpu.vector_store %arg9[%swap3A_611, %swap3A_612], %swap3A_615 {strides = array<i32>} : memref<16x128xf32, #tpu.memory_space<vmem>>, vector<1x16xf32>,
      %swap3A_616 = arith.index_cast %scan3A_601 : i32 to index
      %swap3A_617 = arith.constant 48 : index
      %swap3A_618 = tpu.vector_load %arg9[%swap3A_616, %swap3A_617] {strides = array<i32>} : memref<16x128xf32, #tpu.memory_space<vmem>>, vector<1x16xf32>,
      %swap3A_619 = vector.shape_cast %swap3A_618 : vector<1x16xf32> to vector<16xf32>
      %swap3A_620 = vector.shape_cast %broadcast_in_dim3A_0 : vector<16xf32> to vector<1x16xf32>
      tpu.vector_store %arg9[%swap3A_616, %swap3A_617], %swap3A_620 {strides = array<i32>} : memref<16x128xf32, #tpu.memory_space<vmem>>, vector<1x16xf32>,
      %swap3A_621 = arith.index_cast %scan3A_601 : i32 to index
      %swap3A_622 = arith.constant 64 : index
      %swap3A_623 = tpu.vector_load %arg9[%swap3A_621, %swap3A_622] {strides = array<i32>} : memref<16x128xf32, #tpu.memory_space<vmem>>, vector<1x16xf32>,
      %swap3A_624 = vector.shape_cast %swap3A_623 : vector<1x16xf32> to vector<16xf32>
      %swap3A_625 = vector.shape_cast %broadcast_in_dim3A_0 : vector<16xf32> to vector<1x16xf32>
      tpu.vector_store %arg9[%swap3A_621, %swap3A_622], %swap3A_625 {strides = array<i32>} : memref<16x128xf32, #tpu.memory_space<vmem>>, vector<1x16xf32>,
      %swap3A_626 = arith.index_cast %scan3A_601 : i32 to index
      %swap3A_627 = arith.constant 80 : index
      %swap3A_628 = tpu.vector_load %arg9[%swap3A_626, %swap3A_627] {strides = array<i32>} : memref<16x128xf32, #tpu.memory_space<vmem>>, vector<1x16xf32>,
      %swap3A_629 = vector.shape_cast %swap3A_628 : vector<1x16xf32> to vector<16xf32>
      %swap3A_630 = vector.shape_cast %broadcast_in_dim3A_0 : vector<16xf32> to vector<1x16xf32>
      tpu.vector_store %arg9[%swap3A_626, %swap3A_627], %swap3A_630 {strides = array<i32>} : memref<16x128xf32, #tpu.memory_space<vmem>>, vector<1x16xf32>,
      %swap3A_631 = arith.index_cast %scan3A_601 : i32 to index
      %swap3A_632 = arith.constant 96 : index
      %swap3A_633 = tpu.vector_load %arg9[%swap3A_631, %swap3A_632] {strides = array<i32>} : memref<16x128xf32, #tpu.memory_space<vmem>>, vector<1x16xf32>,
      %swap3A_634 = vector.shape_cast %swap3A_633 : vector<1x16xf32> to vector<16xf32>
      %swap3A_635 = vector.shape_cast %broadcast_in_dim3A_0 : vector<16xf32> to vector<1x16xf32>
      tpu.vector_store %arg9[%swap3A_631, %swap3A_632], %swap3A_635 {strides = array<i32>} : memref<16x128xf32, #tpu.memory_space<vmem>>, vector<1x16xf32>,
      %swap3A_636 = arith.index_cast %scan3A_601 : i32 to index
      %swap3A_637 = arith.constant 112 : index
      %swap3A_638 = tpu.vector_load %arg9[%swap3A_636, %swap3A_637] {strides = array<i32>} : memref<16x128xf32, #tpu.memory_space<vmem>>, vector<1x16xf32>,
      %swap3A_639 = vector.shape_cast %swap3A_638 : vector<1x16xf32> to vector<16xf32>
      %swap3A_640 = vector.shape_cast %broadcast_in_dim3A_0 : vector<16xf32> to vector<1x16xf32>
      tpu.vector_store %arg9[%swap3A_636, %swap3A_637], %swap3A_640 {strides = array<i32>} : memref<16x128xf32, #tpu.memory_space<vmem>>, vector<1x16xf32>,
    }
    %scan3A_5 = arith.constant 16 : i32
    %mul3A = arith.constant 632 : i32
    %mul3A_6 = arith.muli %arg1, %mul3A : i32
    %add3A = arith.constant 0 : i32
    %add3A_7 = arith.addi %mul3A_6, %add3A : i32
    %dma_start3A = arith.constant 0 : i32
    %dma_start3A_8 = tpu.memref_slice %arg10[%add3A_7, %dma_start3A] : memref<10112x128xf32, #tpu.memory_space<vmem_shared>> -> memref<16x128xf32, #tpu.memory_space<vmem_shared>>
    %dma_start3A_9 = arith.constant 0 : i32
    %dma_start3A_10 = tpu.memref_slice %arg10[%add3A_7, %dma_start3A_9] : memref<10112x128xf32, #tpu.memory_space<vmem_shared>> -> memref<16x128xf32, #tpu.memory_space<vmem_shared>>
    tpu.enqueue_dma source(%arg9 : memref<16x128xf32, #tpu.memory_space<vmem>>) target(%dma_start3A_10 : memref<16x128xf32, #tpu.memory_space<vmem_shared>>) target_semaphore(%arg13 : memref<!tpu.dma_semaphore, #tpu.memory_space<semaphore_mem>>)
    %mul3A_11 = arith.constant 632 : i32
    %mul3A_12 = arith.muli %arg1, %mul3A_11 : i32
    %add3A_13 = arith.constant 16 : i32
    %add3A_14 = arith.addi %mul3A_12, %add3A_13 : i32
    %dma_start3A_15 = arith.constant 0 : i32
    %dma_start3A_16 = tpu.memref_slice %arg10[%add3A_14, %dma_start3A_15] : memref<10112x128xf32, #tpu.memory_space<vmem_shared>> -> memref<16x128xf32, #tpu.memory_space<vmem_shared>>
    %dma_start3A_17 = arith.constant 0 : i32
    %dma_start3A_18 = tpu.memref_slice %arg10[%add3A_14, %dma_start3A_17] : memref<10112x128xf32, #tpu.memory_space<vmem_shared>> -> memref<16x128xf32, #tpu.memory_space<vmem_shared>>
    tpu.enqueue_dma source(%arg9 : memref<16x128xf32, #tpu.memory_space<vmem>>) target(%dma_start3A_18 : memref<16x128xf32, #tpu.memory_space<vmem_shared>>) target_semaphore(%arg13 : memref<!tpu.dma_semaphore, #tpu.memory_space<semaphore_mem>>)
    %mul3A_19 = arith.constant 632 : i32
    %mul3A_20 = arith.muli %arg1, %mul3A_19 : i32
    %add3A_21 = arith.constant 32 : i32
    %add3A_22 = arith.addi %mul3A_20, %add3A_21 : i32
    %dma_start3A_23 = arith.constant 0 : i32
    %dma_start3A_24 = tpu.memref_slice %arg10[%add3A_22, %dma_start3A_23] : memref<10112x128xf32, #tpu.memory_space<vmem_shared>> -> memref<16x128xf32, #tpu.memory_space<vmem_shared>>
    %dma_start3A_25 = arith.constant 0 : i32
    %dma_start3A_26 = tpu.memref_slice %arg10[%add3A_22, %dma_start3A_25] : memref<10112x128xf32, #tpu.memory_space<vmem_shared>> -> memref<16x128xf32, #tpu.memory_space<vmem_shared>>
    tpu.enqueue_dma source(%arg9 : memref<16x128xf32, #tpu.memory_space<vmem>>) target(%dma_start3A_26 : memref<16x128xf32, #tpu.memory_space<vmem_shared>>) target_semaphore(%arg13 : memref<!tpu.dma_semaphore, #tpu.memory_space<semaphore_mem>>)
    %mul3A_27 = arith.constant 632 : i32
    %mul3A_28 = arith.muli %arg1, %mul3A_27 : i32
    %add3A_29 = arith.constant 48 : i32
    %add3A_30 = arith.addi %mul3A_28, %add3A_29 : i32
    %dma_start3A_31 = arith.constant 0 : i32
    %dma_start3A_32 = tpu.memref_slice %arg10[%add3A_30, %dma_start3A_31] : memref<10112x128xf32, #tpu.memory_space<vmem_shared>> -> memref<16x128xf32, #tpu.memory_space<vmem_shared>>
    %dma_start3A_33 = arith.constant 0 : i32
    %dma_start3A_34 = tpu.memref_slice %arg10[%add3A_30, %dma_start3A_33] : memref<10112x128xf32, #tpu.memory_space<vmem_shared>> -> memref<16x128xf32, #tpu.memory_space<vmem_shared>>
    tpu.enqueue_dma source(%arg9 : memref<16x128xf32, #tpu.memory_space<vmem>>) target(%dma_start3A_34 : memref<16x128xf32, #tpu.memory_space<vmem_shared>>) target_semaphore(%arg13 : memref<!tpu.dma_semaphore, #tpu.memory_space<semaphore_mem>>)
    %mul3A_35 = arith.constant 632 : i32
    %mul3A_36 = arith.muli %arg1, %mul3A_35 : i32
    %add3A_37 = arith.constant 64 : i32
    %add3A_38 = arith.addi %mul3A_36, %add3A_37 : i32
    %dma_start3A_39 = arith.constant 0 : i32
    %dma_start3A_40 = tpu.memref_slice %arg10[%add3A_38, %dma_start3A_39] : memref<10112x128xf32, #tpu.memory_space<vmem_shared>> -> memref<16x128xf32, #tpu.memory_space<vmem_shared>>
    %dma_start3A_41 = arith.constant 0 : i32
    %dma_start3A_42 = tpu.memref_slice %arg10[%add3A_38, %dma_start3A_41] : memref<10112x128xf32, #tpu.memory_space<vmem_shared>> -> memref<16x128xf32, #tpu.memory_space<vmem_shared>>
    tpu.enqueue_dma source(%arg9 : memref<16x128xf32, #tpu.memory_space<vmem>>) target(%dma_start3A_42 : memref<16x128xf32, #tpu.memory_space<vmem_shared>>) target_semaphore(%arg13 : memref<!tpu.dma_semaphore, #tpu.memory_space<semaphore_mem>>)
    %mul3A_43 = arith.constant 632 : i32
    %mul3A_44 = arith.muli %arg1, %mul3A_43 : i32
    %add3A_45 = arith.constant 80 : i32
    %add3A_46 = arith.addi %mul3A_44, %add3A_45 : i32
    %dma_start3A_47 = arith.constant 0 : i32
    %dma_start3A_48 = tpu.memref_slice %arg10[%add3A_46, %dma_start3A_47] : memref<10112x128xf32, #tpu.memory_space<vmem_shared>> -> memref<16x128xf32, #tpu.memory_space<vmem_shared>>
    %dma_start3A_49 = arith.constant 0 : i32
    %dma_start3A_50 = tpu.memref_slice %arg10[%add3A_46, %dma_start3A_49] : memref<10112x128xf32, #tpu.memory_space<vmem_shared>> -> memref<16x128xf32, #tpu.memory_space<vmem_shared>>
    tpu.enqueue_dma source(%arg9 : memref<16x128xf32, #tpu.memory_space<vmem>>) target(%dma_start3A_50 : memref<16x128xf32, #tpu.memory_space<vmem_shared>>) target_semaphore(%arg13 : memref<!tpu.dma_semaphore, #tpu.memory_space<semaphore_mem>>)
    %mul3A_51 = arith.constant 632 : i32
    %mul3A_52 = arith.muli %arg1, %mul3A_51 : i32
    %add3A_53 = arith.constant 96 : i32
    %add3A_54 = arith.addi %mul3A_52, %add3A_53 : i32
    %dma_start3A_55 = arith.constant 0 : i32
    %dma_start3A_56 = tpu.memref_slice %arg10[%add3A_54, %dma_start3A_55] : memref<10112x128xf32, #tpu.memory_space<vmem_shared>> -> memref<16x128xf32, #tpu.memory_space<vmem_shared>>
    %dma_start3A_57 = arith.constant 0 : i32
    %dma_start3A_58 = tpu.memref_slice %arg10[%add3A_54, %dma_start3A_57] : memref<10112x128xf32, #tpu.memory_space<vmem_shared>> -> memref<16x128xf32, #tpu.memory_space<vmem_shared>>
    tpu.enqueue_dma source(%arg9 : memref<16x128xf32, #tpu.memory_space<vmem>>) target(%dma_start3A_58 : memref<16x128xf32, #tpu.memory_space<vmem_shared>>) target_semaphore(%arg13 : memref<!tpu.dma_semaphore, #tpu.memory_space<semaphore_mem>>)
    %mul3A_59 = arith.constant 632 : i32
    %mul3A_60 = arith.muli %arg1, %mul3A_59 : i32
    %add3A_61 = arith.constant 112 : i32
    %add3A_62 = arith.addi %mul3A_60, %add3A_61 : i32
    %dma_start3A_63 = arith.constant 0 : i32
    %dma_start3A_64 = tpu.memref_slice %arg10[%add3A_62, %dma_start3A_63] : memref<10112x128xf32, #tpu.memory_space<vmem_shared>> -> memref<16x128xf32, #tpu.memory_space<vmem_shared>>
    %dma_start3A_65 = arith.constant 0 : i32
    %dma_start3A_66 = tpu.memref_slice %arg10[%add3A_62, %dma_start3A_65] : memref<10112x128xf32, #tpu.memory_space<vmem_shared>> -> memref<16x128xf32, #tpu.memory_space<vmem_shared>>
    tpu.enqueue_dma source(%arg9 : memref<16x128xf32, #tpu.memory_space<vmem>>) target(%dma_start3A_66 : memref<16x128xf32, #tpu.memory_space<vmem_shared>>) target_semaphore(%arg13 : memref<!tpu.dma_semaphore, #tpu.memory_space<semaphore_mem>>)
    %mul3A_67 = arith.constant 632 : i32
    %mul3A_68 = arith.muli %arg1, %mul3A_67 : i32
    %add3A_69 = arith.constant 128 : i32
    %add3A_70 = arith.addi %mul3A_68, %add3A_69 : i32
    %dma_start3A_71 = arith.constant 0 : i32
    %dma_start3A_72 = tpu.memref_slice %arg10[%add3A_70, %dma_start3A_71] : memref<10112x128xf32, #tpu.memory_space<vmem_shared>> -> memref<16x128xf32, #tpu.memory_space<vmem_shared>>
    %dma_start3A_73 = arith.constant 0 : i32
    %dma_start3A_74 = tpu.memref_slice %arg10[%add3A_70, %dma_start3A_73] : memref<10112x128xf32, #tpu.memory_space<vmem_shared>> -> memref<16x128xf32, #tpu.memory_space<vmem_shared>>
    tpu.enqueue_dma source(%arg9 : memref<16x128xf32, #tpu.memory_space<vmem>>) target(%dma_start3A_74 : memref<16x128xf32, #tpu.memory_space<vmem_shared>>) target_semaphore(%arg13 : memref<!tpu.dma_semaphore, #tpu.memory_space<semaphore_mem>>)
    %mul3A_75 = arith.constant 632 : i32
    %mul3A_76 = arith.muli %arg1, %mul3A_75 : i32
    %add3A_77 = arith.constant 144 : i32
    %add3A_78 = arith.addi %mul3A_76, %add3A_77 : i32
    %dma_start3A_79 = arith.constant 0 : i32
    %dma_start3A_80 = tpu.memref_slice %arg10[%add3A_78, %dma_start3A_79] : memref<10112x128xf32, #tpu.memory_space<vmem_shared>> -> memref<16x128xf32, #tpu.memory_space<vmem_shared>>
    %dma_start3A_81 = arith.constant 0 : i32
    %dma_start3A_82 = tpu.memref_slice %arg10[%add3A_78, %dma_start3A_81] : memref<10112x128xf32, #tpu.memory_space<vmem_shared>> -> memref<16x128xf32, #tpu.memory_space<vmem_shared>>
    tpu.enqueue_dma source(%arg9 : memref<16x128xf32, #tpu.memory_space<vmem>>) target(%dma_start3A_82 : memref<16x128xf32, #tpu.memory_space<vmem_shared>>) target_semaphore(%arg13 : memref<!tpu.dma_semaphore, #tpu.memory_space<semaphore_mem>>)
    %mul3A_83 = arith.constant 632 : i32
    %mul3A_84 = arith.muli %arg1, %mul3A_83 : i32
    %add3A_85 = arith.constant 160 : i32
    %add3A_86 = arith.addi %mul3A_84, %add3A_85 : i32
    %dma_start3A_87 = arith.constant 0 : i32
    %dma_start3A_88 = tpu.memref_slice %arg10[%add3A_86, %dma_start3A_87] : memref<10112x128xf32, #tpu.memory_space<vmem_shared>> -> memref<16x128xf32, #tpu.memory_space<vmem_shared>>
    %dma_start3A_89 = arith.constant 0 : i32
    %dma_start3A_90 = tpu.memref_slice %arg10[%add3A_86, %dma_start3A_89] : memref<10112x128xf32, #tpu.memory_space<vmem_shared>> -> memref<16x128xf32, #tpu.memory_space<vmem_shared>>
    tpu.enqueue_dma source(%arg9 : memref<16x128xf32, #tpu.memory_space<vmem>>) target(%dma_start3A_90 : memref<16x128xf32, #tpu.memory_space<vmem_shared>>) target_semaphore(%arg13 : memref<!tpu.dma_semaphore, #tpu.memory_space<semaphore_mem>>)
    %mul3A_91 = arith.constant 632 : i32
    %mul3A_92 = arith.muli %arg1, %mul3A_91 : i32
    %add3A_93 = arith.constant 176 : i32
    %add3A_94 = arith.addi %mul3A_92, %add3A_93 : i32
    %dma_start3A_95 = arith.constant 0 : i32
    %dma_start3A_96 = tpu.memref_slice %arg10[%add3A_94, %dma_start3A_95] : memref<10112x128xf32, #tpu.memory_space<vmem_shared>> -> memref<16x128xf32, #tpu.memory_space<vmem_shared>>
    %dma_start3A_97 = arith.constant 0 : i32
    %dma_start3A_98 = tpu.memref_slice %arg10[%add3A_94, %dma_start3A_97] : memref<10112x128xf32, #tpu.memory_space<vmem_shared>> -> memref<16x128xf32, #tpu.memory_space<vmem_shared>>
    tpu.enqueue_dma source(%arg9 : memref<16x128xf32, #tpu.memory_space<vmem>>) target(%dma_start3A_98 : memref<16x128xf32, #tpu.memory_space<vmem_shared>>) target_semaphore(%arg13 : memref<!tpu.dma_semaphore, #tpu.memory_space<semaphore_mem>>)
    %mul3A_99 = arith.constant 632 : i32
    %mul3A_100 = arith.muli %arg1, %mul3A_99 : i32
    %add3A_101 = arith.constant 192 : i32
    %add3A_102 = arith.addi %mul3A_100, %add3A_101 : i32
    %dma_start3A_103 = arith.constant 0 : i32
    %dma_start3A_104 = tpu.memref_slice %arg10[%add3A_102, %dma_start3A_103] : memref<10112x128xf32, #tpu.memory_space<vmem_shared>> -> memref<16x128xf32, #tpu.memory_space<vmem_shared>>
    %dma_start3A_105 = arith.constant 0 : i32
    %dma_start3A_106 = tpu.memref_slice %arg10[%add3A_102, %dma_start3A_105] : memref<10112x128xf32, #tpu.memory_space<vmem_shared>> -> memref<16x128xf32, #tpu.memory_space<vmem_shared>>
    tpu.enqueue_dma source(%arg9 : memref<16x128xf32, #tpu.memory_space<vmem>>) target(%dma_start3A_106 : memref<16x128xf32, #tpu.memory_space<vmem_shared>>) target_semaphore(%arg13 : memref<!tpu.dma_semaphore, #tpu.memory_space<semaphore_mem>>)
    %mul3A_107 = arith.constant 632 : i32
    %mul3A_108 = arith.muli %arg1, %mul3A_107 : i32
    %add3A_109 = arith.constant 208 : i32
    %add3A_110 = arith.addi %mul3A_108, %add3A_109 : i32
    %dma_start3A_111 = arith.constant 0 : i32
    %dma_start3A_112 = tpu.memref_slice %arg10[%add3A_110, %dma_start3A_111] : memref<10112x128xf32, #tpu.memory_space<vmem_shared>> -> memref<16x128xf32, #tpu.memory_space<vmem_shared>>
    %dma_start3A_113 = arith.constant 0 : i32
    %dma_start3A_114 = tpu.memref_slice %arg10[%add3A_110, %dma_start3A_113] : memref<10112x128xf32, #tpu.memory_space<vmem_shared>> -> memref<16x128xf32, #tpu.memory_space<vmem_shared>>
    tpu.enqueue_dma source(%arg9 : memref<16x128xf32, #tpu.memory_space<vmem>>) target(%dma_start3A_114 : memref<16x128xf32, #tpu.memory_space<vmem_shared>>) target_semaphore(%arg13 : memref<!tpu.dma_semaphore, #tpu.memory_space<semaphore_mem>>)
    %mul3A_115 = arith.constant 632 : i32
    %mul3A_116 = arith.muli %arg1, %mul3A_115 : i32
    %add3A_117 = arith.constant 224 : i32
    %add3A_118 = arith.addi %mul3A_116, %add3A_117 : i32
    %dma_start3A_119 = arith.constant 0 : i32
    %dma_start3A_120 = tpu.memref_slice %arg10[%add3A_118, %dma_start3A_119] : memref<10112x128xf32, #tpu.memory_space<vmem_shared>> -> memref<16x128xf32, #tpu.memory_space<vmem_shared>>
    %dma_start3A_121 = arith.constant 0 : i32
    %dma_start3A_122 = tpu.memref_slice %arg10[%add3A_118, %dma_start3A_121] : memref<10112x128xf32, #tpu.memory_space<vmem_shared>> -> memref<16x128xf32, #tpu.memory_space<vmem_shared>>
    tpu.enqueue_dma source(%arg9 : memref<16x128xf32, #tpu.memory_space<vmem>>) target(%dma_start3A_122 : memref<16x128xf32, #tpu.memory_space<vmem_shared>>) target_semaphore(%arg13 : memref<!tpu.dma_semaphore, #tpu.memory_space<semaphore_mem>>)
    %mul3A_123 = arith.constant 632 : i32
    %mul3A_124 = arith.muli %arg1, %mul3A_123 : i32
    %add3A_125 = arith.constant 240 : i32
    %add3A_126 = arith.addi %mul3A_124, %add3A_125 : i32
    %dma_start3A_127 = arith.constant 0 : i32
    %dma_start3A_128 = tpu.memref_slice %arg10[%add3A_126, %dma_start3A_127] : memref<10112x128xf32, #tpu.memory_space<vmem_shared>> -> memref<16x128xf32, #tpu.memory_space<vmem_shared>>
    %dma_start3A_129 = arith.constant 0 : i32
    %dma_start3A_130 = tpu.memref_slice %arg10[%add3A_126, %dma_start3A_129] : memref<10112x128xf32, #tpu.memory_space<vmem_shared>> -> memref<16x128xf32, #tpu.memory_space<vmem_shared>>
    tpu.enqueue_dma source(%arg9 : memref<16x128xf32, #tpu.memory_space<vmem>>) target(%dma_start3A_130 : memref<16x128xf32, #tpu.memory_space<vmem_shared>>) target_semaphore(%arg13 : memref<!tpu.dma_semaphore, #tpu.memory_space<semaphore_mem>>)
    %mul3A_131 = arith.constant 632 : i32
    %mul3A_132 = arith.muli %arg1, %mul3A_131 : i32
    %add3A_133 = arith.constant 256 : i32
    %add3A_134 = arith.addi %mul3A_132, %add3A_133 : i32
    %dma_start3A_135 = arith.constant 0 : i32
    %dma_start3A_136 = tpu.memref_slice %arg10[%add3A_134, %dma_start3A_135] : memref<10112x128xf32, #tpu.memory_space<vmem_shared>> -> memref<16x128xf32, #tpu.memory_space<vmem_shared>>
    %dma_start3A_137 = arith.constant 0 : i32
    %dma_start3A_138 = tpu.memref_slice %arg10[%add3A_134, %dma_start3A_137] : memref<10112x128xf32, #tpu.memory_space<vmem_shared>> -> memref<16x128xf32, #tpu.memory_space<vmem_shared>>
    tpu.enqueue_dma source(%arg9 : memref<16x128xf32, #tpu.memory_space<vmem>>) target(%dma_start3A_138 : memref<16x128xf32, #tpu.memory_space<vmem_shared>>) target_semaphore(%arg13 : memref<!tpu.dma_semaphore, #tpu.memory_space<semaphore_mem>>)
    %mul3A_139 = arith.constant 632 : i32
    %mul3A_140 = arith.muli %arg1, %mul3A_139 : i32
    %add3A_141 = arith.constant 272 : i32
    %add3A_142 = arith.addi %mul3A_140, %add3A_141 : i32
    %dma_start3A_143 = arith.constant 0 : i32
    %dma_start3A_144 = tpu.memref_slice %arg10[%add3A_142, %dma_start3A_143] : memref<10112x128xf32, #tpu.memory_space<vmem_shared>> -> memref<16x128xf32, #tpu.memory_space<vmem_shared>>
    %dma_start3A_145 = arith.constant 0 : i32
    %dma_start3A_146 = tpu.memref_slice %arg10[%add3A_142, %dma_start3A_145] : memref<10112x128xf32, #tpu.memory_space<vmem_shared>> -> memref<16x128xf32, #tpu.memory_space<vmem_shared>>
    tpu.enqueue_dma source(%arg9 : memref<16x128xf32, #tpu.memory_space<vmem>>) target(%dma_start3A_146 : memref<16x128xf32, #tpu.memory_space<vmem_shared>>) target_semaphore(%arg13 : memref<!tpu.dma_semaphore, #tpu.memory_space<semaphore_mem>>)
    %mul3A_147 = arith.constant 632 : i32
    %mul3A_148 = arith.muli %arg1, %mul3A_147 : i32
    %add3A_149 = arith.constant 288 : i32
    %add3A_150 = arith.addi %mul3A_148, %add3A_149 : i32
    %dma_start3A_151 = arith.constant 0 : i32
    %dma_start3A_152 = tpu.memref_slice %arg10[%add3A_150, %dma_start3A_151] : memref<10112x128xf32, #tpu.memory_space<vmem_shared>> -> memref<16x128xf32, #tpu.memory_space<vmem_shared>>
    %dma_start3A_153 = arith.constant 0 : i32
    %dma_start3A_154 = tpu.memref_slice %arg10[%add3A_150, %dma_start3A_153] : memref<10112x128xf32, #tpu.memory_space<vmem_shared>> -> memref<16x128xf32, #tpu.memory_space<vmem_shared>>
    tpu.enqueue_dma source(%arg9 : memref<16x128xf32, #tpu.memory_space<vmem>>) target(%dma_start3A_154 : memref<16x128xf32, #tpu.memory_space<vmem_shared>>) target_semaphore(%arg13 : memref<!tpu.dma_semaphore, #tpu.memory_space<semaphore_mem>>)
    %mul3A_155 = arith.constant 632 : i32
    %mul3A_156 = arith.muli %arg1, %mul3A_155 : i32
    %add3A_157 = arith.constant 304 : i32
    %add3A_158 = arith.addi %mul3A_156, %add3A_157 : i32
    %dma_start3A_159 = arith.constant 0 : i32
    %dma_start3A_160 = tpu.memref_slice %arg10[%add3A_158, %dma_start3A_159] : memref<10112x128xf32, #tpu.memory_space<vmem_shared>> -> memref<16x128xf32, #tpu.memory_space<vmem_shared>>
    %dma_start3A_161 = arith.constant 0 : i32
    %dma_start3A_162 = tpu.memref_slice %arg10[%add3A_158, %dma_start3A_161] : memref<10112x128xf32, #tpu.memory_space<vmem_shared>> -> memref<16x128xf32, #tpu.memory_space<vmem_shared>>
    tpu.enqueue_dma source(%arg9 : memref<16x128xf32, #tpu.memory_space<vmem>>) target(%dma_start3A_162 : memref<16x128xf32, #tpu.memory_space<vmem_shared>>) target_semaphore(%arg13 : memref<!tpu.dma_semaphore, #tpu.memory_space<semaphore_mem>>)
    %mul3A_163 = arith.constant 632 : i32
    %mul3A_164 = arith.muli %arg1, %mul3A_163 : i32
    %add3A_165 = arith.constant 320 : i32
    %add3A_166 = arith.addi %mul3A_164, %add3A_165 : i32
    %dma_start3A_167 = arith.constant 0 : i32
    %dma_start3A_168 = tpu.memref_slice %arg10[%add3A_166, %dma_start3A_167] : memref<10112x128xf32, #tpu.memory_space<vmem_shared>> -> memref<16x128xf32, #tpu.memory_space<vmem_shared>>
    %dma_start3A_169 = arith.constant 0 : i32
    %dma_start3A_170 = tpu.memref_slice %arg10[%add3A_166, %dma_start3A_169] : memref<10112x128xf32, #tpu.memory_space<vmem_shared>> -> memref<16x128xf32, #tpu.memory_space<vmem_shared>>
    tpu.enqueue_dma source(%arg9 : memref<16x128xf32, #tpu.memory_space<vmem>>) target(%dma_start3A_170 : memref<16x128xf32, #tpu.memory_space<vmem_shared>>) target_semaphore(%arg13 : memref<!tpu.dma_semaphore, #tpu.memory_space<semaphore_mem>>)
    %mul3A_171 = arith.constant 632 : i32
    %mul3A_172 = arith.muli %arg1, %mul3A_171 : i32
    %add3A_173 = arith.constant 336 : i32
    %add3A_174 = arith.addi %mul3A_172, %add3A_173 : i32
    %dma_start3A_175 = arith.constant 0 : i32
    %dma_start3A_176 = tpu.memref_slice %arg10[%add3A_174, %dma_start3A_175] : memref<10112x128xf32, #tpu.memory_space<vmem_shared>> -> memref<16x128xf32, #tpu.memory_space<vmem_shared>>
    %dma_start3A_177 = arith.constant 0 : i32
    %dma_start3A_178 = tpu.memref_slice %arg10[%add3A_174, %dma_start3A_177] : memref<10112x128xf32, #tpu.memory_space<vmem_shared>> -> memref<16x128xf32, #tpu.memory_space<vmem_shared>>
    tpu.enqueue_dma source(%arg9 : memref<16x128xf32, #tpu.memory_space<vmem>>) target(%dma_start3A_178 : memref<16x128xf32, #tpu.memory_space<vmem_shared>>) target_semaphore(%arg13 : memref<!tpu.dma_semaphore, #tpu.memory_space<semaphore_mem>>)
    %mul3A_179 = arith.constant 632 : i32
    %mul3A_180 = arith.muli %arg1, %mul3A_179 : i32
    %add3A_181 = arith.constant 352 : i32
    %add3A_182 = arith.addi %mul3A_180, %add3A_181 : i32
    %dma_start3A_183 = arith.constant 0 : i32
    %dma_start3A_184 = tpu.memref_slice %arg10[%add3A_182, %dma_start3A_183] : memref<10112x128xf32, #tpu.memory_space<vmem_shared>> -> memref<16x128xf32, #tpu.memory_space<vmem_shared>>
    %dma_start3A_185 = arith.constant 0 : i32
    %dma_start3A_186 = tpu.memref_slice %arg10[%add3A_182, %dma_start3A_185] : memref<10112x128xf32, #tpu.memory_space<vmem_shared>> -> memref<16x128xf32, #tpu.memory_space<vmem_shared>>
    tpu.enqueue_dma source(%arg9 : memref<16x128xf32, #tpu.memory_space<vmem>>) target(%dma_start3A_186 : memref<16x128xf32, #tpu.memory_space<vmem_shared>>) target_semaphore(%arg13 : memref<!tpu.dma_semaphore, #tpu.memory_space<semaphore_mem>>)
    %mul3A_187 = arith.constant 632 : i32
    %mul3A_188 = arith.muli %arg1, %mul3A_187 : i32
    %add3A_189 = arith.constant 368 : i32
    %add3A_190 = arith.addi %mul3A_188, %add3A_189 : i32
    %dma_start3A_191 = arith.constant 0 : i32
    %dma_start3A_192 = tpu.memref_slice %arg10[%add3A_190, %dma_start3A_191] : memref<10112x128xf32, #tpu.memory_space<vmem_shared>> -> memref<16x128xf32, #tpu.memory_space<vmem_shared>>
    %dma_start3A_193 = arith.constant 0 : i32
    %dma_start3A_194 = tpu.memref_slice %arg10[%add3A_190, %dma_start3A_193] : memref<10112x128xf32, #tpu.memory_space<vmem_shared>> -> memref<16x128xf32, #tpu.memory_space<vmem_shared>>
    tpu.enqueue_dma source(%arg9 : memref<16x128xf32, #tpu.memory_space<vmem>>) target(%dma_start3A_194 : memref<16x128xf32, #tpu.memory_space<vmem_shared>>) target_semaphore(%arg13 : memref<!tpu.dma_semaphore, #tpu.memory_space<semaphore_mem>>)
    %mul3A_195 = arith.constant 632 : i32
    %mul3A_196 = arith.muli %arg1, %mul3A_195 : i32
    %add3A_197 = arith.constant 384 : i32
    %add3A_198 = arith.addi %mul3A_196, %add3A_197 : i32
    %dma_start3A_199 = arith.constant 0 : i32
    %dma_start3A_200 = tpu.memref_slice %arg10[%add3A_198, %dma_start3A_199] : memref<10112x128xf32, #tpu.memory_space<vmem_shared>> -> memref<16x128xf32, #tpu.memory_space<vmem_shared>>
    %dma_start3A_201 = arith.constant 0 : i32
    %dma_start3A_202 = tpu.memref_slice %arg10[%add3A_198, %dma_start3A_201] : memref<10112x128xf32, #tpu.memory_space<vmem_shared>> -> memref<16x128xf32, #tpu.memory_space<vmem_shared>>
    tpu.enqueue_dma source(%arg9 : memref<16x128xf32, #tpu.memory_space<vmem>>) target(%dma_start3A_202 : memref<16x128xf32, #tpu.memory_space<vmem_shared>>) target_semaphore(%arg13 : memref<!tpu.dma_semaphore, #tpu.memory_space<semaphore_mem>>)
    %mul3A_203 = arith.constant 632 : i32
    %mul3A_204 = arith.muli %arg1, %mul3A_203 : i32
    %add3A_205 = arith.constant 400 : i32
    %add3A_206 = arith.addi %mul3A_204, %add3A_205 : i32
    %dma_start3A_207 = arith.constant 0 : i32
    %dma_start3A_208 = tpu.memref_slice %arg10[%add3A_206, %dma_start3A_207] : memref<10112x128xf32, #tpu.memory_space<vmem_shared>> -> memref<16x128xf32, #tpu.memory_space<vmem_shared>>
    %dma_start3A_209 = arith.constant 0 : i32
    %dma_start3A_210 = tpu.memref_slice %arg10[%add3A_206, %dma_start3A_209] : memref<10112x128xf32, #tpu.memory_space<vmem_shared>> -> memref<16x128xf32, #tpu.memory_space<vmem_shared>>
    tpu.enqueue_dma source(%arg9 : memref<16x128xf32, #tpu.memory_space<vmem>>) target(%dma_start3A_210 : memref<16x128xf32, #tpu.memory_space<vmem_shared>>) target_semaphore(%arg13 : memref<!tpu.dma_semaphore, #tpu.memory_space<semaphore_mem>>)
    %mul3A_211 = arith.constant 632 : i32
    %mul3A_212 = arith.muli %arg1, %mul3A_211 : i32
    %add3A_213 = arith.constant 416 : i32
    %add3A_214 = arith.addi %mul3A_212, %add3A_213 : i32
    %dma_start3A_215 = arith.constant 0 : i32
    %dma_start3A_216 = tpu.memref_slice %arg10[%add3A_214, %dma_start3A_215] : memref<10112x128xf32, #tpu.memory_space<vmem_shared>> -> memref<16x128xf32, #tpu.memory_space<vmem_shared>>
    %dma_start3A_217 = arith.constant 0 : i32
    %dma_start3A_218 = tpu.memref_slice %arg10[%add3A_214, %dma_start3A_217] : memref<10112x128xf32, #tpu.memory_space<vmem_shared>> -> memref<16x128xf32, #tpu.memory_space<vmem_shared>>
    tpu.enqueue_dma source(%arg9 : memref<16x128xf32, #tpu.memory_space<vmem>>) target(%dma_start3A_218 : memref<16x128xf32, #tpu.memory_space<vmem_shared>>) target_semaphore(%arg13 : memref<!tpu.dma_semaphore, #tpu.memory_space<semaphore_mem>>)
    %mul3A_219 = arith.constant 632 : i32
    %mul3A_220 = arith.muli %arg1, %mul3A_219 : i32
    %add3A_221 = arith.constant 432 : i32
    %add3A_222 = arith.addi %mul3A_220, %add3A_221 : i32
    %dma_start3A_223 = arith.constant 0 : i32
    %dma_start3A_224 = tpu.memref_slice %arg10[%add3A_222, %dma_start3A_223] : memref<10112x128xf32, #tpu.memory_space<vmem_shared>> -> memref<16x128xf32, #tpu.memory_space<vmem_shared>>
    %dma_start3A_225 = arith.constant 0 : i32
    %dma_start3A_226 = tpu.memref_slice %arg10[%add3A_222, %dma_start3A_225] : memref<10112x128xf32, #tpu.memory_space<vmem_shared>> -> memref<16x128xf32, #tpu.memory_space<vmem_shared>>
    tpu.enqueue_dma source(%arg9 : memref<16x128xf32, #tpu.memory_space<vmem>>) target(%dma_start3A_226 : memref<16x128xf32, #tpu.memory_space<vmem_shared>>) target_semaphore(%arg13 : memref<!tpu.dma_semaphore, #tpu.memory_space<semaphore_mem>>)
    %mul3A_227 = arith.constant 632 : i32
    %mul3A_228 = arith.muli %arg1, %mul3A_227 : i32
    %add3A_229 = arith.constant 448 : i32
    %add3A_230 = arith.addi %mul3A_228, %add3A_229 : i32
    %dma_start3A_231 = arith.constant 0 : i32
    %dma_start3A_232 = tpu.memref_slice %arg10[%add3A_230, %dma_start3A_231] : memref<10112x128xf32, #tpu.memory_space<vmem_shared>> -> memref<16x128xf32, #tpu.memory_space<vmem_shared>>
    %dma_start3A_233 = arith.constant 0 : i32
    %dma_start3A_234 = tpu.memref_slice %arg10[%add3A_230, %dma_start3A_233] : memref<10112x128xf32, #tpu.memory_space<vmem_shared>> -> memref<16x128xf32, #tpu.memory_space<vmem_shared>>
    tpu.enqueue_dma source(%arg9 : memref<16x128xf32, #tpu.memory_space<vmem>>) target(%dma_start3A_234 : memref<16x128xf32, #tpu.memory_space<vmem_shared>>) target_semaphore(%arg13 : memref<!tpu.dma_semaphore, #tpu.memory_space<semaphore_mem>>)
    %mul3A_235 = arith.constant 632 : i32
    %mul3A_236 = arith.muli %arg1, %mul3A_235 : i32
    %add3A_237 = arith.constant 464 : i32
    %add3A_238 = arith.addi %mul3A_236, %add3A_237 : i32
    %dma_start3A_239 = arith.constant 0 : i32
    %dma_start3A_240 = tpu.memref_slice %arg10[%add3A_238, %dma_start3A_239] : memref<10112x128xf32, #tpu.memory_space<vmem_shared>> -> memref<16x128xf32, #tpu.memory_space<vmem_shared>>
    %dma_start3A_241 = arith.constant 0 : i32
    %dma_start3A_242 = tpu.memref_slice %arg10[%add3A_238, %dma_start3A_241] : memref<10112x128xf32, #tpu.memory_space<vmem_shared>> -> memref<16x128xf32, #tpu.memory_space<vmem_shared>>
    tpu.enqueue_dma source(%arg9 : memref<16x128xf32, #tpu.memory_space<vmem>>) target(%dma_start3A_242 : memref<16x128xf32, #tpu.memory_space<vmem_shared>>) target_semaphore(%arg13 : memref<!tpu.dma_semaphore, #tpu.memory_space<semaphore_mem>>)
    %mul3A_243 = arith.constant 632 : i32
    %mul3A_244 = arith.muli %arg1, %mul3A_243 : i32
    %add3A_245 = arith.constant 480 : i32
    %add3A_246 = arith.addi %mul3A_244, %add3A_245 : i32
    %dma_start3A_247 = arith.constant 0 : i32
    %dma_start3A_248 = tpu.memref_slice %arg10[%add3A_246, %dma_start3A_247] : memref<10112x128xf32, #tpu.memory_space<vmem_shared>> -> memref<16x128xf32, #tpu.memory_space<vmem_shared>>
    %dma_start3A_249 = arith.constant 0 : i32
    %dma_start3A_250 = tpu.memref_slice %arg10[%add3A_246, %dma_start3A_249] : memref<10112x128xf32, #tpu.memory_space<vmem_shared>> -> memref<16x128xf32, #tpu.memory_space<vmem_shared>>
    tpu.enqueue_dma source(%arg9 : memref<16x128xf32, #tpu.memory_space<vmem>>) target(%dma_start3A_250 : memref<16x128xf32, #tpu.memory_space<vmem_shared>>) target_semaphore(%arg13 : memref<!tpu.dma_semaphore, #tpu.memory_space<semaphore_mem>>)
    %mul3A_251 = arith.constant 632 : i32
    %mul3A_252 = arith.muli %arg1, %mul3A_251 : i32
    %add3A_253 = arith.constant 496 : i32
    %add3A_254 = arith.addi %mul3A_252, %add3A_253 : i32
    %dma_start3A_255 = arith.constant 0 : i32
    %dma_start3A_256 = tpu.memref_slice %arg10[%add3A_254, %dma_start3A_255] : memref<10112x128xf32, #tpu.memory_space<vmem_shared>> -> memref<16x128xf32, #tpu.memory_space<vmem_shared>>
    %dma_start3A_257 = arith.constant 0 : i32
    %dma_start3A_258 = tpu.memref_slice %arg10[%add3A_254, %dma_start3A_257] : memref<10112x128xf32, #tpu.memory_space<vmem_shared>> -> memref<16x128xf32, #tpu.memory_space<vmem_shared>>
    tpu.enqueue_dma source(%arg9 : memref<16x128xf32, #tpu.memory_space<vmem>>) target(%dma_start3A_258 : memref<16x128xf32, #tpu.memory_space<vmem_shared>>) target_semaphore(%arg13 : memref<!tpu.dma_semaphore, #tpu.memory_space<semaphore_mem>>)
    %mul3A_259 = arith.constant 632 : i32
    %mul3A_260 = arith.muli %arg1, %mul3A_259 : i32
    %add3A_261 = arith.constant 512 : i32
    %add3A_262 = arith.addi %mul3A_260, %add3A_261 : i32
    %dma_start3A_263 = arith.constant 0 : i32
    %dma_start3A_264 = tpu.memref_slice %arg10[%add3A_262, %dma_start3A_263] : memref<10112x128xf32, #tpu.memory_space<vmem_shared>> -> memref<16x128xf32, #tpu.memory_space<vmem_shared>>
    %dma_start3A_265 = arith.constant 0 : i32
    %dma_start3A_266 = tpu.memref_slice %arg10[%add3A_262, %dma_start3A_265] : memref<10112x128xf32, #tpu.memory_space<vmem_shared>> -> memref<16x128xf32, #tpu.memory_space<vmem_shared>>
    tpu.enqueue_dma source(%arg9 : memref<16x128xf32, #tpu.memory_space<vmem>>) target(%dma_start3A_266 : memref<16x128xf32, #tpu.memory_space<vmem_shared>>) target_semaphore(%arg13 : memref<!tpu.dma_semaphore, #tpu.memory_space<semaphore_mem>>)
    %mul3A_267 = arith.constant 632 : i32
    %mul3A_268 = arith.muli %arg1, %mul3A_267 : i32
    %add3A_269 = arith.constant 528 : i32
    %add3A_270 = arith.addi %mul3A_268, %add3A_269 : i32
    %dma_start3A_271 = arith.constant 0 : i32
    %dma_start3A_272 = tpu.memref_slice %arg10[%add3A_270, %dma_start3A_271] : memref<10112x128xf32, #tpu.memory_space<vmem_shared>> -> memref<16x128xf32, #tpu.memory_space<vmem_shared>>
    %dma_start3A_273 = arith.constant 0 : i32
    %dma_start3A_274 = tpu.memref_slice %arg10[%add3A_270, %dma_start3A_273] : memref<10112x128xf32, #tpu.memory_space<vmem_shared>> -> memref<16x128xf32, #tpu.memory_space<vmem_shared>>
    tpu.enqueue_dma source(%arg9 : memref<16x128xf32, #tpu.memory_space<vmem>>) target(%dma_start3A_274 : memref<16x128xf32, #tpu.memory_space<vmem_shared>>) target_semaphore(%arg13 : memref<!tpu.dma_semaphore, #tpu.memory_space<semaphore_mem>>)
    %mul3A_275 = arith.constant 632 : i32
    %mul3A_276 = arith.muli %arg1, %mul3A_275 : i32
    %add3A_277 = arith.constant 544 : i32
    %add3A_278 = arith.addi %mul3A_276, %add3A_277 : i32
    %dma_start3A_279 = arith.constant 0 : i32
    %dma_start3A_280 = tpu.memref_slice %arg10[%add3A_278, %dma_start3A_279] : memref<10112x128xf32, #tpu.memory_space<vmem_shared>> -> memref<16x128xf32, #tpu.memory_space<vmem_shared>>
    %dma_start3A_281 = arith.constant 0 : i32
    %dma_start3A_282 = tpu.memref_slice %arg10[%add3A_278, %dma_start3A_281] : memref<10112x128xf32, #tpu.memory_space<vmem_shared>> -> memref<16x128xf32, #tpu.memory_space<vmem_shared>>
    tpu.enqueue_dma source(%arg9 : memref<16x128xf32, #tpu.memory_space<vmem>>) target(%dma_start3A_282 : memref<16x128xf32, #tpu.memory_space<vmem_shared>>) target_semaphore(%arg13 : memref<!tpu.dma_semaphore, #tpu.memory_space<semaphore_mem>>)
    %mul3A_283 = arith.constant 632 : i32
    %mul3A_284 = arith.muli %arg1, %mul3A_283 : i32
    %add3A_285 = arith.constant 560 : i32
    %add3A_286 = arith.addi %mul3A_284, %add3A_285 : i32
    %dma_start3A_287 = arith.constant 0 : i32
    %dma_start3A_288 = tpu.memref_slice %arg10[%add3A_286, %dma_start3A_287] : memref<10112x128xf32, #tpu.memory_space<vmem_shared>> -> memref<16x128xf32, #tpu.memory_space<vmem_shared>>
    %dma_start3A_289 = arith.constant 0 : i32
    %dma_start3A_290 = tpu.memref_slice %arg10[%add3A_286, %dma_start3A_289] : memref<10112x128xf32, #tpu.memory_space<vmem_shared>> -> memref<16x128xf32, #tpu.memory_space<vmem_shared>>
    tpu.enqueue_dma source(%arg9 : memref<16x128xf32, #tpu.memory_space<vmem>>) target(%dma_start3A_290 : memref<16x128xf32, #tpu.memory_space<vmem_shared>>) target_semaphore(%arg13 : memref<!tpu.dma_semaphore, #tpu.memory_space<semaphore_mem>>)
    %mul3A_291 = arith.constant 632 : i32
    %mul3A_292 = arith.muli %arg1, %mul3A_291 : i32
    %add3A_293 = arith.constant 576 : i32
    %add3A_294 = arith.addi %mul3A_292, %add3A_293 : i32
    %dma_start3A_295 = arith.constant 0 : i32
    %dma_start3A_296 = tpu.memref_slice %arg10[%add3A_294, %dma_start3A_295] : memref<10112x128xf32, #tpu.memory_space<vmem_shared>> -> memref<16x128xf32, #tpu.memory_space<vmem_shared>>
    %dma_start3A_297 = arith.constant 0 : i32
    %dma_start3A_298 = tpu.memref_slice %arg10[%add3A_294, %dma_start3A_297] : memref<10112x128xf32, #tpu.memory_space<vmem_shared>> -> memref<16x128xf32, #tpu.memory_space<vmem_shared>>
    tpu.enqueue_dma source(%arg9 : memref<16x128xf32, #tpu.memory_space<vmem>>) target(%dma_start3A_298 : memref<16x128xf32, #tpu.memory_space<vmem_shared>>) target_semaphore(%arg13 : memref<!tpu.dma_semaphore, #tpu.memory_space<semaphore_mem>>)
    %mul3A_299 = arith.constant 632 : i32
    %mul3A_300 = arith.muli %arg1, %mul3A_299 : i32
    %add3A_301 = arith.constant 592 : i32
    %add3A_302 = arith.addi %mul3A_300, %add3A_301 : i32
    %dma_start3A_303 = arith.constant 0 : i32
    %dma_start3A_304 = tpu.memref_slice %arg10[%add3A_302, %dma_start3A_303] : memref<10112x128xf32, #tpu.memory_space<vmem_shared>> -> memref<16x128xf32, #tpu.memory_space<vmem_shared>>
    %dma_start3A_305 = arith.constant 0 : i32
    %dma_start3A_306 = tpu.memref_slice %arg10[%add3A_302, %dma_start3A_305] : memref<10112x128xf32, #tpu.memory_space<vmem_shared>> -> memref<16x128xf32, #tpu.memory_space<vmem_shared>>
    tpu.enqueue_dma source(%arg9 : memref<16x128xf32, #tpu.memory_space<vmem>>) target(%dma_start3A_306 : memref<16x128xf32, #tpu.memory_space<vmem_shared>>) target_semaphore(%arg13 : memref<!tpu.dma_semaphore, #tpu.memory_space<semaphore_mem>>)
    %mul3A_307 = arith.constant 632 : i32
    %mul3A_308 = arith.muli %arg1, %mul3A_307 : i32
    %add3A_309 = arith.constant 608 : i32
    %add3A_310 = arith.addi %mul3A_308, %add3A_309 : i32
    %dma_start3A_311 = arith.constant 0 : i32
    %dma_start3A_312 = tpu.memref_slice %arg10[%add3A_310, %dma_start3A_311] : memref<10112x128xf32, #tpu.memory_space<vmem_shared>> -> memref<16x128xf32, #tpu.memory_space<vmem_shared>>
    %dma_start3A_313 = arith.constant 0 : i32
    %dma_start3A_314 = tpu.memref_slice %arg10[%add3A_310, %dma_start3A_313] : memref<10112x128xf32, #tpu.memory_space<vmem_shared>> -> memref<16x128xf32, #tpu.memory_space<vmem_shared>>
    tpu.enqueue_dma source(%arg9 : memref<16x128xf32, #tpu.memory_space<vmem>>) target(%dma_start3A_314 : memref<16x128xf32, #tpu.memory_space<vmem_shared>>) target_semaphore(%arg13 : memref<!tpu.dma_semaphore, #tpu.memory_space<semaphore_mem>>)
    %mul3A_315 = arith.constant 632 : i32
    %mul3A_316 = arith.muli %arg1, %mul3A_315 : i32
    %add3A_317 = arith.constant 624 : i32
    %add3A_318 = arith.addi %mul3A_316, %add3A_317 : i32
    %dma_start3A_319 = arith.constant 0 : i32
    %dma_start3A_320 = arith.constant 0 : i32
    %dma_start3A_321 = tpu.memref_slice %arg9[%dma_start3A_319, %dma_start3A_320] : memref<16x128xf32, #tpu.memory_space<vmem>> -> memref<8x128xf32, #tpu.memory_space<vmem>>
    %dma_start3A_322 = arith.constant 0 : i32
    %dma_start3A_323 = tpu.memref_slice %arg10[%add3A_318, %dma_start3A_322] : memref<10112x128xf32, #tpu.memory_space<vmem_shared>> -> memref<8x128xf32, #tpu.memory_space<vmem_shared>>
    %dma_start3A_324 = arith.constant 0 : i32
    %dma_start3A_325 = tpu.memref_slice %arg10[%add3A_318, %dma_start3A_324] : memref<10112x128xf32, #tpu.memory_space<vmem_shared>> -> memref<8x128xf32, #tpu.memory_space<vmem_shared>>
    %dma_start3A_326 = arith.constant 0 : i32
    %dma_start3A_327 = arith.constant 0 : i32
    %dma_start3A_328 = tpu.memref_slice %arg9[%dma_start3A_326, %dma_start3A_327] : memref<16x128xf32, #tpu.memory_space<vmem>> -> memref<8x128xf32, #tpu.memory_space<vmem>>
    tpu.enqueue_dma source(%dma_start3A_328 : memref<8x128xf32, #tpu.memory_space<vmem>>) target(%dma_start3A_325 : memref<8x128xf32, #tpu.memory_space<vmem_shared>>) target_semaphore(%arg13 : memref<!tpu.dma_semaphore, #tpu.memory_space<semaphore_mem>>)
    "tpu.region"() ({
      %run_scoped3A = tpu.sem_alloc : memref<!tpu.dma_semaphore, #tpu.memory_space<semaphore_mem>>
      %dma_start3A_601 = arith.constant 0 : i32
      %dma_start3A_602 = arith.constant 0 : i32
      %dma_start3A_603 = tpu.memref_slice %arg3[%arg0, %arg1, %dma_start3A_601, %dma_start3A_602] : memref<2x16x160x64xi32, #tpu.memory_space<hbm>> -> memref<1x1x160x64xi32, #tpu.memory_space<hbm>>
      %dma_start3A_604 = tpu.memref_squeeze %dma_start3A_603 : memref<1x1x160x64xi32, #tpu.memory_space<hbm>> -> memref<160x64xi32, #tpu.memory_space<hbm>>
      %dma_start3A_605 = arith.constant 0 : i32
      %dma_start3A_606 = arith.constant 0 : i32
      %dma_start3A_607 = tpu.memref_slice %arg3[%arg0, %arg1, %dma_start3A_605, %dma_start3A_606] : memref<2x16x160x64xi32, #tpu.memory_space<hbm>> -> memref<1x1x160x64xi32, #tpu.memory_space<hbm>>
      %dma_start3A_608 = tpu.memref_squeeze %dma_start3A_607 : memref<1x1x160x64xi32, #tpu.memory_space<hbm>> -> memref<160x64xi32, #tpu.memory_space<hbm>>
      tpu.enqueue_dma source(%dma_start3A_608 : memref<160x64xi32, #tpu.memory_space<hbm>>) target(%arg6 : memref<160x64xi32, #tpu.memory_space<vmem>>) target_semaphore(%run_scoped3A : memref<!tpu.dma_semaphore, #tpu.memory_space<semaphore_mem>>)
      %dma_wait3A_609 = arith.constant 0 : i32
      %dma_wait3A_610 = arith.constant 0 : i32
      %dma_wait3A_611 = tpu.memref_slice %arg3[%arg0, %arg1, %dma_wait3A_609, %dma_wait3A_610] : memref<2x16x160x64xi32, #tpu.memory_space<hbm>> -> memref<1x1x160x64xi32, #tpu.memory_space<hbm>>
      %dma_wait3A_612 = tpu.memref_squeeze %dma_wait3A_611 : memref<1x1x160x64xi32, #tpu.memory_space<hbm>> -> memref<160x64xi32, #tpu.memory_space<hbm>>
      %dma_wait3A_613 = arith.constant 0 : i32
      %dma_wait3A_614 = arith.constant 0 : i32
      %dma_wait3A_615 = tpu.memref_slice %arg3[%arg0, %arg1, %dma_wait3A_613, %dma_wait3A_614] : memref<2x16x160x64xi32, #tpu.memory_space<hbm>> -> memref<1x1x160x64xi32, #tpu.memory_space<hbm>>
      %dma_wait3A_616 = tpu.memref_squeeze %dma_wait3A_615 : memref<1x1x160x64xi32, #tpu.memory_space<hbm>> -> memref<160x64xi32, #tpu.memory_space<hbm>>
      tpu.wait_dma2 semaphore(%run_scoped3A : memref<!tpu.dma_semaphore, #tpu.memory_space<semaphore_mem>>) src(%dma_wait3A_616 : memref<160x64xi32, #tpu.memory_space<hbm>>) dst(%arg6 : memref<160x64xi32, #tpu.memory_space<vmem>>)
      tpu.yield
    }) : () -> ()
    %dma_wait3A = arith.constant 0 : i32
    %dma_wait3A_329 = tpu.memref_slice %arg10[%add3A_7, %dma_wait3A] : memref<10112x128xf32, #tpu.memory_space<vmem_shared>> -> memref<16x128xf32, #tpu.memory_space<vmem_shared>>
    %dma_wait3A_330 = arith.constant 0 : i32
    %dma_wait3A_331 = tpu.memref_slice %arg10[%add3A_7, %dma_wait3A_330] : memref<10112x128xf32, #tpu.memory_space<vmem_shared>> -> memref<16x128xf32, #tpu.memory_space<vmem_shared>>
    tpu.wait_dma2 semaphore(%arg13 : memref<!tpu.dma_semaphore, #tpu.memory_space<semaphore_mem>>) src(%arg9 : memref<16x128xf32, #tpu.memory_space<vmem>>) dst(%dma_wait3A_331 : memref<16x128xf32, #tpu.memory_space<vmem_shared>>)
    %dma_wait3A_332 = arith.constant 0 : i32
    %dma_wait3A_333 = tpu.memref_slice %arg10[%add3A_14, %dma_wait3A_332] : memref<10112x128xf32, #tpu.memory_space<vmem_shared>> -> memref<16x128xf32, #tpu.memory_space<vmem_shared>>
    %dma_wait3A_334 = arith.constant 0 : i32
    %dma_wait3A_335 = tpu.memref_slice %arg10[%add3A_14, %dma_wait3A_334] : memref<10112x128xf32, #tpu.memory_space<vmem_shared>> -> memref<16x128xf32, #tpu.memory_space<vmem_shared>>
    tpu.wait_dma2 semaphore(%arg13 : memref<!tpu.dma_semaphore, #tpu.memory_space<semaphore_mem>>) src(%arg9 : memref<16x128xf32, #tpu.memory_space<vmem>>) dst(%dma_wait3A_335 : memref<16x128xf32, #tpu.memory_space<vmem_shared>>)
    %dma_wait3A_336 = arith.constant 0 : i32
    %dma_wait3A_337 = tpu.memref_slice %arg10[%add3A_22, %dma_wait3A_336] : memref<10112x128xf32, #tpu.memory_space<vmem_shared>> -> memref<16x128xf32, #tpu.memory_space<vmem_shared>>
    %dma_wait3A_338 = arith.constant 0 : i32
    %dma_wait3A_339 = tpu.memref_slice %arg10[%add3A_22, %dma_wait3A_338] : memref<10112x128xf32, #tpu.memory_space<vmem_shared>> -> memref<16x128xf32, #tpu.memory_space<vmem_shared>>
    tpu.wait_dma2 semaphore(%arg13 : memref<!tpu.dma_semaphore, #tpu.memory_space<semaphore_mem>>) src(%arg9 : memref<16x128xf32, #tpu.memory_space<vmem>>) dst(%dma_wait3A_339 : memref<16x128xf32, #tpu.memory_space<vmem_shared>>)
    %dma_wait3A_340 = arith.constant 0 : i32
    %dma_wait3A_341 = tpu.memref_slice %arg10[%add3A_30, %dma_wait3A_340] : memref<10112x128xf32, #tpu.memory_space<vmem_shared>> -> memref<16x128xf32, #tpu.memory_space<vmem_shared>>
    %dma_wait3A_342 = arith.constant 0 : i32
    %dma_wait3A_343 = tpu.memref_slice %arg10[%add3A_30, %dma_wait3A_342] : memref<10112x128xf32, #tpu.memory_space<vmem_shared>> -> memref<16x128xf32, #tpu.memory_space<vmem_shared>>
    tpu.wait_dma2 semaphore(%arg13 : memref<!tpu.dma_semaphore, #tpu.memory_space<semaphore_mem>>) src(%arg9 : memref<16x128xf32, #tpu.memory_space<vmem>>) dst(%dma_wait3A_343 : memref<16x128xf32, #tpu.memory_space<vmem_shared>>)
    %dma_wait3A_344 = arith.constant 0 : i32
    %dma_wait3A_345 = tpu.memref_slice %arg10[%add3A_38, %dma_wait3A_344] : memref<10112x128xf32, #tpu.memory_space<vmem_shared>> -> memref<16x128xf32, #tpu.memory_space<vmem_shared>>
    %dma_wait3A_346 = arith.constant 0 : i32
    %dma_wait3A_347 = tpu.memref_slice %arg10[%add3A_38, %dma_wait3A_346] : memref<10112x128xf32, #tpu.memory_space<vmem_shared>> -> memref<16x128xf32, #tpu.memory_space<vmem_shared>>
    tpu.wait_dma2 semaphore(%arg13 : memref<!tpu.dma_semaphore, #tpu.memory_space<semaphore_mem>>) src(%arg9 : memref<16x128xf32, #tpu.memory_space<vmem>>) dst(%dma_wait3A_347 : memref<16x128xf32, #tpu.memory_space<vmem_shared>>)
    %dma_wait3A_348 = arith.constant 0 : i32
    %dma_wait3A_349 = tpu.memref_slice %arg10[%add3A_46, %dma_wait3A_348] : memref<10112x128xf32, #tpu.memory_space<vmem_shared>> -> memref<16x128xf32, #tpu.memory_space<vmem_shared>>
    %dma_wait3A_350 = arith.constant 0 : i32
    %dma_wait3A_351 = tpu.memref_slice %arg10[%add3A_46, %dma_wait3A_350] : memref<10112x128xf32, #tpu.memory_space<vmem_shared>> -> memref<16x128xf32, #tpu.memory_space<vmem_shared>>
    tpu.wait_dma2 semaphore(%arg13 : memref<!tpu.dma_semaphore, #tpu.memory_space<semaphore_mem>>) src(%arg9 : memref<16x128xf32, #tpu.memory_space<vmem>>) dst(%dma_wait3A_351 : memref<16x128xf32, #tpu.memory_space<vmem_shared>>)
    %dma_wait3A_352 = arith.constant 0 : i32
    %dma_wait3A_353 = tpu.memref_slice %arg10[%add3A_54, %dma_wait3A_352] : memref<10112x128xf32, #tpu.memory_space<vmem_shared>> -> memref<16x128xf32, #tpu.memory_space<vmem_shared>>
    %dma_wait3A_354 = arith.constant 0 : i32
    %dma_wait3A_355 = tpu.memref_slice %arg10[%add3A_54, %dma_wait3A_354] : memref<10112x128xf32, #tpu.memory_space<vmem_shared>> -> memref<16x128xf32, #tpu.memory_space<vmem_shared>>
    tpu.wait_dma2 semaphore(%arg13 : memref<!tpu.dma_semaphore, #tpu.memory_space<semaphore_mem>>) src(%arg9 : memref<16x128xf32, #tpu.memory_space<vmem>>) dst(%dma_wait3A_355 : memref<16x128xf32, #tpu.memory_space<vmem_shared>>)
    %dma_wait3A_356 = arith.constant 0 : i32
    %dma_wait3A_357 = tpu.memref_slice %arg10[%add3A_62, %dma_wait3A_356] : memref<10112x128xf32, #tpu.memory_space<vmem_shared>> -> memref<16x128xf32, #tpu.memory_space<vmem_shared>>
    %dma_wait3A_358 = arith.constant 0 : i32
    %dma_wait3A_359 = tpu.memref_slice %arg10[%add3A_62, %dma_wait3A_358] : memref<10112x128xf32, #tpu.memory_space<vmem_shared>> -> memref<16x128xf32, #tpu.memory_space<vmem_shared>>
    tpu.wait_dma2 semaphore(%arg13 : memref<!tpu.dma_semaphore, #tpu.memory_space<semaphore_mem>>) src(%arg9 : memref<16x128xf32, #tpu.memory_space<vmem>>) dst(%dma_wait3A_359 : memref<16x128xf32, #tpu.memory_space<vmem_shared>>)
    %dma_wait3A_360 = arith.constant 0 : i32
    %dma_wait3A_361 = tpu.memref_slice %arg10[%add3A_70, %dma_wait3A_360] : memref<10112x128xf32, #tpu.memory_space<vmem_shared>> -> memref<16x128xf32, #tpu.memory_space<vmem_shared>>
    %dma_wait3A_362 = arith.constant 0 : i32
    %dma_wait3A_363 = tpu.memref_slice %arg10[%add3A_70, %dma_wait3A_362] : memref<10112x128xf32, #tpu.memory_space<vmem_shared>> -> memref<16x128xf32, #tpu.memory_space<vmem_shared>>
    tpu.wait_dma2 semaphore(%arg13 : memref<!tpu.dma_semaphore, #tpu.memory_space<semaphore_mem>>) src(%arg9 : memref<16x128xf32, #tpu.memory_space<vmem>>) dst(%dma_wait3A_363 : memref<16x128xf32, #tpu.memory_space<vmem_shared>>)
    %dma_wait3A_364 = arith.constant 0 : i32
    %dma_wait3A_365 = tpu.memref_slice %arg10[%add3A_78, %dma_wait3A_364] : memref<10112x128xf32, #tpu.memory_space<vmem_shared>> -> memref<16x128xf32, #tpu.memory_space<vmem_shared>>
    %dma_wait3A_366 = arith.constant 0 : i32
    %dma_wait3A_367 = tpu.memref_slice %arg10[%add3A_78, %dma_wait3A_366] : memref<10112x128xf32, #tpu.memory_space<vmem_shared>> -> memref<16x128xf32, #tpu.memory_space<vmem_shared>>
    tpu.wait_dma2 semaphore(%arg13 : memref<!tpu.dma_semaphore, #tpu.memory_space<semaphore_mem>>) src(%arg9 : memref<16x128xf32, #tpu.memory_space<vmem>>) dst(%dma_wait3A_367 : memref<16x128xf32, #tpu.memory_space<vmem_shared>>)
    %dma_wait3A_368 = arith.constant 0 : i32
    %dma_wait3A_369 = tpu.memref_slice %arg10[%add3A_86, %dma_wait3A_368] : memref<10112x128xf32, #tpu.memory_space<vmem_shared>> -> memref<16x128xf32, #tpu.memory_space<vmem_shared>>
    %dma_wait3A_370 = arith.constant 0 : i32
    %dma_wait3A_371 = tpu.memref_slice %arg10[%add3A_86, %dma_wait3A_370] : memref<10112x128xf32, #tpu.memory_space<vmem_shared>> -> memref<16x128xf32, #tpu.memory_space<vmem_shared>>
    tpu.wait_dma2 semaphore(%arg13 : memref<!tpu.dma_semaphore, #tpu.memory_space<semaphore_mem>>) src(%arg9 : memref<16x128xf32, #tpu.memory_space<vmem>>) dst(%dma_wait3A_371 : memref<16x128xf32, #tpu.memory_space<vmem_shared>>)
    %dma_wait3A_372 = arith.constant 0 : i32
    %dma_wait3A_373 = tpu.memref_slice %arg10[%add3A_94, %dma_wait3A_372] : memref<10112x128xf32, #tpu.memory_space<vmem_shared>> -> memref<16x128xf32, #tpu.memory_space<vmem_shared>>
    %dma_wait3A_374 = arith.constant 0 : i32
    %dma_wait3A_375 = tpu.memref_slice %arg10[%add3A_94, %dma_wait3A_374] : memref<10112x128xf32, #tpu.memory_space<vmem_shared>> -> memref<16x128xf32, #tpu.memory_space<vmem_shared>>
    tpu.wait_dma2 semaphore(%arg13 : memref<!tpu.dma_semaphore, #tpu.memory_space<semaphore_mem>>) src(%arg9 : memref<16x128xf32, #tpu.memory_space<vmem>>) dst(%dma_wait3A_375 : memref<16x128xf32, #tpu.memory_space<vmem_shared>>)
    %dma_wait3A_376 = arith.constant 0 : i32
    %dma_wait3A_377 = tpu.memref_slice %arg10[%add3A_102, %dma_wait3A_376] : memref<10112x128xf32, #tpu.memory_space<vmem_shared>> -> memref<16x128xf32, #tpu.memory_space<vmem_shared>>
    %dma_wait3A_378 = arith.constant 0 : i32
    %dma_wait3A_379 = tpu.memref_slice %arg10[%add3A_102, %dma_wait3A_378] : memref<10112x128xf32, #tpu.memory_space<vmem_shared>> -> memref<16x128xf32, #tpu.memory_space<vmem_shared>>
    tpu.wait_dma2 semaphore(%arg13 : memref<!tpu.dma_semaphore, #tpu.memory_space<semaphore_mem>>) src(%arg9 : memref<16x128xf32, #tpu.memory_space<vmem>>) dst(%dma_wait3A_379 : memref<16x128xf32, #tpu.memory_space<vmem_shared>>)
    %dma_wait3A_380 = arith.constant 0 : i32
    %dma_wait3A_381 = tpu.memref_slice %arg10[%add3A_110, %dma_wait3A_380] : memref<10112x128xf32, #tpu.memory_space<vmem_shared>> -> memref<16x128xf32, #tpu.memory_space<vmem_shared>>
    %dma_wait3A_382 = arith.constant 0 : i32
    %dma_wait3A_383 = tpu.memref_slice %arg10[%add3A_110, %dma_wait3A_382] : memref<10112x128xf32, #tpu.memory_space<vmem_shared>> -> memref<16x128xf32, #tpu.memory_space<vmem_shared>>
    tpu.wait_dma2 semaphore(%arg13 : memref<!tpu.dma_semaphore, #tpu.memory_space<semaphore_mem>>) src(%arg9 : memref<16x128xf32, #tpu.memory_space<vmem>>) dst(%dma_wait3A_383 : memref<16x128xf32, #tpu.memory_space<vmem_shared>>)
    %dma_wait3A_384 = arith.constant 0 : i32
    %dma_wait3A_385 = tpu.memref_slice %arg10[%add3A_118, %dma_wait3A_384] : memref<10112x128xf32, #tpu.memory_space<vmem_shared>> -> memref<16x128xf32, #tpu.memory_space<vmem_shared>>
    %dma_wait3A_386 = arith.constant 0 : i32
    %dma_wait3A_387 = tpu.memref_slice %arg10[%add3A_118, %dma_wait3A_386] : memref<10112x128xf32, #tpu.memory_space<vmem_shared>> -> memref<16x128xf32, #tpu.memory_space<vmem_shared>>
    tpu.wait_dma2 semaphore(%arg13 : memref<!tpu.dma_semaphore, #tpu.memory_space<semaphore_mem>>) src(%arg9 : memref<16x128xf32, #tpu.memory_space<vmem>>) dst(%dma_wait3A_387 : memref<16x128xf32, #tpu.memory_space<vmem_shared>>)
    %dma_wait3A_388 = arith.constant 0 : i32
    %dma_wait3A_389 = tpu.memref_slice %arg10[%add3A_126, %dma_wait3A_388] : memref<10112x128xf32, #tpu.memory_space<vmem_shared>> -> memref<16x128xf32, #tpu.memory_space<vmem_shared>>
    %dma_wait3A_390 = arith.constant 0 : i32
    %dma_wait3A_391 = tpu.memref_slice %arg10[%add3A_126, %dma_wait3A_390] : memref<10112x128xf32, #tpu.memory_space<vmem_shared>> -> memref<16x128xf32, #tpu.memory_space<vmem_shared>>
    tpu.wait_dma2 semaphore(%arg13 : memref<!tpu.dma_semaphore, #tpu.memory_space<semaphore_mem>>) src(%arg9 : memref<16x128xf32, #tpu.memory_space<vmem>>) dst(%dma_wait3A_391 : memref<16x128xf32, #tpu.memory_space<vmem_shared>>)
    %dma_wait3A_392 = arith.constant 0 : i32
    %dma_wait3A_393 = tpu.memref_slice %arg10[%add3A_134, %dma_wait3A_392] : memref<10112x128xf32, #tpu.memory_space<vmem_shared>> -> memref<16x128xf32, #tpu.memory_space<vmem_shared>>
    %dma_wait3A_394 = arith.constant 0 : i32
    %dma_wait3A_395 = tpu.memref_slice %arg10[%add3A_134, %dma_wait3A_394] : memref<10112x128xf32, #tpu.memory_space<vmem_shared>> -> memref<16x128xf32, #tpu.memory_space<vmem_shared>>
    tpu.wait_dma2 semaphore(%arg13 : memref<!tpu.dma_semaphore, #tpu.memory_space<semaphore_mem>>) src(%arg9 : memref<16x128xf32, #tpu.memory_space<vmem>>) dst(%dma_wait3A_395 : memref<16x128xf32, #tpu.memory_space<vmem_shared>>)
    %dma_wait3A_396 = arith.constant 0 : i32
    %dma_wait3A_397 = tpu.memref_slice %arg10[%add3A_142, %dma_wait3A_396] : memref<10112x128xf32, #tpu.memory_space<vmem_shared>> -> memref<16x128xf32, #tpu.memory_space<vmem_shared>>
    %dma_wait3A_398 = arith.constant 0 : i32
    %dma_wait3A_399 = tpu.memref_slice %arg10[%add3A_142, %dma_wait3A_398] : memref<10112x128xf32, #tpu.memory_space<vmem_shared>> -> memref<16x128xf32, #tpu.memory_space<vmem_shared>>
    tpu.wait_dma2 semaphore(%arg13 : memref<!tpu.dma_semaphore, #tpu.memory_space<semaphore_mem>>) src(%arg9 : memref<16x128xf32, #tpu.memory_space<vmem>>) dst(%dma_wait3A_399 : memref<16x128xf32, #tpu.memory_space<vmem_shared>>)
    %dma_wait3A_400 = arith.constant 0 : i32
    %dma_wait3A_401 = tpu.memref_slice %arg10[%add3A_150, %dma_wait3A_400] : memref<10112x128xf32, #tpu.memory_space<vmem_shared>> -> memref<16x128xf32, #tpu.memory_space<vmem_shared>>
    %dma_wait3A_402 = arith.constant 0 : i32
    %dma_wait3A_403 = tpu.memref_slice %arg10[%add3A_150, %dma_wait3A_402] : memref<10112x128xf32, #tpu.memory_space<vmem_shared>> -> memref<16x128xf32, #tpu.memory_space<vmem_shared>>
    tpu.wait_dma2 semaphore(%arg13 : memref<!tpu.dma_semaphore, #tpu.memory_space<semaphore_mem>>) src(%arg9 : memref<16x128xf32, #tpu.memory_space<vmem>>) dst(%dma_wait3A_403 : memref<16x128xf32, #tpu.memory_space<vmem_shared>>)
    %dma_wait3A_404 = arith.constant 0 : i32
    %dma_wait3A_405 = tpu.memref_slice %arg10[%add3A_158, %dma_wait3A_404] : memref<10112x128xf32, #tpu.memory_space<vmem_shared>> -> memref<16x128xf32, #tpu.memory_space<vmem_shared>>
    %dma_wait3A_406 = arith.constant 0 : i32
    %dma_wait3A_407 = tpu.memref_slice %arg10[%add3A_158, %dma_wait3A_406] : memref<10112x128xf32, #tpu.memory_space<vmem_shared>> -> memref<16x128xf32, #tpu.memory_space<vmem_shared>>
    tpu.wait_dma2 semaphore(%arg13 : memref<!tpu.dma_semaphore, #tpu.memory_space<semaphore_mem>>) src(%arg9 : memref<16x128xf32, #tpu.memory_space<vmem>>) dst(%dma_wait3A_407 : memref<16x128xf32, #tpu.memory_space<vmem_shared>>)
    %dma_wait3A_408 = arith.constant 0 : i32
    %dma_wait3A_409 = tpu.memref_slice %arg10[%add3A_166, %dma_wait3A_408] : memref<10112x128xf32, #tpu.memory_space<vmem_shared>> -> memref<16x128xf32, #tpu.memory_space<vmem_shared>>
    %dma_wait3A_410 = arith.constant 0 : i32
    %dma_wait3A_411 = tpu.memref_slice %arg10[%add3A_166, %dma_wait3A_410] : memref<10112x128xf32, #tpu.memory_space<vmem_shared>> -> memref<16x128xf32, #tpu.memory_space<vmem_shared>>
    tpu.wait_dma2 semaphore(%arg13 : memref<!tpu.dma_semaphore, #tpu.memory_space<semaphore_mem>>) src(%arg9 : memref<16x128xf32, #tpu.memory_space<vmem>>) dst(%dma_wait3A_411 : memref<16x128xf32, #tpu.memory_space<vmem_shared>>)
    %dma_wait3A_412 = arith.constant 0 : i32
    %dma_wait3A_413 = tpu.memref_slice %arg10[%add3A_174, %dma_wait3A_412] : memref<10112x128xf32, #tpu.memory_space<vmem_shared>> -> memref<16x128xf32, #tpu.memory_space<vmem_shared>>
    %dma_wait3A_414 = arith.constant 0 : i32
    %dma_wait3A_415 = tpu.memref_slice %arg10[%add3A_174, %dma_wait3A_414] : memref<10112x128xf32, #tpu.memory_space<vmem_shared>> -> memref<16x128xf32, #tpu.memory_space<vmem_shared>>
    tpu.wait_dma2 semaphore(%arg13 : memref<!tpu.dma_semaphore, #tpu.memory_space<semaphore_mem>>) src(%arg9 : memref<16x128xf32, #tpu.memory_space<vmem>>) dst(%dma_wait3A_415 : memref<16x128xf32, #tpu.memory_space<vmem_shared>>)
    %dma_wait3A_416 = arith.constant 0 : i32
    %dma_wait3A_417 = tpu.memref_slice %arg10[%add3A_182, %dma_wait3A_416] : memref<10112x128xf32, #tpu.memory_space<vmem_shared>> -> memref<16x128xf32, #tpu.memory_space<vmem_shared>>
    %dma_wait3A_418 = arith.constant 0 : i32
    %dma_wait3A_419 = tpu.memref_slice %arg10[%add3A_182, %dma_wait3A_418] : memref<10112x128xf32, #tpu.memory_space<vmem_shared>> -> memref<16x128xf32, #tpu.memory_space<vmem_shared>>
    tpu.wait_dma2 semaphore(%arg13 : memref<!tpu.dma_semaphore, #tpu.memory_space<semaphore_mem>>) src(%arg9 : memref<16x128xf32, #tpu.memory_space<vmem>>) dst(%dma_wait3A_419 : memref<16x128xf32, #tpu.memory_space<vmem_shared>>)
    %dma_wait3A_420 = arith.constant 0 : i32
    %dma_wait3A_421 = tpu.memref_slice %arg10[%add3A_190, %dma_wait3A_420] : memref<10112x128xf32, #tpu.memory_space<vmem_shared>> -> memref<16x128xf32, #tpu.memory_space<vmem_shared>>
    %dma_wait3A_422 = arith.constant 0 : i32
    %dma_wait3A_423 = tpu.memref_slice %arg10[%add3A_190, %dma_wait3A_422] : memref<10112x128xf32, #tpu.memory_space<vmem_shared>> -> memref<16x128xf32, #tpu.memory_space<vmem_shared>>
    tpu.wait_dma2 semaphore(%arg13 : memref<!tpu.dma_semaphore, #tpu.memory_space<semaphore_mem>>) src(%arg9 : memref<16x128xf32, #tpu.memory_space<vmem>>) dst(%dma_wait3A_423 : memref<16x128xf32, #tpu.memory_space<vmem_shared>>)
    %dma_wait3A_424 = arith.constant 0 : i32
    %dma_wait3A_425 = tpu.memref_slice %arg10[%add3A_198, %dma_wait3A_424] : memref<10112x128xf32, #tpu.memory_space<vmem_shared>> -> memref<16x128xf32, #tpu.memory_space<vmem_shared>>
    %dma_wait3A_426 = arith.constant 0 : i32
    %dma_wait3A_427 = tpu.memref_slice %arg10[%add3A_198, %dma_wait3A_426] : memref<10112x128xf32, #tpu.memory_space<vmem_shared>> -> memref<16x128xf32, #tpu.memory_space<vmem_shared>>
    tpu.wait_dma2 semaphore(%arg13 : memref<!tpu.dma_semaphore, #tpu.memory_space<semaphore_mem>>) src(%arg9 : memref<16x128xf32, #tpu.memory_space<vmem>>) dst(%dma_wait3A_427 : memref<16x128xf32, #tpu.memory_space<vmem_shared>>)
    %dma_wait3A_428 = arith.constant 0 : i32
    %dma_wait3A_429 = tpu.memref_slice %arg10[%add3A_206, %dma_wait3A_428] : memref<10112x128xf32, #tpu.memory_space<vmem_shared>> -> memref<16x128xf32, #tpu.memory_space<vmem_shared>>
    %dma_wait3A_430 = arith.constant 0 : i32
    %dma_wait3A_431 = tpu.memref_slice %arg10[%add3A_206, %dma_wait3A_430] : memref<10112x128xf32, #tpu.memory_space<vmem_shared>> -> memref<16x128xf32, #tpu.memory_space<vmem_shared>>
    tpu.wait_dma2 semaphore(%arg13 : memref<!tpu.dma_semaphore, #tpu.memory_space<semaphore_mem>>) src(%arg9 : memref<16x128xf32, #tpu.memory_space<vmem>>) dst(%dma_wait3A_431 : memref<16x128xf32, #tpu.memory_space<vmem_shared>>)
    %dma_wait3A_432 = arith.constant 0 : i32
    %dma_wait3A_433 = tpu.memref_slice %arg10[%add3A_214, %dma_wait3A_432] : memref<10112x128xf32, #tpu.memory_space<vmem_shared>> -> memref<16x128xf32, #tpu.memory_space<vmem_shared>>
    %dma_wait3A_434 = arith.constant 0 : i32
    %dma_wait3A_435 = tpu.memref_slice %arg10[%add3A_214, %dma_wait3A_434] : memref<10112x128xf32, #tpu.memory_space<vmem_shared>> -> memref<16x128xf32, #tpu.memory_space<vmem_shared>>
    tpu.wait_dma2 semaphore(%arg13 : memref<!tpu.dma_semaphore, #tpu.memory_space<semaphore_mem>>) src(%arg9 : memref<16x128xf32, #tpu.memory_space<vmem>>) dst(%dma_wait3A_435 : memref<16x128xf32, #tpu.memory_space<vmem_shared>>)
    %dma_wait3A_436 = arith.constant 0 : i32
    %dma_wait3A_437 = tpu.memref_slice %arg10[%add3A_222, %dma_wait3A_436] : memref<10112x128xf32, #tpu.memory_space<vmem_shared>> -> memref<16x128xf32, #tpu.memory_space<vmem_shared>>
    %dma_wait3A_438 = arith.constant 0 : i32
    %dma_wait3A_439 = tpu.memref_slice %arg10[%add3A_222, %dma_wait3A_438] : memref<10112x128xf32, #tpu.memory_space<vmem_shared>> -> memref<16x128xf32, #tpu.memory_space<vmem_shared>>
    tpu.wait_dma2 semaphore(%arg13 : memref<!tpu.dma_semaphore, #tpu.memory_space<semaphore_mem>>) src(%arg9 : memref<16x128xf32, #tpu.memory_space<vmem>>) dst(%dma_wait3A_439 : memref<16x128xf32, #tpu.memory_space<vmem_shared>>)
    %dma_wait3A_440 = arith.constant 0 : i32
    %dma_wait3A_441 = tpu.memref_slice %arg10[%add3A_230, %dma_wait3A_440] : memref<10112x128xf32, #tpu.memory_space<vmem_shared>> -> memref<16x128xf32, #tpu.memory_space<vmem_shared>>
    %dma_wait3A_442 = arith.constant 0 : i32
    %dma_wait3A_443 = tpu.memref_slice %arg10[%add3A_230, %dma_wait3A_442] : memref<10112x128xf32, #tpu.memory_space<vmem_shared>> -> memref<16x128xf32, #tpu.memory_space<vmem_shared>>
    tpu.wait_dma2 semaphore(%arg13 : memref<!tpu.dma_semaphore, #tpu.memory_space<semaphore_mem>>) src(%arg9 : memref<16x128xf32, #tpu.memory_space<vmem>>) dst(%dma_wait3A_443 : memref<16x128xf32, #tpu.memory_space<vmem_shared>>)
    %dma_wait3A_444 = arith.constant 0 : i32
    %dma_wait3A_445 = tpu.memref_slice %arg10[%add3A_238, %dma_wait3A_444] : memref<10112x128xf32, #tpu.memory_space<vmem_shared>> -> memref<16x128xf32, #tpu.memory_space<vmem_shared>>
    %dma_wait3A_446 = arith.constant 0 : i32
    %dma_wait3A_447 = tpu.memref_slice %arg10[%add3A_238, %dma_wait3A_446] : memref<10112x128xf32, #tpu.memory_space<vmem_shared>> -> memref<16x128xf32, #tpu.memory_space<vmem_shared>>
    tpu.wait_dma2 semaphore(%arg13 : memref<!tpu.dma_semaphore, #tpu.memory_space<semaphore_mem>>) src(%arg9 : memref<16x128xf32, #tpu.memory_space<vmem>>) dst(%dma_wait3A_447 : memref<16x128xf32, #tpu.memory_space<vmem_shared>>)
    %dma_wait3A_448 = arith.constant 0 : i32
    %dma_wait3A_449 = tpu.memref_slice %arg10[%add3A_246, %dma_wait3A_448] : memref<10112x128xf32, #tpu.memory_space<vmem_shared>> -> memref<16x128xf32, #tpu.memory_space<vmem_shared>>
    %dma_wait3A_450 = arith.constant 0 : i32
    %dma_wait3A_451 = tpu.memref_slice %arg10[%add3A_246, %dma_wait3A_450] : memref<10112x128xf32, #tpu.memory_space<vmem_shared>> -> memref<16x128xf32, #tpu.memory_space<vmem_shared>>
    tpu.wait_dma2 semaphore(%arg13 : memref<!tpu.dma_semaphore, #tpu.memory_space<semaphore_mem>>) src(%arg9 : memref<16x128xf32, #tpu.memory_space<vmem>>) dst(%dma_wait3A_451 : memref<16x128xf32, #tpu.memory_space<vmem_shared>>)
    %dma_wait3A_452 = arith.constant 0 : i32
    %dma_wait3A_453 = tpu.memref_slice %arg10[%add3A_254, %dma_wait3A_452] : memref<10112x128xf32, #tpu.memory_space<vmem_shared>> -> memref<16x128xf32, #tpu.memory_space<vmem_shared>>
    %dma_wait3A_454 = arith.constant 0 : i32
    %dma_wait3A_455 = tpu.memref_slice %arg10[%add3A_254, %dma_wait3A_454] : memref<10112x128xf32, #tpu.memory_space<vmem_shared>> -> memref<16x128xf32, #tpu.memory_space<vmem_shared>>
    tpu.wait_dma2 semaphore(%arg13 : memref<!tpu.dma_semaphore, #tpu.memory_space<semaphore_mem>>) src(%arg9 : memref<16x128xf32, #tpu.memory_space<vmem>>) dst(%dma_wait3A_455 : memref<16x128xf32, #tpu.memory_space<vmem_shared>>)
    %dma_wait3A_456 = arith.constant 0 : i32
    %dma_wait3A_457 = tpu.memref_slice %arg10[%add3A_262, %dma_wait3A_456] : memref<10112x128xf32, #tpu.memory_space<vmem_shared>> -> memref<16x128xf32, #tpu.memory_space<vmem_shared>>
    %dma_wait3A_458 = arith.constant 0 : i32
    %dma_wait3A_459 = tpu.memref_slice %arg10[%add3A_262, %dma_wait3A_458] : memref<10112x128xf32, #tpu.memory_space<vmem_shared>> -> memref<16x128xf32, #tpu.memory_space<vmem_shared>>
    tpu.wait_dma2 semaphore(%arg13 : memref<!tpu.dma_semaphore, #tpu.memory_space<semaphore_mem>>) src(%arg9 : memref<16x128xf32, #tpu.memory_space<vmem>>) dst(%dma_wait3A_459 : memref<16x128xf32, #tpu.memory_space<vmem_shared>>)
    %dma_wait3A_460 = arith.constant 0 : i32
    %dma_wait3A_461 = tpu.memref_slice %arg10[%add3A_270, %dma_wait3A_460] : memref<10112x128xf32, #tpu.memory_space<vmem_shared>> -> memref<16x128xf32, #tpu.memory_space<vmem_shared>>
    %dma_wait3A_462 = arith.constant 0 : i32
    %dma_wait3A_463 = tpu.memref_slice %arg10[%add3A_270, %dma_wait3A_462] : memref<10112x128xf32, #tpu.memory_space<vmem_shared>> -> memref<16x128xf32, #tpu.memory_space<vmem_shared>>
    tpu.wait_dma2 semaphore(%arg13 : memref<!tpu.dma_semaphore, #tpu.memory_space<semaphore_mem>>) src(%arg9 : memref<16x128xf32, #tpu.memory_space<vmem>>) dst(%dma_wait3A_463 : memref<16x128xf32, #tpu.memory_space<vmem_shared>>)
    %dma_wait3A_464 = arith.constant 0 : i32
    %dma_wait3A_465 = tpu.memref_slice %arg10[%add3A_278, %dma_wait3A_464] : memref<10112x128xf32, #tpu.memory_space<vmem_shared>> -> memref<16x128xf32, #tpu.memory_space<vmem_shared>>
    %dma_wait3A_466 = arith.constant 0 : i32
    %dma_wait3A_467 = tpu.memref_slice %arg10[%add3A_278, %dma_wait3A_466] : memref<10112x128xf32, #tpu.memory_space<vmem_shared>> -> memref<16x128xf32, #tpu.memory_space<vmem_shared>>
    tpu.wait_dma2 semaphore(%arg13 : memref<!tpu.dma_semaphore, #tpu.memory_space<semaphore_mem>>) src(%arg9 : memref<16x128xf32, #tpu.memory_space<vmem>>) dst(%dma_wait3A_467 : memref<16x128xf32, #tpu.memory_space<vmem_shared>>)
    %dma_wait3A_468 = arith.constant 0 : i32
    %dma_wait3A_469 = tpu.memref_slice %arg10[%add3A_286, %dma_wait3A_468] : memref<10112x128xf32, #tpu.memory_space<vmem_shared>> -> memref<16x128xf32, #tpu.memory_space<vmem_shared>>
    %dma_wait3A_470 = arith.constant 0 : i32
    %dma_wait3A_471 = tpu.memref_slice %arg10[%add3A_286, %dma_wait3A_470] : memref<10112x128xf32, #tpu.memory_space<vmem_shared>> -> memref<16x128xf32, #tpu.memory_space<vmem_shared>>
    tpu.wait_dma2 semaphore(%arg13 : memref<!tpu.dma_semaphore, #tpu.memory_space<semaphore_mem>>) src(%arg9 : memref<16x128xf32, #tpu.memory_space<vmem>>) dst(%dma_wait3A_471 : memref<16x128xf32, #tpu.memory_space<vmem_shared>>)
    %dma_wait3A_472 = arith.constant 0 : i32
    %dma_wait3A_473 = tpu.memref_slice %arg10[%add3A_294, %dma_wait3A_472] : memref<10112x128xf32, #tpu.memory_space<vmem_shared>> -> memref<16x128xf32, #tpu.memory_space<vmem_shared>>
    %dma_wait3A_474 = arith.constant 0 : i32
    %dma_wait3A_475 = tpu.memref_slice %arg10[%add3A_294, %dma_wait3A_474] : memref<10112x128xf32, #tpu.memory_space<vmem_shared>> -> memref<16x128xf32, #tpu.memory_space<vmem_shared>>
    tpu.wait_dma2 semaphore(%arg13 : memref<!tpu.dma_semaphore, #tpu.memory_space<semaphore_mem>>) src(%arg9 : memref<16x128xf32, #tpu.memory_space<vmem>>) dst(%dma_wait3A_475 : memref<16x128xf32, #tpu.memory_space<vmem_shared>>)
    %dma_wait3A_476 = arith.constant 0 : i32
    %dma_wait3A_477 = tpu.memref_slice %arg10[%add3A_302, %dma_wait3A_476] : memref<10112x128xf32, #tpu.memory_space<vmem_shared>> -> memref<16x128xf32, #tpu.memory_space<vmem_shared>>
    %dma_wait3A_478 = arith.constant 0 : i32
    %dma_wait3A_479 = tpu.memref_slice %arg10[%add3A_302, %dma_wait3A_478] : memref<10112x128xf32, #tpu.memory_space<vmem_shared>> -> memref<16x128xf32, #tpu.memory_space<vmem_shared>>
    tpu.wait_dma2 semaphore(%arg13 : memref<!tpu.dma_semaphore, #tpu.memory_space<semaphore_mem>>) src(%arg9 : memref<16x128xf32, #tpu.memory_space<vmem>>) dst(%dma_wait3A_479 : memref<16x128xf32, #tpu.memory_space<vmem_shared>>)
    %dma_wait3A_480 = arith.constant 0 : i32
    %dma_wait3A_481 = tpu.memref_slice %arg10[%add3A_310, %dma_wait3A_480] : memref<10112x128xf32, #tpu.memory_space<vmem_shared>> -> memref<16x128xf32, #tpu.memory_space<vmem_shared>>
    %dma_wait3A_482 = arith.constant 0 : i32
    %dma_wait3A_483 = tpu.memref_slice %arg10[%add3A_310, %dma_wait3A_482] : memref<10112x128xf32, #tpu.memory_space<vmem_shared>> -> memref<16x128xf32, #tpu.memory_space<vmem_shared>>
    tpu.wait_dma2 semaphore(%arg13 : memref<!tpu.dma_semaphore, #tpu.memory_space<semaphore_mem>>) src(%arg9 : memref<16x128xf32, #tpu.memory_space<vmem>>) dst(%dma_wait3A_483 : memref<16x128xf32, #tpu.memory_space<vmem_shared>>)
    %dma_wait3A_484 = arith.constant 0 : i32
    %dma_wait3A_485 = arith.constant 0 : i32
    %dma_wait3A_486 = tpu.memref_slice %arg9[%dma_wait3A_484, %dma_wait3A_485] : memref<16x128xf32, #tpu.memory_space<vmem>> -> memref<8x128xf32, #tpu.memory_space<vmem>>
    %dma_wait3A_487 = arith.constant 0 : i32
    %dma_wait3A_488 = tpu.memref_slice %arg10[%add3A_318, %dma_wait3A_487] : memref<10112x128xf32, #tpu.memory_space<vmem_shared>> -> memref<8x128xf32, #tpu.memory_space<vmem_shared>>
    %dma_wait3A_489 = arith.constant 0 : i32
    %dma_wait3A_490 = tpu.memref_slice %arg10[%add3A_318, %dma_wait3A_489] : memref<10112x128xf32, #tpu.memory_space<vmem_shared>> -> memref<8x128xf32, #tpu.memory_space<vmem_shared>>
    %dma_wait3A_491 = arith.constant 0 : i32
    %dma_wait3A_492 = arith.constant 0 : i32
    %dma_wait3A_493 = tpu.memref_slice %arg9[%dma_wait3A_491, %dma_wait3A_492] : memref<16x128xf32, #tpu.memory_space<vmem>> -> memref<8x128xf32, #tpu.memory_space<vmem>>
    tpu.wait_dma2 semaphore(%arg13 : memref<!tpu.dma_semaphore, #tpu.memory_space<semaphore_mem>>) src(%dma_wait3A_493 : memref<8x128xf32, #tpu.memory_space<vmem>>) dst(%dma_wait3A_490 : memref<8x128xf32, #tpu.memory_space<vmem_shared>>)
    %barrier3A = arith.constant 0 : index
    tpu.barrier barrier_id(%barrier3A)
    %dma_start3A_494 = arith.constant 0 : i32
    %dma_start3A_495 = arith.constant 0 : i32
    %dma_start3A_496 = arith.constant 0 : i32
    %dma_start3A_497 = arith.constant 0 : i32
    %dma_start3A_498 = tpu.memref_slice %arg8[%dma_start3A_495, %dma_start3A_496, %dma_start3A_497] : memref<4x64x128xf32, #tpu.memory_space<vmem>> -> memref<1x64x128xf32, #tpu.memory_space<vmem>>
    %dma_start3A_499 = tpu.memref_squeeze %dma_start3A_498 : memref<1x64x128xf32, #tpu.memory_space<vmem>> -> memref<64x128xf32, #tpu.memory_space<vmem>>
    %dma_start3A_500 = arith.constant 0 : i32
    %dma_start3A_501 = tpu.memref_slice %arg6[%dma_start3A_494, %dma_start3A_500] : memref<160x64xi32, #tpu.memory_space<vmem>> -> memref<1x64xi32, #tpu.memory_space<vmem>>
    %dma_start3A_502 = tpu.memref_squeeze %dma_start3A_501 : memref<1x64xi32, #tpu.memory_space<vmem>> -> memref<64xi32, #tpu.memory_space<vmem>>
    %dma_start3A_503 = arith.constant 0 : i32
    %dma_start3A_504 = arith.constant 0 : i32
    %dma_start3A_505 = tpu.memref_slice %arg2[%dma_start3A_503, %dma_start3A_504] : memref<20000x128xf32, #tpu.memory_space<hbm>> -> memref<20000x128xf32, #tpu.memory_space<hbm>>
    tpu.enqueue_indirect_dma source(%dma_start3A_505 : memref<20000x128xf32, #tpu.memory_space<hbm>>) target(%dma_start3A_499 : memref<64x128xf32, #tpu.memory_space<vmem>>) offsets(%dma_start3A_502 : memref<64xi32, #tpu.memory_space<vmem>>) semaphore(%arg11 : memref<!tpu.dma_semaphore, #tpu.memory_space<semaphore_mem>>)
    %dma_start3A_506 = arith.constant 1 : i32
    %dma_start3A_507 = arith.constant 1 : i32
    %dma_start3A_508 = arith.constant 0 : i32
    %dma_start3A_509 = arith.constant 0 : i32
    %dma_start3A_510 = tpu.memref_slice %arg8[%dma_start3A_507, %dma_start3A_508, %dma_start3A_509] : memref<4x64x128xf32, #tpu.memory_space<vmem>> -> memref<1x64x128xf32, #tpu.memory_space<vmem>>
    %dma_start3A_511 = tpu.memref_squeeze %dma_start3A_510 : memref<1x64x128xf32, #tpu.memory_space<vmem>> -> memref<64x128xf32, #tpu.memory_space<vmem>>
    %dma_start3A_512 = arith.constant 0 : i32
    %dma_start3A_513 = tpu.memref_slice %arg6[%dma_start3A_506, %dma_start3A_512] : memref<160x64xi32, #tpu.memory_space<vmem>> -> memref<1x64xi32, #tpu.memory_space<vmem>>
    %dma_start3A_514 = tpu.memref_squeeze %dma_start3A_513 : memref<1x64xi32, #tpu.memory_space<vmem>> -> memref<64xi32, #tpu.memory_space<vmem>>
    %dma_start3A_515 = arith.constant 0 : i32
    %dma_start3A_516 = arith.constant 0 : i32
    %dma_start3A_517 = tpu.memref_slice %arg2[%dma_start3A_515, %dma_start3A_516] : memref<20000x128xf32, #tpu.memory_space<hbm>> -> memref<20000x128xf32, #tpu.memory_space<hbm>>
    tpu.enqueue_indirect_dma source(%dma_start3A_517 : memref<20000x128xf32, #tpu.memory_space<hbm>>) target(%dma_start3A_511 : memref<64x128xf32, #tpu.memory_space<vmem>>) offsets(%dma_start3A_514 : memref<64xi32, #tpu.memory_space<vmem>>) semaphore(%arg11 : memref<!tpu.dma_semaphore, #tpu.memory_space<semaphore_mem>>)
    %dma_start3A_518 = arith.constant 2 : i32
    %dma_start3A_519 = arith.constant 2 : i32
    %dma_start3A_520 = arith.constant 0 : i32
    %dma_start3A_521 = arith.constant 0 : i32
    %dma_start3A_522 = tpu.memref_slice %arg8[%dma_start3A_519, %dma_start3A_520, %dma_start3A_521] : memref<4x64x128xf32, #tpu.memory_space<vmem>> -> memref<1x64x128xf32, #tpu.memory_space<vmem>>
    %dma_start3A_523 = tpu.memref_squeeze %dma_start3A_522 : memref<1x64x128xf32, #tpu.memory_space<vmem>> -> memref<64x128xf32, #tpu.memory_space<vmem>>
    %dma_start3A_524 = arith.constant 0 : i32
    %dma_start3A_525 = tpu.memref_slice %arg6[%dma_start3A_518, %dma_start3A_524] : memref<160x64xi32, #tpu.memory_space<vmem>> -> memref<1x64xi32, #tpu.memory_space<vmem>>
    %dma_start3A_526 = tpu.memref_squeeze %dma_start3A_525 : memref<1x64xi32, #tpu.memory_space<vmem>> -> memref<64xi32, #tpu.memory_space<vmem>>
    %dma_start3A_527 = arith.constant 0 : i32
    %dma_start3A_528 = arith.constant 0 : i32
    %dma_start3A_529 = tpu.memref_slice %arg2[%dma_start3A_527, %dma_start3A_528] : memref<20000x128xf32, #tpu.memory_space<hbm>> -> memref<20000x128xf32, #tpu.memory_space<hbm>>
    tpu.enqueue_indirect_dma source(%dma_start3A_529 : memref<20000x128xf32, #tpu.memory_space<hbm>>) target(%dma_start3A_523 : memref<64x128xf32, #tpu.memory_space<vmem>>) offsets(%dma_start3A_526 : memref<64xi32, #tpu.memory_space<vmem>>) semaphore(%arg11 : memref<!tpu.dma_semaphore, #tpu.memory_space<semaphore_mem>>)
    %dma_start3A_530 = arith.constant 3 : i32
    %dma_start3A_531 = arith.constant 3 : i32
    %dma_start3A_532 = arith.constant 0 : i32
    %dma_start3A_533 = arith.constant 0 : i32
    %dma_start3A_534 = tpu.memref_slice %arg8[%dma_start3A_531, %dma_start3A_532, %dma_start3A_533] : memref<4x64x128xf32, #tpu.memory_space<vmem>> -> memref<1x64x128xf32, #tpu.memory_space<vmem>>
    %dma_start3A_535 = tpu.memref_squeeze %dma_start3A_534 : memref<1x64x128xf32, #tpu.memory_space<vmem>> -> memref<64x128xf32, #tpu.memory_space<vmem>>
    %dma_start3A_536 = arith.constant 0 : i32
    %dma_start3A_537 = tpu.memref_slice %arg6[%dma_start3A_530, %dma_start3A_536] : memref<160x64xi32, #tpu.memory_space<vmem>> -> memref<1x64xi32, #tpu.memory_space<vmem>>
    %dma_start3A_538 = tpu.memref_squeeze %dma_start3A_537 : memref<1x64xi32, #tpu.memory_space<vmem>> -> memref<64xi32, #tpu.memory_space<vmem>>
    %dma_start3A_539 = arith.constant 0 : i32
    %dma_start3A_540 = arith.constant 0 : i32
    %dma_start3A_541 = tpu.memref_slice %arg2[%dma_start3A_539, %dma_start3A_540] : memref<20000x128xf32, #tpu.memory_space<hbm>> -> memref<20000x128xf32, #tpu.memory_space<hbm>>
    tpu.enqueue_indirect_dma source(%dma_start3A_541 : memref<20000x128xf32, #tpu.memory_space<hbm>>) target(%dma_start3A_535 : memref<64x128xf32, #tpu.memory_space<vmem>>) offsets(%dma_start3A_538 : memref<64xi32, #tpu.memory_space<vmem>>) semaphore(%arg11 : memref<!tpu.dma_semaphore, #tpu.memory_space<semaphore_mem>>)
    %scan3A_542 = arith.constant 0 : i32
    %scan3A_543 = arith.constant 0 : i32
    %scan3A_544 = arith.constant 5 : i32
    %scan3A_545 = arith.addi %scan3A_543, %scan3A_544 : i32
    %scan3A_546 = arith.constant 1 : i32
    scf.for %scan3A_601 = %scan3A_543 to %scan3A_545 step %scan3A_546  : i32 {
      %gt3A = arith.constant 0 : i32
      %gt3A_602 = arith.cmpi sgt, %scan3A_601, %gt3A : i32
      %convert_element_type3A = arith.extui %gt3A_602 : i1 to i32
      %cond3A = arith.constant 0 : i32
      %cond3A_603 = arith.cmpi ne, %convert_element_type3A, %cond3A : i32
      scf.if %cond3A_603 {
        %dma_wait3A_612 = arith.constant 3 : i32
        %dma_wait3A_613 = arith.constant 0 : i32
        %dma_wait3A_614 = arith.constant 0 : i32
        %dma_wait3A_615 = arith.constant 0 : i32
        %dma_wait3A_616 = tpu.memref_slice %arg8[%dma_wait3A_612, %dma_wait3A_614, %dma_wait3A_615] : memref<4x64x128xf32, #tpu.memory_space<vmem>> -> memref<1x64x128xf32, #tpu.memory_space<vmem>>
        %dma_wait3A_617 = tpu.memref_squeeze %dma_wait3A_616 : memref<1x64x128xf32, #tpu.memory_space<vmem>> -> memref<64x128xf32, #tpu.memory_space<vmem>>
        %dma_wait3A_618 = arith.constant 0 : i32
        %dma_wait3A_619 = tpu.memref_slice %arg7[%dma_wait3A_613, %dma_wait3A_618] : memref<32x64xi32, #tpu.memory_space<vmem>> -> memref<1x64xi32, #tpu.memory_space<vmem>>
        %dma_wait3A_620 = tpu.memref_squeeze %dma_wait3A_619 : memref<1x64xi32, #tpu.memory_space<vmem>> -> memref<64xi32, #tpu.memory_space<vmem>>
        %dma_wait3A_621 = arith.constant 0 : i32
        %dma_wait3A_622 = arith.constant 0 : i32
        %dma_wait3A_623 = tpu.memref_slice %arg10[%dma_wait3A_621, %dma_wait3A_622] : memref<10112x128xf32, #tpu.memory_space<vmem_shared>> -> memref<10112x128xf32, #tpu.memory_space<vmem_shared>>
        tpu.wait_indirect_dma semaphore(%arg12 : memref<!tpu.dma_semaphore, #tpu.memory_space<semaphore_mem>>) src(%dma_wait3A_617 : memref<64x128xf32, #tpu.memory_space<vmem>>) dst(%dma_wait3A_623 : memref<10112x128xf32, #tpu.memory_space<vmem_shared>>)
        %mul3A_624 = arith.constant 32 : i32
        %mul3A_625 = arith.muli %scan3A_601, %mul3A_624 : i32
        %add3A_626 = arith.constant 4 : i32
        %add3A_627 = arith.addi %mul3A_625, %add3A_626 : i32
        %sub3A = arith.constant 1 : i32
        %sub3A_628 = arith.subi %add3A_627, %sub3A : i32
        %dma_start3A_629 = arith.constant 3 : i32
        %dma_start3A_630 = arith.constant 0 : i32
        %dma_start3A_631 = arith.constant 0 : i32
        %dma_start3A_632 = tpu.memref_slice %arg8[%dma_start3A_629, %dma_start3A_630, %dma_start3A_631] : memref<4x64x128xf32, #tpu.memory_space<vmem>> -> memref<1x64x128xf32, #tpu.memory_space<vmem>>
        %dma_start3A_633 = tpu.memref_squeeze %dma_start3A_632 : memref<1x64x128xf32, #tpu.memory_space<vmem>> -> memref<64x128xf32, #tpu.memory_space<vmem>>
        %dma_start3A_634 = arith.constant 0 : i32
        %dma_start3A_635 = tpu.memref_slice %arg6[%sub3A_628, %dma_start3A_634] : memref<160x64xi32, #tpu.memory_space<vmem>> -> memref<1x64xi32, #tpu.memory_space<vmem>>
        %dma_start3A_636 = tpu.memref_squeeze %dma_start3A_635 : memref<1x64xi32, #tpu.memory_space<vmem>> -> memref<64xi32, #tpu.memory_space<vmem>>
        %dma_start3A_637 = arith.constant 0 : i32
        %dma_start3A_638 = arith.constant 0 : i32
        %dma_start3A_639 = tpu.memref_slice %arg2[%dma_start3A_637, %dma_start3A_638] : memref<20000x128xf32, #tpu.memory_space<hbm>> -> memref<20000x128xf32, #tpu.memory_space<hbm>>
        tpu.enqueue_indirect_dma source(%dma_start3A_639 : memref<20000x128xf32, #tpu.memory_space<hbm>>) target(%dma_start3A_633 : memref<64x128xf32, #tpu.memory_space<vmem>>) offsets(%dma_start3A_636 : memref<64xi32, #tpu.memory_space<vmem>>) semaphore(%arg11 : memref<!tpu.dma_semaphore, #tpu.memory_space<semaphore_mem>>)
      } else {
      }
      %mul3A_604 = arith.constant 32 : i32
      %mul3A_605 = arith.muli %scan3A_601, %mul3A_604 : i32
      "tpu.region"() ({
        %run_scoped3A = tpu.sem_alloc : memref<!tpu.dma_semaphore, #tpu.memory_space<semaphore_mem>>
        %dma_start3A_612 = arith.constant 0 : i32
        %dma_start3A_613 = tpu.memref_slice %arg4[%arg1, %mul3A_605, %dma_start3A_612] : memref<16x160x64xi32, #tpu.memory_space<hbm>> -> memref<1x32x64xi32, #tpu.memory_space<hbm>>
        %dma_start3A_614 = tpu.memref_squeeze %dma_start3A_613 : memref<1x32x64xi32, #tpu.memory_space<hbm>> -> memref<32x64xi32, #tpu.memory_space<hbm>>
        %dma_start3A_615 = arith.constant 0 : i32
        %dma_start3A_616 = tpu.memref_slice %arg4[%arg1, %mul3A_605, %dma_start3A_615] : memref<16x160x64xi32, #tpu.memory_space<hbm>> -> memref<1x32x64xi32, #tpu.memory_space<hbm>>
        %dma_start3A_617 = tpu.memref_squeeze %dma_start3A_616 : memref<1x32x64xi32, #tpu.memory_space<hbm>> -> memref<32x64xi32, #tpu.memory_space<hbm>>
        tpu.enqueue_dma source(%dma_start3A_617 : memref<32x64xi32, #tpu.memory_space<hbm>>) target(%arg7 : memref<32x64xi32, #tpu.memory_space<vmem>>) target_semaphore(%run_scoped3A : memref<!tpu.dma_semaphore, #tpu.memory_space<semaphore_mem>>)
        %dma_wait3A_618 = arith.constant 0 : i32
        %dma_wait3A_619 = tpu.memref_slice %arg4[%arg1, %mul3A_605, %dma_wait3A_618] : memref<16x160x64xi32, #tpu.memory_space<hbm>> -> memref<1x32x64xi32, #tpu.memory_space<hbm>>
        %dma_wait3A_620 = tpu.memref_squeeze %dma_wait3A_619 : memref<1x32x64xi32, #tpu.memory_space<hbm>> -> memref<32x64xi32, #tpu.memory_space<hbm>>
        %dma_wait3A_621 = arith.constant 0 : i32
        %dma_wait3A_622 = tpu.memref_slice %arg4[%arg1, %mul3A_605, %dma_wait3A_621] : memref<16x160x64xi32, #tpu.memory_space<hbm>> -> memref<1x32x64xi32, #tpu.memory_space<hbm>>
        %dma_wait3A_623 = tpu.memref_squeeze %dma_wait3A_622 : memref<1x32x64xi32, #tpu.memory_space<hbm>> -> memref<32x64xi32, #tpu.memory_space<hbm>>
        tpu.wait_dma2 semaphore(%run_scoped3A : memref<!tpu.dma_semaphore, #tpu.memory_space<semaphore_mem>>) src(%dma_wait3A_623 : memref<32x64xi32, #tpu.memory_space<hbm>>) dst(%arg7 : memref<32x64xi32, #tpu.memory_space<vmem>>)
        tpu.yield
      }) : () -> ()
      %scan3A_606 = arith.constant 0 : i32
      %scan3A_607 = arith.constant 0 : i32
      %scan3A_608 = arith.constant 8 : i32
      %scan3A_609 = arith.addi %scan3A_607, %scan3A_608 : i32
      %scan3A_610 = arith.constant 1 : i32
      scf.for %scan3A_612 = %scan3A_607 to %scan3A_609 step %scan3A_610  : i32 {
        %mul3A_613 = arith.constant 4 : i32
        %mul3A_614 = arith.muli %scan3A_612, %mul3A_613 : i32
        %add3A_615 = arith.constant 0 : i32
        %add3A_616 = arith.addi %mul3A_614, %add3A_615 : i32
        %mul3A_617 = arith.constant 32 : i32
        %mul3A_618 = arith.muli %scan3A_601, %mul3A_617 : i32
        %add3A_619 = arith.addi %mul3A_618, %add3A_616 : i32
        %dma_wait3A_620 = arith.constant 0 : i32
        %dma_wait3A_621 = arith.constant 0 : i32
        %dma_wait3A_622 = arith.constant 0 : i32
        %dma_wait3A_623 = tpu.memref_slice %arg8[%dma_wait3A_620, %dma_wait3A_621, %dma_wait3A_622] : memref<4x64x128xf32, #tpu.memory_space<vmem>> -> memref<1x64x128xf32, #tpu.memory_space<vmem>>
        %dma_wait3A_624 = tpu.memref_squeeze %dma_wait3A_623 : memref<1x64x128xf32, #tpu.memory_space<vmem>> -> memref<64x128xf32, #tpu.memory_space<vmem>>
        %dma_wait3A_625 = arith.constant 0 : i32
        %dma_wait3A_626 = tpu.memref_slice %arg6[%add3A_619, %dma_wait3A_625] : memref<160x64xi32, #tpu.memory_space<vmem>> -> memref<1x64xi32, #tpu.memory_space<vmem>>
        %dma_wait3A_627 = tpu.memref_squeeze %dma_wait3A_626 : memref<1x64xi32, #tpu.memory_space<vmem>> -> memref<64xi32, #tpu.memory_space<vmem>>
        %dma_wait3A_628 = arith.constant 0 : i32
        %dma_wait3A_629 = arith.constant 0 : i32
        %dma_wait3A_630 = tpu.memref_slice %arg2[%dma_wait3A_628, %dma_wait3A_629] : memref<20000x128xf32, #tpu.memory_space<hbm>> -> memref<20000x128xf32, #tpu.memory_space<hbm>>
        tpu.wait_indirect_dma semaphore(%arg11 : memref<!tpu.dma_semaphore, #tpu.memory_space<semaphore_mem>>) src(%dma_wait3A_630 : memref<20000x128xf32, #tpu.memory_space<hbm>>) dst(%dma_wait3A_624 : memref<64x128xf32, #tpu.memory_space<vmem>>)
        %dma_start3A_631 = arith.constant 0 : i32
        %dma_start3A_632 = arith.constant 0 : i32
        %dma_start3A_633 = arith.constant 0 : i32
        %dma_start3A_634 = tpu.memref_slice %arg8[%dma_start3A_631, %dma_start3A_632, %dma_start3A_633] : memref<4x64x128xf32, #tpu.memory_space<vmem>> -> memref<1x64x128xf32, #tpu.memory_space<vmem>>
        %dma_start3A_635 = tpu.memref_squeeze %dma_start3A_634 : memref<1x64x128xf32, #tpu.memory_space<vmem>> -> memref<64x128xf32, #tpu.memory_space<vmem>>
        %dma_start3A_636 = arith.constant 0 : i32
        %dma_start3A_637 = tpu.memref_slice %arg7[%add3A_616, %dma_start3A_636] : memref<32x64xi32, #tpu.memory_space<vmem>> -> memref<1x64xi32, #tpu.memory_space<vmem>>
        %dma_start3A_638 = tpu.memref_squeeze %dma_start3A_637 : memref<1x64xi32, #tpu.memory_space<vmem>> -> memref<64xi32, #tpu.memory_space<vmem>>
        %dma_start3A_639 = arith.constant 0 : i32
        %dma_start3A_640 = arith.constant 0 : i32
        %dma_start3A_641 = tpu.memref_slice %arg10[%dma_start3A_639, %dma_start3A_640] : memref<10112x128xf32, #tpu.memory_space<vmem_shared>> -> memref<10112x128xf32, #tpu.memory_space<vmem_shared>>
        tpu.enqueue_indirect_dma source(%dma_start3A_635 : memref<64x128xf32, #tpu.memory_space<vmem>>) target(%dma_start3A_641 : memref<10112x128xf32, #tpu.memory_space<vmem_shared>>) offsets(%dma_start3A_638 : memref<64xi32, #tpu.memory_space<vmem>>) semaphore(%arg12 : memref<!tpu.dma_semaphore, #tpu.memory_space<semaphore_mem>>) {add = true}
        %gt3A_642 = arith.constant 0 : i32
        %gt3A_643 = arith.cmpi sgt, %add3A_616, %gt3A_642 : i32
        %add3A_644 = arith.constant 4 : i32
        %add3A_645 = arith.addi %add3A_619, %add3A_644 : i32
        %sub3A = arith.constant 1 : i32
        %sub3A_646 = arith.subi %add3A_645, %sub3A : i32
        %lt3A = arith.constant 160 : i32
        %lt3A_647 = arith.cmpi slt, %sub3A_646, %lt3A : i32
        %and3A = arith.andi %gt3A_643, %lt3A_647 : i1
        %convert_element_type3A_648 = arith.extui %and3A : i1 to i32
        %cond3A_649 = arith.constant 0 : i32
        %cond3A_650 = arith.cmpi ne, %convert_element_type3A_648, %cond3A_649 : i32
        scf.if %cond3A_650 {
          %sub3A_765 = arith.constant 1 : i32
          %sub3A_766 = arith.subi %add3A_616, %sub3A_765 : i32
          %dma_wait3A_767 = arith.constant 3 : i32
          %dma_wait3A_768 = arith.constant 0 : i32
          %dma_wait3A_769 = arith.constant 0 : i32
          %dma_wait3A_770 = tpu.memref_slice %arg8[%dma_wait3A_767, %dma_wait3A_768, %dma_wait3A_769] : memref<4x64x128xf32, #tpu.memory_space<vmem>> -> memref<1x64x128xf32, #tpu.memory_space<vmem>>
          %dma_wait3A_771 = tpu.memref_squeeze %dma_wait3A_770 : memref<1x64x128xf32, #tpu.memory_space<vmem>> -> memref<64x128xf32, #tpu.memory_space<vmem>>
          %dma_wait3A_772 = arith.constant 0 : i32
          %dma_wait3A_773 = tpu.memref_slice %arg7[%sub3A_766, %dma_wait3A_772] : memref<32x64xi32, #tpu.memory_space<vmem>> -> memref<1x64xi32, #tpu.memory_space<vmem>>
          %dma_wait3A_774 = tpu.memref_squeeze %dma_wait3A_773 : memref<1x64xi32, #tpu.memory_space<vmem>> -> memref<64xi32, #tpu.memory_space<vmem>>
          %dma_wait3A_775 = arith.constant 0 : i32
          %dma_wait3A_776 = arith.constant 0 : i32
          %dma_wait3A_777 = tpu.memref_slice %arg10[%dma_wait3A_775, %dma_wait3A_776] : memref<10112x128xf32, #tpu.memory_space<vmem_shared>> -> memref<10112x128xf32, #tpu.memory_space<vmem_shared>>
          tpu.wait_indirect_dma semaphore(%arg12 : memref<!tpu.dma_semaphore, #tpu.memory_space<semaphore_mem>>) src(%dma_wait3A_771 : memref<64x128xf32, #tpu.memory_space<vmem>>) dst(%dma_wait3A_777 : memref<10112x128xf32, #tpu.memory_space<vmem_shared>>)
          %add3A_778 = arith.constant 4 : i32
          %add3A_779 = arith.addi %add3A_619, %add3A_778 : i32
          %sub3A_780 = arith.constant 1 : i32
          %sub3A_781 = arith.subi %add3A_779, %sub3A_780 : i32
          %dma_start3A_782 = arith.constant 3 : i32
          %dma_start3A_783 = arith.constant 0 : i32
          %dma_start3A_784 = arith.constant 0 : i32
          %dma_start3A_785 = tpu.memref_slice %arg8[%dma_start3A_782, %dma_start3A_783, %dma_start3A_784] : memref<4x64x128xf32, #tpu.memory_space<vmem>> -> memref<1x64x128xf32, #tpu.memory_space<vmem>>
          %dma_start3A_786 = tpu.memref_squeeze %dma_start3A_785 : memref<1x64x128xf32, #tpu.memory_space<vmem>> -> memref<64x128xf32, #tpu.memory_space<vmem>>
          %dma_start3A_787 = arith.constant 0 : i32
          %dma_start3A_788 = tpu.memref_slice %arg6[%sub3A_781, %dma_start3A_787] : memref<160x64xi32, #tpu.memory_space<vmem>> -> memref<1x64xi32, #tpu.memory_space<vmem>>
          %dma_start3A_789 = tpu.memref_squeeze %dma_start3A_788 : memref<1x64xi32, #tpu.memory_space<vmem>> -> memref<64xi32, #tpu.memory_space<vmem>>
          %dma_start3A_790 = arith.constant 0 : i32
          %dma_start3A_791 = arith.constant 0 : i32
          %dma_start3A_792 = tpu.memref_slice %arg2[%dma_start3A_790, %dma_start3A_791] : memref<20000x128xf32, #tpu.memory_space<hbm>> -> memref<20000x128xf32, #tpu.memory_space<hbm>>
          tpu.enqueue_indirect_dma source(%dma_start3A_792 : memref<20000x128xf32, #tpu.memory_space<hbm>>) target(%dma_start3A_786 : memref<64x128xf32, #tpu.memory_space<vmem>>) offsets(%dma_start3A_789 : memref<64xi32, #tpu.memory_space<vmem>>) semaphore(%arg11 : memref<!tpu.dma_semaphore, #tpu.memory_space<semaphore_mem>>)
        } else {
        }
        %mul3A_651 = arith.constant 4 : i32
        %mul3A_652 = arith.muli %scan3A_612, %mul3A_651 : i32
        %add3A_653 = arith.constant 1 : i32
        %add3A_654 = arith.addi %mul3A_652, %add3A_653 : i32
        %mul3A_655 = arith.constant 32 : i32
        %mul3A_656 = arith.muli %scan3A_601, %mul3A_655 : i32
        %add3A_657 = arith.addi %mul3A_656, %add3A_654 : i32
        %dma_wait3A_658 = arith.constant 1 : i32
        %dma_wait3A_659 = arith.constant 0 : i32
        %dma_wait3A_660 = arith.constant 0 : i32
        %dma_wait3A_661 = tpu.memref_slice %arg8[%dma_wait3A_658, %dma_wait3A_659, %dma_wait3A_660] : memref<4x64x128xf32, #tpu.memory_space<vmem>> -> memref<1x64x128xf32, #tpu.memory_space<vmem>>
        %dma_wait3A_662 = tpu.memref_squeeze %dma_wait3A_661 : memref<1x64x128xf32, #tpu.memory_space<vmem>> -> memref<64x128xf32, #tpu.memory_space<vmem>>
        %dma_wait3A_663 = arith.constant 0 : i32
        %dma_wait3A_664 = tpu.memref_slice %arg6[%add3A_657, %dma_wait3A_663] : memref<160x64xi32, #tpu.memory_space<vmem>> -> memref<1x64xi32, #tpu.memory_space<vmem>>
        %dma_wait3A_665 = tpu.memref_squeeze %dma_wait3A_664 : memref<1x64xi32, #tpu.memory_space<vmem>> -> memref<64xi32, #tpu.memory_space<vmem>>
        %dma_wait3A_666 = arith.constant 0 : i32
        %dma_wait3A_667 = arith.constant 0 : i32
        %dma_wait3A_668 = tpu.memref_slice %arg2[%dma_wait3A_666, %dma_wait3A_667] : memref<20000x128xf32, #tpu.memory_space<hbm>> -> memref<20000x128xf32, #tpu.memory_space<hbm>>
        tpu.wait_indirect_dma semaphore(%arg11 : memref<!tpu.dma_semaphore, #tpu.memory_space<semaphore_mem>>) src(%dma_wait3A_668 : memref<20000x128xf32, #tpu.memory_space<hbm>>) dst(%dma_wait3A_662 : memref<64x128xf32, #tpu.memory_space<vmem>>)
        %dma_start3A_669 = arith.constant 1 : i32
        %dma_start3A_670 = arith.constant 0 : i32
        %dma_start3A_671 = arith.constant 0 : i32
        %dma_start3A_672 = tpu.memref_slice %arg8[%dma_start3A_669, %dma_start3A_670, %dma_start3A_671] : memref<4x64x128xf32, #tpu.memory_space<vmem>> -> memref<1x64x128xf32, #tpu.memory_space<vmem>>
        %dma_start3A_673 = tpu.memref_squeeze %dma_start3A_672 : memref<1x64x128xf32, #tpu.memory_space<vmem>> -> memref<64x128xf32, #tpu.memory_space<vmem>>
        %dma_start3A_674 = arith.constant 0 : i32
        %dma_start3A_675 = tpu.memref_slice %arg7[%add3A_654, %dma_start3A_674] : memref<32x64xi32, #tpu.memory_space<vmem>> -> memref<1x64xi32, #tpu.memory_space<vmem>>
        %dma_start3A_676 = tpu.memref_squeeze %dma_start3A_675 : memref<1x64xi32, #tpu.memory_space<vmem>> -> memref<64xi32, #tpu.memory_space<vmem>>
        %dma_start3A_677 = arith.constant 0 : i32
        %dma_start3A_678 = arith.constant 0 : i32
        %dma_start3A_679 = tpu.memref_slice %arg10[%dma_start3A_677, %dma_start3A_678] : memref<10112x128xf32, #tpu.memory_space<vmem_shared>> -> memref<10112x128xf32, #tpu.memory_space<vmem_shared>>
        tpu.enqueue_indirect_dma source(%dma_start3A_673 : memref<64x128xf32, #tpu.memory_space<vmem>>) target(%dma_start3A_679 : memref<10112x128xf32, #tpu.memory_space<vmem_shared>>) offsets(%dma_start3A_676 : memref<64xi32, #tpu.memory_space<vmem>>) semaphore(%arg12 : memref<!tpu.dma_semaphore, #tpu.memory_space<semaphore_mem>>) {add = true}
        %add3A_680 = arith.constant 4 : i32
        %add3A_681 = arith.addi %add3A_657, %add3A_680 : i32
        %sub3A_682 = arith.constant 1 : i32
        %sub3A_683 = arith.subi %add3A_681, %sub3A_682 : i32
        %lt3A_684 = arith.constant 160 : i32
        %lt3A_685 = arith.cmpi slt, %sub3A_683, %lt3A_684 : i32
        %convert_element_type3A_686 = arith.extui %lt3A_685 : i1 to i32
        %cond3A_687 = arith.constant 0 : i32
        %cond3A_688 = arith.cmpi ne, %convert_element_type3A_686, %cond3A_687 : i32
        scf.if %cond3A_688 {
          %sub3A_765 = arith.constant 1 : i32
          %sub3A_766 = arith.subi %add3A_654, %sub3A_765 : i32
          %dma_wait3A_767 = arith.constant 0 : i32
          %dma_wait3A_768 = arith.constant 0 : i32
          %dma_wait3A_769 = arith.constant 0 : i32
          %dma_wait3A_770 = tpu.memref_slice %arg8[%dma_wait3A_767, %dma_wait3A_768, %dma_wait3A_769] : memref<4x64x128xf32, #tpu.memory_space<vmem>> -> memref<1x64x128xf32, #tpu.memory_space<vmem>>
          %dma_wait3A_771 = tpu.memref_squeeze %dma_wait3A_770 : memref<1x64x128xf32, #tpu.memory_space<vmem>> -> memref<64x128xf32, #tpu.memory_space<vmem>>
          %dma_wait3A_772 = arith.constant 0 : i32
          %dma_wait3A_773 = tpu.memref_slice %arg7[%sub3A_766, %dma_wait3A_772] : memref<32x64xi32, #tpu.memory_space<vmem>> -> memref<1x64xi32, #tpu.memory_space<vmem>>
          %dma_wait3A_774 = tpu.memref_squeeze %dma_wait3A_773 : memref<1x64xi32, #tpu.memory_space<vmem>> -> memref<64xi32, #tpu.memory_space<vmem>>
          %dma_wait3A_775 = arith.constant 0 : i32
          %dma_wait3A_776 = arith.constant 0 : i32
          %dma_wait3A_777 = tpu.memref_slice %arg10[%dma_wait3A_775, %dma_wait3A_776] : memref<10112x128xf32, #tpu.memory_space<vmem_shared>> -> memref<10112x128xf32, #tpu.memory_space<vmem_shared>>
          tpu.wait_indirect_dma semaphore(%arg12 : memref<!tpu.dma_semaphore, #tpu.memory_space<semaphore_mem>>) src(%dma_wait3A_771 : memref<64x128xf32, #tpu.memory_space<vmem>>) dst(%dma_wait3A_777 : memref<10112x128xf32, #tpu.memory_space<vmem_shared>>)
          %add3A_778 = arith.constant 4 : i32
          %add3A_779 = arith.addi %add3A_657, %add3A_778 : i32
          %sub3A_780 = arith.constant 1 : i32
          %sub3A_781 = arith.subi %add3A_779, %sub3A_780 : i32
          %dma_start3A_782 = arith.constant 0 : i32
          %dma_start3A_783 = arith.constant 0 : i32
          %dma_start3A_784 = arith.constant 0 : i32
          %dma_start3A_785 = tpu.memref_slice %arg8[%dma_start3A_782, %dma_start3A_783, %dma_start3A_784] : memref<4x64x128xf32, #tpu.memory_space<vmem>> -> memref<1x64x128xf32, #tpu.memory_space<vmem>>
          %dma_start3A_786 = tpu.memref_squeeze %dma_start3A_785 : memref<1x64x128xf32, #tpu.memory_space<vmem>> -> memref<64x128xf32, #tpu.memory_space<vmem>>
          %dma_start3A_787 = arith.constant 0 : i32
          %dma_start3A_788 = tpu.memref_slice %arg6[%sub3A_781, %dma_start3A_787] : memref<160x64xi32, #tpu.memory_space<vmem>> -> memref<1x64xi32, #tpu.memory_space<vmem>>
          %dma_start3A_789 = tpu.memref_squeeze %dma_start3A_788 : memref<1x64xi32, #tpu.memory_space<vmem>> -> memref<64xi32, #tpu.memory_space<vmem>>
          %dma_start3A_790 = arith.constant 0 : i32
          %dma_start3A_791 = arith.constant 0 : i32
          %dma_start3A_792 = tpu.memref_slice %arg2[%dma_start3A_790, %dma_start3A_791] : memref<20000x128xf32, #tpu.memory_space<hbm>> -> memref<20000x128xf32, #tpu.memory_space<hbm>>
          tpu.enqueue_indirect_dma source(%dma_start3A_792 : memref<20000x128xf32, #tpu.memory_space<hbm>>) target(%dma_start3A_786 : memref<64x128xf32, #tpu.memory_space<vmem>>) offsets(%dma_start3A_789 : memref<64xi32, #tpu.memory_space<vmem>>) semaphore(%arg11 : memref<!tpu.dma_semaphore, #tpu.memory_space<semaphore_mem>>)
        } else {
        }
        %mul3A_689 = arith.constant 4 : i32
        %mul3A_690 = arith.muli %scan3A_612, %mul3A_689 : i32
        %add3A_691 = arith.constant 2 : i32
        %add3A_692 = arith.addi %mul3A_690, %add3A_691 : i32
        %mul3A_693 = arith.constant 32 : i32
        %mul3A_694 = arith.muli %scan3A_601, %mul3A_693 : i32
        %add3A_695 = arith.addi %mul3A_694, %add3A_692 : i32
        %dma_wait3A_696 = arith.constant 2 : i32
        %dma_wait3A_697 = arith.constant 0 : i32
        %dma_wait3A_698 = arith.constant 0 : i32
        %dma_wait3A_699 = tpu.memref_slice %arg8[%dma_wait3A_696, %dma_wait3A_697, %dma_wait3A_698] : memref<4x64x128xf32, #tpu.memory_space<vmem>> -> memref<1x64x128xf32, #tpu.memory_space<vmem>>
        %dma_wait3A_700 = tpu.memref_squeeze %dma_wait3A_699 : memref<1x64x128xf32, #tpu.memory_space<vmem>> -> memref<64x128xf32, #tpu.memory_space<vmem>>
        %dma_wait3A_701 = arith.constant 0 : i32
        %dma_wait3A_702 = tpu.memref_slice %arg6[%add3A_695, %dma_wait3A_701] : memref<160x64xi32, #tpu.memory_space<vmem>> -> memref<1x64xi32, #tpu.memory_space<vmem>>
        %dma_wait3A_703 = tpu.memref_squeeze %dma_wait3A_702 : memref<1x64xi32, #tpu.memory_space<vmem>> -> memref<64xi32, #tpu.memory_space<vmem>>
        %dma_wait3A_704 = arith.constant 0 : i32
        %dma_wait3A_705 = arith.constant 0 : i32
        %dma_wait3A_706 = tpu.memref_slice %arg2[%dma_wait3A_704, %dma_wait3A_705] : memref<20000x128xf32, #tpu.memory_space<hbm>> -> memref<20000x128xf32, #tpu.memory_space<hbm>>
        tpu.wait_indirect_dma semaphore(%arg11 : memref<!tpu.dma_semaphore, #tpu.memory_space<semaphore_mem>>) src(%dma_wait3A_706 : memref<20000x128xf32, #tpu.memory_space<hbm>>) dst(%dma_wait3A_700 : memref<64x128xf32, #tpu.memory_space<vmem>>)
        %dma_start3A_707 = arith.constant 2 : i32
        %dma_start3A_708 = arith.constant 0 : i32
        %dma_start3A_709 = arith.constant 0 : i32
        %dma_start3A_710 = tpu.memref_slice %arg8[%dma_start3A_707, %dma_start3A_708, %dma_start3A_709] : memref<4x64x128xf32, #tpu.memory_space<vmem>> -> memref<1x64x128xf32, #tpu.memory_space<vmem>>
        %dma_start3A_711 = tpu.memref_squeeze %dma_start3A_710 : memref<1x64x128xf32, #tpu.memory_space<vmem>> -> memref<64x128xf32, #tpu.memory_space<vmem>>
        %dma_start3A_712 = arith.constant 0 : i32
        %dma_start3A_713 = tpu.memref_slice %arg7[%add3A_692, %dma_start3A_712] : memref<32x64xi32, #tpu.memory_space<vmem>> -> memref<1x64xi32, #tpu.memory_space<vmem>>
        %dma_start3A_714 = tpu.memref_squeeze %dma_start3A_713 : memref<1x64xi32, #tpu.memory_space<vmem>> -> memref<64xi32, #tpu.memory_space<vmem>>
        %dma_start3A_715 = arith.constant 0 : i32
        %dma_start3A_716 = arith.constant 0 : i32
        %dma_start3A_717 = tpu.memref_slice %arg10[%dma_start3A_715, %dma_start3A_716] : memref<10112x128xf32, #tpu.memory_space<vmem_shared>> -> memref<10112x128xf32, #tpu.memory_space<vmem_shared>>
        tpu.enqueue_indirect_dma source(%dma_start3A_711 : memref<64x128xf32, #tpu.memory_space<vmem>>) target(%dma_start3A_717 : memref<10112x128xf32, #tpu.memory_space<vmem_shared>>) offsets(%dma_start3A_714 : memref<64xi32, #tpu.memory_space<vmem>>) semaphore(%arg12 : memref<!tpu.dma_semaphore, #tpu.memory_space<semaphore_mem>>) {add = true}
        %add3A_718 = arith.constant 4 : i32
        %add3A_719 = arith.addi %add3A_695, %add3A_718 : i32
        %sub3A_720 = arith.constant 1 : i32
        %sub3A_721 = arith.subi %add3A_719, %sub3A_720 : i32
        %lt3A_722 = arith.constant 160 : i32
        %lt3A_723 = arith.cmpi slt, %sub3A_721, %lt3A_722 : i32
        %convert_element_type3A_724 = arith.extui %lt3A_723 : i1 to i32
        %cond3A_725 = arith.constant 0 : i32
        %cond3A_726 = arith.cmpi ne, %convert_element_type3A_724, %cond3A_725 : i32
        scf.if %cond3A_726 {
          %sub3A_765 = arith.constant 1 : i32
          %sub3A_766 = arith.subi %add3A_692, %sub3A_765 : i32
          %dma_wait3A_767 = arith.constant 1 : i32
          %dma_wait3A_768 = arith.constant 0 : i32
          %dma_wait3A_769 = arith.constant 0 : i32
          %dma_wait3A_770 = tpu.memref_slice %arg8[%dma_wait3A_767, %dma_wait3A_768, %dma_wait3A_769] : memref<4x64x128xf32, #tpu.memory_space<vmem>> -> memref<1x64x128xf32, #tpu.memory_space<vmem>>
          %dma_wait3A_771 = tpu.memref_squeeze %dma_wait3A_770 : memref<1x64x128xf32, #tpu.memory_space<vmem>> -> memref<64x128xf32, #tpu.memory_space<vmem>>
          %dma_wait3A_772 = arith.constant 0 : i32
          %dma_wait3A_773 = tpu.memref_slice %arg7[%sub3A_766, %dma_wait3A_772] : memref<32x64xi32, #tpu.memory_space<vmem>> -> memref<1x64xi32, #tpu.memory_space<vmem>>
          %dma_wait3A_774 = tpu.memref_squeeze %dma_wait3A_773 : memref<1x64xi32, #tpu.memory_space<vmem>> -> memref<64xi32, #tpu.memory_space<vmem>>
          %dma_wait3A_775 = arith.constant 0 : i32
          %dma_wait3A_776 = arith.constant 0 : i32
          %dma_wait3A_777 = tpu.memref_slice %arg10[%dma_wait3A_775, %dma_wait3A_776] : memref<10112x128xf32, #tpu.memory_space<vmem_shared>> -> memref<10112x128xf32, #tpu.memory_space<vmem_shared>>
          tpu.wait_indirect_dma semaphore(%arg12 : memref<!tpu.dma_semaphore, #tpu.memory_space<semaphore_mem>>) src(%dma_wait3A_771 : memref<64x128xf32, #tpu.memory_space<vmem>>) dst(%dma_wait3A_777 : memref<10112x128xf32, #tpu.memory_space<vmem_shared>>)
          %add3A_778 = arith.constant 4 : i32
          %add3A_779 = arith.addi %add3A_695, %add3A_778 : i32
          %sub3A_780 = arith.constant 1 : i32
          %sub3A_781 = arith.subi %add3A_779, %sub3A_780 : i32
          %dma_start3A_782 = arith.constant 1 : i32
          %dma_start3A_783 = arith.constant 0 : i32
          %dma_start3A_784 = arith.constant 0 : i32
          %dma_start3A_785 = tpu.memref_slice %arg8[%dma_start3A_782, %dma_start3A_783, %dma_start3A_784] : memref<4x64x128xf32, #tpu.memory_space<vmem>> -> memref<1x64x128xf32, #tpu.memory_space<vmem>>
          %dma_start3A_786 = tpu.memref_squeeze %dma_start3A_785 : memref<1x64x128xf32, #tpu.memory_space<vmem>> -> memref<64x128xf32, #tpu.memory_space<vmem>>
          %dma_start3A_787 = arith.constant 0 : i32
          %dma_start3A_788 = tpu.memref_slice %arg6[%sub3A_781, %dma_start3A_787] : memref<160x64xi32, #tpu.memory_space<vmem>> -> memref<1x64xi32, #tpu.memory_space<vmem>>
          %dma_start3A_789 = tpu.memref_squeeze %dma_start3A_788 : memref<1x64xi32, #tpu.memory_space<vmem>> -> memref<64xi32, #tpu.memory_space<vmem>>
          %dma_start3A_790 = arith.constant 0 : i32
          %dma_start3A_791 = arith.constant 0 : i32
          %dma_start3A_792 = tpu.memref_slice %arg2[%dma_start3A_790, %dma_start3A_791] : memref<20000x128xf32, #tpu.memory_space<hbm>> -> memref<20000x128xf32, #tpu.memory_space<hbm>>
          tpu.enqueue_indirect_dma source(%dma_start3A_792 : memref<20000x128xf32, #tpu.memory_space<hbm>>) target(%dma_start3A_786 : memref<64x128xf32, #tpu.memory_space<vmem>>) offsets(%dma_start3A_789 : memref<64xi32, #tpu.memory_space<vmem>>) semaphore(%arg11 : memref<!tpu.dma_semaphore, #tpu.memory_space<semaphore_mem>>)
        } else {
        }
        %mul3A_727 = arith.constant 4 : i32
        %mul3A_728 = arith.muli %scan3A_612, %mul3A_727 : i32
        %add3A_729 = arith.constant 3 : i32
        %add3A_730 = arith.addi %mul3A_728, %add3A_729 : i32
        %mul3A_731 = arith.constant 32 : i32
        %mul3A_732 = arith.muli %scan3A_601, %mul3A_731 : i32
        %add3A_733 = arith.addi %mul3A_732, %add3A_730 : i32
        %dma_wait3A_734 = arith.constant 3 : i32
        %dma_wait3A_735 = arith.constant 0 : i32
        %dma_wait3A_736 = arith.constant 0 : i32
        %dma_wait3A_737 = tpu.memref_slice %arg8[%dma_wait3A_734, %dma_wait3A_735, %dma_wait3A_736] : memref<4x64x128xf32, #tpu.memory_space<vmem>> -> memref<1x64x128xf32, #tpu.memory_space<vmem>>
        %dma_wait3A_738 = tpu.memref_squeeze %dma_wait3A_737 : memref<1x64x128xf32, #tpu.memory_space<vmem>> -> memref<64x128xf32, #tpu.memory_space<vmem>>
        %dma_wait3A_739 = arith.constant 0 : i32
        %dma_wait3A_740 = tpu.memref_slice %arg6[%add3A_733, %dma_wait3A_739] : memref<160x64xi32, #tpu.memory_space<vmem>> -> memref<1x64xi32, #tpu.memory_space<vmem>>
        %dma_wait3A_741 = tpu.memref_squeeze %dma_wait3A_740 : memref<1x64xi32, #tpu.memory_space<vmem>> -> memref<64xi32, #tpu.memory_space<vmem>>
        %dma_wait3A_742 = arith.constant 0 : i32
        %dma_wait3A_743 = arith.constant 0 : i32
        %dma_wait3A_744 = tpu.memref_slice %arg2[%dma_wait3A_742, %dma_wait3A_743] : memref<20000x128xf32, #tpu.memory_space<hbm>> -> memref<20000x128xf32, #tpu.memory_space<hbm>>
        tpu.wait_indirect_dma semaphore(%arg11 : memref<!tpu.dma_semaphore, #tpu.memory_space<semaphore_mem>>) src(%dma_wait3A_744 : memref<20000x128xf32, #tpu.memory_space<hbm>>) dst(%dma_wait3A_738 : memref<64x128xf32, #tpu.memory_space<vmem>>)
        %dma_start3A_745 = arith.constant 3 : i32
        %dma_start3A_746 = arith.constant 0 : i32
        %dma_start3A_747 = arith.constant 0 : i32
        %dma_start3A_748 = tpu.memref_slice %arg8[%dma_start3A_745, %dma_start3A_746, %dma_start3A_747] : memref<4x64x128xf32, #tpu.memory_space<vmem>> -> memref<1x64x128xf32, #tpu.memory_space<vmem>>
        %dma_start3A_749 = tpu.memref_squeeze %dma_start3A_748 : memref<1x64x128xf32, #tpu.memory_space<vmem>> -> memref<64x128xf32, #tpu.memory_space<vmem>>
        %dma_start3A_750 = arith.constant 0 : i32
        %dma_start3A_751 = tpu.memref_slice %arg7[%add3A_730, %dma_start3A_750] : memref<32x64xi32, #tpu.memory_space<vmem>> -> memref<1x64xi32, #tpu.memory_space<vmem>>
        %dma_start3A_752 = tpu.memref_squeeze %dma_start3A_751 : memref<1x64xi32, #tpu.memory_space<vmem>> -> memref<64xi32, #tpu.memory_space<vmem>>
        %dma_start3A_753 = arith.constant 0 : i32
        %dma_start3A_754 = arith.constant 0 : i32
        %dma_start3A_755 = tpu.memref_slice %arg10[%dma_start3A_753, %dma_start3A_754] : memref<10112x128xf32, #tpu.memory_space<vmem_shared>> -> memref<10112x128xf32, #tpu.memory_space<vmem_shared>>
        tpu.enqueue_indirect_dma source(%dma_start3A_749 : memref<64x128xf32, #tpu.memory_space<vmem>>) target(%dma_start3A_755 : memref<10112x128xf32, #tpu.memory_space<vmem_shared>>) offsets(%dma_start3A_752 : memref<64xi32, #tpu.memory_space<vmem>>) semaphore(%arg12 : memref<!tpu.dma_semaphore, #tpu.memory_space<semaphore_mem>>) {add = true}
        %add3A_756 = arith.constant 4 : i32
        %add3A_757 = arith.addi %add3A_733, %add3A_756 : i32
        %sub3A_758 = arith.constant 1 : i32
        %sub3A_759 = arith.subi %add3A_757, %sub3A_758 : i32
        %lt3A_760 = arith.constant 160 : i32
        %lt3A_761 = arith.cmpi slt, %sub3A_759, %lt3A_760 : i32
        %convert_element_type3A_762 = arith.extui %lt3A_761 : i1 to i32
        %cond3A_763 = arith.constant 0 : i32
        %cond3A_764 = arith.cmpi ne, %convert_element_type3A_762, %cond3A_763 : i32
        scf.if %cond3A_764 {
          %sub3A_765 = arith.constant 1 : i32
          %sub3A_766 = arith.subi %add3A_730, %sub3A_765 : i32
          %dma_wait3A_767 = arith.constant 2 : i32
          %dma_wait3A_768 = arith.constant 0 : i32
          %dma_wait3A_769 = arith.constant 0 : i32
          %dma_wait3A_770 = tpu.memref_slice %arg8[%dma_wait3A_767, %dma_wait3A_768, %dma_wait3A_769] : memref<4x64x128xf32, #tpu.memory_space<vmem>> -> memref<1x64x128xf32, #tpu.memory_space<vmem>>
          %dma_wait3A_771 = tpu.memref_squeeze %dma_wait3A_770 : memref<1x64x128xf32, #tpu.memory_space<vmem>> -> memref<64x128xf32, #tpu.memory_space<vmem>>
          %dma_wait3A_772 = arith.constant 0 : i32
          %dma_wait3A_773 = tpu.memref_slice %arg7[%sub3A_766, %dma_wait3A_772] : memref<32x64xi32, #tpu.memory_space<vmem>> -> memref<1x64xi32, #tpu.memory_space<vmem>>
          %dma_wait3A_774 = tpu.memref_squeeze %dma_wait3A_773 : memref<1x64xi32, #tpu.memory_space<vmem>> -> memref<64xi32, #tpu.memory_space<vmem>>
          %dma_wait3A_775 = arith.constant 0 : i32
          %dma_wait3A_776 = arith.constant 0 : i32
          %dma_wait3A_777 = tpu.memref_slice %arg10[%dma_wait3A_775, %dma_wait3A_776] : memref<10112x128xf32, #tpu.memory_space<vmem_shared>> -> memref<10112x128xf32, #tpu.memory_space<vmem_shared>>
          tpu.wait_indirect_dma semaphore(%arg12 : memref<!tpu.dma_semaphore, #tpu.memory_space<semaphore_mem>>) src(%dma_wait3A_771 : memref<64x128xf32, #tpu.memory_space<vmem>>) dst(%dma_wait3A_777 : memref<10112x128xf32, #tpu.memory_space<vmem_shared>>)
          %add3A_778 = arith.constant 4 : i32
          %add3A_779 = arith.addi %add3A_733, %add3A_778 : i32
          %sub3A_780 = arith.constant 1 : i32
          %sub3A_781 = arith.subi %add3A_779, %sub3A_780 : i32
          %dma_start3A_782 = arith.constant 2 : i32
          %dma_start3A_783 = arith.constant 0 : i32
          %dma_start3A_784 = arith.constant 0 : i32
          %dma_start3A_785 = tpu.memref_slice %arg8[%dma_start3A_782, %dma_start3A_783, %dma_start3A_784] : memref<4x64x128xf32, #tpu.memory_space<vmem>> -> memref<1x64x128xf32, #tpu.memory_space<vmem>>
          %dma_start3A_786 = tpu.memref_squeeze %dma_start3A_785 : memref<1x64x128xf32, #tpu.memory_space<vmem>> -> memref<64x128xf32, #tpu.memory_space<vmem>>
          %dma_start3A_787 = arith.constant 0 : i32
          %dma_start3A_788 = tpu.memref_slice %arg6[%sub3A_781, %dma_start3A_787] : memref<160x64xi32, #tpu.memory_space<vmem>> -> memref<1x64xi32, #tpu.memory_space<vmem>>
          %dma_start3A_789 = tpu.memref_squeeze %dma_start3A_788 : memref<1x64xi32, #tpu.memory_space<vmem>> -> memref<64xi32, #tpu.memory_space<vmem>>
          %dma_start3A_790 = arith.constant 0 : i32
          %dma_start3A_791 = arith.constant 0 : i32
          %dma_start3A_792 = tpu.memref_slice %arg2[%dma_start3A_790, %dma_start3A_791] : memref<20000x128xf32, #tpu.memory_space<hbm>> -> memref<20000x128xf32, #tpu.memory_space<hbm>>
          tpu.enqueue_indirect_dma source(%dma_start3A_792 : memref<20000x128xf32, #tpu.memory_space<hbm>>) target(%dma_start3A_786 : memref<64x128xf32, #tpu.memory_space<vmem>>) offsets(%dma_start3A_789 : memref<64xi32, #tpu.memory_space<vmem>>) semaphore(%arg11 : memref<!tpu.dma_semaphore, #tpu.memory_space<semaphore_mem>>)
        } else {
        }
      }
      %scan3A_611 = arith.constant 8 : i32
    }
    %scan3A_547 = arith.constant 5 : i32
    %dma_wait3A_548 = arith.constant 0 : i32
    %dma_wait3A_549 = arith.constant 28 : i32
    %dma_wait3A_550 = arith.constant 0 : i32
    %dma_wait3A_551 = arith.constant 0 : i32
    %dma_wait3A_552 = tpu.memref_slice %arg8[%dma_wait3A_548, %dma_wait3A_550, %dma_wait3A_551] : memref<4x64x128xf32, #tpu.memory_space<vmem>> -> memref<1x64x128xf32, #tpu.memory_space<vmem>>
    %dma_wait3A_553 = tpu.memref_squeeze %dma_wait3A_552 : memref<1x64x128xf32, #tpu.memory_space<vmem>> -> memref<64x128xf32, #tpu.memory_space<vmem>>
    %dma_wait3A_554 = arith.constant 0 : i32
    %dma_wait3A_555 = tpu.memref_slice %arg7[%dma_wait3A_549, %dma_wait3A_554] : memref<32x64xi32, #tpu.memory_space<vmem>> -> memref<1x64xi32, #tpu.memory_space<vmem>>
    %dma_wait3A_556 = tpu.memref_squeeze %dma_wait3A_555 : memref<1x64xi32, #tpu.memory_space<vmem>> -> memref<64xi32, #tpu.memory_space<vmem>>
    %dma_wait3A_557 = arith.constant 0 : i32
    %dma_wait3A_558 = arith.constant 0 : i32
    %dma_wait3A_559 = tpu.memref_slice %arg10[%dma_wait3A_557, %dma_wait3A_558] : memref<10112x128xf32, #tpu.memory_space<vmem_shared>> -> memref<10112x128xf32, #tpu.memory_space<vmem_shared>>
    tpu.wait_indirect_dma semaphore(%arg12 : memref<!tpu.dma_semaphore, #tpu.memory_space<semaphore_mem>>) src(%dma_wait3A_553 : memref<64x128xf32, #tpu.memory_space<vmem>>) dst(%dma_wait3A_559 : memref<10112x128xf32, #tpu.memory_space<vmem_shared>>)
    %dma_wait3A_560 = arith.constant 1 : i32
    %dma_wait3A_561 = arith.constant 29 : i32
    %dma_wait3A_562 = arith.constant 0 : i32
    %dma_wait3A_563 = arith.constant 0 : i32
    %dma_wait3A_564 = tpu.memref_slice %arg8[%dma_wait3A_560, %dma_wait3A_562, %dma_wait3A_563] : memref<4x64x128xf32, #tpu.memory_space<vmem>> -> memref<1x64x128xf32, #tpu.memory_space<vmem>>
    %dma_wait3A_565 = tpu.memref_squeeze %dma_wait3A_564 : memref<1x64x128xf32, #tpu.memory_space<vmem>> -> memref<64x128xf32, #tpu.memory_space<vmem>>
    %dma_wait3A_566 = arith.constant 0 : i32
    %dma_wait3A_567 = tpu.memref_slice %arg7[%dma_wait3A_561, %dma_wait3A_566] : memref<32x64xi32, #tpu.memory_space<vmem>> -> memref<1x64xi32, #tpu.memory_space<vmem>>
    %dma_wait3A_568 = tpu.memref_squeeze %dma_wait3A_567 : memref<1x64xi32, #tpu.memory_space<vmem>> -> memref<64xi32, #tpu.memory_space<vmem>>
    %dma_wait3A_569 = arith.constant 0 : i32
    %dma_wait3A_570 = arith.constant 0 : i32
    %dma_wait3A_571 = tpu.memref_slice %arg10[%dma_wait3A_569, %dma_wait3A_570] : memref<10112x128xf32, #tpu.memory_space<vmem_shared>> -> memref<10112x128xf32, #tpu.memory_space<vmem_shared>>
    tpu.wait_indirect_dma semaphore(%arg12 : memref<!tpu.dma_semaphore, #tpu.memory_space<semaphore_mem>>) src(%dma_wait3A_565 : memref<64x128xf32, #tpu.memory_space<vmem>>) dst(%dma_wait3A_571 : memref<10112x128xf32, #tpu.memory_space<vmem_shared>>)
    %dma_wait3A_572 = arith.constant 2 : i32
    %dma_wait3A_573 = arith.constant 30 : i32
    %dma_wait3A_574 = arith.constant 0 : i32
    %dma_wait3A_575 = arith.constant 0 : i32
    %dma_wait3A_576 = tpu.memref_slice %arg8[%dma_wait3A_572, %dma_wait3A_574, %dma_wait3A_575] : memref<4x64x128xf32, #tpu.memory_space<vmem>> -> memref<1x64x128xf32, #tpu.memory_space<vmem>>
    %dma_wait3A_577 = tpu.memref_squeeze %dma_wait3A_576 : memref<1x64x128xf32, #tpu.memory_space<vmem>> -> memref<64x128xf32, #tpu.memory_space<vmem>>
    %dma_wait3A_578 = arith.constant 0 : i32
    %dma_wait3A_579 = tpu.memref_slice %arg7[%dma_wait3A_573, %dma_wait3A_578] : memref<32x64xi32, #tpu.memory_space<vmem>> -> memref<1x64xi32, #tpu.memory_space<vmem>>
    %dma_wait3A_580 = tpu.memref_squeeze %dma_wait3A_579 : memref<1x64xi32, #tpu.memory_space<vmem>> -> memref<64xi32, #tpu.memory_space<vmem>>
    %dma_wait3A_581 = arith.constant 0 : i32
    %dma_wait3A_582 = arith.constant 0 : i32
    %dma_wait3A_583 = tpu.memref_slice %arg10[%dma_wait3A_581, %dma_wait3A_582] : memref<10112x128xf32, #tpu.memory_space<vmem_shared>> -> memref<10112x128xf32, #tpu.memory_space<vmem_shared>>
    tpu.wait_indirect_dma semaphore(%arg12 : memref<!tpu.dma_semaphore, #tpu.memory_space<semaphore_mem>>) src(%dma_wait3A_577 : memref<64x128xf32, #tpu.memory_space<vmem>>) dst(%dma_wait3A_583 : memref<10112x128xf32, #tpu.memory_space<vmem_shared>>)
    %dma_wait3A_584 = arith.constant 3 : i32
    %dma_wait3A_585 = arith.constant 31 : i32
    %dma_wait3A_586 = arith.constant 0 : i32
    %dma_wait3A_587 = arith.constant 0 : i32
    %dma_wait3A_588 = tpu.memref_slice %arg8[%dma_wait3A_584, %dma_wait3A_586, %dma_wait3A_587] : memref<4x64x128xf32, #tpu.memory_space<vmem>> -> memref<1x64x128xf32, #tpu.memory_space<vmem>>
    %dma_wait3A_589 = tpu.memref_squeeze %dma_wait3A_588 : memref<1x64x128xf32, #tpu.memory_space<vmem>> -> memref<64x128xf32, #tpu.memory_space<vmem>>
    %dma_wait3A_590 = arith.constant 0 : i32
    %dma_wait3A_591 = tpu.memref_slice %arg7[%dma_wait3A_585, %dma_wait3A_590] : memref<32x64xi32, #tpu.memory_space<vmem>> -> memref<1x64xi32, #tpu.memory_space<vmem>>
    %dma_wait3A_592 = tpu.memref_squeeze %dma_wait3A_591 : memref<1x64xi32, #tpu.memory_space<vmem>> -> memref<64xi32, #tpu.memory_space<vmem>>
    %dma_wait3A_593 = arith.constant 0 : i32
    %dma_wait3A_594 = arith.constant 0 : i32
    %dma_wait3A_595 = tpu.memref_slice %arg10[%dma_wait3A_593, %dma_wait3A_594] : memref<10112x128xf32, #tpu.memory_space<vmem_shared>> -> memref<10112x128xf32, #tpu.memory_space<vmem_shared>>
    tpu.wait_indirect_dma semaphore(%arg12 : memref<!tpu.dma_semaphore, #tpu.memory_space<semaphore_mem>>) src(%dma_wait3A_589 : memref<64x128xf32, #tpu.memory_space<vmem>>) dst(%dma_wait3A_595 : memref<10112x128xf32, #tpu.memory_space<vmem_shared>>)
    %barrier3A_596 = arith.constant 0 : index
    tpu.barrier barrier_id(%barrier3A_596)
    %mul3A_597 = arith.constant 632 : i32
    %mul3A_598 = arith.muli %arg1, %mul3A_597 : i32
    %mul3A_599 = arith.constant 632 : i32
    %mul3A_600 = arith.muli %arg1, %mul3A_599 : i32
    "tpu.region"() ({
      %run_scoped3A = tpu.sem_alloc : memref<!tpu.dma_semaphore, #tpu.memory_space<semaphore_mem>>
      %dma_start3A_601 = arith.constant 0 : i32
      %dma_start3A_602 = tpu.memref_slice %arg5[%arg0, %mul3A_600, %dma_start3A_601] : memref<2x10112x128xf32, #tpu.memory_space<hbm>> -> memref<1x632x128xf32, #tpu.memory_space<hbm>>
      %dma_start3A_603 = tpu.memref_squeeze %dma_start3A_602 : memref<1x632x128xf32, #tpu.memory_space<hbm>> -> memref<632x128xf32, #tpu.memory_space<hbm>>
      %dma_start3A_604 = arith.constant 0 : i32
      %dma_start3A_605 = tpu.memref_slice %arg10[%mul3A_598, %dma_start3A_604] : memref<10112x128xf32, #tpu.memory_space<vmem_shared>> -> memref<632x128xf32, #tpu.memory_space<vmem_shared>>
      tpu.enqueue_dma source(%dma_start3A_605 : memref<632x128xf32, #tpu.memory_space<vmem_shared>>) target(%dma_start3A_603 : memref<632x128xf32, #tpu.memory_space<hbm>>) target_semaphore(%run_scoped3A : memref<!tpu.dma_semaphore, #tpu.memory_space<semaphore_mem>>)
      %dma_wait3A_606 = arith.constant 0 : i32
      %dma_wait3A_607 = tpu.memref_slice %arg5[%arg0, %mul3A_600, %dma_wait3A_606] : memref<2x10112x128xf32, #tpu.memory_space<hbm>> -> memref<1x632x128xf32, #tpu.memory_space<hbm>>
      %dma_wait3A_608 = tpu.memref_squeeze %dma_wait3A_607 : memref<1x632x128xf32, #tpu.memory_space<hbm>> -> memref<632x128xf32, #tpu.memory_space<hbm>>
      %dma_wait3A_609 = arith.constant 0 : i32
      %dma_wait3A_610 = tpu.memref_slice %arg10[%mul3A_598, %dma_wait3A_609] : memref<10112x128xf32, #tpu.memory_space<vmem_shared>> -> memref<632x128xf32, #tpu.memory_space<vmem_shared>>
      tpu.wait_dma2 semaphore(%run_scoped3A : memref<!tpu.dma_semaphore, #tpu.memory_space<semaphore_mem>>) src(%dma_wait3A_610 : memref<632x128xf32, #tpu.memory_space<vmem_shared>>) dst(%dma_wait3A_608 : memref<632x128xf32, #tpu.memory_space<hbm>>)
      tpu.yield
    }) : () -> ()
    return
  }
}

#map = affine_map<(d0, d1) -> (0, 0, 0, 0)>
#map1 = affine_map<(d0, d1) -> (0, 0)>
#map2 = affine_map<(d0, d1) -> (0, 0, 0)>
module attributes {stable_mosaic.version = 14 : i64} {
  func.func @_degrees_body(%arg0: i32, %arg1: i32, %arg2: memref<2x16x80x128xi32, #tpu.memory_space<hbm>>, %arg3: memref<10112x16xf32, #tpu.memory_space<hbm>>, %arg4: memref<2x10112x16xf32, #tpu.memory_space<hbm>>, %arg5: memref<80x128xi32, #tpu.memory_space<vmem>>, %arg6: memref<128x16xf32, #tpu.memory_space<vmem>>, %arg7: memref<10112x16xf32, #tpu.memory_space<vmem_shared>>, %arg8: memref<!tpu.dma_semaphore, #tpu.memory_space<semaphore_mem>>) attributes {dimension_semantics = [#tpu.dimension_semantics<core_parallel>, #tpu.dimension_semantics<subcore_parallel>], iteration_bounds = array<i64: 2, 16>, scalar_prefetch = 0 : i64, scratch_operands = 4 : i64, tpu.core_type = #tpu.core_type<sc_vector_subcore>, window_params = [{transform_indices = #map}, {transform_indices = #map1}, {transform_indices = #map2}]} {
    %broadcast_in_dim3A = arith.constant 1.000000e+00 : f32
    %broadcast_in_dim3A_0 = vector.broadcast %broadcast_in_dim3A : f32 to vector<16xf32>
    %swap3A = arith.constant 0 : i32
    %swap3A_1 = arith.index_cast %swap3A : i32 to index
    %swap3A_2 = arith.constant 0 : index
    %swap3A_3 = tpu.vector_load %arg6[%swap3A_1, %swap3A_2] {strides = array<i32>} : memref<128x16xf32, #tpu.memory_space<vmem>>, vector<1x16xf32>,
    %swap3A_4 = vector.shape_cast %swap3A_3 : vector<1x16xf32> to vector<16xf32>
    %swap3A_5 = vector.shape_cast %broadcast_in_dim3A_0 : vector<16xf32> to vector<1x16xf32>
    tpu.vector_store %arg6[%swap3A_1, %swap3A_2], %swap3A_5 {strides = array<i32>} : memref<128x16xf32, #tpu.memory_space<vmem>>, vector<1x16xf32>,
    %swap3A_6 = arith.constant 1 : i32
    %swap3A_7 = arith.index_cast %swap3A_6 : i32 to index
    %swap3A_8 = arith.constant 0 : index
    %swap3A_9 = tpu.vector_load %arg6[%swap3A_7, %swap3A_8] {strides = array<i32>} : memref<128x16xf32, #tpu.memory_space<vmem>>, vector<1x16xf32>,
    %swap3A_10 = vector.shape_cast %swap3A_9 : vector<1x16xf32> to vector<16xf32>
    %swap3A_11 = vector.shape_cast %broadcast_in_dim3A_0 : vector<16xf32> to vector<1x16xf32>
    tpu.vector_store %arg6[%swap3A_7, %swap3A_8], %swap3A_11 {strides = array<i32>} : memref<128x16xf32, #tpu.memory_space<vmem>>, vector<1x16xf32>,
    %swap3A_12 = arith.constant 2 : i32
    %swap3A_13 = arith.index_cast %swap3A_12 : i32 to index
    %swap3A_14 = arith.constant 0 : index
    %swap3A_15 = tpu.vector_load %arg6[%swap3A_13, %swap3A_14] {strides = array<i32>} : memref<128x16xf32, #tpu.memory_space<vmem>>, vector<1x16xf32>,
    %swap3A_16 = vector.shape_cast %swap3A_15 : vector<1x16xf32> to vector<16xf32>
    %swap3A_17 = vector.shape_cast %broadcast_in_dim3A_0 : vector<16xf32> to vector<1x16xf32>
    tpu.vector_store %arg6[%swap3A_13, %swap3A_14], %swap3A_17 {strides = array<i32>} : memref<128x16xf32, #tpu.memory_space<vmem>>, vector<1x16xf32>,
    %swap3A_18 = arith.constant 3 : i32
    %swap3A_19 = arith.index_cast %swap3A_18 : i32 to index
    %swap3A_20 = arith.constant 0 : index
    %swap3A_21 = tpu.vector_load %arg6[%swap3A_19, %swap3A_20] {strides = array<i32>} : memref<128x16xf32, #tpu.memory_space<vmem>>, vector<1x16xf32>,
    %swap3A_22 = vector.shape_cast %swap3A_21 : vector<1x16xf32> to vector<16xf32>
    %swap3A_23 = vector.shape_cast %broadcast_in_dim3A_0 : vector<16xf32> to vector<1x16xf32>
    tpu.vector_store %arg6[%swap3A_19, %swap3A_20], %swap3A_23 {strides = array<i32>} : memref<128x16xf32, #tpu.memory_space<vmem>>, vector<1x16xf32>,
    %swap3A_24 = arith.constant 4 : i32
    %swap3A_25 = arith.index_cast %swap3A_24 : i32 to index
    %swap3A_26 = arith.constant 0 : index
    %swap3A_27 = tpu.vector_load %arg6[%swap3A_25, %swap3A_26] {strides = array<i32>} : memref<128x16xf32, #tpu.memory_space<vmem>>, vector<1x16xf32>,
    %swap3A_28 = vector.shape_cast %swap3A_27 : vector<1x16xf32> to vector<16xf32>
    %swap3A_29 = vector.shape_cast %broadcast_in_dim3A_0 : vector<16xf32> to vector<1x16xf32>
    tpu.vector_store %arg6[%swap3A_25, %swap3A_26], %swap3A_29 {strides = array<i32>} : memref<128x16xf32, #tpu.memory_space<vmem>>, vector<1x16xf32>,
    %swap3A_30 = arith.constant 5 : i32
    %swap3A_31 = arith.index_cast %swap3A_30 : i32 to index
    %swap3A_32 = arith.constant 0 : index
    %swap3A_33 = tpu.vector_load %arg6[%swap3A_31, %swap3A_32] {strides = array<i32>} : memref<128x16xf32, #tpu.memory_space<vmem>>, vector<1x16xf32>,
    %swap3A_34 = vector.shape_cast %swap3A_33 : vector<1x16xf32> to vector<16xf32>
    %swap3A_35 = vector.shape_cast %broadcast_in_dim3A_0 : vector<16xf32> to vector<1x16xf32>
    tpu.vector_store %arg6[%swap3A_31, %swap3A_32], %swap3A_35 {strides = array<i32>} : memref<128x16xf32, #tpu.memory_space<vmem>>, vector<1x16xf32>,
    %swap3A_36 = arith.constant 6 : i32
    %swap3A_37 = arith.index_cast %swap3A_36 : i32 to index
    %swap3A_38 = arith.constant 0 : index
    %swap3A_39 = tpu.vector_load %arg6[%swap3A_37, %swap3A_38] {strides = array<i32>} : memref<128x16xf32, #tpu.memory_space<vmem>>, vector<1x16xf32>,
    %swap3A_40 = vector.shape_cast %swap3A_39 : vector<1x16xf32> to vector<16xf32>
    %swap3A_41 = vector.shape_cast %broadcast_in_dim3A_0 : vector<16xf32> to vector<1x16xf32>
    tpu.vector_store %arg6[%swap3A_37, %swap3A_38], %swap3A_41 {strides = array<i32>} : memref<128x16xf32, #tpu.memory_space<vmem>>, vector<1x16xf32>,
    %swap3A_42 = arith.constant 7 : i32
    %swap3A_43 = arith.index_cast %swap3A_42 : i32 to index
    %swap3A_44 = arith.constant 0 : index
    %swap3A_45 = tpu.vector_load %arg6[%swap3A_43, %swap3A_44] {strides = array<i32>} : memref<128x16xf32, #tpu.memory_space<vmem>>, vector<1x16xf32>,
    %swap3A_46 = vector.shape_cast %swap3A_45 : vector<1x16xf32> to vector<16xf32>
    %swap3A_47 = vector.shape_cast %broadcast_in_dim3A_0 : vector<16xf32> to vector<1x16xf32>
    tpu.vector_store %arg6[%swap3A_43, %swap3A_44], %swap3A_47 {strides = array<i32>} : memref<128x16xf32, #tpu.memory_space<vmem>>, vector<1x16xf32>,
    %swap3A_48 = arith.constant 8 : i32
    %swap3A_49 = arith.index_cast %swap3A_48 : i32 to index
    %swap3A_50 = arith.constant 0 : index
    %swap3A_51 = tpu.vector_load %arg6[%swap3A_49, %swap3A_50] {strides = array<i32>} : memref<128x16xf32, #tpu.memory_space<vmem>>, vector<1x16xf32>,
    %swap3A_52 = vector.shape_cast %swap3A_51 : vector<1x16xf32> to vector<16xf32>
    %swap3A_53 = vector.shape_cast %broadcast_in_dim3A_0 : vector<16xf32> to vector<1x16xf32>
    tpu.vector_store %arg6[%swap3A_49, %swap3A_50], %swap3A_53 {strides = array<i32>} : memref<128x16xf32, #tpu.memory_space<vmem>>, vector<1x16xf32>,
    %swap3A_54 = arith.constant 9 : i32
    %swap3A_55 = arith.index_cast %swap3A_54 : i32 to index
    %swap3A_56 = arith.constant 0 : index
    %swap3A_57 = tpu.vector_load %arg6[%swap3A_55, %swap3A_56] {strides = array<i32>} : memref<128x16xf32, #tpu.memory_space<vmem>>, vector<1x16xf32>,
    %swap3A_58 = vector.shape_cast %swap3A_57 : vector<1x16xf32> to vector<16xf32>
    %swap3A_59 = vector.shape_cast %broadcast_in_dim3A_0 : vector<16xf32> to vector<1x16xf32>
    tpu.vector_store %arg6[%swap3A_55, %swap3A_56], %swap3A_59 {strides = array<i32>} : memref<128x16xf32, #tpu.memory_space<vmem>>, vector<1x16xf32>,
    %swap3A_60 = arith.constant 10 : i32
    %swap3A_61 = arith.index_cast %swap3A_60 : i32 to index
    %swap3A_62 = arith.constant 0 : index
    %swap3A_63 = tpu.vector_load %arg6[%swap3A_61, %swap3A_62] {strides = array<i32>} : memref<128x16xf32, #tpu.memory_space<vmem>>, vector<1x16xf32>,
    %swap3A_64 = vector.shape_cast %swap3A_63 : vector<1x16xf32> to vector<16xf32>
    %swap3A_65 = vector.shape_cast %broadcast_in_dim3A_0 : vector<16xf32> to vector<1x16xf32>
    tpu.vector_store %arg6[%swap3A_61, %swap3A_62], %swap3A_65 {strides = array<i32>} : memref<128x16xf32, #tpu.memory_space<vmem>>, vector<1x16xf32>,
    %swap3A_66 = arith.constant 11 : i32
    %swap3A_67 = arith.index_cast %swap3A_66 : i32 to index
    %swap3A_68 = arith.constant 0 : index
    %swap3A_69 = tpu.vector_load %arg6[%swap3A_67, %swap3A_68] {strides = array<i32>} : memref<128x16xf32, #tpu.memory_space<vmem>>, vector<1x16xf32>,
    %swap3A_70 = vector.shape_cast %swap3A_69 : vector<1x16xf32> to vector<16xf32>
    %swap3A_71 = vector.shape_cast %broadcast_in_dim3A_0 : vector<16xf32> to vector<1x16xf32>
    tpu.vector_store %arg6[%swap3A_67, %swap3A_68], %swap3A_71 {strides = array<i32>} : memref<128x16xf32, #tpu.memory_space<vmem>>, vector<1x16xf32>,
    %swap3A_72 = arith.constant 12 : i32
    %swap3A_73 = arith.index_cast %swap3A_72 : i32 to index
    %swap3A_74 = arith.constant 0 : index
    %swap3A_75 = tpu.vector_load %arg6[%swap3A_73, %swap3A_74] {strides = array<i32>} : memref<128x16xf32, #tpu.memory_space<vmem>>, vector<1x16xf32>,
    %swap3A_76 = vector.shape_cast %swap3A_75 : vector<1x16xf32> to vector<16xf32>
    %swap3A_77 = vector.shape_cast %broadcast_in_dim3A_0 : vector<16xf32> to vector<1x16xf32>
    tpu.vector_store %arg6[%swap3A_73, %swap3A_74], %swap3A_77 {strides = array<i32>} : memref<128x16xf32, #tpu.memory_space<vmem>>, vector<1x16xf32>,
    %swap3A_78 = arith.constant 13 : i32
    %swap3A_79 = arith.index_cast %swap3A_78 : i32 to index
    %swap3A_80 = arith.constant 0 : index
    %swap3A_81 = tpu.vector_load %arg6[%swap3A_79, %swap3A_80] {strides = array<i32>} : memref<128x16xf32, #tpu.memory_space<vmem>>, vector<1x16xf32>,
    %swap3A_82 = vector.shape_cast %swap3A_81 : vector<1x16xf32> to vector<16xf32>
    %swap3A_83 = vector.shape_cast %broadcast_in_dim3A_0 : vector<16xf32> to vector<1x16xf32>
    tpu.vector_store %arg6[%swap3A_79, %swap3A_80], %swap3A_83 {strides = array<i32>} : memref<128x16xf32, #tpu.memory_space<vmem>>, vector<1x16xf32>,
    %swap3A_84 = arith.constant 14 : i32
    %swap3A_85 = arith.index_cast %swap3A_84 : i32 to index
    %swap3A_86 = arith.constant 0 : index
    %swap3A_87 = tpu.vector_load %arg6[%swap3A_85, %swap3A_86] {strides = array<i32>} : memref<128x16xf32, #tpu.memory_space<vmem>>, vector<1x16xf32>,
    %swap3A_88 = vector.shape_cast %swap3A_87 : vector<1x16xf32> to vector<16xf32>
    %swap3A_89 = vector.shape_cast %broadcast_in_dim3A_0 : vector<16xf32> to vector<1x16xf32>
    tpu.vector_store %arg6[%swap3A_85, %swap3A_86], %swap3A_89 {strides = array<i32>} : memref<128x16xf32, #tpu.memory_space<vmem>>, vector<1x16xf32>,
    %swap3A_90 = arith.constant 15 : i32
    %swap3A_91 = arith.index_cast %swap3A_90 : i32 to index
    %swap3A_92 = arith.constant 0 : index
    %swap3A_93 = tpu.vector_load %arg6[%swap3A_91, %swap3A_92] {strides = array<i32>} : memref<128x16xf32, #tpu.memory_space<vmem>>, vector<1x16xf32>,
    %swap3A_94 = vector.shape_cast %swap3A_93 : vector<1x16xf32> to vector<16xf32>
    %swap3A_95 = vector.shape_cast %broadcast_in_dim3A_0 : vector<16xf32> to vector<1x16xf32>
    tpu.vector_store %arg6[%swap3A_91, %swap3A_92], %swap3A_95 {strides = array<i32>} : memref<128x16xf32, #tpu.memory_space<vmem>>, vector<1x16xf32>,
    %swap3A_96 = arith.constant 16 : i32
    %swap3A_97 = arith.index_cast %swap3A_96 : i32 to index
    %swap3A_98 = arith.constant 0 : index
    %swap3A_99 = tpu.vector_load %arg6[%swap3A_97, %swap3A_98] {strides = array<i32>} : memref<128x16xf32, #tpu.memory_space<vmem>>, vector<1x16xf32>,
    %swap3A_100 = vector.shape_cast %swap3A_99 : vector<1x16xf32> to vector<16xf32>
    %swap3A_101 = vector.shape_cast %broadcast_in_dim3A_0 : vector<16xf32> to vector<1x16xf32>
    tpu.vector_store %arg6[%swap3A_97, %swap3A_98], %swap3A_101 {strides = array<i32>} : memref<128x16xf32, #tpu.memory_space<vmem>>, vector<1x16xf32>,
    %swap3A_102 = arith.constant 17 : i32
    %swap3A_103 = arith.index_cast %swap3A_102 : i32 to index
    %swap3A_104 = arith.constant 0 : index
    %swap3A_105 = tpu.vector_load %arg6[%swap3A_103, %swap3A_104] {strides = array<i32>} : memref<128x16xf32, #tpu.memory_space<vmem>>, vector<1x16xf32>,
    %swap3A_106 = vector.shape_cast %swap3A_105 : vector<1x16xf32> to vector<16xf32>
    %swap3A_107 = vector.shape_cast %broadcast_in_dim3A_0 : vector<16xf32> to vector<1x16xf32>
    tpu.vector_store %arg6[%swap3A_103, %swap3A_104], %swap3A_107 {strides = array<i32>} : memref<128x16xf32, #tpu.memory_space<vmem>>, vector<1x16xf32>,
    %swap3A_108 = arith.constant 18 : i32
    %swap3A_109 = arith.index_cast %swap3A_108 : i32 to index
    %swap3A_110 = arith.constant 0 : index
    %swap3A_111 = tpu.vector_load %arg6[%swap3A_109, %swap3A_110] {strides = array<i32>} : memref<128x16xf32, #tpu.memory_space<vmem>>, vector<1x16xf32>,
    %swap3A_112 = vector.shape_cast %swap3A_111 : vector<1x16xf32> to vector<16xf32>
    %swap3A_113 = vector.shape_cast %broadcast_in_dim3A_0 : vector<16xf32> to vector<1x16xf32>
    tpu.vector_store %arg6[%swap3A_109, %swap3A_110], %swap3A_113 {strides = array<i32>} : memref<128x16xf32, #tpu.memory_space<vmem>>, vector<1x16xf32>,
    %swap3A_114 = arith.constant 19 : i32
    %swap3A_115 = arith.index_cast %swap3A_114 : i32 to index
    %swap3A_116 = arith.constant 0 : index
    %swap3A_117 = tpu.vector_load %arg6[%swap3A_115, %swap3A_116] {strides = array<i32>} : memref<128x16xf32, #tpu.memory_space<vmem>>, vector<1x16xf32>,
    %swap3A_118 = vector.shape_cast %swap3A_117 : vector<1x16xf32> to vector<16xf32>
    %swap3A_119 = vector.shape_cast %broadcast_in_dim3A_0 : vector<16xf32> to vector<1x16xf32>
    tpu.vector_store %arg6[%swap3A_115, %swap3A_116], %swap3A_119 {strides = array<i32>} : memref<128x16xf32, #tpu.memory_space<vmem>>, vector<1x16xf32>,
    %swap3A_120 = arith.constant 20 : i32
    %swap3A_121 = arith.index_cast %swap3A_120 : i32 to index
    %swap3A_122 = arith.constant 0 : index
    %swap3A_123 = tpu.vector_load %arg6[%swap3A_121, %swap3A_122] {strides = array<i32>} : memref<128x16xf32, #tpu.memory_space<vmem>>, vector<1x16xf32>,
    %swap3A_124 = vector.shape_cast %swap3A_123 : vector<1x16xf32> to vector<16xf32>
    %swap3A_125 = vector.shape_cast %broadcast_in_dim3A_0 : vector<16xf32> to vector<1x16xf32>
    tpu.vector_store %arg6[%swap3A_121, %swap3A_122], %swap3A_125 {strides = array<i32>} : memref<128x16xf32, #tpu.memory_space<vmem>>, vector<1x16xf32>,
    %swap3A_126 = arith.constant 21 : i32
    %swap3A_127 = arith.index_cast %swap3A_126 : i32 to index
    %swap3A_128 = arith.constant 0 : index
    %swap3A_129 = tpu.vector_load %arg6[%swap3A_127, %swap3A_128] {strides = array<i32>} : memref<128x16xf32, #tpu.memory_space<vmem>>, vector<1x16xf32>,
    %swap3A_130 = vector.shape_cast %swap3A_129 : vector<1x16xf32> to vector<16xf32>
    %swap3A_131 = vector.shape_cast %broadcast_in_dim3A_0 : vector<16xf32> to vector<1x16xf32>
    tpu.vector_store %arg6[%swap3A_127, %swap3A_128], %swap3A_131 {strides = array<i32>} : memref<128x16xf32, #tpu.memory_space<vmem>>, vector<1x16xf32>,
    %swap3A_132 = arith.constant 22 : i32
    %swap3A_133 = arith.index_cast %swap3A_132 : i32 to index
    %swap3A_134 = arith.constant 0 : index
    %swap3A_135 = tpu.vector_load %arg6[%swap3A_133, %swap3A_134] {strides = array<i32>} : memref<128x16xf32, #tpu.memory_space<vmem>>, vector<1x16xf32>,
    %swap3A_136 = vector.shape_cast %swap3A_135 : vector<1x16xf32> to vector<16xf32>
    %swap3A_137 = vector.shape_cast %broadcast_in_dim3A_0 : vector<16xf32> to vector<1x16xf32>
    tpu.vector_store %arg6[%swap3A_133, %swap3A_134], %swap3A_137 {strides = array<i32>} : memref<128x16xf32, #tpu.memory_space<vmem>>, vector<1x16xf32>,
    %swap3A_138 = arith.constant 23 : i32
    %swap3A_139 = arith.index_cast %swap3A_138 : i32 to index
    %swap3A_140 = arith.constant 0 : index
    %swap3A_141 = tpu.vector_load %arg6[%swap3A_139, %swap3A_140] {strides = array<i32>} : memref<128x16xf32, #tpu.memory_space<vmem>>, vector<1x16xf32>,
    %swap3A_142 = vector.shape_cast %swap3A_141 : vector<1x16xf32> to vector<16xf32>
    %swap3A_143 = vector.shape_cast %broadcast_in_dim3A_0 : vector<16xf32> to vector<1x16xf32>
    tpu.vector_store %arg6[%swap3A_139, %swap3A_140], %swap3A_143 {strides = array<i32>} : memref<128x16xf32, #tpu.memory_space<vmem>>, vector<1x16xf32>,
    %swap3A_144 = arith.constant 24 : i32
    %swap3A_145 = arith.index_cast %swap3A_144 : i32 to index
    %swap3A_146 = arith.constant 0 : index
    %swap3A_147 = tpu.vector_load %arg6[%swap3A_145, %swap3A_146] {strides = array<i32>} : memref<128x16xf32, #tpu.memory_space<vmem>>, vector<1x16xf32>,
    %swap3A_148 = vector.shape_cast %swap3A_147 : vector<1x16xf32> to vector<16xf32>
    %swap3A_149 = vector.shape_cast %broadcast_in_dim3A_0 : vector<16xf32> to vector<1x16xf32>
    tpu.vector_store %arg6[%swap3A_145, %swap3A_146], %swap3A_149 {strides = array<i32>} : memref<128x16xf32, #tpu.memory_space<vmem>>, vector<1x16xf32>,
    %swap3A_150 = arith.constant 25 : i32
    %swap3A_151 = arith.index_cast %swap3A_150 : i32 to index
    %swap3A_152 = arith.constant 0 : index
    %swap3A_153 = tpu.vector_load %arg6[%swap3A_151, %swap3A_152] {strides = array<i32>} : memref<128x16xf32, #tpu.memory_space<vmem>>, vector<1x16xf32>,
    %swap3A_154 = vector.shape_cast %swap3A_153 : vector<1x16xf32> to vector<16xf32>
    %swap3A_155 = vector.shape_cast %broadcast_in_dim3A_0 : vector<16xf32> to vector<1x16xf32>
    tpu.vector_store %arg6[%swap3A_151, %swap3A_152], %swap3A_155 {strides = array<i32>} : memref<128x16xf32, #tpu.memory_space<vmem>>, vector<1x16xf32>,
    %swap3A_156 = arith.constant 26 : i32
    %swap3A_157 = arith.index_cast %swap3A_156 : i32 to index
    %swap3A_158 = arith.constant 0 : index
    %swap3A_159 = tpu.vector_load %arg6[%swap3A_157, %swap3A_158] {strides = array<i32>} : memref<128x16xf32, #tpu.memory_space<vmem>>, vector<1x16xf32>,
    %swap3A_160 = vector.shape_cast %swap3A_159 : vector<1x16xf32> to vector<16xf32>
    %swap3A_161 = vector.shape_cast %broadcast_in_dim3A_0 : vector<16xf32> to vector<1x16xf32>
    tpu.vector_store %arg6[%swap3A_157, %swap3A_158], %swap3A_161 {strides = array<i32>} : memref<128x16xf32, #tpu.memory_space<vmem>>, vector<1x16xf32>,
    %swap3A_162 = arith.constant 27 : i32
    %swap3A_163 = arith.index_cast %swap3A_162 : i32 to index
    %swap3A_164 = arith.constant 0 : index
    %swap3A_165 = tpu.vector_load %arg6[%swap3A_163, %swap3A_164] {strides = array<i32>} : memref<128x16xf32, #tpu.memory_space<vmem>>, vector<1x16xf32>,
    %swap3A_166 = vector.shape_cast %swap3A_165 : vector<1x16xf32> to vector<16xf32>
    %swap3A_167 = vector.shape_cast %broadcast_in_dim3A_0 : vector<16xf32> to vector<1x16xf32>
    tpu.vector_store %arg6[%swap3A_163, %swap3A_164], %swap3A_167 {strides = array<i32>} : memref<128x16xf32, #tpu.memory_space<vmem>>, vector<1x16xf32>,
    %swap3A_168 = arith.constant 28 : i32
    %swap3A_169 = arith.index_cast %swap3A_168 : i32 to index
    %swap3A_170 = arith.constant 0 : index
    %swap3A_171 = tpu.vector_load %arg6[%swap3A_169, %swap3A_170] {strides = array<i32>} : memref<128x16xf32, #tpu.memory_space<vmem>>, vector<1x16xf32>,
    %swap3A_172 = vector.shape_cast %swap3A_171 : vector<1x16xf32> to vector<16xf32>
    %swap3A_173 = vector.shape_cast %broadcast_in_dim3A_0 : vector<16xf32> to vector<1x16xf32>
    tpu.vector_store %arg6[%swap3A_169, %swap3A_170], %swap3A_173 {strides = array<i32>} : memref<128x16xf32, #tpu.memory_space<vmem>>, vector<1x16xf32>,
    %swap3A_174 = arith.constant 29 : i32
    %swap3A_175 = arith.index_cast %swap3A_174 : i32 to index
    %swap3A_176 = arith.constant 0 : index
    %swap3A_177 = tpu.vector_load %arg6[%swap3A_175, %swap3A_176] {strides = array<i32>} : memref<128x16xf32, #tpu.memory_space<vmem>>, vector<1x16xf32>,
    %swap3A_178 = vector.shape_cast %swap3A_177 : vector<1x16xf32> to vector<16xf32>
    %swap3A_179 = vector.shape_cast %broadcast_in_dim3A_0 : vector<16xf32> to vector<1x16xf32>
    tpu.vector_store %arg6[%swap3A_175, %swap3A_176], %swap3A_179 {strides = array<i32>} : memref<128x16xf32, #tpu.memory_space<vmem>>, vector<1x16xf32>,
    %swap3A_180 = arith.constant 30 : i32
    %swap3A_181 = arith.index_cast %swap3A_180 : i32 to index
    %swap3A_182 = arith.constant 0 : index
    %swap3A_183 = tpu.vector_load %arg6[%swap3A_181, %swap3A_182] {strides = array<i32>} : memref<128x16xf32, #tpu.memory_space<vmem>>, vector<1x16xf32>,
    %swap3A_184 = vector.shape_cast %swap3A_183 : vector<1x16xf32> to vector<16xf32>
    %swap3A_185 = vector.shape_cast %broadcast_in_dim3A_0 : vector<16xf32> to vector<1x16xf32>
    tpu.vector_store %arg6[%swap3A_181, %swap3A_182], %swap3A_185 {strides = array<i32>} : memref<128x16xf32, #tpu.memory_space<vmem>>, vector<1x16xf32>,
    %swap3A_186 = arith.constant 31 : i32
    %swap3A_187 = arith.index_cast %swap3A_186 : i32 to index
    %swap3A_188 = arith.constant 0 : index
    %swap3A_189 = tpu.vector_load %arg6[%swap3A_187, %swap3A_188] {strides = array<i32>} : memref<128x16xf32, #tpu.memory_space<vmem>>, vector<1x16xf32>,
    %swap3A_190 = vector.shape_cast %swap3A_189 : vector<1x16xf32> to vector<16xf32>
    %swap3A_191 = vector.shape_cast %broadcast_in_dim3A_0 : vector<16xf32> to vector<1x16xf32>
    tpu.vector_store %arg6[%swap3A_187, %swap3A_188], %swap3A_191 {strides = array<i32>} : memref<128x16xf32, #tpu.memory_space<vmem>>, vector<1x16xf32>,
    %swap3A_192 = arith.constant 32 : i32
    %swap3A_193 = arith.index_cast %swap3A_192 : i32 to index
    %swap3A_194 = arith.constant 0 : index
    %swap3A_195 = tpu.vector_load %arg6[%swap3A_193, %swap3A_194] {strides = array<i32>} : memref<128x16xf32, #tpu.memory_space<vmem>>, vector<1x16xf32>,
    %swap3A_196 = vector.shape_cast %swap3A_195 : vector<1x16xf32> to vector<16xf32>
    %swap3A_197 = vector.shape_cast %broadcast_in_dim3A_0 : vector<16xf32> to vector<1x16xf32>
    tpu.vector_store %arg6[%swap3A_193, %swap3A_194], %swap3A_197 {strides = array<i32>} : memref<128x16xf32, #tpu.memory_space<vmem>>, vector<1x16xf32>,
    %swap3A_198 = arith.constant 33 : i32
    %swap3A_199 = arith.index_cast %swap3A_198 : i32 to index
    %swap3A_200 = arith.constant 0 : index
    %swap3A_201 = tpu.vector_load %arg6[%swap3A_199, %swap3A_200] {strides = array<i32>} : memref<128x16xf32, #tpu.memory_space<vmem>>, vector<1x16xf32>,
    %swap3A_202 = vector.shape_cast %swap3A_201 : vector<1x16xf32> to vector<16xf32>
    %swap3A_203 = vector.shape_cast %broadcast_in_dim3A_0 : vector<16xf32> to vector<1x16xf32>
    tpu.vector_store %arg6[%swap3A_199, %swap3A_200], %swap3A_203 {strides = array<i32>} : memref<128x16xf32, #tpu.memory_space<vmem>>, vector<1x16xf32>,
    %swap3A_204 = arith.constant 34 : i32
    %swap3A_205 = arith.index_cast %swap3A_204 : i32 to index
    %swap3A_206 = arith.constant 0 : index
    %swap3A_207 = tpu.vector_load %arg6[%swap3A_205, %swap3A_206] {strides = array<i32>} : memref<128x16xf32, #tpu.memory_space<vmem>>, vector<1x16xf32>,
    %swap3A_208 = vector.shape_cast %swap3A_207 : vector<1x16xf32> to vector<16xf32>
    %swap3A_209 = vector.shape_cast %broadcast_in_dim3A_0 : vector<16xf32> to vector<1x16xf32>
    tpu.vector_store %arg6[%swap3A_205, %swap3A_206], %swap3A_209 {strides = array<i32>} : memref<128x16xf32, #tpu.memory_space<vmem>>, vector<1x16xf32>,
    %swap3A_210 = arith.constant 35 : i32
    %swap3A_211 = arith.index_cast %swap3A_210 : i32 to index
    %swap3A_212 = arith.constant 0 : index
    %swap3A_213 = tpu.vector_load %arg6[%swap3A_211, %swap3A_212] {strides = array<i32>} : memref<128x16xf32, #tpu.memory_space<vmem>>, vector<1x16xf32>,
    %swap3A_214 = vector.shape_cast %swap3A_213 : vector<1x16xf32> to vector<16xf32>
    %swap3A_215 = vector.shape_cast %broadcast_in_dim3A_0 : vector<16xf32> to vector<1x16xf32>
    tpu.vector_store %arg6[%swap3A_211, %swap3A_212], %swap3A_215 {strides = array<i32>} : memref<128x16xf32, #tpu.memory_space<vmem>>, vector<1x16xf32>,
    %swap3A_216 = arith.constant 36 : i32
    %swap3A_217 = arith.index_cast %swap3A_216 : i32 to index
    %swap3A_218 = arith.constant 0 : index
    %swap3A_219 = tpu.vector_load %arg6[%swap3A_217, %swap3A_218] {strides = array<i32>} : memref<128x16xf32, #tpu.memory_space<vmem>>, vector<1x16xf32>,
    %swap3A_220 = vector.shape_cast %swap3A_219 : vector<1x16xf32> to vector<16xf32>
    %swap3A_221 = vector.shape_cast %broadcast_in_dim3A_0 : vector<16xf32> to vector<1x16xf32>
    tpu.vector_store %arg6[%swap3A_217, %swap3A_218], %swap3A_221 {strides = array<i32>} : memref<128x16xf32, #tpu.memory_space<vmem>>, vector<1x16xf32>,
    %swap3A_222 = arith.constant 37 : i32
    %swap3A_223 = arith.index_cast %swap3A_222 : i32 to index
    %swap3A_224 = arith.constant 0 : index
    %swap3A_225 = tpu.vector_load %arg6[%swap3A_223, %swap3A_224] {strides = array<i32>} : memref<128x16xf32, #tpu.memory_space<vmem>>, vector<1x16xf32>,
    %swap3A_226 = vector.shape_cast %swap3A_225 : vector<1x16xf32> to vector<16xf32>
    %swap3A_227 = vector.shape_cast %broadcast_in_dim3A_0 : vector<16xf32> to vector<1x16xf32>
    tpu.vector_store %arg6[%swap3A_223, %swap3A_224], %swap3A_227 {strides = array<i32>} : memref<128x16xf32, #tpu.memory_space<vmem>>, vector<1x16xf32>,
    %swap3A_228 = arith.constant 38 : i32
    %swap3A_229 = arith.index_cast %swap3A_228 : i32 to index
    %swap3A_230 = arith.constant 0 : index
    %swap3A_231 = tpu.vector_load %arg6[%swap3A_229, %swap3A_230] {strides = array<i32>} : memref<128x16xf32, #tpu.memory_space<vmem>>, vector<1x16xf32>,
    %swap3A_232 = vector.shape_cast %swap3A_231 : vector<1x16xf32> to vector<16xf32>
    %swap3A_233 = vector.shape_cast %broadcast_in_dim3A_0 : vector<16xf32> to vector<1x16xf32>
    tpu.vector_store %arg6[%swap3A_229, %swap3A_230], %swap3A_233 {strides = array<i32>} : memref<128x16xf32, #tpu.memory_space<vmem>>, vector<1x16xf32>,
    %swap3A_234 = arith.constant 39 : i32
    %swap3A_235 = arith.index_cast %swap3A_234 : i32 to index
    %swap3A_236 = arith.constant 0 : index
    %swap3A_237 = tpu.vector_load %arg6[%swap3A_235, %swap3A_236] {strides = array<i32>} : memref<128x16xf32, #tpu.memory_space<vmem>>, vector<1x16xf32>,
    %swap3A_238 = vector.shape_cast %swap3A_237 : vector<1x16xf32> to vector<16xf32>
    %swap3A_239 = vector.shape_cast %broadcast_in_dim3A_0 : vector<16xf32> to vector<1x16xf32>
    tpu.vector_store %arg6[%swap3A_235, %swap3A_236], %swap3A_239 {strides = array<i32>} : memref<128x16xf32, #tpu.memory_space<vmem>>, vector<1x16xf32>,
    %swap3A_240 = arith.constant 40 : i32
    %swap3A_241 = arith.index_cast %swap3A_240 : i32 to index
    %swap3A_242 = arith.constant 0 : index
    %swap3A_243 = tpu.vector_load %arg6[%swap3A_241, %swap3A_242] {strides = array<i32>} : memref<128x16xf32, #tpu.memory_space<vmem>>, vector<1x16xf32>,
    %swap3A_244 = vector.shape_cast %swap3A_243 : vector<1x16xf32> to vector<16xf32>
    %swap3A_245 = vector.shape_cast %broadcast_in_dim3A_0 : vector<16xf32> to vector<1x16xf32>
    tpu.vector_store %arg6[%swap3A_241, %swap3A_242], %swap3A_245 {strides = array<i32>} : memref<128x16xf32, #tpu.memory_space<vmem>>, vector<1x16xf32>,
    %swap3A_246 = arith.constant 41 : i32
    %swap3A_247 = arith.index_cast %swap3A_246 : i32 to index
    %swap3A_248 = arith.constant 0 : index
    %swap3A_249 = tpu.vector_load %arg6[%swap3A_247, %swap3A_248] {strides = array<i32>} : memref<128x16xf32, #tpu.memory_space<vmem>>, vector<1x16xf32>,
    %swap3A_250 = vector.shape_cast %swap3A_249 : vector<1x16xf32> to vector<16xf32>
    %swap3A_251 = vector.shape_cast %broadcast_in_dim3A_0 : vector<16xf32> to vector<1x16xf32>
    tpu.vector_store %arg6[%swap3A_247, %swap3A_248], %swap3A_251 {strides = array<i32>} : memref<128x16xf32, #tpu.memory_space<vmem>>, vector<1x16xf32>,
    %swap3A_252 = arith.constant 42 : i32
    %swap3A_253 = arith.index_cast %swap3A_252 : i32 to index
    %swap3A_254 = arith.constant 0 : index
    %swap3A_255 = tpu.vector_load %arg6[%swap3A_253, %swap3A_254] {strides = array<i32>} : memref<128x16xf32, #tpu.memory_space<vmem>>, vector<1x16xf32>,
    %swap3A_256 = vector.shape_cast %swap3A_255 : vector<1x16xf32> to vector<16xf32>
    %swap3A_257 = vector.shape_cast %broadcast_in_dim3A_0 : vector<16xf32> to vector<1x16xf32>
    tpu.vector_store %arg6[%swap3A_253, %swap3A_254], %swap3A_257 {strides = array<i32>} : memref<128x16xf32, #tpu.memory_space<vmem>>, vector<1x16xf32>,
    %swap3A_258 = arith.constant 43 : i32
    %swap3A_259 = arith.index_cast %swap3A_258 : i32 to index
    %swap3A_260 = arith.constant 0 : index
    %swap3A_261 = tpu.vector_load %arg6[%swap3A_259, %swap3A_260] {strides = array<i32>} : memref<128x16xf32, #tpu.memory_space<vmem>>, vector<1x16xf32>,
    %swap3A_262 = vector.shape_cast %swap3A_261 : vector<1x16xf32> to vector<16xf32>
    %swap3A_263 = vector.shape_cast %broadcast_in_dim3A_0 : vector<16xf32> to vector<1x16xf32>
    tpu.vector_store %arg6[%swap3A_259, %swap3A_260], %swap3A_263 {strides = array<i32>} : memref<128x16xf32, #tpu.memory_space<vmem>>, vector<1x16xf32>,
    %swap3A_264 = arith.constant 44 : i32
    %swap3A_265 = arith.index_cast %swap3A_264 : i32 to index
    %swap3A_266 = arith.constant 0 : index
    %swap3A_267 = tpu.vector_load %arg6[%swap3A_265, %swap3A_266] {strides = array<i32>} : memref<128x16xf32, #tpu.memory_space<vmem>>, vector<1x16xf32>,
    %swap3A_268 = vector.shape_cast %swap3A_267 : vector<1x16xf32> to vector<16xf32>
    %swap3A_269 = vector.shape_cast %broadcast_in_dim3A_0 : vector<16xf32> to vector<1x16xf32>
    tpu.vector_store %arg6[%swap3A_265, %swap3A_266], %swap3A_269 {strides = array<i32>} : memref<128x16xf32, #tpu.memory_space<vmem>>, vector<1x16xf32>,
    %swap3A_270 = arith.constant 45 : i32
    %swap3A_271 = arith.index_cast %swap3A_270 : i32 to index
    %swap3A_272 = arith.constant 0 : index
    %swap3A_273 = tpu.vector_load %arg6[%swap3A_271, %swap3A_272] {strides = array<i32>} : memref<128x16xf32, #tpu.memory_space<vmem>>, vector<1x16xf32>,
    %swap3A_274 = vector.shape_cast %swap3A_273 : vector<1x16xf32> to vector<16xf32>
    %swap3A_275 = vector.shape_cast %broadcast_in_dim3A_0 : vector<16xf32> to vector<1x16xf32>
    tpu.vector_store %arg6[%swap3A_271, %swap3A_272], %swap3A_275 {strides = array<i32>} : memref<128x16xf32, #tpu.memory_space<vmem>>, vector<1x16xf32>,
    %swap3A_276 = arith.constant 46 : i32
    %swap3A_277 = arith.index_cast %swap3A_276 : i32 to index
    %swap3A_278 = arith.constant 0 : index
    %swap3A_279 = tpu.vector_load %arg6[%swap3A_277, %swap3A_278] {strides = array<i32>} : memref<128x16xf32, #tpu.memory_space<vmem>>, vector<1x16xf32>,
    %swap3A_280 = vector.shape_cast %swap3A_279 : vector<1x16xf32> to vector<16xf32>
    %swap3A_281 = vector.shape_cast %broadcast_in_dim3A_0 : vector<16xf32> to vector<1x16xf32>
    tpu.vector_store %arg6[%swap3A_277, %swap3A_278], %swap3A_281 {strides = array<i32>} : memref<128x16xf32, #tpu.memory_space<vmem>>, vector<1x16xf32>,
    %swap3A_282 = arith.constant 47 : i32
    %swap3A_283 = arith.index_cast %swap3A_282 : i32 to index
    %swap3A_284 = arith.constant 0 : index
    %swap3A_285 = tpu.vector_load %arg6[%swap3A_283, %swap3A_284] {strides = array<i32>} : memref<128x16xf32, #tpu.memory_space<vmem>>, vector<1x16xf32>,
    %swap3A_286 = vector.shape_cast %swap3A_285 : vector<1x16xf32> to vector<16xf32>
    %swap3A_287 = vector.shape_cast %broadcast_in_dim3A_0 : vector<16xf32> to vector<1x16xf32>
    tpu.vector_store %arg6[%swap3A_283, %swap3A_284], %swap3A_287 {strides = array<i32>} : memref<128x16xf32, #tpu.memory_space<vmem>>, vector<1x16xf32>,
    %swap3A_288 = arith.constant 48 : i32
    %swap3A_289 = arith.index_cast %swap3A_288 : i32 to index
    %swap3A_290 = arith.constant 0 : index
    %swap3A_291 = tpu.vector_load %arg6[%swap3A_289, %swap3A_290] {strides = array<i32>} : memref<128x16xf32, #tpu.memory_space<vmem>>, vector<1x16xf32>,
    %swap3A_292 = vector.shape_cast %swap3A_291 : vector<1x16xf32> to vector<16xf32>
    %swap3A_293 = vector.shape_cast %broadcast_in_dim3A_0 : vector<16xf32> to vector<1x16xf32>
    tpu.vector_store %arg6[%swap3A_289, %swap3A_290], %swap3A_293 {strides = array<i32>} : memref<128x16xf32, #tpu.memory_space<vmem>>, vector<1x16xf32>,
    %swap3A_294 = arith.constant 49 : i32
    %swap3A_295 = arith.index_cast %swap3A_294 : i32 to index
    %swap3A_296 = arith.constant 0 : index
    %swap3A_297 = tpu.vector_load %arg6[%swap3A_295, %swap3A_296] {strides = array<i32>} : memref<128x16xf32, #tpu.memory_space<vmem>>, vector<1x16xf32>,
    %swap3A_298 = vector.shape_cast %swap3A_297 : vector<1x16xf32> to vector<16xf32>
    %swap3A_299 = vector.shape_cast %broadcast_in_dim3A_0 : vector<16xf32> to vector<1x16xf32>
    tpu.vector_store %arg6[%swap3A_295, %swap3A_296], %swap3A_299 {strides = array<i32>} : memref<128x16xf32, #tpu.memory_space<vmem>>, vector<1x16xf32>,
    %swap3A_300 = arith.constant 50 : i32
    %swap3A_301 = arith.index_cast %swap3A_300 : i32 to index
    %swap3A_302 = arith.constant 0 : index
    %swap3A_303 = tpu.vector_load %arg6[%swap3A_301, %swap3A_302] {strides = array<i32>} : memref<128x16xf32, #tpu.memory_space<vmem>>, vector<1x16xf32>,
    %swap3A_304 = vector.shape_cast %swap3A_303 : vector<1x16xf32> to vector<16xf32>
    %swap3A_305 = vector.shape_cast %broadcast_in_dim3A_0 : vector<16xf32> to vector<1x16xf32>
    tpu.vector_store %arg6[%swap3A_301, %swap3A_302], %swap3A_305 {strides = array<i32>} : memref<128x16xf32, #tpu.memory_space<vmem>>, vector<1x16xf32>,
    %swap3A_306 = arith.constant 51 : i32
    %swap3A_307 = arith.index_cast %swap3A_306 : i32 to index
    %swap3A_308 = arith.constant 0 : index
    %swap3A_309 = tpu.vector_load %arg6[%swap3A_307, %swap3A_308] {strides = array<i32>} : memref<128x16xf32, #tpu.memory_space<vmem>>, vector<1x16xf32>,
    %swap3A_310 = vector.shape_cast %swap3A_309 : vector<1x16xf32> to vector<16xf32>
    %swap3A_311 = vector.shape_cast %broadcast_in_dim3A_0 : vector<16xf32> to vector<1x16xf32>
    tpu.vector_store %arg6[%swap3A_307, %swap3A_308], %swap3A_311 {strides = array<i32>} : memref<128x16xf32, #tpu.memory_space<vmem>>, vector<1x16xf32>,
    %swap3A_312 = arith.constant 52 : i32
    %swap3A_313 = arith.index_cast %swap3A_312 : i32 to index
    %swap3A_314 = arith.constant 0 : index
    %swap3A_315 = tpu.vector_load %arg6[%swap3A_313, %swap3A_314] {strides = array<i32>} : memref<128x16xf32, #tpu.memory_space<vmem>>, vector<1x16xf32>,
    %swap3A_316 = vector.shape_cast %swap3A_315 : vector<1x16xf32> to vector<16xf32>
    %swap3A_317 = vector.shape_cast %broadcast_in_dim3A_0 : vector<16xf32> to vector<1x16xf32>
    tpu.vector_store %arg6[%swap3A_313, %swap3A_314], %swap3A_317 {strides = array<i32>} : memref<128x16xf32, #tpu.memory_space<vmem>>, vector<1x16xf32>,
    %swap3A_318 = arith.constant 53 : i32
    %swap3A_319 = arith.index_cast %swap3A_318 : i32 to index
    %swap3A_320 = arith.constant 0 : index
    %swap3A_321 = tpu.vector_load %arg6[%swap3A_319, %swap3A_320] {strides = array<i32>} : memref<128x16xf32, #tpu.memory_space<vmem>>, vector<1x16xf32>,
    %swap3A_322 = vector.shape_cast %swap3A_321 : vector<1x16xf32> to vector<16xf32>
    %swap3A_323 = vector.shape_cast %broadcast_in_dim3A_0 : vector<16xf32> to vector<1x16xf32>
    tpu.vector_store %arg6[%swap3A_319, %swap3A_320], %swap3A_323 {strides = array<i32>} : memref<128x16xf32, #tpu.memory_space<vmem>>, vector<1x16xf32>,
    %swap3A_324 = arith.constant 54 : i32
    %swap3A_325 = arith.index_cast %swap3A_324 : i32 to index
    %swap3A_326 = arith.constant 0 : index
    %swap3A_327 = tpu.vector_load %arg6[%swap3A_325, %swap3A_326] {strides = array<i32>} : memref<128x16xf32, #tpu.memory_space<vmem>>, vector<1x16xf32>,
    %swap3A_328 = vector.shape_cast %swap3A_327 : vector<1x16xf32> to vector<16xf32>
    %swap3A_329 = vector.shape_cast %broadcast_in_dim3A_0 : vector<16xf32> to vector<1x16xf32>
    tpu.vector_store %arg6[%swap3A_325, %swap3A_326], %swap3A_329 {strides = array<i32>} : memref<128x16xf32, #tpu.memory_space<vmem>>, vector<1x16xf32>,
    %swap3A_330 = arith.constant 55 : i32
    %swap3A_331 = arith.index_cast %swap3A_330 : i32 to index
    %swap3A_332 = arith.constant 0 : index
    %swap3A_333 = tpu.vector_load %arg6[%swap3A_331, %swap3A_332] {strides = array<i32>} : memref<128x16xf32, #tpu.memory_space<vmem>>, vector<1x16xf32>,
    %swap3A_334 = vector.shape_cast %swap3A_333 : vector<1x16xf32> to vector<16xf32>
    %swap3A_335 = vector.shape_cast %broadcast_in_dim3A_0 : vector<16xf32> to vector<1x16xf32>
    tpu.vector_store %arg6[%swap3A_331, %swap3A_332], %swap3A_335 {strides = array<i32>} : memref<128x16xf32, #tpu.memory_space<vmem>>, vector<1x16xf32>,
    %swap3A_336 = arith.constant 56 : i32
    %swap3A_337 = arith.index_cast %swap3A_336 : i32 to index
    %swap3A_338 = arith.constant 0 : index
    %swap3A_339 = tpu.vector_load %arg6[%swap3A_337, %swap3A_338] {strides = array<i32>} : memref<128x16xf32, #tpu.memory_space<vmem>>, vector<1x16xf32>,
    %swap3A_340 = vector.shape_cast %swap3A_339 : vector<1x16xf32> to vector<16xf32>
    %swap3A_341 = vector.shape_cast %broadcast_in_dim3A_0 : vector<16xf32> to vector<1x16xf32>
    tpu.vector_store %arg6[%swap3A_337, %swap3A_338], %swap3A_341 {strides = array<i32>} : memref<128x16xf32, #tpu.memory_space<vmem>>, vector<1x16xf32>,
    %swap3A_342 = arith.constant 57 : i32
    %swap3A_343 = arith.index_cast %swap3A_342 : i32 to index
    %swap3A_344 = arith.constant 0 : index
    %swap3A_345 = tpu.vector_load %arg6[%swap3A_343, %swap3A_344] {strides = array<i32>} : memref<128x16xf32, #tpu.memory_space<vmem>>, vector<1x16xf32>,
    %swap3A_346 = vector.shape_cast %swap3A_345 : vector<1x16xf32> to vector<16xf32>
    %swap3A_347 = vector.shape_cast %broadcast_in_dim3A_0 : vector<16xf32> to vector<1x16xf32>
    tpu.vector_store %arg6[%swap3A_343, %swap3A_344], %swap3A_347 {strides = array<i32>} : memref<128x16xf32, #tpu.memory_space<vmem>>, vector<1x16xf32>,
    %swap3A_348 = arith.constant 58 : i32
    %swap3A_349 = arith.index_cast %swap3A_348 : i32 to index
    %swap3A_350 = arith.constant 0 : index
    %swap3A_351 = tpu.vector_load %arg6[%swap3A_349, %swap3A_350] {strides = array<i32>} : memref<128x16xf32, #tpu.memory_space<vmem>>, vector<1x16xf32>,
    %swap3A_352 = vector.shape_cast %swap3A_351 : vector<1x16xf32> to vector<16xf32>
    %swap3A_353 = vector.shape_cast %broadcast_in_dim3A_0 : vector<16xf32> to vector<1x16xf32>
    tpu.vector_store %arg6[%swap3A_349, %swap3A_350], %swap3A_353 {strides = array<i32>} : memref<128x16xf32, #tpu.memory_space<vmem>>, vector<1x16xf32>,
    %swap3A_354 = arith.constant 59 : i32
    %swap3A_355 = arith.index_cast %swap3A_354 : i32 to index
    %swap3A_356 = arith.constant 0 : index
    %swap3A_357 = tpu.vector_load %arg6[%swap3A_355, %swap3A_356] {strides = array<i32>} : memref<128x16xf32, #tpu.memory_space<vmem>>, vector<1x16xf32>,
    %swap3A_358 = vector.shape_cast %swap3A_357 : vector<1x16xf32> to vector<16xf32>
    %swap3A_359 = vector.shape_cast %broadcast_in_dim3A_0 : vector<16xf32> to vector<1x16xf32>
    tpu.vector_store %arg6[%swap3A_355, %swap3A_356], %swap3A_359 {strides = array<i32>} : memref<128x16xf32, #tpu.memory_space<vmem>>, vector<1x16xf32>,
    %swap3A_360 = arith.constant 60 : i32
    %swap3A_361 = arith.index_cast %swap3A_360 : i32 to index
    %swap3A_362 = arith.constant 0 : index
    %swap3A_363 = tpu.vector_load %arg6[%swap3A_361, %swap3A_362] {strides = array<i32>} : memref<128x16xf32, #tpu.memory_space<vmem>>, vector<1x16xf32>,
    %swap3A_364 = vector.shape_cast %swap3A_363 : vector<1x16xf32> to vector<16xf32>
    %swap3A_365 = vector.shape_cast %broadcast_in_dim3A_0 : vector<16xf32> to vector<1x16xf32>
    tpu.vector_store %arg6[%swap3A_361, %swap3A_362], %swap3A_365 {strides = array<i32>} : memref<128x16xf32, #tpu.memory_space<vmem>>, vector<1x16xf32>,
    %swap3A_366 = arith.constant 61 : i32
    %swap3A_367 = arith.index_cast %swap3A_366 : i32 to index
    %swap3A_368 = arith.constant 0 : index
    %swap3A_369 = tpu.vector_load %arg6[%swap3A_367, %swap3A_368] {strides = array<i32>} : memref<128x16xf32, #tpu.memory_space<vmem>>, vector<1x16xf32>,
    %swap3A_370 = vector.shape_cast %swap3A_369 : vector<1x16xf32> to vector<16xf32>
    %swap3A_371 = vector.shape_cast %broadcast_in_dim3A_0 : vector<16xf32> to vector<1x16xf32>
    tpu.vector_store %arg6[%swap3A_367, %swap3A_368], %swap3A_371 {strides = array<i32>} : memref<128x16xf32, #tpu.memory_space<vmem>>, vector<1x16xf32>,
    %swap3A_372 = arith.constant 62 : i32
    %swap3A_373 = arith.index_cast %swap3A_372 : i32 to index
    %swap3A_374 = arith.constant 0 : index
    %swap3A_375 = tpu.vector_load %arg6[%swap3A_373, %swap3A_374] {strides = array<i32>} : memref<128x16xf32, #tpu.memory_space<vmem>>, vector<1x16xf32>,
    %swap3A_376 = vector.shape_cast %swap3A_375 : vector<1x16xf32> to vector<16xf32>
    %swap3A_377 = vector.shape_cast %broadcast_in_dim3A_0 : vector<16xf32> to vector<1x16xf32>
    tpu.vector_store %arg6[%swap3A_373, %swap3A_374], %swap3A_377 {strides = array<i32>} : memref<128x16xf32, #tpu.memory_space<vmem>>, vector<1x16xf32>,
    %swap3A_378 = arith.constant 63 : i32
    %swap3A_379 = arith.index_cast %swap3A_378 : i32 to index
    %swap3A_380 = arith.constant 0 : index
    %swap3A_381 = tpu.vector_load %arg6[%swap3A_379, %swap3A_380] {strides = array<i32>} : memref<128x16xf32, #tpu.memory_space<vmem>>, vector<1x16xf32>,
    %swap3A_382 = vector.shape_cast %swap3A_381 : vector<1x16xf32> to vector<16xf32>
    %swap3A_383 = vector.shape_cast %broadcast_in_dim3A_0 : vector<16xf32> to vector<1x16xf32>
    tpu.vector_store %arg6[%swap3A_379, %swap3A_380], %swap3A_383 {strides = array<i32>} : memref<128x16xf32, #tpu.memory_space<vmem>>, vector<1x16xf32>,
    %swap3A_384 = arith.constant 64 : i32
    %swap3A_385 = arith.index_cast %swap3A_384 : i32 to index
    %swap3A_386 = arith.constant 0 : index
    %swap3A_387 = tpu.vector_load %arg6[%swap3A_385, %swap3A_386] {strides = array<i32>} : memref<128x16xf32, #tpu.memory_space<vmem>>, vector<1x16xf32>,
    %swap3A_388 = vector.shape_cast %swap3A_387 : vector<1x16xf32> to vector<16xf32>
    %swap3A_389 = vector.shape_cast %broadcast_in_dim3A_0 : vector<16xf32> to vector<1x16xf32>
    tpu.vector_store %arg6[%swap3A_385, %swap3A_386], %swap3A_389 {strides = array<i32>} : memref<128x16xf32, #tpu.memory_space<vmem>>, vector<1x16xf32>,
    %swap3A_390 = arith.constant 65 : i32
    %swap3A_391 = arith.index_cast %swap3A_390 : i32 to index
    %swap3A_392 = arith.constant 0 : index
    %swap3A_393 = tpu.vector_load %arg6[%swap3A_391, %swap3A_392] {strides = array<i32>} : memref<128x16xf32, #tpu.memory_space<vmem>>, vector<1x16xf32>,
    %swap3A_394 = vector.shape_cast %swap3A_393 : vector<1x16xf32> to vector<16xf32>
    %swap3A_395 = vector.shape_cast %broadcast_in_dim3A_0 : vector<16xf32> to vector<1x16xf32>
    tpu.vector_store %arg6[%swap3A_391, %swap3A_392], %swap3A_395 {strides = array<i32>} : memref<128x16xf32, #tpu.memory_space<vmem>>, vector<1x16xf32>,
    %swap3A_396 = arith.constant 66 : i32
    %swap3A_397 = arith.index_cast %swap3A_396 : i32 to index
    %swap3A_398 = arith.constant 0 : index
    %swap3A_399 = tpu.vector_load %arg6[%swap3A_397, %swap3A_398] {strides = array<i32>} : memref<128x16xf32, #tpu.memory_space<vmem>>, vector<1x16xf32>,
    %swap3A_400 = vector.shape_cast %swap3A_399 : vector<1x16xf32> to vector<16xf32>
    %swap3A_401 = vector.shape_cast %broadcast_in_dim3A_0 : vector<16xf32> to vector<1x16xf32>
    tpu.vector_store %arg6[%swap3A_397, %swap3A_398], %swap3A_401 {strides = array<i32>} : memref<128x16xf32, #tpu.memory_space<vmem>>, vector<1x16xf32>,
    %swap3A_402 = arith.constant 67 : i32
    %swap3A_403 = arith.index_cast %swap3A_402 : i32 to index
    %swap3A_404 = arith.constant 0 : index
    %swap3A_405 = tpu.vector_load %arg6[%swap3A_403, %swap3A_404] {strides = array<i32>} : memref<128x16xf32, #tpu.memory_space<vmem>>, vector<1x16xf32>,
    %swap3A_406 = vector.shape_cast %swap3A_405 : vector<1x16xf32> to vector<16xf32>
    %swap3A_407 = vector.shape_cast %broadcast_in_dim3A_0 : vector<16xf32> to vector<1x16xf32>
    tpu.vector_store %arg6[%swap3A_403, %swap3A_404], %swap3A_407 {strides = array<i32>} : memref<128x16xf32, #tpu.memory_space<vmem>>, vector<1x16xf32>,
    %swap3A_408 = arith.constant 68 : i32
    %swap3A_409 = arith.index_cast %swap3A_408 : i32 to index
    %swap3A_410 = arith.constant 0 : index
    %swap3A_411 = tpu.vector_load %arg6[%swap3A_409, %swap3A_410] {strides = array<i32>} : memref<128x16xf32, #tpu.memory_space<vmem>>, vector<1x16xf32>,
    %swap3A_412 = vector.shape_cast %swap3A_411 : vector<1x16xf32> to vector<16xf32>
    %swap3A_413 = vector.shape_cast %broadcast_in_dim3A_0 : vector<16xf32> to vector<1x16xf32>
    tpu.vector_store %arg6[%swap3A_409, %swap3A_410], %swap3A_413 {strides = array<i32>} : memref<128x16xf32, #tpu.memory_space<vmem>>, vector<1x16xf32>,
    %swap3A_414 = arith.constant 69 : i32
    %swap3A_415 = arith.index_cast %swap3A_414 : i32 to index
    %swap3A_416 = arith.constant 0 : index
    %swap3A_417 = tpu.vector_load %arg6[%swap3A_415, %swap3A_416] {strides = array<i32>} : memref<128x16xf32, #tpu.memory_space<vmem>>, vector<1x16xf32>,
    %swap3A_418 = vector.shape_cast %swap3A_417 : vector<1x16xf32> to vector<16xf32>
    %swap3A_419 = vector.shape_cast %broadcast_in_dim3A_0 : vector<16xf32> to vector<1x16xf32>
    tpu.vector_store %arg6[%swap3A_415, %swap3A_416], %swap3A_419 {strides = array<i32>} : memref<128x16xf32, #tpu.memory_space<vmem>>, vector<1x16xf32>,
    %swap3A_420 = arith.constant 70 : i32
    %swap3A_421 = arith.index_cast %swap3A_420 : i32 to index
    %swap3A_422 = arith.constant 0 : index
    %swap3A_423 = tpu.vector_load %arg6[%swap3A_421, %swap3A_422] {strides = array<i32>} : memref<128x16xf32, #tpu.memory_space<vmem>>, vector<1x16xf32>,
    %swap3A_424 = vector.shape_cast %swap3A_423 : vector<1x16xf32> to vector<16xf32>
    %swap3A_425 = vector.shape_cast %broadcast_in_dim3A_0 : vector<16xf32> to vector<1x16xf32>
    tpu.vector_store %arg6[%swap3A_421, %swap3A_422], %swap3A_425 {strides = array<i32>} : memref<128x16xf32, #tpu.memory_space<vmem>>, vector<1x16xf32>,
    %swap3A_426 = arith.constant 71 : i32
    %swap3A_427 = arith.index_cast %swap3A_426 : i32 to index
    %swap3A_428 = arith.constant 0 : index
    %swap3A_429 = tpu.vector_load %arg6[%swap3A_427, %swap3A_428] {strides = array<i32>} : memref<128x16xf32, #tpu.memory_space<vmem>>, vector<1x16xf32>,
    %swap3A_430 = vector.shape_cast %swap3A_429 : vector<1x16xf32> to vector<16xf32>
    %swap3A_431 = vector.shape_cast %broadcast_in_dim3A_0 : vector<16xf32> to vector<1x16xf32>
    tpu.vector_store %arg6[%swap3A_427, %swap3A_428], %swap3A_431 {strides = array<i32>} : memref<128x16xf32, #tpu.memory_space<vmem>>, vector<1x16xf32>,
    %swap3A_432 = arith.constant 72 : i32
    %swap3A_433 = arith.index_cast %swap3A_432 : i32 to index
    %swap3A_434 = arith.constant 0 : index
    %swap3A_435 = tpu.vector_load %arg6[%swap3A_433, %swap3A_434] {strides = array<i32>} : memref<128x16xf32, #tpu.memory_space<vmem>>, vector<1x16xf32>,
    %swap3A_436 = vector.shape_cast %swap3A_435 : vector<1x16xf32> to vector<16xf32>
    %swap3A_437 = vector.shape_cast %broadcast_in_dim3A_0 : vector<16xf32> to vector<1x16xf32>
    tpu.vector_store %arg6[%swap3A_433, %swap3A_434], %swap3A_437 {strides = array<i32>} : memref<128x16xf32, #tpu.memory_space<vmem>>, vector<1x16xf32>,
    %swap3A_438 = arith.constant 73 : i32
    %swap3A_439 = arith.index_cast %swap3A_438 : i32 to index
    %swap3A_440 = arith.constant 0 : index
    %swap3A_441 = tpu.vector_load %arg6[%swap3A_439, %swap3A_440] {strides = array<i32>} : memref<128x16xf32, #tpu.memory_space<vmem>>, vector<1x16xf32>,
    %swap3A_442 = vector.shape_cast %swap3A_441 : vector<1x16xf32> to vector<16xf32>
    %swap3A_443 = vector.shape_cast %broadcast_in_dim3A_0 : vector<16xf32> to vector<1x16xf32>
    tpu.vector_store %arg6[%swap3A_439, %swap3A_440], %swap3A_443 {strides = array<i32>} : memref<128x16xf32, #tpu.memory_space<vmem>>, vector<1x16xf32>,
    %swap3A_444 = arith.constant 74 : i32
    %swap3A_445 = arith.index_cast %swap3A_444 : i32 to index
    %swap3A_446 = arith.constant 0 : index
    %swap3A_447 = tpu.vector_load %arg6[%swap3A_445, %swap3A_446] {strides = array<i32>} : memref<128x16xf32, #tpu.memory_space<vmem>>, vector<1x16xf32>,
    %swap3A_448 = vector.shape_cast %swap3A_447 : vector<1x16xf32> to vector<16xf32>
    %swap3A_449 = vector.shape_cast %broadcast_in_dim3A_0 : vector<16xf32> to vector<1x16xf32>
    tpu.vector_store %arg6[%swap3A_445, %swap3A_446], %swap3A_449 {strides = array<i32>} : memref<128x16xf32, #tpu.memory_space<vmem>>, vector<1x16xf32>,
    %swap3A_450 = arith.constant 75 : i32
    %swap3A_451 = arith.index_cast %swap3A_450 : i32 to index
    %swap3A_452 = arith.constant 0 : index
    %swap3A_453 = tpu.vector_load %arg6[%swap3A_451, %swap3A_452] {strides = array<i32>} : memref<128x16xf32, #tpu.memory_space<vmem>>, vector<1x16xf32>,
    %swap3A_454 = vector.shape_cast %swap3A_453 : vector<1x16xf32> to vector<16xf32>
    %swap3A_455 = vector.shape_cast %broadcast_in_dim3A_0 : vector<16xf32> to vector<1x16xf32>
    tpu.vector_store %arg6[%swap3A_451, %swap3A_452], %swap3A_455 {strides = array<i32>} : memref<128x16xf32, #tpu.memory_space<vmem>>, vector<1x16xf32>,
    %swap3A_456 = arith.constant 76 : i32
    %swap3A_457 = arith.index_cast %swap3A_456 : i32 to index
    %swap3A_458 = arith.constant 0 : index
    %swap3A_459 = tpu.vector_load %arg6[%swap3A_457, %swap3A_458] {strides = array<i32>} : memref<128x16xf32, #tpu.memory_space<vmem>>, vector<1x16xf32>,
    %swap3A_460 = vector.shape_cast %swap3A_459 : vector<1x16xf32> to vector<16xf32>
    %swap3A_461 = vector.shape_cast %broadcast_in_dim3A_0 : vector<16xf32> to vector<1x16xf32>
    tpu.vector_store %arg6[%swap3A_457, %swap3A_458], %swap3A_461 {strides = array<i32>} : memref<128x16xf32, #tpu.memory_space<vmem>>, vector<1x16xf32>,
    %swap3A_462 = arith.constant 77 : i32
    %swap3A_463 = arith.index_cast %swap3A_462 : i32 to index
    %swap3A_464 = arith.constant 0 : index
    %swap3A_465 = tpu.vector_load %arg6[%swap3A_463, %swap3A_464] {strides = array<i32>} : memref<128x16xf32, #tpu.memory_space<vmem>>, vector<1x16xf32>,
    %swap3A_466 = vector.shape_cast %swap3A_465 : vector<1x16xf32> to vector<16xf32>
    %swap3A_467 = vector.shape_cast %broadcast_in_dim3A_0 : vector<16xf32> to vector<1x16xf32>
    tpu.vector_store %arg6[%swap3A_463, %swap3A_464], %swap3A_467 {strides = array<i32>} : memref<128x16xf32, #tpu.memory_space<vmem>>, vector<1x16xf32>,
    %swap3A_468 = arith.constant 78 : i32
    %swap3A_469 = arith.index_cast %swap3A_468 : i32 to index
    %swap3A_470 = arith.constant 0 : index
    %swap3A_471 = tpu.vector_load %arg6[%swap3A_469, %swap3A_470] {strides = array<i32>} : memref<128x16xf32, #tpu.memory_space<vmem>>, vector<1x16xf32>,
    %swap3A_472 = vector.shape_cast %swap3A_471 : vector<1x16xf32> to vector<16xf32>
    %swap3A_473 = vector.shape_cast %broadcast_in_dim3A_0 : vector<16xf32> to vector<1x16xf32>
    tpu.vector_store %arg6[%swap3A_469, %swap3A_470], %swap3A_473 {strides = array<i32>} : memref<128x16xf32, #tpu.memory_space<vmem>>, vector<1x16xf32>,
    %swap3A_474 = arith.constant 79 : i32
    %swap3A_475 = arith.index_cast %swap3A_474 : i32 to index
    %swap3A_476 = arith.constant 0 : index
    %swap3A_477 = tpu.vector_load %arg6[%swap3A_475, %swap3A_476] {strides = array<i32>} : memref<128x16xf32, #tpu.memory_space<vmem>>, vector<1x16xf32>,
    %swap3A_478 = vector.shape_cast %swap3A_477 : vector<1x16xf32> to vector<16xf32>
    %swap3A_479 = vector.shape_cast %broadcast_in_dim3A_0 : vector<16xf32> to vector<1x16xf32>
    tpu.vector_store %arg6[%swap3A_475, %swap3A_476], %swap3A_479 {strides = array<i32>} : memref<128x16xf32, #tpu.memory_space<vmem>>, vector<1x16xf32>,
    %swap3A_480 = arith.constant 80 : i32
    %swap3A_481 = arith.index_cast %swap3A_480 : i32 to index
    %swap3A_482 = arith.constant 0 : index
    %swap3A_483 = tpu.vector_load %arg6[%swap3A_481, %swap3A_482] {strides = array<i32>} : memref<128x16xf32, #tpu.memory_space<vmem>>, vector<1x16xf32>,
    %swap3A_484 = vector.shape_cast %swap3A_483 : vector<1x16xf32> to vector<16xf32>
    %swap3A_485 = vector.shape_cast %broadcast_in_dim3A_0 : vector<16xf32> to vector<1x16xf32>
    tpu.vector_store %arg6[%swap3A_481, %swap3A_482], %swap3A_485 {strides = array<i32>} : memref<128x16xf32, #tpu.memory_space<vmem>>, vector<1x16xf32>,
    %swap3A_486 = arith.constant 81 : i32
    %swap3A_487 = arith.index_cast %swap3A_486 : i32 to index
    %swap3A_488 = arith.constant 0 : index
    %swap3A_489 = tpu.vector_load %arg6[%swap3A_487, %swap3A_488] {strides = array<i32>} : memref<128x16xf32, #tpu.memory_space<vmem>>, vector<1x16xf32>,
    %swap3A_490 = vector.shape_cast %swap3A_489 : vector<1x16xf32> to vector<16xf32>
    %swap3A_491 = vector.shape_cast %broadcast_in_dim3A_0 : vector<16xf32> to vector<1x16xf32>
    tpu.vector_store %arg6[%swap3A_487, %swap3A_488], %swap3A_491 {strides = array<i32>} : memref<128x16xf32, #tpu.memory_space<vmem>>, vector<1x16xf32>,
    %swap3A_492 = arith.constant 82 : i32
    %swap3A_493 = arith.index_cast %swap3A_492 : i32 to index
    %swap3A_494 = arith.constant 0 : index
    %swap3A_495 = tpu.vector_load %arg6[%swap3A_493, %swap3A_494] {strides = array<i32>} : memref<128x16xf32, #tpu.memory_space<vmem>>, vector<1x16xf32>,
    %swap3A_496 = vector.shape_cast %swap3A_495 : vector<1x16xf32> to vector<16xf32>
    %swap3A_497 = vector.shape_cast %broadcast_in_dim3A_0 : vector<16xf32> to vector<1x16xf32>
    tpu.vector_store %arg6[%swap3A_493, %swap3A_494], %swap3A_497 {strides = array<i32>} : memref<128x16xf32, #tpu.memory_space<vmem>>, vector<1x16xf32>,
    %swap3A_498 = arith.constant 83 : i32
    %swap3A_499 = arith.index_cast %swap3A_498 : i32 to index
    %swap3A_500 = arith.constant 0 : index
    %swap3A_501 = tpu.vector_load %arg6[%swap3A_499, %swap3A_500] {strides = array<i32>} : memref<128x16xf32, #tpu.memory_space<vmem>>, vector<1x16xf32>,
    %swap3A_502 = vector.shape_cast %swap3A_501 : vector<1x16xf32> to vector<16xf32>
    %swap3A_503 = vector.shape_cast %broadcast_in_dim3A_0 : vector<16xf32> to vector<1x16xf32>
    tpu.vector_store %arg6[%swap3A_499, %swap3A_500], %swap3A_503 {strides = array<i32>} : memref<128x16xf32, #tpu.memory_space<vmem>>, vector<1x16xf32>,
    %swap3A_504 = arith.constant 84 : i32
    %swap3A_505 = arith.index_cast %swap3A_504 : i32 to index
    %swap3A_506 = arith.constant 0 : index
    %swap3A_507 = tpu.vector_load %arg6[%swap3A_505, %swap3A_506] {strides = array<i32>} : memref<128x16xf32, #tpu.memory_space<vmem>>, vector<1x16xf32>,
    %swap3A_508 = vector.shape_cast %swap3A_507 : vector<1x16xf32> to vector<16xf32>
    %swap3A_509 = vector.shape_cast %broadcast_in_dim3A_0 : vector<16xf32> to vector<1x16xf32>
    tpu.vector_store %arg6[%swap3A_505, %swap3A_506], %swap3A_509 {strides = array<i32>} : memref<128x16xf32, #tpu.memory_space<vmem>>, vector<1x16xf32>,
    %swap3A_510 = arith.constant 85 : i32
    %swap3A_511 = arith.index_cast %swap3A_510 : i32 to index
    %swap3A_512 = arith.constant 0 : index
    %swap3A_513 = tpu.vector_load %arg6[%swap3A_511, %swap3A_512] {strides = array<i32>} : memref<128x16xf32, #tpu.memory_space<vmem>>, vector<1x16xf32>,
    %swap3A_514 = vector.shape_cast %swap3A_513 : vector<1x16xf32> to vector<16xf32>
    %swap3A_515 = vector.shape_cast %broadcast_in_dim3A_0 : vector<16xf32> to vector<1x16xf32>
    tpu.vector_store %arg6[%swap3A_511, %swap3A_512], %swap3A_515 {strides = array<i32>} : memref<128x16xf32, #tpu.memory_space<vmem>>, vector<1x16xf32>,
    %swap3A_516 = arith.constant 86 : i32
    %swap3A_517 = arith.index_cast %swap3A_516 : i32 to index
    %swap3A_518 = arith.constant 0 : index
    %swap3A_519 = tpu.vector_load %arg6[%swap3A_517, %swap3A_518] {strides = array<i32>} : memref<128x16xf32, #tpu.memory_space<vmem>>, vector<1x16xf32>,
    %swap3A_520 = vector.shape_cast %swap3A_519 : vector<1x16xf32> to vector<16xf32>
    %swap3A_521 = vector.shape_cast %broadcast_in_dim3A_0 : vector<16xf32> to vector<1x16xf32>
    tpu.vector_store %arg6[%swap3A_517, %swap3A_518], %swap3A_521 {strides = array<i32>} : memref<128x16xf32, #tpu.memory_space<vmem>>, vector<1x16xf32>,
    %swap3A_522 = arith.constant 87 : i32
    %swap3A_523 = arith.index_cast %swap3A_522 : i32 to index
    %swap3A_524 = arith.constant 0 : index
    %swap3A_525 = tpu.vector_load %arg6[%swap3A_523, %swap3A_524] {strides = array<i32>} : memref<128x16xf32, #tpu.memory_space<vmem>>, vector<1x16xf32>,
    %swap3A_526 = vector.shape_cast %swap3A_525 : vector<1x16xf32> to vector<16xf32>
    %swap3A_527 = vector.shape_cast %broadcast_in_dim3A_0 : vector<16xf32> to vector<1x16xf32>
    tpu.vector_store %arg6[%swap3A_523, %swap3A_524], %swap3A_527 {strides = array<i32>} : memref<128x16xf32, #tpu.memory_space<vmem>>, vector<1x16xf32>,
    %swap3A_528 = arith.constant 88 : i32
    %swap3A_529 = arith.index_cast %swap3A_528 : i32 to index
    %swap3A_530 = arith.constant 0 : index
    %swap3A_531 = tpu.vector_load %arg6[%swap3A_529, %swap3A_530] {strides = array<i32>} : memref<128x16xf32, #tpu.memory_space<vmem>>, vector<1x16xf32>,
    %swap3A_532 = vector.shape_cast %swap3A_531 : vector<1x16xf32> to vector<16xf32>
    %swap3A_533 = vector.shape_cast %broadcast_in_dim3A_0 : vector<16xf32> to vector<1x16xf32>
    tpu.vector_store %arg6[%swap3A_529, %swap3A_530], %swap3A_533 {strides = array<i32>} : memref<128x16xf32, #tpu.memory_space<vmem>>, vector<1x16xf32>,
    %swap3A_534 = arith.constant 89 : i32
    %swap3A_535 = arith.index_cast %swap3A_534 : i32 to index
    %swap3A_536 = arith.constant 0 : index
    %swap3A_537 = tpu.vector_load %arg6[%swap3A_535, %swap3A_536] {strides = array<i32>} : memref<128x16xf32, #tpu.memory_space<vmem>>, vector<1x16xf32>,
    %swap3A_538 = vector.shape_cast %swap3A_537 : vector<1x16xf32> to vector<16xf32>
    %swap3A_539 = vector.shape_cast %broadcast_in_dim3A_0 : vector<16xf32> to vector<1x16xf32>
    tpu.vector_store %arg6[%swap3A_535, %swap3A_536], %swap3A_539 {strides = array<i32>} : memref<128x16xf32, #tpu.memory_space<vmem>>, vector<1x16xf32>,
    %swap3A_540 = arith.constant 90 : i32
    %swap3A_541 = arith.index_cast %swap3A_540 : i32 to index
    %swap3A_542 = arith.constant 0 : index
    %swap3A_543 = tpu.vector_load %arg6[%swap3A_541, %swap3A_542] {strides = array<i32>} : memref<128x16xf32, #tpu.memory_space<vmem>>, vector<1x16xf32>,
    %swap3A_544 = vector.shape_cast %swap3A_543 : vector<1x16xf32> to vector<16xf32>
    %swap3A_545 = vector.shape_cast %broadcast_in_dim3A_0 : vector<16xf32> to vector<1x16xf32>
    tpu.vector_store %arg6[%swap3A_541, %swap3A_542], %swap3A_545 {strides = array<i32>} : memref<128x16xf32, #tpu.memory_space<vmem>>, vector<1x16xf32>,
    %swap3A_546 = arith.constant 91 : i32
    %swap3A_547 = arith.index_cast %swap3A_546 : i32 to index
    %swap3A_548 = arith.constant 0 : index
    %swap3A_549 = tpu.vector_load %arg6[%swap3A_547, %swap3A_548] {strides = array<i32>} : memref<128x16xf32, #tpu.memory_space<vmem>>, vector<1x16xf32>,
    %swap3A_550 = vector.shape_cast %swap3A_549 : vector<1x16xf32> to vector<16xf32>
    %swap3A_551 = vector.shape_cast %broadcast_in_dim3A_0 : vector<16xf32> to vector<1x16xf32>
    tpu.vector_store %arg6[%swap3A_547, %swap3A_548], %swap3A_551 {strides = array<i32>} : memref<128x16xf32, #tpu.memory_space<vmem>>, vector<1x16xf32>,
    %swap3A_552 = arith.constant 92 : i32
    %swap3A_553 = arith.index_cast %swap3A_552 : i32 to index
    %swap3A_554 = arith.constant 0 : index
    %swap3A_555 = tpu.vector_load %arg6[%swap3A_553, %swap3A_554] {strides = array<i32>} : memref<128x16xf32, #tpu.memory_space<vmem>>, vector<1x16xf32>,
    %swap3A_556 = vector.shape_cast %swap3A_555 : vector<1x16xf32> to vector<16xf32>
    %swap3A_557 = vector.shape_cast %broadcast_in_dim3A_0 : vector<16xf32> to vector<1x16xf32>
    tpu.vector_store %arg6[%swap3A_553, %swap3A_554], %swap3A_557 {strides = array<i32>} : memref<128x16xf32, #tpu.memory_space<vmem>>, vector<1x16xf32>,
    %swap3A_558 = arith.constant 93 : i32
    %swap3A_559 = arith.index_cast %swap3A_558 : i32 to index
    %swap3A_560 = arith.constant 0 : index
    %swap3A_561 = tpu.vector_load %arg6[%swap3A_559, %swap3A_560] {strides = array<i32>} : memref<128x16xf32, #tpu.memory_space<vmem>>, vector<1x16xf32>,
    %swap3A_562 = vector.shape_cast %swap3A_561 : vector<1x16xf32> to vector<16xf32>
    %swap3A_563 = vector.shape_cast %broadcast_in_dim3A_0 : vector<16xf32> to vector<1x16xf32>
    tpu.vector_store %arg6[%swap3A_559, %swap3A_560], %swap3A_563 {strides = array<i32>} : memref<128x16xf32, #tpu.memory_space<vmem>>, vector<1x16xf32>,
    %swap3A_564 = arith.constant 94 : i32
    %swap3A_565 = arith.index_cast %swap3A_564 : i32 to index
    %swap3A_566 = arith.constant 0 : index
    %swap3A_567 = tpu.vector_load %arg6[%swap3A_565, %swap3A_566] {strides = array<i32>} : memref<128x16xf32, #tpu.memory_space<vmem>>, vector<1x16xf32>,
    %swap3A_568 = vector.shape_cast %swap3A_567 : vector<1x16xf32> to vector<16xf32>
    %swap3A_569 = vector.shape_cast %broadcast_in_dim3A_0 : vector<16xf32> to vector<1x16xf32>
    tpu.vector_store %arg6[%swap3A_565, %swap3A_566], %swap3A_569 {strides = array<i32>} : memref<128x16xf32, #tpu.memory_space<vmem>>, vector<1x16xf32>,
    %swap3A_570 = arith.constant 95 : i32
    %swap3A_571 = arith.index_cast %swap3A_570 : i32 to index
    %swap3A_572 = arith.constant 0 : index
    %swap3A_573 = tpu.vector_load %arg6[%swap3A_571, %swap3A_572] {strides = array<i32>} : memref<128x16xf32, #tpu.memory_space<vmem>>, vector<1x16xf32>,
    %swap3A_574 = vector.shape_cast %swap3A_573 : vector<1x16xf32> to vector<16xf32>
    %swap3A_575 = vector.shape_cast %broadcast_in_dim3A_0 : vector<16xf32> to vector<1x16xf32>
    tpu.vector_store %arg6[%swap3A_571, %swap3A_572], %swap3A_575 {strides = array<i32>} : memref<128x16xf32, #tpu.memory_space<vmem>>, vector<1x16xf32>,
    %swap3A_576 = arith.constant 96 : i32
    %swap3A_577 = arith.index_cast %swap3A_576 : i32 to index
    %swap3A_578 = arith.constant 0 : index
    %swap3A_579 = tpu.vector_load %arg6[%swap3A_577, %swap3A_578] {strides = array<i32>} : memref<128x16xf32, #tpu.memory_space<vmem>>, vector<1x16xf32>,
    %swap3A_580 = vector.shape_cast %swap3A_579 : vector<1x16xf32> to vector<16xf32>
    %swap3A_581 = vector.shape_cast %broadcast_in_dim3A_0 : vector<16xf32> to vector<1x16xf32>
    tpu.vector_store %arg6[%swap3A_577, %swap3A_578], %swap3A_581 {strides = array<i32>} : memref<128x16xf32, #tpu.memory_space<vmem>>, vector<1x16xf32>,
    %swap3A_582 = arith.constant 97 : i32
    %swap3A_583 = arith.index_cast %swap3A_582 : i32 to index
    %swap3A_584 = arith.constant 0 : index
    %swap3A_585 = tpu.vector_load %arg6[%swap3A_583, %swap3A_584] {strides = array<i32>} : memref<128x16xf32, #tpu.memory_space<vmem>>, vector<1x16xf32>,
    %swap3A_586 = vector.shape_cast %swap3A_585 : vector<1x16xf32> to vector<16xf32>
    %swap3A_587 = vector.shape_cast %broadcast_in_dim3A_0 : vector<16xf32> to vector<1x16xf32>
    tpu.vector_store %arg6[%swap3A_583, %swap3A_584], %swap3A_587 {strides = array<i32>} : memref<128x16xf32, #tpu.memory_space<vmem>>, vector<1x16xf32>,
    %swap3A_588 = arith.constant 98 : i32
    %swap3A_589 = arith.index_cast %swap3A_588 : i32 to index
    %swap3A_590 = arith.constant 0 : index
    %swap3A_591 = tpu.vector_load %arg6[%swap3A_589, %swap3A_590] {strides = array<i32>} : memref<128x16xf32, #tpu.memory_space<vmem>>, vector<1x16xf32>,
    %swap3A_592 = vector.shape_cast %swap3A_591 : vector<1x16xf32> to vector<16xf32>
    %swap3A_593 = vector.shape_cast %broadcast_in_dim3A_0 : vector<16xf32> to vector<1x16xf32>
    tpu.vector_store %arg6[%swap3A_589, %swap3A_590], %swap3A_593 {strides = array<i32>} : memref<128x16xf32, #tpu.memory_space<vmem>>, vector<1x16xf32>,
    %swap3A_594 = arith.constant 99 : i32
    %swap3A_595 = arith.index_cast %swap3A_594 : i32 to index
    %swap3A_596 = arith.constant 0 : index
    %swap3A_597 = tpu.vector_load %arg6[%swap3A_595, %swap3A_596] {strides = array<i32>} : memref<128x16xf32, #tpu.memory_space<vmem>>, vector<1x16xf32>,
    %swap3A_598 = vector.shape_cast %swap3A_597 : vector<1x16xf32> to vector<16xf32>
    %swap3A_599 = vector.shape_cast %broadcast_in_dim3A_0 : vector<16xf32> to vector<1x16xf32>
    tpu.vector_store %arg6[%swap3A_595, %swap3A_596], %swap3A_599 {strides = array<i32>} : memref<128x16xf32, #tpu.memory_space<vmem>>, vector<1x16xf32>,
    %swap3A_600 = arith.constant 100 : i32
    %swap3A_601 = arith.index_cast %swap3A_600 : i32 to index
    %swap3A_602 = arith.constant 0 : index
    %swap3A_603 = tpu.vector_load %arg6[%swap3A_601, %swap3A_602] {strides = array<i32>} : memref<128x16xf32, #tpu.memory_space<vmem>>, vector<1x16xf32>,
    %swap3A_604 = vector.shape_cast %swap3A_603 : vector<1x16xf32> to vector<16xf32>
    %swap3A_605 = vector.shape_cast %broadcast_in_dim3A_0 : vector<16xf32> to vector<1x16xf32>
    tpu.vector_store %arg6[%swap3A_601, %swap3A_602], %swap3A_605 {strides = array<i32>} : memref<128x16xf32, #tpu.memory_space<vmem>>, vector<1x16xf32>,
    %swap3A_606 = arith.constant 101 : i32
    %swap3A_607 = arith.index_cast %swap3A_606 : i32 to index
    %swap3A_608 = arith.constant 0 : index
    %swap3A_609 = tpu.vector_load %arg6[%swap3A_607, %swap3A_608] {strides = array<i32>} : memref<128x16xf32, #tpu.memory_space<vmem>>, vector<1x16xf32>,
    %swap3A_610 = vector.shape_cast %swap3A_609 : vector<1x16xf32> to vector<16xf32>
    %swap3A_611 = vector.shape_cast %broadcast_in_dim3A_0 : vector<16xf32> to vector<1x16xf32>
    tpu.vector_store %arg6[%swap3A_607, %swap3A_608], %swap3A_611 {strides = array<i32>} : memref<128x16xf32, #tpu.memory_space<vmem>>, vector<1x16xf32>,
    %swap3A_612 = arith.constant 102 : i32
    %swap3A_613 = arith.index_cast %swap3A_612 : i32 to index
    %swap3A_614 = arith.constant 0 : index
    %swap3A_615 = tpu.vector_load %arg6[%swap3A_613, %swap3A_614] {strides = array<i32>} : memref<128x16xf32, #tpu.memory_space<vmem>>, vector<1x16xf32>,
    %swap3A_616 = vector.shape_cast %swap3A_615 : vector<1x16xf32> to vector<16xf32>
    %swap3A_617 = vector.shape_cast %broadcast_in_dim3A_0 : vector<16xf32> to vector<1x16xf32>
    tpu.vector_store %arg6[%swap3A_613, %swap3A_614], %swap3A_617 {strides = array<i32>} : memref<128x16xf32, #tpu.memory_space<vmem>>, vector<1x16xf32>,
    %swap3A_618 = arith.constant 103 : i32
    %swap3A_619 = arith.index_cast %swap3A_618 : i32 to index
    %swap3A_620 = arith.constant 0 : index
    %swap3A_621 = tpu.vector_load %arg6[%swap3A_619, %swap3A_620] {strides = array<i32>} : memref<128x16xf32, #tpu.memory_space<vmem>>, vector<1x16xf32>,
    %swap3A_622 = vector.shape_cast %swap3A_621 : vector<1x16xf32> to vector<16xf32>
    %swap3A_623 = vector.shape_cast %broadcast_in_dim3A_0 : vector<16xf32> to vector<1x16xf32>
    tpu.vector_store %arg6[%swap3A_619, %swap3A_620], %swap3A_623 {strides = array<i32>} : memref<128x16xf32, #tpu.memory_space<vmem>>, vector<1x16xf32>,
    %swap3A_624 = arith.constant 104 : i32
    %swap3A_625 = arith.index_cast %swap3A_624 : i32 to index
    %swap3A_626 = arith.constant 0 : index
    %swap3A_627 = tpu.vector_load %arg6[%swap3A_625, %swap3A_626] {strides = array<i32>} : memref<128x16xf32, #tpu.memory_space<vmem>>, vector<1x16xf32>,
    %swap3A_628 = vector.shape_cast %swap3A_627 : vector<1x16xf32> to vector<16xf32>
    %swap3A_629 = vector.shape_cast %broadcast_in_dim3A_0 : vector<16xf32> to vector<1x16xf32>
    tpu.vector_store %arg6[%swap3A_625, %swap3A_626], %swap3A_629 {strides = array<i32>} : memref<128x16xf32, #tpu.memory_space<vmem>>, vector<1x16xf32>,
    %swap3A_630 = arith.constant 105 : i32
    %swap3A_631 = arith.index_cast %swap3A_630 : i32 to index
    %swap3A_632 = arith.constant 0 : index
    %swap3A_633 = tpu.vector_load %arg6[%swap3A_631, %swap3A_632] {strides = array<i32>} : memref<128x16xf32, #tpu.memory_space<vmem>>, vector<1x16xf32>,
    %swap3A_634 = vector.shape_cast %swap3A_633 : vector<1x16xf32> to vector<16xf32>
    %swap3A_635 = vector.shape_cast %broadcast_in_dim3A_0 : vector<16xf32> to vector<1x16xf32>
    tpu.vector_store %arg6[%swap3A_631, %swap3A_632], %swap3A_635 {strides = array<i32>} : memref<128x16xf32, #tpu.memory_space<vmem>>, vector<1x16xf32>,
    %swap3A_636 = arith.constant 106 : i32
    %swap3A_637 = arith.index_cast %swap3A_636 : i32 to index
    %swap3A_638 = arith.constant 0 : index
    %swap3A_639 = tpu.vector_load %arg6[%swap3A_637, %swap3A_638] {strides = array<i32>} : memref<128x16xf32, #tpu.memory_space<vmem>>, vector<1x16xf32>,
    %swap3A_640 = vector.shape_cast %swap3A_639 : vector<1x16xf32> to vector<16xf32>
    %swap3A_641 = vector.shape_cast %broadcast_in_dim3A_0 : vector<16xf32> to vector<1x16xf32>
    tpu.vector_store %arg6[%swap3A_637, %swap3A_638], %swap3A_641 {strides = array<i32>} : memref<128x16xf32, #tpu.memory_space<vmem>>, vector<1x16xf32>,
    %swap3A_642 = arith.constant 107 : i32
    %swap3A_643 = arith.index_cast %swap3A_642 : i32 to index
    %swap3A_644 = arith.constant 0 : index
    %swap3A_645 = tpu.vector_load %arg6[%swap3A_643, %swap3A_644] {strides = array<i32>} : memref<128x16xf32, #tpu.memory_space<vmem>>, vector<1x16xf32>,
    %swap3A_646 = vector.shape_cast %swap3A_645 : vector<1x16xf32> to vector<16xf32>
    %swap3A_647 = vector.shape_cast %broadcast_in_dim3A_0 : vector<16xf32> to vector<1x16xf32>
    tpu.vector_store %arg6[%swap3A_643, %swap3A_644], %swap3A_647 {strides = array<i32>} : memref<128x16xf32, #tpu.memory_space<vmem>>, vector<1x16xf32>,
    %swap3A_648 = arith.constant 108 : i32
    %swap3A_649 = arith.index_cast %swap3A_648 : i32 to index
    %swap3A_650 = arith.constant 0 : index
    %swap3A_651 = tpu.vector_load %arg6[%swap3A_649, %swap3A_650] {strides = array<i32>} : memref<128x16xf32, #tpu.memory_space<vmem>>, vector<1x16xf32>,
    %swap3A_652 = vector.shape_cast %swap3A_651 : vector<1x16xf32> to vector<16xf32>
    %swap3A_653 = vector.shape_cast %broadcast_in_dim3A_0 : vector<16xf32> to vector<1x16xf32>
    tpu.vector_store %arg6[%swap3A_649, %swap3A_650], %swap3A_653 {strides = array<i32>} : memref<128x16xf32, #tpu.memory_space<vmem>>, vector<1x16xf32>,
    %swap3A_654 = arith.constant 109 : i32
    %swap3A_655 = arith.index_cast %swap3A_654 : i32 to index
    %swap3A_656 = arith.constant 0 : index
    %swap3A_657 = tpu.vector_load %arg6[%swap3A_655, %swap3A_656] {strides = array<i32>} : memref<128x16xf32, #tpu.memory_space<vmem>>, vector<1x16xf32>,
    %swap3A_658 = vector.shape_cast %swap3A_657 : vector<1x16xf32> to vector<16xf32>
    %swap3A_659 = vector.shape_cast %broadcast_in_dim3A_0 : vector<16xf32> to vector<1x16xf32>
    tpu.vector_store %arg6[%swap3A_655, %swap3A_656], %swap3A_659 {strides = array<i32>} : memref<128x16xf32, #tpu.memory_space<vmem>>, vector<1x16xf32>,
    %swap3A_660 = arith.constant 110 : i32
    %swap3A_661 = arith.index_cast %swap3A_660 : i32 to index
    %swap3A_662 = arith.constant 0 : index
    %swap3A_663 = tpu.vector_load %arg6[%swap3A_661, %swap3A_662] {strides = array<i32>} : memref<128x16xf32, #tpu.memory_space<vmem>>, vector<1x16xf32>,
    %swap3A_664 = vector.shape_cast %swap3A_663 : vector<1x16xf32> to vector<16xf32>
    %swap3A_665 = vector.shape_cast %broadcast_in_dim3A_0 : vector<16xf32> to vector<1x16xf32>
    tpu.vector_store %arg6[%swap3A_661, %swap3A_662], %swap3A_665 {strides = array<i32>} : memref<128x16xf32, #tpu.memory_space<vmem>>, vector<1x16xf32>,
    %swap3A_666 = arith.constant 111 : i32
    %swap3A_667 = arith.index_cast %swap3A_666 : i32 to index
    %swap3A_668 = arith.constant 0 : index
    %swap3A_669 = tpu.vector_load %arg6[%swap3A_667, %swap3A_668] {strides = array<i32>} : memref<128x16xf32, #tpu.memory_space<vmem>>, vector<1x16xf32>,
    %swap3A_670 = vector.shape_cast %swap3A_669 : vector<1x16xf32> to vector<16xf32>
    %swap3A_671 = vector.shape_cast %broadcast_in_dim3A_0 : vector<16xf32> to vector<1x16xf32>
    tpu.vector_store %arg6[%swap3A_667, %swap3A_668], %swap3A_671 {strides = array<i32>} : memref<128x16xf32, #tpu.memory_space<vmem>>, vector<1x16xf32>,
    %swap3A_672 = arith.constant 112 : i32
    %swap3A_673 = arith.index_cast %swap3A_672 : i32 to index
    %swap3A_674 = arith.constant 0 : index
    %swap3A_675 = tpu.vector_load %arg6[%swap3A_673, %swap3A_674] {strides = array<i32>} : memref<128x16xf32, #tpu.memory_space<vmem>>, vector<1x16xf32>,
    %swap3A_676 = vector.shape_cast %swap3A_675 : vector<1x16xf32> to vector<16xf32>
    %swap3A_677 = vector.shape_cast %broadcast_in_dim3A_0 : vector<16xf32> to vector<1x16xf32>
    tpu.vector_store %arg6[%swap3A_673, %swap3A_674], %swap3A_677 {strides = array<i32>} : memref<128x16xf32, #tpu.memory_space<vmem>>, vector<1x16xf32>,
    %swap3A_678 = arith.constant 113 : i32
    %swap3A_679 = arith.index_cast %swap3A_678 : i32 to index
    %swap3A_680 = arith.constant 0 : index
    %swap3A_681 = tpu.vector_load %arg6[%swap3A_679, %swap3A_680] {strides = array<i32>} : memref<128x16xf32, #tpu.memory_space<vmem>>, vector<1x16xf32>,
    %swap3A_682 = vector.shape_cast %swap3A_681 : vector<1x16xf32> to vector<16xf32>
    %swap3A_683 = vector.shape_cast %broadcast_in_dim3A_0 : vector<16xf32> to vector<1x16xf32>
    tpu.vector_store %arg6[%swap3A_679, %swap3A_680], %swap3A_683 {strides = array<i32>} : memref<128x16xf32, #tpu.memory_space<vmem>>, vector<1x16xf32>,
    %swap3A_684 = arith.constant 114 : i32
    %swap3A_685 = arith.index_cast %swap3A_684 : i32 to index
    %swap3A_686 = arith.constant 0 : index
    %swap3A_687 = tpu.vector_load %arg6[%swap3A_685, %swap3A_686] {strides = array<i32>} : memref<128x16xf32, #tpu.memory_space<vmem>>, vector<1x16xf32>,
    %swap3A_688 = vector.shape_cast %swap3A_687 : vector<1x16xf32> to vector<16xf32>
    %swap3A_689 = vector.shape_cast %broadcast_in_dim3A_0 : vector<16xf32> to vector<1x16xf32>
    tpu.vector_store %arg6[%swap3A_685, %swap3A_686], %swap3A_689 {strides = array<i32>} : memref<128x16xf32, #tpu.memory_space<vmem>>, vector<1x16xf32>,
    %swap3A_690 = arith.constant 115 : i32
    %swap3A_691 = arith.index_cast %swap3A_690 : i32 to index
    %swap3A_692 = arith.constant 0 : index
    %swap3A_693 = tpu.vector_load %arg6[%swap3A_691, %swap3A_692] {strides = array<i32>} : memref<128x16xf32, #tpu.memory_space<vmem>>, vector<1x16xf32>,
    %swap3A_694 = vector.shape_cast %swap3A_693 : vector<1x16xf32> to vector<16xf32>
    %swap3A_695 = vector.shape_cast %broadcast_in_dim3A_0 : vector<16xf32> to vector<1x16xf32>
    tpu.vector_store %arg6[%swap3A_691, %swap3A_692], %swap3A_695 {strides = array<i32>} : memref<128x16xf32, #tpu.memory_space<vmem>>, vector<1x16xf32>,
    %swap3A_696 = arith.constant 116 : i32
    %swap3A_697 = arith.index_cast %swap3A_696 : i32 to index
    %swap3A_698 = arith.constant 0 : index
    %swap3A_699 = tpu.vector_load %arg6[%swap3A_697, %swap3A_698] {strides = array<i32>} : memref<128x16xf32, #tpu.memory_space<vmem>>, vector<1x16xf32>,
    %swap3A_700 = vector.shape_cast %swap3A_699 : vector<1x16xf32> to vector<16xf32>
    %swap3A_701 = vector.shape_cast %broadcast_in_dim3A_0 : vector<16xf32> to vector<1x16xf32>
    tpu.vector_store %arg6[%swap3A_697, %swap3A_698], %swap3A_701 {strides = array<i32>} : memref<128x16xf32, #tpu.memory_space<vmem>>, vector<1x16xf32>,
    %swap3A_702 = arith.constant 117 : i32
    %swap3A_703 = arith.index_cast %swap3A_702 : i32 to index
    %swap3A_704 = arith.constant 0 : index
    %swap3A_705 = tpu.vector_load %arg6[%swap3A_703, %swap3A_704] {strides = array<i32>} : memref<128x16xf32, #tpu.memory_space<vmem>>, vector<1x16xf32>,
    %swap3A_706 = vector.shape_cast %swap3A_705 : vector<1x16xf32> to vector<16xf32>
    %swap3A_707 = vector.shape_cast %broadcast_in_dim3A_0 : vector<16xf32> to vector<1x16xf32>
    tpu.vector_store %arg6[%swap3A_703, %swap3A_704], %swap3A_707 {strides = array<i32>} : memref<128x16xf32, #tpu.memory_space<vmem>>, vector<1x16xf32>,
    %swap3A_708 = arith.constant 118 : i32
    %swap3A_709 = arith.index_cast %swap3A_708 : i32 to index
    %swap3A_710 = arith.constant 0 : index
    %swap3A_711 = tpu.vector_load %arg6[%swap3A_709, %swap3A_710] {strides = array<i32>} : memref<128x16xf32, #tpu.memory_space<vmem>>, vector<1x16xf32>,
    %swap3A_712 = vector.shape_cast %swap3A_711 : vector<1x16xf32> to vector<16xf32>
    %swap3A_713 = vector.shape_cast %broadcast_in_dim3A_0 : vector<16xf32> to vector<1x16xf32>
    tpu.vector_store %arg6[%swap3A_709, %swap3A_710], %swap3A_713 {strides = array<i32>} : memref<128x16xf32, #tpu.memory_space<vmem>>, vector<1x16xf32>,
    %swap3A_714 = arith.constant 119 : i32
    %swap3A_715 = arith.index_cast %swap3A_714 : i32 to index
    %swap3A_716 = arith.constant 0 : index
    %swap3A_717 = tpu.vector_load %arg6[%swap3A_715, %swap3A_716] {strides = array<i32>} : memref<128x16xf32, #tpu.memory_space<vmem>>, vector<1x16xf32>,
    %swap3A_718 = vector.shape_cast %swap3A_717 : vector<1x16xf32> to vector<16xf32>
    %swap3A_719 = vector.shape_cast %broadcast_in_dim3A_0 : vector<16xf32> to vector<1x16xf32>
    tpu.vector_store %arg6[%swap3A_715, %swap3A_716], %swap3A_719 {strides = array<i32>} : memref<128x16xf32, #tpu.memory_space<vmem>>, vector<1x16xf32>,
    %swap3A_720 = arith.constant 120 : i32
    %swap3A_721 = arith.index_cast %swap3A_720 : i32 to index
    %swap3A_722 = arith.constant 0 : index
    %swap3A_723 = tpu.vector_load %arg6[%swap3A_721, %swap3A_722] {strides = array<i32>} : memref<128x16xf32, #tpu.memory_space<vmem>>, vector<1x16xf32>,
    %swap3A_724 = vector.shape_cast %swap3A_723 : vector<1x16xf32> to vector<16xf32>
    %swap3A_725 = vector.shape_cast %broadcast_in_dim3A_0 : vector<16xf32> to vector<1x16xf32>
    tpu.vector_store %arg6[%swap3A_721, %swap3A_722], %swap3A_725 {strides = array<i32>} : memref<128x16xf32, #tpu.memory_space<vmem>>, vector<1x16xf32>,
    %swap3A_726 = arith.constant 121 : i32
    %swap3A_727 = arith.index_cast %swap3A_726 : i32 to index
    %swap3A_728 = arith.constant 0 : index
    %swap3A_729 = tpu.vector_load %arg6[%swap3A_727, %swap3A_728] {strides = array<i32>} : memref<128x16xf32, #tpu.memory_space<vmem>>, vector<1x16xf32>,
    %swap3A_730 = vector.shape_cast %swap3A_729 : vector<1x16xf32> to vector<16xf32>
    %swap3A_731 = vector.shape_cast %broadcast_in_dim3A_0 : vector<16xf32> to vector<1x16xf32>
    tpu.vector_store %arg6[%swap3A_727, %swap3A_728], %swap3A_731 {strides = array<i32>} : memref<128x16xf32, #tpu.memory_space<vmem>>, vector<1x16xf32>,
    %swap3A_732 = arith.constant 122 : i32
    %swap3A_733 = arith.index_cast %swap3A_732 : i32 to index
    %swap3A_734 = arith.constant 0 : index
    %swap3A_735 = tpu.vector_load %arg6[%swap3A_733, %swap3A_734] {strides = array<i32>} : memref<128x16xf32, #tpu.memory_space<vmem>>, vector<1x16xf32>,
    %swap3A_736 = vector.shape_cast %swap3A_735 : vector<1x16xf32> to vector<16xf32>
    %swap3A_737 = vector.shape_cast %broadcast_in_dim3A_0 : vector<16xf32> to vector<1x16xf32>
    tpu.vector_store %arg6[%swap3A_733, %swap3A_734], %swap3A_737 {strides = array<i32>} : memref<128x16xf32, #tpu.memory_space<vmem>>, vector<1x16xf32>,
    %swap3A_738 = arith.constant 123 : i32
    %swap3A_739 = arith.index_cast %swap3A_738 : i32 to index
    %swap3A_740 = arith.constant 0 : index
    %swap3A_741 = tpu.vector_load %arg6[%swap3A_739, %swap3A_740] {strides = array<i32>} : memref<128x16xf32, #tpu.memory_space<vmem>>, vector<1x16xf32>,
    %swap3A_742 = vector.shape_cast %swap3A_741 : vector<1x16xf32> to vector<16xf32>
    %swap3A_743 = vector.shape_cast %broadcast_in_dim3A_0 : vector<16xf32> to vector<1x16xf32>
    tpu.vector_store %arg6[%swap3A_739, %swap3A_740], %swap3A_743 {strides = array<i32>} : memref<128x16xf32, #tpu.memory_space<vmem>>, vector<1x16xf32>,
    %swap3A_744 = arith.constant 124 : i32
    %swap3A_745 = arith.index_cast %swap3A_744 : i32 to index
    %swap3A_746 = arith.constant 0 : index
    %swap3A_747 = tpu.vector_load %arg6[%swap3A_745, %swap3A_746] {strides = array<i32>} : memref<128x16xf32, #tpu.memory_space<vmem>>, vector<1x16xf32>,
    %swap3A_748 = vector.shape_cast %swap3A_747 : vector<1x16xf32> to vector<16xf32>
    %swap3A_749 = vector.shape_cast %broadcast_in_dim3A_0 : vector<16xf32> to vector<1x16xf32>
    tpu.vector_store %arg6[%swap3A_745, %swap3A_746], %swap3A_749 {strides = array<i32>} : memref<128x16xf32, #tpu.memory_space<vmem>>, vector<1x16xf32>,
    %swap3A_750 = arith.constant 125 : i32
    %swap3A_751 = arith.index_cast %swap3A_750 : i32 to index
    %swap3A_752 = arith.constant 0 : index
    %swap3A_753 = tpu.vector_load %arg6[%swap3A_751, %swap3A_752] {strides = array<i32>} : memref<128x16xf32, #tpu.memory_space<vmem>>, vector<1x16xf32>,
    %swap3A_754 = vector.shape_cast %swap3A_753 : vector<1x16xf32> to vector<16xf32>
    %swap3A_755 = vector.shape_cast %broadcast_in_dim3A_0 : vector<16xf32> to vector<1x16xf32>
    tpu.vector_store %arg6[%swap3A_751, %swap3A_752], %swap3A_755 {strides = array<i32>} : memref<128x16xf32, #tpu.memory_space<vmem>>, vector<1x16xf32>,
    %swap3A_756 = arith.constant 126 : i32
    %swap3A_757 = arith.index_cast %swap3A_756 : i32 to index
    %swap3A_758 = arith.constant 0 : index
    %swap3A_759 = tpu.vector_load %arg6[%swap3A_757, %swap3A_758] {strides = array<i32>} : memref<128x16xf32, #tpu.memory_space<vmem>>, vector<1x16xf32>,
    %swap3A_760 = vector.shape_cast %swap3A_759 : vector<1x16xf32> to vector<16xf32>
    %swap3A_761 = vector.shape_cast %broadcast_in_dim3A_0 : vector<16xf32> to vector<1x16xf32>
    tpu.vector_store %arg6[%swap3A_757, %swap3A_758], %swap3A_761 {strides = array<i32>} : memref<128x16xf32, #tpu.memory_space<vmem>>, vector<1x16xf32>,
    %swap3A_762 = arith.constant 127 : i32
    %swap3A_763 = arith.index_cast %swap3A_762 : i32 to index
    %swap3A_764 = arith.constant 0 : index
    %swap3A_765 = tpu.vector_load %arg6[%swap3A_763, %swap3A_764] {strides = array<i32>} : memref<128x16xf32, #tpu.memory_space<vmem>>, vector<1x16xf32>,
    %swap3A_766 = vector.shape_cast %swap3A_765 : vector<1x16xf32> to vector<16xf32>
    %swap3A_767 = vector.shape_cast %broadcast_in_dim3A_0 : vector<16xf32> to vector<1x16xf32>
    tpu.vector_store %arg6[%swap3A_763, %swap3A_764], %swap3A_767 {strides = array<i32>} : memref<128x16xf32, #tpu.memory_space<vmem>>, vector<1x16xf32>,
    %mul3A = arith.constant 632 : i32
    %mul3A_768 = arith.muli %arg1, %mul3A : i32
    %mul3A_769 = arith.constant 632 : i32
    %mul3A_770 = arith.muli %arg1, %mul3A_769 : i32
    "tpu.region"() ({
      %run_scoped3A = tpu.sem_alloc : memref<!tpu.dma_semaphore, #tpu.memory_space<semaphore_mem>>
      %dma_start3A = arith.constant 0 : i32
      %dma_start3A_781 = tpu.memref_slice %arg7[%mul3A_770, %dma_start3A] : memref<10112x16xf32, #tpu.memory_space<vmem_shared>> -> memref<632x16xf32, #tpu.memory_space<vmem_shared>>
      %dma_start3A_782 = arith.constant 0 : i32
      %dma_start3A_783 = tpu.memref_slice %arg3[%mul3A_768, %dma_start3A_782] : memref<10112x16xf32, #tpu.memory_space<hbm>> -> memref<632x16xf32, #tpu.memory_space<hbm>>
      tpu.enqueue_dma source(%dma_start3A_783 : memref<632x16xf32, #tpu.memory_space<hbm>>) target(%dma_start3A_781 : memref<632x16xf32, #tpu.memory_space<vmem_shared>>) target_semaphore(%run_scoped3A : memref<!tpu.dma_semaphore, #tpu.memory_space<semaphore_mem>>)
      %dma_wait3A = arith.constant 0 : i32
      %dma_wait3A_784 = tpu.memref_slice %arg7[%mul3A_770, %dma_wait3A] : memref<10112x16xf32, #tpu.memory_space<vmem_shared>> -> memref<632x16xf32, #tpu.memory_space<vmem_shared>>
      %dma_wait3A_785 = arith.constant 0 : i32
      %dma_wait3A_786 = tpu.memref_slice %arg3[%mul3A_768, %dma_wait3A_785] : memref<10112x16xf32, #tpu.memory_space<hbm>> -> memref<632x16xf32, #tpu.memory_space<hbm>>
      tpu.wait_dma2 semaphore(%run_scoped3A : memref<!tpu.dma_semaphore, #tpu.memory_space<semaphore_mem>>) src(%dma_wait3A_786 : memref<632x16xf32, #tpu.memory_space<hbm>>) dst(%dma_wait3A_784 : memref<632x16xf32, #tpu.memory_space<vmem_shared>>)
      tpu.yield
    }) : () -> ()
    %barrier3A = arith.constant 0 : index
    tpu.barrier barrier_id(%barrier3A)
    "tpu.region"() ({
      %run_scoped3A = tpu.sem_alloc : memref<!tpu.dma_semaphore, #tpu.memory_space<semaphore_mem>>
      %dma_start3A = arith.constant 0 : i32
      %dma_start3A_781 = arith.constant 0 : i32
      %dma_start3A_782 = tpu.memref_slice %arg2[%arg0, %arg1, %dma_start3A, %dma_start3A_781] : memref<2x16x80x128xi32, #tpu.memory_space<hbm>> -> memref<1x1x80x128xi32, #tpu.memory_space<hbm>>
      %dma_start3A_783 = tpu.memref_squeeze %dma_start3A_782 : memref<1x1x80x128xi32, #tpu.memory_space<hbm>> -> memref<80x128xi32, #tpu.memory_space<hbm>>
      %dma_start3A_784 = arith.constant 0 : i32
      %dma_start3A_785 = arith.constant 0 : i32
      %dma_start3A_786 = tpu.memref_slice %arg2[%arg0, %arg1, %dma_start3A_784, %dma_start3A_785] : memref<2x16x80x128xi32, #tpu.memory_space<hbm>> -> memref<1x1x80x128xi32, #tpu.memory_space<hbm>>
      %dma_start3A_787 = tpu.memref_squeeze %dma_start3A_786 : memref<1x1x80x128xi32, #tpu.memory_space<hbm>> -> memref<80x128xi32, #tpu.memory_space<hbm>>
      tpu.enqueue_dma source(%dma_start3A_787 : memref<80x128xi32, #tpu.memory_space<hbm>>) target(%arg5 : memref<80x128xi32, #tpu.memory_space<vmem>>) target_semaphore(%run_scoped3A : memref<!tpu.dma_semaphore, #tpu.memory_space<semaphore_mem>>)
      %dma_wait3A = arith.constant 0 : i32
      %dma_wait3A_788 = arith.constant 0 : i32
      %dma_wait3A_789 = tpu.memref_slice %arg2[%arg0, %arg1, %dma_wait3A, %dma_wait3A_788] : memref<2x16x80x128xi32, #tpu.memory_space<hbm>> -> memref<1x1x80x128xi32, #tpu.memory_space<hbm>>
      %dma_wait3A_790 = tpu.memref_squeeze %dma_wait3A_789 : memref<1x1x80x128xi32, #tpu.memory_space<hbm>> -> memref<80x128xi32, #tpu.memory_space<hbm>>
      %dma_wait3A_791 = arith.constant 0 : i32
      %dma_wait3A_792 = arith.constant 0 : i32
      %dma_wait3A_793 = tpu.memref_slice %arg2[%arg0, %arg1, %dma_wait3A_791, %dma_wait3A_792] : memref<2x16x80x128xi32, #tpu.memory_space<hbm>> -> memref<1x1x80x128xi32, #tpu.memory_space<hbm>>
      %dma_wait3A_794 = tpu.memref_squeeze %dma_wait3A_793 : memref<1x1x80x128xi32, #tpu.memory_space<hbm>> -> memref<80x128xi32, #tpu.memory_space<hbm>>
      tpu.wait_dma2 semaphore(%run_scoped3A : memref<!tpu.dma_semaphore, #tpu.memory_space<semaphore_mem>>) src(%dma_wait3A_794 : memref<80x128xi32, #tpu.memory_space<hbm>>) dst(%arg5 : memref<80x128xi32, #tpu.memory_space<vmem>>)
      tpu.yield
    }) : () -> ()
    %scan3A = arith.constant 0 : i32
    %scan3A_771 = arith.constant 0 : i32
    %scan3A_772 = arith.constant 10 : i32
    %scan3A_773 = arith.addi %scan3A_771, %scan3A_772 : i32
    %scan3A_774 = arith.constant 1 : i32
    scf.for %scan3A_781 = %scan3A_771 to %scan3A_773 step %scan3A_774  : i32 {
      %mul3A_782 = arith.constant 8 : i32
      %mul3A_783 = arith.muli %scan3A_781, %mul3A_782 : i32
      %add3A = arith.constant 0 : i32
      %add3A_784 = arith.addi %mul3A_783, %add3A : i32
      %dma_start3A = arith.constant 0 : i32
      %dma_start3A_785 = tpu.memref_slice %arg5[%add3A_784, %dma_start3A] : memref<80x128xi32, #tpu.memory_space<vmem>> -> memref<1x128xi32, #tpu.memory_space<vmem>>
      %dma_start3A_786 = tpu.memref_squeeze %dma_start3A_785 : memref<1x128xi32, #tpu.memory_space<vmem>> -> memref<128xi32, #tpu.memory_space<vmem>>
      %dma_start3A_787 = arith.constant 0 : i32
      %dma_start3A_788 = arith.constant 0 : i32
      %dma_start3A_789 = tpu.memref_slice %arg7[%dma_start3A_787, %dma_start3A_788] : memref<10112x16xf32, #tpu.memory_space<vmem_shared>> -> memref<10112x16xf32, #tpu.memory_space<vmem_shared>>
      tpu.enqueue_indirect_dma source(%arg6 : memref<128x16xf32, #tpu.memory_space<vmem>>) target(%dma_start3A_789 : memref<10112x16xf32, #tpu.memory_space<vmem_shared>>) offsets(%dma_start3A_786 : memref<128xi32, #tpu.memory_space<vmem>>) semaphore(%arg8 : memref<!tpu.dma_semaphore, #tpu.memory_space<semaphore_mem>>) {add = true}
      %mul3A_790 = arith.constant 8 : i32
      %mul3A_791 = arith.muli %scan3A_781, %mul3A_790 : i32
      %add3A_792 = arith.constant 1 : i32
      %add3A_793 = arith.addi %mul3A_791, %add3A_792 : i32
      %dma_start3A_794 = arith.constant 0 : i32
      %dma_start3A_795 = tpu.memref_slice %arg5[%add3A_793, %dma_start3A_794] : memref<80x128xi32, #tpu.memory_space<vmem>> -> memref<1x128xi32, #tpu.memory_space<vmem>>
      %dma_start3A_796 = tpu.memref_squeeze %dma_start3A_795 : memref<1x128xi32, #tpu.memory_space<vmem>> -> memref<128xi32, #tpu.memory_space<vmem>>
      %dma_start3A_797 = arith.constant 0 : i32
      %dma_start3A_798 = arith.constant 0 : i32
      %dma_start3A_799 = tpu.memref_slice %arg7[%dma_start3A_797, %dma_start3A_798] : memref<10112x16xf32, #tpu.memory_space<vmem_shared>> -> memref<10112x16xf32, #tpu.memory_space<vmem_shared>>
      tpu.enqueue_indirect_dma source(%arg6 : memref<128x16xf32, #tpu.memory_space<vmem>>) target(%dma_start3A_799 : memref<10112x16xf32, #tpu.memory_space<vmem_shared>>) offsets(%dma_start3A_796 : memref<128xi32, #tpu.memory_space<vmem>>) semaphore(%arg8 : memref<!tpu.dma_semaphore, #tpu.memory_space<semaphore_mem>>) {add = true}
      %mul3A_800 = arith.constant 8 : i32
      %mul3A_801 = arith.muli %scan3A_781, %mul3A_800 : i32
      %add3A_802 = arith.constant 2 : i32
      %add3A_803 = arith.addi %mul3A_801, %add3A_802 : i32
      %dma_start3A_804 = arith.constant 0 : i32
      %dma_start3A_805 = tpu.memref_slice %arg5[%add3A_803, %dma_start3A_804] : memref<80x128xi32, #tpu.memory_space<vmem>> -> memref<1x128xi32, #tpu.memory_space<vmem>>
      %dma_start3A_806 = tpu.memref_squeeze %dma_start3A_805 : memref<1x128xi32, #tpu.memory_space<vmem>> -> memref<128xi32, #tpu.memory_space<vmem>>
      %dma_start3A_807 = arith.constant 0 : i32
      %dma_start3A_808 = arith.constant 0 : i32
      %dma_start3A_809 = tpu.memref_slice %arg7[%dma_start3A_807, %dma_start3A_808] : memref<10112x16xf32, #tpu.memory_space<vmem_shared>> -> memref<10112x16xf32, #tpu.memory_space<vmem_shared>>
      tpu.enqueue_indirect_dma source(%arg6 : memref<128x16xf32, #tpu.memory_space<vmem>>) target(%dma_start3A_809 : memref<10112x16xf32, #tpu.memory_space<vmem_shared>>) offsets(%dma_start3A_806 : memref<128xi32, #tpu.memory_space<vmem>>) semaphore(%arg8 : memref<!tpu.dma_semaphore, #tpu.memory_space<semaphore_mem>>) {add = true}
      %mul3A_810 = arith.constant 8 : i32
      %mul3A_811 = arith.muli %scan3A_781, %mul3A_810 : i32
      %add3A_812 = arith.constant 3 : i32
      %add3A_813 = arith.addi %mul3A_811, %add3A_812 : i32
      %dma_start3A_814 = arith.constant 0 : i32
      %dma_start3A_815 = tpu.memref_slice %arg5[%add3A_813, %dma_start3A_814] : memref<80x128xi32, #tpu.memory_space<vmem>> -> memref<1x128xi32, #tpu.memory_space<vmem>>
      %dma_start3A_816 = tpu.memref_squeeze %dma_start3A_815 : memref<1x128xi32, #tpu.memory_space<vmem>> -> memref<128xi32, #tpu.memory_space<vmem>>
      %dma_start3A_817 = arith.constant 0 : i32
      %dma_start3A_818 = arith.constant 0 : i32
      %dma_start3A_819 = tpu.memref_slice %arg7[%dma_start3A_817, %dma_start3A_818] : memref<10112x16xf32, #tpu.memory_space<vmem_shared>> -> memref<10112x16xf32, #tpu.memory_space<vmem_shared>>
      tpu.enqueue_indirect_dma source(%arg6 : memref<128x16xf32, #tpu.memory_space<vmem>>) target(%dma_start3A_819 : memref<10112x16xf32, #tpu.memory_space<vmem_shared>>) offsets(%dma_start3A_816 : memref<128xi32, #tpu.memory_space<vmem>>) semaphore(%arg8 : memref<!tpu.dma_semaphore, #tpu.memory_space<semaphore_mem>>) {add = true}
      %mul3A_820 = arith.constant 8 : i32
      %mul3A_821 = arith.muli %scan3A_781, %mul3A_820 : i32
      %add3A_822 = arith.constant 4 : i32
      %add3A_823 = arith.addi %mul3A_821, %add3A_822 : i32
      %dma_start3A_824 = arith.constant 0 : i32
      %dma_start3A_825 = tpu.memref_slice %arg5[%add3A_823, %dma_start3A_824] : memref<80x128xi32, #tpu.memory_space<vmem>> -> memref<1x128xi32, #tpu.memory_space<vmem>>
      %dma_start3A_826 = tpu.memref_squeeze %dma_start3A_825 : memref<1x128xi32, #tpu.memory_space<vmem>> -> memref<128xi32, #tpu.memory_space<vmem>>
      %dma_start3A_827 = arith.constant 0 : i32
      %dma_start3A_828 = arith.constant 0 : i32
      %dma_start3A_829 = tpu.memref_slice %arg7[%dma_start3A_827, %dma_start3A_828] : memref<10112x16xf32, #tpu.memory_space<vmem_shared>> -> memref<10112x16xf32, #tpu.memory_space<vmem_shared>>
      tpu.enqueue_indirect_dma source(%arg6 : memref<128x16xf32, #tpu.memory_space<vmem>>) target(%dma_start3A_829 : memref<10112x16xf32, #tpu.memory_space<vmem_shared>>) offsets(%dma_start3A_826 : memref<128xi32, #tpu.memory_space<vmem>>) semaphore(%arg8 : memref<!tpu.dma_semaphore, #tpu.memory_space<semaphore_mem>>) {add = true}
      %mul3A_830 = arith.constant 8 : i32
      %mul3A_831 = arith.muli %scan3A_781, %mul3A_830 : i32
      %add3A_832 = arith.constant 5 : i32
      %add3A_833 = arith.addi %mul3A_831, %add3A_832 : i32
      %dma_start3A_834 = arith.constant 0 : i32
      %dma_start3A_835 = tpu.memref_slice %arg5[%add3A_833, %dma_start3A_834] : memref<80x128xi32, #tpu.memory_space<vmem>> -> memref<1x128xi32, #tpu.memory_space<vmem>>
      %dma_start3A_836 = tpu.memref_squeeze %dma_start3A_835 : memref<1x128xi32, #tpu.memory_space<vmem>> -> memref<128xi32, #tpu.memory_space<vmem>>
      %dma_start3A_837 = arith.constant 0 : i32
      %dma_start3A_838 = arith.constant 0 : i32
      %dma_start3A_839 = tpu.memref_slice %arg7[%dma_start3A_837, %dma_start3A_838] : memref<10112x16xf32, #tpu.memory_space<vmem_shared>> -> memref<10112x16xf32, #tpu.memory_space<vmem_shared>>
      tpu.enqueue_indirect_dma source(%arg6 : memref<128x16xf32, #tpu.memory_space<vmem>>) target(%dma_start3A_839 : memref<10112x16xf32, #tpu.memory_space<vmem_shared>>) offsets(%dma_start3A_836 : memref<128xi32, #tpu.memory_space<vmem>>) semaphore(%arg8 : memref<!tpu.dma_semaphore, #tpu.memory_space<semaphore_mem>>) {add = true}
      %mul3A_840 = arith.constant 8 : i32
      %mul3A_841 = arith.muli %scan3A_781, %mul3A_840 : i32
      %add3A_842 = arith.constant 6 : i32
      %add3A_843 = arith.addi %mul3A_841, %add3A_842 : i32
      %dma_start3A_844 = arith.constant 0 : i32
      %dma_start3A_845 = tpu.memref_slice %arg5[%add3A_843, %dma_start3A_844] : memref<80x128xi32, #tpu.memory_space<vmem>> -> memref<1x128xi32, #tpu.memory_space<vmem>>
      %dma_start3A_846 = tpu.memref_squeeze %dma_start3A_845 : memref<1x128xi32, #tpu.memory_space<vmem>> -> memref<128xi32, #tpu.memory_space<vmem>>
      %dma_start3A_847 = arith.constant 0 : i32
      %dma_start3A_848 = arith.constant 0 : i32
      %dma_start3A_849 = tpu.memref_slice %arg7[%dma_start3A_847, %dma_start3A_848] : memref<10112x16xf32, #tpu.memory_space<vmem_shared>> -> memref<10112x16xf32, #tpu.memory_space<vmem_shared>>
      tpu.enqueue_indirect_dma source(%arg6 : memref<128x16xf32, #tpu.memory_space<vmem>>) target(%dma_start3A_849 : memref<10112x16xf32, #tpu.memory_space<vmem_shared>>) offsets(%dma_start3A_846 : memref<128xi32, #tpu.memory_space<vmem>>) semaphore(%arg8 : memref<!tpu.dma_semaphore, #tpu.memory_space<semaphore_mem>>) {add = true}
      %mul3A_850 = arith.constant 8 : i32
      %mul3A_851 = arith.muli %scan3A_781, %mul3A_850 : i32
      %add3A_852 = arith.constant 7 : i32
      %add3A_853 = arith.addi %mul3A_851, %add3A_852 : i32
      %dma_start3A_854 = arith.constant 0 : i32
      %dma_start3A_855 = tpu.memref_slice %arg5[%add3A_853, %dma_start3A_854] : memref<80x128xi32, #tpu.memory_space<vmem>> -> memref<1x128xi32, #tpu.memory_space<vmem>>
      %dma_start3A_856 = tpu.memref_squeeze %dma_start3A_855 : memref<1x128xi32, #tpu.memory_space<vmem>> -> memref<128xi32, #tpu.memory_space<vmem>>
      %dma_start3A_857 = arith.constant 0 : i32
      %dma_start3A_858 = arith.constant 0 : i32
      %dma_start3A_859 = tpu.memref_slice %arg7[%dma_start3A_857, %dma_start3A_858] : memref<10112x16xf32, #tpu.memory_space<vmem_shared>> -> memref<10112x16xf32, #tpu.memory_space<vmem_shared>>
      tpu.enqueue_indirect_dma source(%arg6 : memref<128x16xf32, #tpu.memory_space<vmem>>) target(%dma_start3A_859 : memref<10112x16xf32, #tpu.memory_space<vmem_shared>>) offsets(%dma_start3A_856 : memref<128xi32, #tpu.memory_space<vmem>>) semaphore(%arg8 : memref<!tpu.dma_semaphore, #tpu.memory_space<semaphore_mem>>) {add = true}
      %dma_wait3A = arith.constant 0 : i32
      %dma_wait3A_860 = tpu.memref_slice %arg5[%add3A_784, %dma_wait3A] : memref<80x128xi32, #tpu.memory_space<vmem>> -> memref<1x128xi32, #tpu.memory_space<vmem>>
      %dma_wait3A_861 = tpu.memref_squeeze %dma_wait3A_860 : memref<1x128xi32, #tpu.memory_space<vmem>> -> memref<128xi32, #tpu.memory_space<vmem>>
      %dma_wait3A_862 = arith.constant 0 : i32
      %dma_wait3A_863 = arith.constant 0 : i32
      %dma_wait3A_864 = tpu.memref_slice %arg7[%dma_wait3A_862, %dma_wait3A_863] : memref<10112x16xf32, #tpu.memory_space<vmem_shared>> -> memref<10112x16xf32, #tpu.memory_space<vmem_shared>>
      tpu.wait_indirect_dma semaphore(%arg8 : memref<!tpu.dma_semaphore, #tpu.memory_space<semaphore_mem>>) src(%arg6 : memref<128x16xf32, #tpu.memory_space<vmem>>) dst(%dma_wait3A_864 : memref<10112x16xf32, #tpu.memory_space<vmem_shared>>)
      %dma_wait3A_865 = arith.constant 0 : i32
      %dma_wait3A_866 = tpu.memref_slice %arg5[%add3A_793, %dma_wait3A_865] : memref<80x128xi32, #tpu.memory_space<vmem>> -> memref<1x128xi32, #tpu.memory_space<vmem>>
      %dma_wait3A_867 = tpu.memref_squeeze %dma_wait3A_866 : memref<1x128xi32, #tpu.memory_space<vmem>> -> memref<128xi32, #tpu.memory_space<vmem>>
      %dma_wait3A_868 = arith.constant 0 : i32
      %dma_wait3A_869 = arith.constant 0 : i32
      %dma_wait3A_870 = tpu.memref_slice %arg7[%dma_wait3A_868, %dma_wait3A_869] : memref<10112x16xf32, #tpu.memory_space<vmem_shared>> -> memref<10112x16xf32, #tpu.memory_space<vmem_shared>>
      tpu.wait_indirect_dma semaphore(%arg8 : memref<!tpu.dma_semaphore, #tpu.memory_space<semaphore_mem>>) src(%arg6 : memref<128x16xf32, #tpu.memory_space<vmem>>) dst(%dma_wait3A_870 : memref<10112x16xf32, #tpu.memory_space<vmem_shared>>)
      %dma_wait3A_871 = arith.constant 0 : i32
      %dma_wait3A_872 = tpu.memref_slice %arg5[%add3A_803, %dma_wait3A_871] : memref<80x128xi32, #tpu.memory_space<vmem>> -> memref<1x128xi32, #tpu.memory_space<vmem>>
      %dma_wait3A_873 = tpu.memref_squeeze %dma_wait3A_872 : memref<1x128xi32, #tpu.memory_space<vmem>> -> memref<128xi32, #tpu.memory_space<vmem>>
      %dma_wait3A_874 = arith.constant 0 : i32
      %dma_wait3A_875 = arith.constant 0 : i32
      %dma_wait3A_876 = tpu.memref_slice %arg7[%dma_wait3A_874, %dma_wait3A_875] : memref<10112x16xf32, #tpu.memory_space<vmem_shared>> -> memref<10112x16xf32, #tpu.memory_space<vmem_shared>>
      tpu.wait_indirect_dma semaphore(%arg8 : memref<!tpu.dma_semaphore, #tpu.memory_space<semaphore_mem>>) src(%arg6 : memref<128x16xf32, #tpu.memory_space<vmem>>) dst(%dma_wait3A_876 : memref<10112x16xf32, #tpu.memory_space<vmem_shared>>)
      %dma_wait3A_877 = arith.constant 0 : i32
      %dma_wait3A_878 = tpu.memref_slice %arg5[%add3A_813, %dma_wait3A_877] : memref<80x128xi32, #tpu.memory_space<vmem>> -> memref<1x128xi32, #tpu.memory_space<vmem>>
      %dma_wait3A_879 = tpu.memref_squeeze %dma_wait3A_878 : memref<1x128xi32, #tpu.memory_space<vmem>> -> memref<128xi32, #tpu.memory_space<vmem>>
      %dma_wait3A_880 = arith.constant 0 : i32
      %dma_wait3A_881 = arith.constant 0 : i32
      %dma_wait3A_882 = tpu.memref_slice %arg7[%dma_wait3A_880, %dma_wait3A_881] : memref<10112x16xf32, #tpu.memory_space<vmem_shared>> -> memref<10112x16xf32, #tpu.memory_space<vmem_shared>>
      tpu.wait_indirect_dma semaphore(%arg8 : memref<!tpu.dma_semaphore, #tpu.memory_space<semaphore_mem>>) src(%arg6 : memref<128x16xf32, #tpu.memory_space<vmem>>) dst(%dma_wait3A_882 : memref<10112x16xf32, #tpu.memory_space<vmem_shared>>)
      %dma_wait3A_883 = arith.constant 0 : i32
      %dma_wait3A_884 = tpu.memref_slice %arg5[%add3A_823, %dma_wait3A_883] : memref<80x128xi32, #tpu.memory_space<vmem>> -> memref<1x128xi32, #tpu.memory_space<vmem>>
      %dma_wait3A_885 = tpu.memref_squeeze %dma_wait3A_884 : memref<1x128xi32, #tpu.memory_space<vmem>> -> memref<128xi32, #tpu.memory_space<vmem>>
      %dma_wait3A_886 = arith.constant 0 : i32
      %dma_wait3A_887 = arith.constant 0 : i32
      %dma_wait3A_888 = tpu.memref_slice %arg7[%dma_wait3A_886, %dma_wait3A_887] : memref<10112x16xf32, #tpu.memory_space<vmem_shared>> -> memref<10112x16xf32, #tpu.memory_space<vmem_shared>>
      tpu.wait_indirect_dma semaphore(%arg8 : memref<!tpu.dma_semaphore, #tpu.memory_space<semaphore_mem>>) src(%arg6 : memref<128x16xf32, #tpu.memory_space<vmem>>) dst(%dma_wait3A_888 : memref<10112x16xf32, #tpu.memory_space<vmem_shared>>)
      %dma_wait3A_889 = arith.constant 0 : i32
      %dma_wait3A_890 = tpu.memref_slice %arg5[%add3A_833, %dma_wait3A_889] : memref<80x128xi32, #tpu.memory_space<vmem>> -> memref<1x128xi32, #tpu.memory_space<vmem>>
      %dma_wait3A_891 = tpu.memref_squeeze %dma_wait3A_890 : memref<1x128xi32, #tpu.memory_space<vmem>> -> memref<128xi32, #tpu.memory_space<vmem>>
      %dma_wait3A_892 = arith.constant 0 : i32
      %dma_wait3A_893 = arith.constant 0 : i32
      %dma_wait3A_894 = tpu.memref_slice %arg7[%dma_wait3A_892, %dma_wait3A_893] : memref<10112x16xf32, #tpu.memory_space<vmem_shared>> -> memref<10112x16xf32, #tpu.memory_space<vmem_shared>>
      tpu.wait_indirect_dma semaphore(%arg8 : memref<!tpu.dma_semaphore, #tpu.memory_space<semaphore_mem>>) src(%arg6 : memref<128x16xf32, #tpu.memory_space<vmem>>) dst(%dma_wait3A_894 : memref<10112x16xf32, #tpu.memory_space<vmem_shared>>)
      %dma_wait3A_895 = arith.constant 0 : i32
      %dma_wait3A_896 = tpu.memref_slice %arg5[%add3A_843, %dma_wait3A_895] : memref<80x128xi32, #tpu.memory_space<vmem>> -> memref<1x128xi32, #tpu.memory_space<vmem>>
      %dma_wait3A_897 = tpu.memref_squeeze %dma_wait3A_896 : memref<1x128xi32, #tpu.memory_space<vmem>> -> memref<128xi32, #tpu.memory_space<vmem>>
      %dma_wait3A_898 = arith.constant 0 : i32
      %dma_wait3A_899 = arith.constant 0 : i32
      %dma_wait3A_900 = tpu.memref_slice %arg7[%dma_wait3A_898, %dma_wait3A_899] : memref<10112x16xf32, #tpu.memory_space<vmem_shared>> -> memref<10112x16xf32, #tpu.memory_space<vmem_shared>>
      tpu.wait_indirect_dma semaphore(%arg8 : memref<!tpu.dma_semaphore, #tpu.memory_space<semaphore_mem>>) src(%arg6 : memref<128x16xf32, #tpu.memory_space<vmem>>) dst(%dma_wait3A_900 : memref<10112x16xf32, #tpu.memory_space<vmem_shared>>)
      %dma_wait3A_901 = arith.constant 0 : i32
      %dma_wait3A_902 = tpu.memref_slice %arg5[%add3A_853, %dma_wait3A_901] : memref<80x128xi32, #tpu.memory_space<vmem>> -> memref<1x128xi32, #tpu.memory_space<vmem>>
      %dma_wait3A_903 = tpu.memref_squeeze %dma_wait3A_902 : memref<1x128xi32, #tpu.memory_space<vmem>> -> memref<128xi32, #tpu.memory_space<vmem>>
      %dma_wait3A_904 = arith.constant 0 : i32
      %dma_wait3A_905 = arith.constant 0 : i32
      %dma_wait3A_906 = tpu.memref_slice %arg7[%dma_wait3A_904, %dma_wait3A_905] : memref<10112x16xf32, #tpu.memory_space<vmem_shared>> -> memref<10112x16xf32, #tpu.memory_space<vmem_shared>>
      tpu.wait_indirect_dma semaphore(%arg8 : memref<!tpu.dma_semaphore, #tpu.memory_space<semaphore_mem>>) src(%arg6 : memref<128x16xf32, #tpu.memory_space<vmem>>) dst(%dma_wait3A_906 : memref<10112x16xf32, #tpu.memory_space<vmem_shared>>)
    }
    %scan3A_775 = arith.constant 10 : i32
    %barrier3A_776 = arith.constant 0 : index
    tpu.barrier barrier_id(%barrier3A_776)
    %mul3A_777 = arith.constant 632 : i32
    %mul3A_778 = arith.muli %arg1, %mul3A_777 : i32
    %mul3A_779 = arith.constant 632 : i32
    %mul3A_780 = arith.muli %arg1, %mul3A_779 : i32
    "tpu.region"() ({
      %run_scoped3A = tpu.sem_alloc : memref<!tpu.dma_semaphore, #tpu.memory_space<semaphore_mem>>
      %dma_start3A = arith.constant 0 : i32
      %dma_start3A_781 = tpu.memref_slice %arg4[%arg0, %mul3A_780, %dma_start3A] : memref<2x10112x16xf32, #tpu.memory_space<hbm>> -> memref<1x632x16xf32, #tpu.memory_space<hbm>>
      %dma_start3A_782 = tpu.memref_squeeze %dma_start3A_781 : memref<1x632x16xf32, #tpu.memory_space<hbm>> -> memref<632x16xf32, #tpu.memory_space<hbm>>
      %dma_start3A_783 = arith.constant 0 : i32
      %dma_start3A_784 = tpu.memref_slice %arg7[%mul3A_778, %dma_start3A_783] : memref<10112x16xf32, #tpu.memory_space<vmem_shared>> -> memref<632x16xf32, #tpu.memory_space<vmem_shared>>
      tpu.enqueue_dma source(%dma_start3A_784 : memref<632x16xf32, #tpu.memory_space<vmem_shared>>) target(%dma_start3A_782 : memref<632x16xf32, #tpu.memory_space<hbm>>) target_semaphore(%run_scoped3A : memref<!tpu.dma_semaphore, #tpu.memory_space<semaphore_mem>>)
      %dma_wait3A = arith.constant 0 : i32
      %dma_wait3A_785 = tpu.memref_slice %arg4[%arg0, %mul3A_780, %dma_wait3A] : memref<2x10112x16xf32, #tpu.memory_space<hbm>> -> memref<1x632x16xf32, #tpu.memory_space<hbm>>
      %dma_wait3A_786 = tpu.memref_squeeze %dma_wait3A_785 : memref<1x632x16xf32, #tpu.memory_space<hbm>> -> memref<632x16xf32, #tpu.memory_space<hbm>>
      %dma_wait3A_787 = arith.constant 0 : i32
      %dma_wait3A_788 = tpu.memref_slice %arg7[%mul3A_778, %dma_wait3A_787] : memref<10112x16xf32, #tpu.memory_space<vmem_shared>> -> memref<632x16xf32, #tpu.memory_space<vmem_shared>>
      tpu.wait_dma2 semaphore(%run_scoped3A : memref<!tpu.dma_semaphore, #tpu.memory_space<semaphore_mem>>) src(%dma_wait3A_788 : memref<632x16xf32, #tpu.memory_space<vmem_shared>>) dst(%dma_wait3A_786 : memref<632x16xf32, #tpu.memory_space<hbm>>)
      tpu.yield
    }) : () -> ()
    return
  }
}

module attributes {stable_mosaic.version = 14 : i64} {
  func.func @_ln_scale_body(%arg0: i32, %arg1: memref<1000x256xf32, #tpu.memory_space<vmem>>, %arg2: memref<1x1000x16xf32, #tpu.memory_space<vmem>>, %arg3: memref<1x256xf32, #tpu.memory_space<vmem>>, %arg4: memref<1x256xf32, #tpu.memory_space<vmem>>, %arg5: memref<2x1000x128xf32, #tpu.memory_space<vmem>>) attributes {dimension_semantics = [#tpu.dimension_semantics<arbitrary>], iteration_bounds = array<i64: 10>, scalar_prefetch = 0 : i64, scratch_operands = 0 : i64, tpu.core_type = #tpu.core_type<tc>, window_params = [{transform_indices = @transform_0, window_bounds = array<i64: 1000, 256>}, {transform_indices = @transform_1, window_bounds = array<i64: 1, 1000, 16>}, {pipeline_mode = #tpu.pipeline_mode<synchronous>, transform_indices = @transform_2, window_bounds = array<i64: 1, 256>}, {pipeline_mode = #tpu.pipeline_mode<synchronous>, transform_indices = @transform_3, window_bounds = array<i64: 1, 256>}, {transform_indices = @transform_4, window_bounds = array<i64: 2, 1000, 128>}]} {
    %get3A = arith.constant 0 : index
    %get3A_0 = arith.constant 0 : index
    %get3A_1 = vector.load %arg1[%get3A, %get3A_0] : memref<1000x256xf32, #tpu.memory_space<vmem>>, vector<1000x256xf32>
    %reduce_sum3A = arith.constant dense<0.000000e+00> : vector<1000xf32>
    %reduce_sum3A_2 = vector.multi_reduction <add>, %get3A_1, %reduce_sum3A [1] : vector<1000x256xf32> to vector<1000xf32>
    %broadcast_in_dim3A = vector.shape_cast %reduce_sum3A_2 : vector<1000xf32> to vector<1000x1xf32>
    %div3A = arith.constant 2.560000e+02 : f32
    %div3A_3 = vector.broadcast %div3A : f32 to vector<1000x1xf32>
    %div3A_4 = arith.divf %broadcast_in_dim3A, %div3A_3 : vector<1000x1xf32>
    %sub3A = vector.broadcast %div3A_4 : vector<1000x1xf32> to vector<1000x256xf32>
    %sub3A_5 = arith.subf %get3A_1, %sub3A : vector<1000x256xf32>
    %integer_pow3A = arith.mulf %sub3A_5, %sub3A_5 : vector<1000x256xf32>
    %reduce_sum3A_6 = arith.constant dense<0.000000e+00> : vector<1000xf32>
    %reduce_sum3A_7 = vector.multi_reduction <add>, %integer_pow3A, %reduce_sum3A_6 [1] : vector<1000x256xf32> to vector<1000xf32>
    %broadcast_in_dim3A_8 = vector.shape_cast %reduce_sum3A_7 : vector<1000xf32> to vector<1000x1xf32>
    %div3A_9 = arith.constant 2.560000e+02 : f32
    %div3A_10 = vector.broadcast %div3A_9 : f32 to vector<1000x1xf32>
    %div3A_11 = arith.divf %broadcast_in_dim3A_8, %div3A_10 : vector<1000x1xf32>
    %sub3A_12 = vector.broadcast %div3A_4 : vector<1000x1xf32> to vector<1000x256xf32>
    %sub3A_13 = arith.subf %get3A_1, %sub3A_12 : vector<1000x256xf32>
    %add3A = arith.constant 9.99999974E-6 : f32
    %add3A_14 = vector.broadcast %add3A : f32 to vector<1000x1xf32>
    %add3A_15 = arith.addf %div3A_11, %add3A_14 : vector<1000x1xf32>
    %rsqrt3A = math.rsqrt %add3A_15 : vector<1000x1xf32>
    %mul3A = vector.broadcast %rsqrt3A : vector<1000x1xf32> to vector<1000x256xf32>
    %mul3A_16 = arith.mulf %sub3A_13, %mul3A : vector<1000x256xf32>
    %get3A_17 = arith.constant 0 : index
    %get3A_18 = arith.constant 0 : index
    %get3A_19 = vector.load %arg3[%get3A_17, %get3A_18] : memref<1x256xf32, #tpu.memory_space<vmem>>, vector<1x256xf32>
    %mul3A_20 = vector.broadcast %get3A_19 : vector<1x256xf32> to vector<1000x256xf32>
    %mul3A_21 = arith.mulf %mul3A_16, %mul3A_20 : vector<1000x256xf32>
    %get3A_22 = arith.constant 0 : index
    %get3A_23 = arith.constant 0 : index
    %get3A_24 = vector.load %arg4[%get3A_22, %get3A_23] : memref<1x256xf32, #tpu.memory_space<vmem>>, vector<1x256xf32>
    %add3A_25 = vector.broadcast %get3A_24 : vector<1x256xf32> to vector<1000x256xf32>
    %add3A_26 = arith.addf %mul3A_21, %add3A_25 : vector<1000x256xf32>
    %get3A_27 = arith.constant 0 : index
    %get3A_28 = arith.constant 0 : index
    %get3A_29 = arith.constant 0 : index
    %get3A_30 = vector.load %arg2[%get3A_27, %get3A_28, %get3A_29] : memref<1x1000x16xf32, #tpu.memory_space<vmem>>, vector<1x1000x1xf32>
    %get3A_31 = vector.shape_cast %get3A_30 : vector<1x1000x1xf32> to vector<1000x1xf32>
    %gt3A = arith.constant 0.000000e+00 : f32
    %gt3A_32 = vector.broadcast %gt3A : f32 to vector<1000x1xf32>
    %gt3A_33 = arith.cmpf ogt, %get3A_31, %gt3A_32 : vector<1000x1xf32>
    %max3A = arith.constant 1.000000e+00 : f32
    %max3A_34 = vector.broadcast %max3A : f32 to vector<1000x1xf32>
    %max3A_35 = arith.maximumf %get3A_31, %max3A_34 : vector<1000x1xf32>
    %rsqrt3A_36 = math.rsqrt %max3A_35 : vector<1000x1xf32>
    %jit3A = arith.constant 0.000000e+00 : f32
    %broadcast_in_dim3A_37 = vector.broadcast %jit3A : f32 to vector<1000x1xf32>
    %select_n3A = arith.select %gt3A_33, %rsqrt3A_36, %broadcast_in_dim3A_37 : vector<1000x1xi1>, vector<1000x1xf32>
    %mul3A_38 = vector.broadcast %select_n3A : vector<1000x1xf32> to vector<1000x256xf32>
    %mul3A_39 = arith.mulf %add3A_26, %mul3A_38 : vector<1000x256xf32>
    %slice3A = vector.extract_strided_slice %mul3A_39 {offsets = [0, 0], sizes = [1000, 128], strides = [1, 1]} : vector<1000x256xf32> to vector<1000x128xf32>
    %swap3A = arith.constant 0 : index
    %swap3A_40 = arith.constant 0 : index
    %swap3A_41 = arith.constant 0 : index
    %swap3A_42 = vector.load %arg5[%swap3A, %swap3A_40, %swap3A_41] : memref<2x1000x128xf32, #tpu.memory_space<vmem>>, vector<1x1000x128xf32>
    %swap3A_43 = vector.shape_cast %swap3A_42 : vector<1x1000x128xf32> to vector<1000x128xf32>
    %swap3A_44 = vector.shape_cast %slice3A : vector<1000x128xf32> to vector<1x1000x128xf32>
    tpu.vector_store %arg5[%swap3A, %swap3A_40, %swap3A_41], %swap3A_44 {strides = array<i32>} : memref<2x1000x128xf32, #tpu.memory_space<vmem>>, vector<1x1000x128xf32>,
    %slice3A_45 = vector.extract_strided_slice %mul3A_39 {offsets = [0, 128], sizes = [1000, 128], strides = [1, 1]} : vector<1000x256xf32> to vector<1000x128xf32>
    %swap3A_46 = arith.constant 1 : index
    %swap3A_47 = arith.constant 0 : index
    %swap3A_48 = arith.constant 0 : index
    %swap3A_49 = vector.load %arg5[%swap3A_46, %swap3A_47, %swap3A_48] : memref<2x1000x128xf32, #tpu.memory_space<vmem>>, vector<1x1000x128xf32>
    %swap3A_50 = vector.shape_cast %swap3A_49 : vector<1x1000x128xf32> to vector<1000x128xf32>
    %swap3A_51 = vector.shape_cast %slice3A_45 : vector<1000x128xf32> to vector<1x1000x128xf32>
    tpu.vector_store %arg5[%swap3A_46, %swap3A_47, %swap3A_48], %swap3A_51 {strides = array<i32>} : memref<2x1000x128xf32, #tpu.memory_space<vmem>>, vector<1x1000x128xf32>,
    return
  }
  func.func @transform_0(%arg0: i32) -> (i32, i32) {
    %c0_i32 = arith.constant 0 : i32
    %c0_i32_0 = arith.constant 0 : i32
    return %arg0, %c0_i32 : i32, i32
  }
  func.func @transform_1(%arg0: i32) -> (i32, i32, i32) {
    %c0_i32 = arith.constant 0 : i32
    %c0_i32_0 = arith.constant 0 : i32
    %c0_i32_1 = arith.constant 0 : i32
    return %c0_i32, %arg0, %c0_i32_0 : i32, i32, i32
  }
  func.func @transform_2(%arg0: i32) -> (i32, i32) {
    %c0_i32 = arith.constant 0 : i32
    %c0_i32_0 = arith.constant 0 : i32
    %c0_i32_1 = arith.constant 0 : i32
    return %c0_i32, %c0_i32_0 : i32, i32
  }
  func.func @transform_3(%arg0: i32) -> (i32, i32) {
    %c0_i32 = arith.constant 0 : i32
    %c0_i32_0 = arith.constant 0 : i32
    %c0_i32_1 = arith.constant 0 : i32
    return %c0_i32, %c0_i32_0 : i32, i32
  }
  func.func @transform_4(%arg0: i32) -> (i32, i32, i32) {
    %c0_i32 = arith.constant 0 : i32
    %c0_i32_0 = arith.constant 0 : i32
    %c0_i32_1 = arith.constant 0 : i32
    return %c0_i32, %arg0, %c0_i32_0 : i32, i32, i32
  }
}

module attributes {stable_mosaic.version = 14 : i64} {
  func.func @_ffn_body(%arg0: i32, %arg1: memref<2x1000x128xf32, #tpu.memory_space<vmem>>, %arg2: memref<1x1000x16xf32, #tpu.memory_space<vmem>>, %arg3: memref<256x256xf32, #tpu.memory_space<vmem>>, %arg4: memref<1x256xf32, #tpu.memory_space<vmem>>, %arg5: memref<1000x256xf32, #tpu.memory_space<vmem>>) attributes {dimension_semantics = [#tpu.dimension_semantics<arbitrary>], iteration_bounds = array<i64: 10>, scalar_prefetch = 0 : i64, scratch_operands = 0 : i64, tpu.core_type = #tpu.core_type<tc>, window_params = [{transform_indices = @transform_0, window_bounds = array<i64: 2, 1000, 128>}, {transform_indices = @transform_1, window_bounds = array<i64: 1, 1000, 16>}, {pipeline_mode = #tpu.pipeline_mode<synchronous>, transform_indices = @transform_2, window_bounds = array<i64: 256, 256>}, {pipeline_mode = #tpu.pipeline_mode<synchronous>, transform_indices = @transform_3, window_bounds = array<i64: 1, 256>}, {transform_indices = @transform_4, window_bounds = array<i64: 1000, 256>}]} {
    %get3A = arith.constant 0 : index
    %get3A_0 = arith.constant 0 : index
    %get3A_1 = arith.constant 0 : index
    %get3A_2 = vector.load %arg2[%get3A, %get3A_0, %get3A_1] : memref<1x1000x16xf32, #tpu.memory_space<vmem>>, vector<1x1000x1xf32>
    %get3A_3 = vector.shape_cast %get3A_2 : vector<1x1000x1xf32> to vector<1000x1xf32>
    %gt3A = arith.constant 0.000000e+00 : f32
    %gt3A_4 = vector.broadcast %gt3A : f32 to vector<1000x1xf32>
    %gt3A_5 = arith.cmpf ogt, %get3A_3, %gt3A_4 : vector<1000x1xf32>
    %max3A = arith.constant 1.000000e+00 : f32
    %max3A_6 = vector.broadcast %max3A : f32 to vector<1000x1xf32>
    %max3A_7 = arith.maximumf %get3A_3, %max3A_6 : vector<1000x1xf32>
    %rsqrt3A = math.rsqrt %max3A_7 : vector<1000x1xf32>
    %jit3A = arith.constant 0.000000e+00 : f32
    %broadcast_in_dim3A = vector.broadcast %jit3A : f32 to vector<1000x1xf32>
    %select_n3A = arith.select %gt3A_5, %rsqrt3A, %broadcast_in_dim3A : vector<1000x1xi1>, vector<1000x1xf32>
    %get3A_8 = arith.constant 0 : index
    %get3A_9 = arith.constant 0 : index
    %get3A_10 = arith.constant 0 : index
    %get3A_11 = vector.load %arg1[%get3A_8, %get3A_9, %get3A_10] : memref<2x1000x128xf32, #tpu.memory_space<vmem>>, vector<1x1000x128xf32>
    %get3A_12 = vector.shape_cast %get3A_11 : vector<1x1000x128xf32> to vector<1000x128xf32>
    %mul3A = vector.broadcast %select_n3A : vector<1000x1xf32> to vector<1000x128xf32>
    %mul3A_13 = arith.mulf %get3A_12, %mul3A : vector<1000x128xf32>
    %get3A_14 = arith.constant 1 : index
    %get3A_15 = arith.constant 0 : index
    %get3A_16 = arith.constant 0 : index
    %get3A_17 = vector.load %arg1[%get3A_14, %get3A_15, %get3A_16] : memref<2x1000x128xf32, #tpu.memory_space<vmem>>, vector<1x1000x128xf32>
    %get3A_18 = vector.shape_cast %get3A_17 : vector<1x1000x128xf32> to vector<1000x128xf32>
    %mul3A_19 = vector.broadcast %select_n3A : vector<1000x1xf32> to vector<1000x128xf32>
    %mul3A_20 = arith.mulf %get3A_18, %mul3A_19 : vector<1000x128xf32>
    %concatenate3A = tpu.concatenate %mul3A_13, %mul3A_20 in 1 : vector<1000x128xf32>, vector<1000x128xf32> -> vector<1000x256xf32>
    %get3A_21 = arith.constant 0 : index
    %get3A_22 = arith.constant 0 : index
    %get3A_23 = vector.load %arg3[%get3A_21, %get3A_22] : memref<256x256xf32, #tpu.memory_space<vmem>>, vector<256x256xf32>
    %dot_general3A = arith.constant dense<0.000000e+00> : vector<1000x256xf32>
    %dot_general3A_24 = tpu.matmul %concatenate3A, %get3A_23, %dot_general3A {dimension_numbers = #tpu.dot_dimension_numbers<[1], [0], [0], [1], [0, 0, 1, 1], [], []>, transpose_lhs_hint = false} : vector<1000x256xf32>, vector<256x256xf32>, vector<1000x256xf32> -> vector<1000x256xf32>
    %get3A_25 = arith.constant 0 : index
    %get3A_26 = arith.constant 0 : index
    %get3A_27 = vector.load %arg4[%get3A_25, %get3A_26] : memref<1x256xf32, #tpu.memory_space<vmem>>, vector<1x256xf32>
    %add3A = vector.broadcast %get3A_27 : vector<1x256xf32> to vector<1000x256xf32>
    %add3A_28 = arith.addf %dot_general3A_24, %add3A : vector<1000x256xf32>
    %swap3A = arith.constant 0 : index
    %swap3A_29 = arith.constant 0 : index
    %swap3A_30 = vector.load %arg5[%swap3A, %swap3A_29] : memref<1000x256xf32, #tpu.memory_space<vmem>>, vector<1000x256xf32>
    tpu.vector_store %arg5[%swap3A, %swap3A_29], %add3A_28 {strides = array<i32>} : memref<1000x256xf32, #tpu.memory_space<vmem>>, vector<1000x256xf32>,
    return
  }
  func.func @transform_0(%arg0: i32) -> (i32, i32, i32) {
    %c0_i32 = arith.constant 0 : i32
    %c0_i32_0 = arith.constant 0 : i32
    %c0_i32_1 = arith.constant 0 : i32
    return %c0_i32, %arg0, %c0_i32_0 : i32, i32, i32
  }
  func.func @transform_1(%arg0: i32) -> (i32, i32, i32) {
    %c1_i32 = arith.constant 1 : i32
    %c0_i32 = arith.constant 0 : i32
    %c0_i32_0 = arith.constant 0 : i32
    return %c1_i32, %arg0, %c0_i32 : i32, i32, i32
  }
  func.func @transform_2(%arg0: i32) -> (i32, i32) {
    %c0_i32 = arith.constant 0 : i32
    %c0_i32_0 = arith.constant 0 : i32
    %c0_i32_1 = arith.constant 0 : i32
    return %c0_i32, %c0_i32_0 : i32, i32
  }
  func.func @transform_3(%arg0: i32) -> (i32, i32) {
    %c0_i32 = arith.constant 0 : i32
    %c0_i32_0 = arith.constant 0 : i32
    %c0_i32_1 = arith.constant 0 : i32
    return %c0_i32, %c0_i32_0 : i32, i32
  }
  func.func @transform_4(%arg0: i32) -> (i32, i32) {
    %c0_i32 = arith.constant 0 : i32
    %c0_i32_0 = arith.constant 0 : i32
    return %arg0, %c0_i32 : i32, i32
  }
}

</mosaic_0001>

<sc_bundles>
// kernel: kernel.6.cloned.1.call-start
scs
__scs_entry_jumppad:
0x0: {  	(pc) =	sbr.rel $0x88, $3  }
0x1: {  	(tag) =	ssettag $0x0;
	lr =	simm.s32 $0x1  }
0x2: {  	[smem:$0x3F9B] =	sst lr;
	_ =	strace $0xD0000000  }
0x3: {  	_ = 	snop  }
0x4: {  	_ = 	snop  }
0x5: {  	_ = 	snop  }
0x6: {  	_ = 	snop  }
0x7: {  	_ = 	snop  }
__scs_overlays_trampoline_lowered:
0x8: {  	[smem:$0x3FAA] =	sst s0  }
0x9: {  	[smem:$0x3FAB] =	sst s1  }
0xa: {  	[smem:$0x3FAC] =	sst s2  }
0xb: {  	[smem:$0x3FAD] =	sst s3  }
0xc: {  	[smem:$0x3FAE] =	sst s4  }
0xd: {  	[smem:$0x3FAF] =	sst s5  }
0xe: {  	[smem:$0x3FB0] =	sst s6  }
0xf: {  	[smem:$0x3FB1] =	sst s7  }
0x10: {  	[smem:$0x3FB2] =	sst s8  }
0x11: {  	[smem:$0x3FB3] =	sst s9;
	s0 =	simm.s32 @!p0 $0x0  }
0x12: {  	s1 =	sld [smem:$0x3F99];
	s0 =	simm.s32 @p0 $0x1  }
0x13: {  	[smem:$0x3FB4] =	sst s0;
	s0 =	simm.s32 @!p1 $0x0  }
0x14: {  	s2 =	sld [smem:$0x3F98];
	s0 =	simm.s32 @p1 $0x1  }
0x15: {  	[smem:$0x3FB5] =	sst s0;
	s0 =	simm.s32 @!p2 $0x0  }
0x16: {  	s3 =	sld [smem:$0x3FDB];
	s0 =	simm.s32 @p2 $0x1  }
0x17: {  	s4 =	simm.s32 $0x1BF5;
	[smem:$0x3FB7] =	sst s0  }
0x18: {  	s0 =	sld [smem:$0x3F9A];
	_ =	swait.ge [sflag:s4], $0x0  }
0x19: {  	s7 =	sld [smem:$0x3F9B]  }
0x1a: {  	s8 =	sadd.s32 $0xFFFFE003, lr  }
0x1b: {  	s9 =	sadd.s32 $0xFFFFFEF7, lr;
	s5 =	simm.s32 $0xFFFFFFFF;
	p2 =	slt.u32 s8, $0xFFFFF086  }
0x1c: {  	p1 =	slt.u32 s9, $0xF7A;
	s5 =	simm.s32 @!p2 $0x0  }
0x1d: {  	s5 =	simm.s32 @p1 $0x1;
	p0 =	seq.s32 s7, s2  }
0x1e: {  	s7 =	smul.u32 @!p0 $0xF7A, s2;
	p2 =	seq.s32 @!p0 s5, $0x0  }
0x1f: {  	s9 =	smul.u32 $0xF7A, s1;
	s8 =	simm.s32 @!p0 $0x1BF5;
	p2 =	por !p2, p0  }
0x20: {  	[sflag:s8] =	ssyncset.s32 @!p0 $0xFFFFF086;
	s6 =	sadd.s32 @!p0 s3, s7;
	s7 =	simm.s32 @!p0 $0x108  }
0x21: {  	s3 =	sadd.s32 s3, s9;
	s6 =	sadd.s32 @!p0 $0x88, s6;
	s7 =	simm.s32 @p2 $0x1082  }
0x22: {  	[simem:s7], [sflag:s8] =	dma.local @!p0 [hbm:s6], $0xF7A  }
0x23: {  	s9 =	sor.u32 $0xD0000000, s2;
	s6 =	simm.s32 $0x108;
	_ =	swait.ge @!p0 [sflag:s8], $0x0  }
0x24: {  	s3 =	sadd.s32 $0x88, s3;
	s6 =	simm.s32 @!p1 $0x1082;
	[sflag:s4] =	ssyncset.s32 $0xFFFFF086  }
0x25: {  	[simem:s6], [sflag:s4] =	dma.local [hbm:s3], $0xF7A  }
0x26: {  	[smem:$0x3F9B] =	sst s1;
	(tag) =	ssettag s2;
	_ =	strace s9  }
0x27: {  	s1 =	sld [smem:$0x3FAB]  }
0x28: {  	s2 =	sld [smem:$0x3FAC]  }
0x29: {  	s4 =	sld [smem:$0x3FAE]  }
0x2a: {  	p0 =	seq.s32 s5, $0x0;
	s5 =	sld [smem:$0x3FAF]  }
0x2b: {  	s6 =	sld [smem:$0x3FB0]  }
0x2c: {  	s7 =	sld [smem:$0x3FB1]  }
0x2d: {  	s3 =	simm.s32 $0x108;
	s8 =	sld [smem:$0x3FB2]  }
0x2e: {  	s3 =	simm.s32 @!p0 $0x1082;
	s9 =	sld [smem:$0x3FB3]  }
0x2f: {  	lr =	sadd.s32 s0, s3;
	s0 =	sld [smem:$0x3FAA]  }
0x30: {  	s3 =	sld [smem:$0x3FAD]  }
0x31: {  	[smem:$0x3FB6] =	sst s10  }
0x32: {  	s10 =	sld [smem:$0x3FB4];
	_ =	sdelay $0x3  }
0x33: {  	p0 =	seq.s32 s10, $0x1;
	s10 =	sld [smem:$0x3FB6];
	_ =	sdelay $0x3  }
0x34: {  	[smem:$0x3FB6] =	sst s10  }
0x35: {  	s10 =	sld [smem:$0x3FB5];
	_ =	sdelay $0x3  }
0x36: {  	p1 =	seq.s32 s10, $0x1;
	s10 =	sld [smem:$0x3FB6];
	_ =	sdelay $0x3  }
0x37: {  	[smem:$0x3FB6] =	sst s10  }
0x38: {  	s10 =	sld [smem:$0x3FB7]  }
0x39: {  	_ = 	snop;
	(pc) =	sbr.ind lr, $3  }
0x3a: {  	_ = 	snop  }
0x3b: {  	_ = 	snop  }
0x3c: {  	p2 =	seq.s32 s10, $0x1;
	s10 =	sld [smem:$0x3FB6]  }
0x3d: {  	_ =	shalt  }
0x3e: {  	_ =	shalt  }
0x3f: {  	_ =	shalt  }
0x40: {  	_ =	shalt  }
0x41: {  	_ =	shalt  }
0x42: {  	_ =	shalt  }
0x43: {  	_ =	shalt  }
0x44: {  	_ =	shalt  }
0x45: {  	_ =	shalt  }
0x46: {  	_ =	shalt  }
0x47: {  	_ =	shalt  }
0x48: {  	_ =	shalt  }
0x49: {  	_ =	shalt  }
0x4a: {  	_ =	shalt  }
0x4b: {  	_ =	shalt  }
0x4c: {  	_ =	shalt  }
0x4d: {  	_ =	shalt  }
0x4e: {  	_ =	shalt  }
0x4f: {  	_ =	shalt  }
0x50: {  	_ =	shalt  }
0x51: {  	_ =	shalt  }
0x52: {  	_ =	shalt  }
0x53: {  	_ =	shalt  }
0x54: {  	_ =	shalt  }
0x55: {  	_ =	shalt  }
0x56: {  	_ =	shalt  }
0x57: {  	_ =	shalt  }
0x58: {  	_ =	shalt  }
0x59: {  	_ =	shalt  }
0x5a: {  	_ =	shalt  }
0x5b: {  	_ =	shalt  }
0x5c: {  	_ =	shalt  }
0x5d: {  	_ =	shalt  }
0x5e: {  	_ =	shalt  }
0x5f: {  	_ =	shalt  }
0x60: {  	_ =	shalt  }
0x61: {  	_ =	shalt  }
0x62: {  	_ =	shalt  }
0x63: {  	_ =	shalt  }
0x64: {  	_ =	shalt  }
0x65: {  	_ =	shalt  }
0x66: {  	_ =	shalt  }
0x67: {  	_ =	shalt  }
0x68: {  	_ =	shalt  }
0x69: {  	_ =	shalt  }
0x6a: {  	_ =	shalt  }
0x6b: {  	_ =	shalt  }
0x6c: {  	_ =	shalt  }
0x6d: {  	_ =	shalt  }
0x6e: {  	_ =	shalt  }
0x6f: {  	_ =	shalt  }
0x70: {  	_ =	shalt  }
0x71: {  	_ =	shalt  }
0x72: {  	_ =	shalt  }
0x73: {  	_ =	shalt  }
0x74: {  	_ =	shalt  }
0x75: {  	_ =	shalt  }
0x76: {  	_ =	shalt  }
0x77: {  	_ =	shalt  }
0x78: {  	_ =	shalt  }
0x79: {  	_ =	shalt  }
0x7a: {  	_ =	shalt  }
0x7b: {  	_ =	shalt  }
0x7c: {  	_ =	shalt  }
0x7d: {  	_ =	shalt  }
0x7e: {  	_ =	shalt  }
0x7f: {  	_ =	shalt  }
0x80: {  	_ =	shalt  }
0x81: {  	_ =	shalt  }
0x82: {  	_ =	shalt  }
0x83: {  	_ =	shalt  }
0x84: {  	_ =	shalt  }
0x85: {  	_ =	shalt  }
0x86: {  	_ =	shalt  }
0x87: {  	_ =	shalt  }
.Lfunc_end0:
.L_simem_size_0:
called_computation_lowered:
.L_overlay_start_0:
0x88: {  	s2 =	sld [smem:$0x3FD9]  }
0x89: {  	s3 =	sld [smem:$0x3FFE];
	_ =	sdelay $0x1  }
0x8a: {  	s1 =	srdreg.scid  }
0x8b: {  	s0 =	sand.u32 $0x1, s1  }
0x8c: {  	s17 =	sshll.u32 s0, $0xA;
	s2 =	sadd.s32 s3, s2  }
0x8d: {  	s2 =	sadd.s32 s2, s17  }
0x8e: {  	[smem:$0x3FC2] =	sst s2  }
0x8f: {  	_ = 	snop  }
0x90: {  	s2 =	sld [smem:$0x3FD0];
	(tm) =	ssettm $0x1  }
0x91: {  	s18 =	sld [smem:$0x3FFB];
	_ =	sdelay $0x3  }
0x92: {  	_ =	strace s18  }
0x93: {  	s3 =	sld [smem:$0x3FFC];
	_ =	sdelay $0x3  }
0x94: {  	_ =	strace s3  }
0x95: {  	s3 =	sld [smem:$0x3FFD];
	_ =	sdelay $0x3  }
0x96: {  	_ =	strace s3  }
0x97: {  	_ =	strace $0x8FFFFFFF  }
0x98: {  	s19 =	sld [smem:$0x3FDB];
	_ =	sdelay $0x1  }
0x99: {  	s4 =	simm.s32 $_scs_section_size  }
0x9a: {  	s5 =	simm.s32 $_size__tile_overlayer_lowered;
	s6 =	simm.s32 $_tile_overlayer_lowered  }
0x9b: {  	s22 =	simm.s32 $0x1BFF;
	s21 =	sshll.u32 s6, $0x1;
	s3 =	sadd.s32 s4, s19  }
0x9c: {  	s7 =	simm.s32 $0x0;
	s20 =	sshll.u32 s5, $0x1;
	s5 =	sadd.s32 s21, s3  }
0x9d: {  	[timem:s7], [sflag:s22] =	dma.local [hbm:s5], s20  }
0x9e: {  	_ =	swait.ge [sflag:s22], s20  }
0x9f: {  	s4 =	ssub.s32 $0x0, s20;
	[sflag:s22] =	ssyncset.done $0x0  }
0xa0: {  	[sflag:s22] =	ssyncadd.s32 s4;
	_ =	sdelay $0x1  }
0xa1: {  	s23 =	simm.s32 $0x1B8B  }
0xa2: {  	_ =	swait.ge [sflag:s23], $0x1  }
0xa3: {  	[sflag:s23] =	ssyncset.done $0x0  }
0xa4: {  	s25 =	simm.s32 $0x1B8E;
	s24 =	sld [smem:$0x3FFE];
	[sflag:s23] =	ssyncadd.s32 $0xFFFFFFFF  }
0xa5: {  	s26 =	simm.s32 $execute0_lowered;
	[smem:$0x3FD2] =	sst s25  }
0xa6: {  	s5 =	sshll.u32 s26, $0x1;
	_ =	strace $0x80000046;
	[dreg:$0x1] =	wrdreg $0xFFFFFFFF  }
0xa7: {  	s28 =	simm.s32 $_size_execute0_lowered;
	s3 =	sadd.s32 s3, s5;
	[dreg:$0x0] =	wrdreg $0x0  }
0xa8: {  	s5 =	sshll.u32 s28, $0x1;
	[dreg:$0x2] =	wrdreg s3  }
0xa9: {  	[dreg:$0x3] =	wrdreg s5  }
0xaa: {  	[dreg:$0x4] =	wrdreg $0xC0  }
0xab: {  	_ =	task [dreg:s7], $0x5FFFF  }
0xac: {  	[dreg:$0x1] =	wrdreg $0xFFFFFFFF  }
0xad: {  	[dreg:$0x0] =	wrdreg $0x60  }
0xae: {  	[dreg:$0x2] =	wrdreg s2  }
0xaf: {  	[dreg:$0x3] =	wrdreg s24  }
0xb0: {  	[dreg:$0x4] =	wrdreg $0x30000  }
0xb1: {  	[dreg:$0x5] =	wrdreg $0x9  }
0xb2: {  	_ =	task.clear_ibuf [dreg:s7], $0x6FFFF;
	_ =	strace $0x90000046  }
0xb3: {  	s29 =	simm.s32 $0x9;
	_ =	strace $0x80000048  }
0xb4: {  	_ =	swait.ge [sflag:s29], $0x1  }
0xb5: {  	[sflag:s29] =	ssyncadd.s32 $0xFFFFFFFF  }
0xb6: {  	_ =	strace $0x90000048  }
0xb7: {  	_ =	sfence  }
0xb8: {  	s30 =	sld [smem:$0x0];
	_ =	sdelay $0x2  }
0xb9: {  	s31 =	sshll.u32 s1, $0xD;
	s1 =	sshrl.u32 s1, $0x2  }
0xba: {  	s3 =	sand.u32 $0x4000, s31;
	s1 =	sadd.s32 s1, s30  }
0xbb: {  	s0 =	sor.u32 s3, s0;
	s1 =	sshll.u32 s1, $0x11  }
0xbc: {  	s0 =	sor.u32 s1, s0  }
0xbd: {  	s0 =	sadd.s32 $0x8F2B, s0  }
0xbe: {  	[sflag:s0] =	ssyncadd.remote.s32 $0x1  }
0xbf: {  	_ =	sfence.sel $0xFFFF  }
0xc0: {  	[dreg:$0x0] =	wrdreg $0xFFFFFFFF;
	(pc) =	sbr.abs _section_cstart, $3  }
0xc1: {  	[dreg:$0x1] =	wrdreg $0xFFFFFFFF  }
0xc2: {  	_ =	task.clear_ibuf [dreg:s7], $0x2FFFF;
	_ =	strace $0x9FFFFFFF  }
0xc3: {  	(tm) =	ssettm $0x7FFFFFFF  }
tec
execute0_lowered:
.L_overlay_start_1:
0x0: {  	(tag) =	ssettag $0x1  }
0x1: {  	s6 =	rddreg [dreg:$0x0]  }
0x2: {  	s4 =	rddreg [dreg:$0x1]  }
0x3: {  	s2 =	rddreg [dreg:$0x2]  }
0x4: {  	s0 =	rddreg [dreg:$0x3]  }
0x5: {  	s1 =	stileid.u32;
	s5 =	srdreg.scid;
	s3 =	simm.s32 $0x0  }
0x6: {  	s13 =	simm.s32 $0x1;
	s14 =	simm.s32 $0x0;
	s7 =	smul.u32 $0x2780, s1  }
0x7: {  	s5 =	sand.u32 $0x1, s5;
	[smem:$0x7FF] =	sst s3;
	s12 =	smul.u32 $0x2800, s1  }
0x8: {  	s30 =	sshll.u32 s1, $0x6;
	s8 =	smul.u32 $0x27800, s5;
	_ =	strace $0x80000047  }
0x9: {  	s10 =	ssub.s32 $0x2, s5;
	s5 =	smul.u32 $0x28000, s5;
	s9 =	sshrl.u32 s7, $0x3  }
0xa: {  	s11 =	sshrl.u32 s10, $0x1;
	s29 =	sadd.s32 s7, s2;
	s8 =	sadd.s32 s7, s8  }
0xb: {  	s9 =	sadd.s32 s9, s4;
	s10 =	ssub.s32 s10, s11;
	s12 =	sadd.s32 s12, s5  }
0xc: {  	s5 =	sor.u32 $0x1C02, s30;
	s11 =	simm.s32 $0x80;
	s8 =	sshrl.u32 s8, $0x3  }
0xd: {  	s31 =	sshrl.u32 s12, $0x3;
	s12 =	simm.s32 $0x2800;
	s8 =	sadd.s32 s8, s4  }
0xe: {  	s4 =	sadd.s32 $0x2600, s9;
	s6 =	sadd.s32 s6, s31;
	s9 =	sshrl.u32 s29, $0x3  }
0xf: {  	v0 =	vimm.f32 $1.000000000e+00;
	s7 =	sadd.s32 $0x7600, s8;
	s8 =	smax.u32 s10, $0x1;
	s10 =	simm.s32 $0x2  }
.LBB2_1:
0x10: {  	[tilespmem:$0x2800] =	vst v0  }
0x11: {  	[tilespmem:$0x2810] =	vst v0  }
0x12: {  	[tilespmem:$0x2820] =	vst v0  }
0x13: {  	[tilespmem:$0x2830] =	vst v0  }
0x14: {  	[tilespmem:$0x2840] =	vst v0  }
0x15: {  	[tilespmem:$0x2850] =	vst v0  }
0x16: {  	[tilespmem:$0x2860] =	vst v0  }
0x17: {  	[tilespmem:$0x2870] =	vst v0  }
0x18: {  	[tilespmem:$0x2880] =	vst v0  }
0x19: {  	[tilespmem:$0x2890] =	vst v0  }
0x1a: {  	[tilespmem:$0x28A0] =	vst v0  }
0x1b: {  	[tilespmem:$0x28B0] =	vst v0  }
0x1c: {  	[tilespmem:$0x28C0] =	vst v0  }
0x1d: {  	[tilespmem:$0x28D0] =	vst v0  }
0x1e: {  	[tilespmem:$0x28E0] =	vst v0  }
0x1f: {  	[tilespmem:$0x28F0] =	vst v0  }
0x20: {  	[tilespmem:$0x2900] =	vst v0  }
0x21: {  	[tilespmem:$0x2910] =	vst v0  }
0x22: {  	[tilespmem:$0x2920] =	vst v0  }
0x23: {  	[tilespmem:$0x2930] =	vst v0  }
0x24: {  	[tilespmem:$0x2940] =	vst v0  }
0x25: {  	[tilespmem:$0x2950] =	vst v0  }
0x26: {  	[tilespmem:$0x2960] =	vst v0  }
0x27: {  	[tilespmem:$0x2970] =	vst v0  }
0x28: {  	[tilespmem:$0x2980] =	vst v0  }
0x29: {  	[tilespmem:$0x2990] =	vst v0  }
0x2a: {  	[tilespmem:$0x29A0] =	vst v0  }
0x2b: {  	[tilespmem:$0x29B0] =	vst v0  }
0x2c: {  	[tilespmem:$0x29C0] =	vst v0  }
0x2d: {  	[tilespmem:$0x29D0] =	vst v0  }
0x2e: {  	[tilespmem:$0x29E0] =	vst v0  }
0x2f: {  	[tilespmem:$0x29F0] =	vst v0  }
0x30: {  	[tilespmem:$0x2A00] =	vst v0  }
0x31: {  	[tilespmem:$0x2A10] =	vst v0  }
0x32: {  	[tilespmem:$0x2A20] =	vst v0  }
0x33: {  	[tilespmem:$0x2A30] =	vst v0  }
0x34: {  	[tilespmem:$0x2A40] =	vst v0  }
0x35: {  	[tilespmem:$0x2A50] =	vst v0  }
0x36: {  	[tilespmem:$0x2A60] =	vst v0  }
0x37: {  	[tilespmem:$0x2A70] =	vst v0  }
0x38: {  	[tilespmem:$0x2A80] =	vst v0  }
0x39: {  	[tilespmem:$0x2A90] =	vst v0  }
0x3a: {  	[tilespmem:$0x2AA0] =	vst v0  }
0x3b: {  	[tilespmem:$0x2AB0] =	vst v0  }
0x3c: {  	[tilespmem:$0x2AC0] =	vst v0  }
0x3d: {  	[tilespmem:$0x2AD0] =	vst v0  }
0x3e: {  	[tilespmem:$0x2AE0] =	vst v0  }
0x3f: {  	[tilespmem:$0x2AF0] =	vst v0  }
0x40: {  	[tilespmem:$0x2B00] =	vst v0  }
0x41: {  	[tilespmem:$0x2B10] =	vst v0  }
0x42: {  	[tilespmem:$0x2B20] =	vst v0  }
0x43: {  	[tilespmem:$0x2B30] =	vst v0  }
0x44: {  	[tilespmem:$0x2B40] =	vst v0  }
0x45: {  	[tilespmem:$0x2B50] =	vst v0  }
0x46: {  	[tilespmem:$0x2B60] =	vst v0  }
0x47: {  	[tilespmem:$0x2B70] =	vst v0  }
0x48: {  	[tilespmem:$0x2B80] =	vst v0  }
0x49: {  	[tilespmem:$0x2B90] =	vst v0  }
0x4a: {  	[tilespmem:$0x2BA0] =	vst v0  }
0x4b: {  	[tilespmem:$0x2BB0] =	vst v0  }
0x4c: {  	[tilespmem:$0x2BC0] =	vst v0  }
0x4d: {  	[tilespmem:$0x2BD0] =	vst v0  }
0x4e: {  	[tilespmem:$0x2BE0] =	vst v0  }
0x4f: {  	[tilespmem:$0x2BF0] =	vst v0  }
0x50: {  	[tilespmem:$0x2C00] =	vst v0  }
0x51: {  	[tilespmem:$0x2C10] =	vst v0  }
0x52: {  	[tilespmem:$0x2C20] =	vst v0  }
0x53: {  	[tilespmem:$0x2C30] =	vst v0  }
0x54: {  	[tilespmem:$0x2C40] =	vst v0  }
0x55: {  	[tilespmem:$0x2C50] =	vst v0  }
0x56: {  	[tilespmem:$0x2C60] =	vst v0  }
0x57: {  	[tilespmem:$0x2C70] =	vst v0  }
0x58: {  	[tilespmem:$0x2C80] =	vst v0  }
0x59: {  	[tilespmem:$0x2C90] =	vst v0  }
0x5a: {  	[tilespmem:$0x2CA0] =	vst v0  }
0x5b: {  	[tilespmem:$0x2CB0] =	vst v0  }
0x5c: {  	[tilespmem:$0x2CC0] =	vst v0  }
0x5d: {  	[tilespmem:$0x2CD0] =	vst v0  }
0x5e: {  	[tilespmem:$0x2CE0] =	vst v0  }
0x5f: {  	[tilespmem:$0x2CF0] =	vst v0  }
0x60: {  	[tilespmem:$0x2D00] =	vst v0  }
0x61: {  	[tilespmem:$0x2D10] =	vst v0  }
0x62: {  	[tilespmem:$0x2D20] =	vst v0  }
0x63: {  	[tilespmem:$0x2D30] =	vst v0  }
0x64: {  	[tilespmem:$0x2D40] =	vst v0  }
0x65: {  	[tilespmem:$0x2D50] =	vst v0  }
0x66: {  	[tilespmem:$0x2D60] =	vst v0  }
0x67: {  	[tilespmem:$0x2D70] =	vst v0  }
0x68: {  	[tilespmem:$0x2D80] =	vst v0  }
0x69: {  	[tilespmem:$0x2D90] =	vst v0  }
0x6a: {  	[tilespmem:$0x2DA0] =	vst v0  }
0x6b: {  	[tilespmem:$0x2DB0] =	vst v0  }
0x6c: {  	[tilespmem:$0x2DC0] =	vst v0  }
0x6d: {  	[tilespmem:$0x2DD0] =	vst v0  }
0x6e: {  	[tilespmem:$0x2DE0] =	vst v0  }
0x6f: {  	[tilespmem:$0x2DF0] =	vst v0  }
0x70: {  	[tilespmem:$0x2E00] =	vst v0  }
0x71: {  	[tilespmem:$0x2E10] =	vst v0  }
0x72: {  	[tilespmem:$0x2E20] =	vst v0  }
0x73: {  	[tilespmem:$0x2E30] =	vst v0  }
0x74: {  	[tilespmem:$0x2E40] =	vst v0  }
0x75: {  	[tilespmem:$0x2E50] =	vst v0  }
0x76: {  	[tilespmem:$0x2E60] =	vst v0  }
0x77: {  	[tilespmem:$0x2E70] =	vst v0  }
0x78: {  	[tilespmem:$0x2E80] =	vst v0  }
0x79: {  	[tilespmem:$0x2E90] =	vst v0  }
0x7a: {  	[tilespmem:$0x2EA0] =	vst v0  }
0x7b: {  	[tilespmem:$0x2EB0] =	vst v0  }
0x7c: {  	[tilespmem:$0x2EC0] =	vst v0  }
0x7d: {  	[tilespmem:$0x2ED0] =	vst v0  }
0x7e: {  	[tilespmem:$0x2EE0] =	vst v0  }
0x7f: {  	[tilespmem:$0x2EF0] =	vst v0  }
0x80: {  	[tilespmem:$0x2F00] =	vst v0  }
0x81: {  	[tilespmem:$0x2F10] =	vst v0  }
0x82: {  	[tilespmem:$0x2F20] =	vst v0  }
0x83: {  	[tilespmem:$0x2F30] =	vst v0  }
0x84: {  	[tilespmem:$0x2F40] =	vst v0  }
0x85: {  	[tilespmem:$0x2F50] =	vst v0  }
0x86: {  	[tilespmem:$0x2F60] =	vst v0  }
0x87: {  	[tilespmem:$0x2F70] =	vst v0  }
0x88: {  	[tilespmem:$0x2F80] =	vst v0  }
0x89: {  	[tilespmem:$0x2F90] =	vst v0  }
0x8a: {  	[tilespmem:$0x2FA0] =	vst v0  }
0x8b: {  	[tilespmem:$0x2FB0] =	vst v0  }
0x8c: {  	[tilespmem:$0x2FC0] =	vst v0  }
0x8d: {  	[tilespmem:$0x2FD0] =	vst v0  }
0x8e: {  	[tilespmem:$0x2FE0] =	vst v0  }
0x8f: {  	[tilespmem:$0x2FF0] =	vst v0  }
0x90: {  	[spmem:s9], [sflag:s5] =	dma.local [hbm:s4], $0x4F0  }
0x91: {  	_ =	swait.ge [sflag:s10], $0x4F0  }
0x92: {  	[sflag:s10] =	ssyncset.done $0x0  }
0x93: {  	[sflag:s10] =	ssyncadd.s32 $0xFFFFFB10  }
0x94: {  	[bflag:$0x0] =	sbarrier.arrive $0xFFFF  }
0x95: {  	[tilespmem:s3], [sflag:$0x2] =	stream.linear.gather [hbm4b:s6+s3], $0x2800, $0x38;
	[tilespmem:$0x5780] =	vst v63  }
0x96: {  	_ =	swait.ge [sflag:s10], $0x2800  }
0x97: {  	[sflag:s10] =	ssyncset.done $0x0  }
0x98: {  	s15 =	simm.s32 $0x0;
	[sflag:s10] =	ssyncadd.s32 $0xFFFFD800  }
0x99: {  	[spmem:s2] =	stream.indirect.scatter.add.f32 [tilespmem:s12], [sflag:$0x1], $0x10, s15, s11, $0xb8;
	[tilespmem:$0x5780] =	vst v63  }
0x9a: {  	s24 =	simm.s32 $0x80  }
0x9b: {  	[spmem:s2] =	stream.indirect.scatter.add.f32 [tilespmem:s12], [sflag:$0x1], $0x10, s24, s11, $0xb8;
	[tilespmem:$0x5780] =	vst v63  }
0x9c: {  	s25 =	simm.s32 $0x100  }
0x9d: {  	[spmem:s2] =	stream.indirect.scatter.add.f32 [tilespmem:s12], [sflag:$0x1], $0x10, s25, s11, $0xb8;
	[tilespmem:$0x5780] =	vst v63  }
0x9e: {  	s26 =	simm.s32 $0x180  }
0x9f: {  	[spmem:s2] =	stream.indirect.scatter.add.f32 [tilespmem:s12], [sflag:$0x1], $0x10, s26, s11, $0xb8;
	[tilespmem:$0x5780] =	vst v63  }
0xa0: {  	s28 =	simm.s32 $0x200  }
0xa1: {  	[spmem:s2] =	stream.indirect.scatter.add.f32 [tilespmem:s12], [sflag:$0x1], $0x10, s28, s11, $0xb8;
	[tilespmem:$0x5780] =	vst v63  }
0xa2: {  	s29 =	simm.s32 $0x280  }
0xa3: {  	[spmem:s2] =	stream.indirect.scatter.add.f32 [tilespmem:s12], [sflag:$0x1], $0x10, s29, s11, $0xb8;
	[tilespmem:$0x5780] =	vst v63  }
0xa4: {  	s30 =	simm.s32 $0x300  }
0xa5: {  	[spmem:s2] =	stream.indirect.scatter.add.f32 [tilespmem:s12], [sflag:$0x1], $0x10, s30, s11, $0xb8;
	[tilespmem:$0x5780] =	vst v63  }
0xa6: {  	s31 =	simm.s32 $0x380  }
0xa7: {  	[spmem:s2] =	stream.indirect.scatter.add.f32 [tilespmem:s12], [sflag:$0x1], $0x10, s31, s11, $0xb8;
	[tilespmem:$0x5780] =	vst v63  }
0xa8: {  	_ =	swait.ge [sflag:s13], $0x800  }
0xa9: {  	[sflag:s13] =	ssyncset.done $0x0  }
0xaa: {  	[sflag:s13] =	ssyncadd.s32 $0xFFFFF800  }
0xab: {  	_ =	swait.ge [sflag:s13], $0x800  }
0xac: {  	[sflag:s13] =	ssyncset.done $0x0  }
0xad: {  	[sflag:s13] =	ssyncadd.s32 $0xFFFFF800  }
0xae: {  	_ =	swait.ge [sflag:s13], $0x800  }
0xaf: {  	[sflag:s13] =	ssyncset.done $0x0  }
0xb0: {  	[sflag:s13] =	ssyncadd.s32 $0xFFFFF800  }
0xb1: {  	_ =	swait.ge [sflag:s13], $0x800  }
0xb2: {  	[sflag:s13] =	ssyncset.done $0x0  }
0xb3: {  	[sflag:s13] =	ssyncadd.s32 $0xFFFFF800  }
0xb4: {  	_ =	swait.ge [sflag:s13], $0x800  }
0xb5: {  	[sflag:s13] =	ssyncset.done $0x0  }
0xb6: {  	[sflag:s13] =	ssyncadd.s32 $0xFFFFF800  }
0xb7: {  	_ =	swait.ge [sflag:s13], $0x800  }
0xb8: {  	[sflag:s13] =	ssyncset.done $0x0  }
0xb9: {  	[sflag:s13] =	ssyncadd.s32 $0xFFFFF800  }
0xba: {  	_ =	swait.ge [sflag:s13], $0x800  }
0xbb: {  	[sflag:s13] =	ssyncset.done $0x0  }
0xbc: {  	[sflag:s13] =	ssyncadd.s32 $0xFFFFF800  }
0xbd: {  	_ =	swait.ge [sflag:s13], $0x800  }
0xbe: {  	s17 =	simm.s32 $0x2000;
	s15 =	simm.s32 $0x1000;
	[sflag:s13] =	ssyncset.done $0x0  }
.LBB2_2:
0xbf: {  	s18 =	sshra.s32 s15, $0x2  }
0xc0: {  	[sflag:s13] =	ssyncadd.s32 $0xFFFFF800;
	s15 =	smov.u32 s17;
	s16 =	sadd.s32 $0x1000, s17  }
0xc1: {  	[spmem:s2] =	stream.indirect.scatter.add.f32 [tilespmem:s12], [sflag:$0x1], $0x10, s18, s11, $0xb8;
	[tilespmem:$0x5780] =	vst v63  }
0xc2: {  	p0 =	sne.s32 s17, $0x9000;
	s17 =	sadd.s32 $0x80, s18  }
0xc3: {  	[spmem:s2] =	stream.indirect.scatter.add.f32 [tilespmem:s12], [sflag:$0x1], $0x10, s17, s11, $0xb8;
	[tilespmem:$0x5780] =	vst v63  }
0xc4: {  	s17 =	sadd.s32 $0x100, s18  }
0xc5: {  	[spmem:s2] =	stream.indirect.scatter.add.f32 [tilespmem:s12], [sflag:$0x1], $0x10, s17, s11, $0xb8;
	[tilespmem:$0x5780] =	vst v63  }
0xc6: {  	s17 =	sadd.s32 $0x180, s18  }
0xc7: {  	[spmem:s2] =	stream.indirect.scatter.add.f32 [tilespmem:s12], [sflag:$0x1], $0x10, s17, s11, $0xb8;
	[tilespmem:$0x5780] =	vst v63  }
0xc8: {  	s17 =	sadd.s32 $0x200, s18  }
0xc9: {  	[spmem:s2] =	stream.indirect.scatter.add.f32 [tilespmem:s12], [sflag:$0x1], $0x10, s17, s11, $0xb8;
	[tilespmem:$0x5780] =	vst v63  }
0xca: {  	s17 =	sadd.s32 $0x280, s18  }
0xcb: {  	[spmem:s2] =	stream.indirect.scatter.add.f32 [tilespmem:s12], [sflag:$0x1], $0x10, s17, s11, $0xb8;
	[tilespmem:$0x5780] =	vst v63  }
0xcc: {  	s17 =	sadd.s32 $0x300, s18  }
0xcd: {  	[spmem:s2] =	stream.indirect.scatter.add.f32 [tilespmem:s12], [sflag:$0x1], $0x10, s17, s11, $0xb8;
	[tilespmem:$0x5780] =	vst v63  }
0xce: {  	s17 =	sadd.s32 $0x380, s18  }
0xcf: {  	[spmem:s2] =	stream.indirect.scatter.add.f32 [tilespmem:s12], [sflag:$0x1], $0x10, s17, s11, $0xb8;
	[tilespmem:$0x5780] =	vst v63  }
0xd0: {  	_ =	swait.ge [sflag:s13], $0x800  }
0xd1: {  	[sflag:s13] =	ssyncset.done $0x0  }
0xd2: {  	[sflag:s13] =	ssyncadd.s32 $0xFFFFF800  }
0xd3: {  	_ =	swait.ge [sflag:s13], $0x800  }
0xd4: {  	[sflag:s13] =	ssyncset.done $0x0  }
0xd5: {  	[sflag:s13] =	ssyncadd.s32 $0xFFFFF800  }
0xd6: {  	_ =	swait.ge [sflag:s13], $0x800  }
0xd7: {  	[sflag:s13] =	ssyncset.done $0x0  }
0xd8: {  	[sflag:s13] =	ssyncadd.s32 $0xFFFFF800  }
0xd9: {  	_ =	swait.ge [sflag:s13], $0x800  }
0xda: {  	[sflag:s13] =	ssyncset.done $0x0  }
0xdb: {  	[sflag:s13] =	ssyncadd.s32 $0xFFFFF800  }
0xdc: {  	_ =	swait.ge [sflag:s13], $0x800  }
0xdd: {  	[sflag:s13] =	ssyncset.done $0x0  }
0xde: {  	[sflag:s13] =	ssyncadd.s32 $0xFFFFF800  }
0xdf: {  	_ =	swait.ge [sflag:s13], $0x800  }
0xe0: {  	[sflag:s13] =	ssyncset.done $0x0  }
0xe1: {  	[sflag:s13] =	ssyncadd.s32 $0xFFFFF800  }
.Ltmp0:
0xe2: {  	_ =	swait.ge [sflag:s13], $0x800;
	(pc) =	sbr.rel @p0 .LBB2_2-.Ltmp0, $4  }
0xe3: {  	[sflag:s13] =	ssyncset.done $0x0  }
0xe4: {  	[sflag:s13] =	ssyncadd.s32 $0xFFFFF800  }
0xe5: {  	_ =	swait.ge [sflag:s13], $0x800  }
0xe6: {  	s17 =	smov.u32 s16;
	[sflag:s13] =	ssyncset.done $0x0  }
0xe7: {  	s15 =	sshra.s32 s15, $0x2;
	[sflag:s13] =	ssyncadd.s32 $0xFFFFF800  }
0xe8: {  	[spmem:s2] =	stream.indirect.scatter.add.f32 [tilespmem:s12], [sflag:$0x1], $0x10, s15, s11, $0xb8;
	[tilespmem:$0x5780] =	vst v63  }
0xe9: {  	s16 =	sadd.s32 $0x80, s15  }
0xea: {  	[spmem:s2] =	stream.indirect.scatter.add.f32 [tilespmem:s12], [sflag:$0x1], $0x10, s16, s11, $0xb8;
	[tilespmem:$0x5780] =	vst v63  }
0xeb: {  	s26 =	sadd.s32 $0x100, s15  }
0xec: {  	[spmem:s2] =	stream.indirect.scatter.add.f32 [tilespmem:s12], [sflag:$0x1], $0x10, s26, s11, $0xb8;
	[tilespmem:$0x5780] =	vst v63  }
0xed: {  	s28 =	sadd.s32 $0x180, s15  }
0xee: {  	[spmem:s2] =	stream.indirect.scatter.add.f32 [tilespmem:s12], [sflag:$0x1], $0x10, s28, s11, $0xb8;
	[tilespmem:$0x5780] =	vst v63  }
0xef: {  	s29 =	sadd.s32 $0x200, s15  }
0xf0: {  	[spmem:s2] =	stream.indirect.scatter.add.f32 [tilespmem:s12], [sflag:$0x1], $0x10, s29, s11, $0xb8;
	[tilespmem:$0x5780] =	vst v63  }
0xf1: {  	s30 =	sadd.s32 $0x280, s15  }
0xf2: {  	[spmem:s2] =	stream.indirect.scatter.add.f32 [tilespmem:s12], [sflag:$0x1], $0x10, s30, s11, $0xb8;
	[tilespmem:$0x5780] =	vst v63  }
0xf3: {  	s31 =	sadd.s32 $0x300, s15  }
0xf4: {  	[spmem:s2] =	stream.indirect.scatter.add.f32 [tilespmem:s12], [sflag:$0x1], $0x10, s31, s11, $0xb8;
	[tilespmem:$0x5780] =	vst v63  }
0xf5: {  	s15 =	sadd.s32 $0x380, s15  }
0xf6: {  	[spmem:s2] =	stream.indirect.scatter.add.f32 [tilespmem:s12], [sflag:$0x1], $0x10, s15, s11, $0xb8;
	[tilespmem:$0x5780] =	vst v63  }
0xf7: {  	_ =	swait.ge [sflag:s13], $0x800  }
0xf8: {  	[sflag:s13] =	ssyncset.done $0x0  }
0xf9: {  	[sflag:s13] =	ssyncadd.s32 $0xFFFFF800  }
0xfa: {  	_ =	swait.ge [sflag:s13], $0x800  }
0xfb: {  	[sflag:s13] =	ssyncset.done $0x0  }
0xfc: {  	[sflag:s13] =	ssyncadd.s32 $0xFFFFF800  }
0xfd: {  	_ =	swait.ge [sflag:s13], $0x800  }
0xfe: {  	[sflag:s13] =	ssyncset.done $0x0  }
0xff: {  	[sflag:s13] =	ssyncadd.s32 $0xFFFFF800  }
0x100: {  	_ =	swait.ge [sflag:s13], $0x800  }
0x101: {  	[sflag:s13] =	ssyncset.done $0x0  }
0x102: {  	[sflag:s13] =	ssyncadd.s32 $0xFFFFF800  }
0x103: {  	_ =	swait.ge [sflag:s13], $0x800  }
0x104: {  	[sflag:s13] =	ssyncset.done $0x0  }
0x105: {  	[sflag:s13] =	ssyncadd.s32 $0xFFFFF800  }
0x106: {  	_ =	swait.ge [sflag:s13], $0x800  }
0x107: {  	[sflag:s13] =	ssyncset.done $0x0  }
0x108: {  	[sflag:s13] =	ssyncadd.s32 $0xFFFFF800  }
0x109: {  	_ =	swait.ge [sflag:s13], $0x800  }
0x10a: {  	[sflag:s13] =	ssyncset.done $0x0  }
0x10b: {  	[sflag:s13] =	ssyncadd.s32 $0xFFFFF800  }
0x10c: {  	_ =	swait.ge [sflag:s13], $0x800  }
0x10d: {  	s14 =	sadd.s32 $0x1, s14;
	[sflag:s13] =	ssyncset.done $0x0  }
0x10e: {  	p0 =	sne.s32 s14, s8;
	[sflag:s13] =	ssyncadd.s32 $0xFFFFF800  }
.Ltmp1:
0x10f: {  	[bflag:$0x0] =	sbarrier.arrive $0xFFFF;
	(pc) =	sbr.rel @p0 .LBB2_1-.Ltmp1, $4  }
0x110: {  	[hbm:s7], [sflag:s5] =	dma.local [spmem:s9], $0x4F0  }
0x111: {  	_ =	swait.ge [sflag:s10], $0x4F0  }
0x112: {  	[sflag:s10] =	ssyncset.done $0x0  }
0x113: {  	[sflag:s10] =	ssyncadd.s32 $0xFFFFFB10  }
0x114: {  	_ =	sfence.sel $0x180000  }
0x115: {  	[bflag:$0x0] =	sbarrier.arrive $0xFFFF  }
0x116: {  	p0 =	sne.s32 s1, $0x0;
	_ =	strace $0x90000047  }
0x117: {  	s0 =	sadd.s32 @!p0 $0x100000, s0;
	[bflag:$0x2] =	sbarrier.arrive $0xFFFF  }
0x118: {  	[sflag:s0] =	ssyncadd.tile.s32 @!p0 $0x1;
	_ =	shalt  }
.Lfunc_end2:
_tile_overlayer_lowered:
.L_overlay_start_2:
0x119: {  	(tag) =	ssettag $0x2  }
0x11a: {  	s0 =	rddreg [dreg:$0x0];
	s2 =	stileid.u32  }
0x11b: {  	s1 =	rddreg [dreg:$0x1];
	p0 =	sne.s32 s2, $0x0  }
0x11c: {  	s3 =	rddreg [dreg:$0x2];
	[bflag:$0x3] =	sbarrier.arrive $0xFFFF;
	s2 =	simm.s32 @!p0 $0x1C02  }
0x11d: {  	[timem:s3], [sflag:s2] =	dma.local @!p0 [hbm:s0], s1  }
0x11e: {  	s0 =	simm.s32 @!p0 $0x2  }
0x11f: {  	_ =	swait.ge @!p0 [sflag:s0], s1  }
0x120: {  	s1 =	ssub.s32 @!p0 $0x0, s1;
	[sflag:s0] =	ssyncset.done @!p0 $0x0  }
0x121: {  	[sflag:s0] =	ssyncadd.s32 @!p0 s1  }
0x122: {  	[bflag:$0x3] =	sbarrier.arrive $0xFFFF  }
0x123: {  	_ =	shalt  }

// kernel: kernel.9.cloned.1.call-start
scs
__scs_entry_jumppad:
0x0: {  	(pc) =	sbr.rel $0x88, $3  }
0x1: {  	(tag) =	ssettag $0x0;
	lr =	simm.s32 $0x1  }
0x2: {  	[smem:$0x3F9B] =	sst lr;
	_ =	strace $0xD0000000  }
0x3: {  	_ = 	snop  }
0x4: {  	_ = 	snop  }
0x5: {  	_ = 	snop  }
0x6: {  	_ = 	snop  }
0x7: {  	_ = 	snop  }
__scs_overlays_trampoline_lowered:
0x8: {  	[smem:$0x3FAA] =	sst s0  }
0x9: {  	[smem:$0x3FAB] =	sst s1  }
0xa: {  	[smem:$0x3FAC] =	sst s2  }
0xb: {  	[smem:$0x3FAD] =	sst s3  }
0xc: {  	[smem:$0x3FAE] =	sst s4  }
0xd: {  	[smem:$0x3FAF] =	sst s5  }
0xe: {  	[smem:$0x3FB0] =	sst s6  }
0xf: {  	[smem:$0x3FB1] =	sst s7  }
0x10: {  	[smem:$0x3FB2] =	sst s8  }
0x11: {  	[smem:$0x3FB3] =	sst s9;
	s0 =	simm.s32 @!p0 $0x0  }
0x12: {  	s1 =	sld [smem:$0x3F99];
	s0 =	simm.s32 @p0 $0x1  }
0x13: {  	[smem:$0x3FB4] =	sst s0;
	s0 =	simm.s32 @!p1 $0x0  }
0x14: {  	s2 =	sld [smem:$0x3F98];
	s0 =	simm.s32 @p1 $0x1  }
0x15: {  	[smem:$0x3FB5] =	sst s0;
	s0 =	simm.s32 @!p2 $0x0  }
0x16: {  	s3 =	sld [smem:$0x3FDB];
	s0 =	simm.s32 @p2 $0x1  }
0x17: {  	s4 =	simm.s32 $0x1BF5;
	[smem:$0x3FB7] =	sst s0  }
0x18: {  	s0 =	sld [smem:$0x3F9A];
	_ =	swait.ge [sflag:s4], $0x0  }
0x19: {  	s7 =	sld [smem:$0x3F9B]  }
0x1a: {  	s8 =	sadd.s32 $0xFFFFE003, lr  }
0x1b: {  	s9 =	sadd.s32 $0xFFFFFEF7, lr;
	s5 =	simm.s32 $0xFFFFFFFF;
	p2 =	slt.u32 s8, $0xFFFFF086  }
0x1c: {  	p1 =	slt.u32 s9, $0xF7A;
	s5 =	simm.s32 @!p2 $0x0  }
0x1d: {  	s5 =	simm.s32 @p1 $0x1;
	p0 =	seq.s32 s7, s2  }
0x1e: {  	s7 =	smul.u32 @!p0 $0xF7A, s2;
	p2 =	seq.s32 @!p0 s5, $0x0  }
0x1f: {  	s9 =	smul.u32 $0xF7A, s1;
	s8 =	simm.s32 @!p0 $0x1BF5;
	p2 =	por !p2, p0  }
0x20: {  	[sflag:s8] =	ssyncset.s32 @!p0 $0xFFFFF086;
	s6 =	sadd.s32 @!p0 s3, s7;
	s7 =	simm.s32 @!p0 $0x108  }
0x21: {  	s3 =	sadd.s32 s3, s9;
	s6 =	sadd.s32 @!p0 $0x88, s6;
	s7 =	simm.s32 @p2 $0x1082  }
0x22: {  	[simem:s7], [sflag:s8] =	dma.local @!p0 [hbm:s6], $0xF7A  }
0x23: {  	s9 =	sor.u32 $0xD0000000, s2;
	s6 =	simm.s32 $0x108;
	_ =	swait.ge @!p0 [sflag:s8], $0x0  }
0x24: {  	s3 =	sadd.s32 $0x88, s3;
	s6 =	simm.s32 @!p1 $0x1082;
	[sflag:s4] =	ssyncset.s32 $0xFFFFF086  }
0x25: {  	[simem:s6], [sflag:s4] =	dma.local [hbm:s3], $0xF7A  }
0x26: {  	[smem:$0x3F9B] =	sst s1;
	(tag) =	ssettag s2;
	_ =	strace s9  }
0x27: {  	s1 =	sld [smem:$0x3FAB]  }
0x28: {  	s2 =	sld [smem:$0x3FAC]  }
0x29: {  	s4 =	sld [smem:$0x3FAE]  }
0x2a: {  	p0 =	seq.s32 s5, $0x0;
	s5 =	sld [smem:$0x3FAF]  }
0x2b: {  	s6 =	sld [smem:$0x3FB0]  }
0x2c: {  	s7 =	sld [smem:$0x3FB1]  }
0x2d: {  	s3 =	simm.s32 $0x108;
	s8 =	sld [smem:$0x3FB2]  }
0x2e: {  	s3 =	simm.s32 @!p0 $0x1082;
	s9 =	sld [smem:$0x3FB3]  }
0x2f: {  	lr =	sadd.s32 s0, s3;
	s0 =	sld [smem:$0x3FAA]  }
0x30: {  	s3 =	sld [smem:$0x3FAD]  }
0x31: {  	[smem:$0x3FB6] =	sst s10  }
0x32: {  	s10 =	sld [smem:$0x3FB4];
	_ =	sdelay $0x3  }
0x33: {  	p0 =	seq.s32 s10, $0x1;
	s10 =	sld [smem:$0x3FB6];
	_ =	sdelay $0x3  }
0x34: {  	[smem:$0x3FB6] =	sst s10  }
0x35: {  	s10 =	sld [smem:$0x3FB5];
	_ =	sdelay $0x3  }
0x36: {  	p1 =	seq.s32 s10, $0x1;
	s10 =	sld [smem:$0x3FB6];
	_ =	sdelay $0x3  }
0x37: {  	[smem:$0x3FB6] =	sst s10  }
0x38: {  	s10 =	sld [smem:$0x3FB7]  }
0x39: {  	_ = 	snop;
	(pc) =	sbr.ind lr, $3  }
0x3a: {  	_ = 	snop  }
0x3b: {  	_ = 	snop  }
0x3c: {  	p2 =	seq.s32 s10, $0x1;
	s10 =	sld [smem:$0x3FB6]  }
0x3d: {  	_ =	shalt  }
0x3e: {  	_ =	shalt  }
0x3f: {  	_ =	shalt  }
0x40: {  	_ =	shalt  }
0x41: {  	_ =	shalt  }
0x42: {  	_ =	shalt  }
0x43: {  	_ =	shalt  }
0x44: {  	_ =	shalt  }
0x45: {  	_ =	shalt  }
0x46: {  	_ =	shalt  }
0x47: {  	_ =	shalt  }
0x48: {  	_ =	shalt  }
0x49: {  	_ =	shalt  }
0x4a: {  	_ =	shalt  }
0x4b: {  	_ =	shalt  }
0x4c: {  	_ =	shalt  }
0x4d: {  	_ =	shalt  }
0x4e: {  	_ =	shalt  }
0x4f: {  	_ =	shalt  }
0x50: {  	_ =	shalt  }
0x51: {  	_ =	shalt  }
0x52: {  	_ =	shalt  }
0x53: {  	_ =	shalt  }
0x54: {  	_ =	shalt  }
0x55: {  	_ =	shalt  }
0x56: {  	_ =	shalt  }
0x57: {  	_ =	shalt  }
0x58: {  	_ =	shalt  }
0x59: {  	_ =	shalt  }
0x5a: {  	_ =	shalt  }
0x5b: {  	_ =	shalt  }
0x5c: {  	_ =	shalt  }
0x5d: {  	_ =	shalt  }
0x5e: {  	_ =	shalt  }
0x5f: {  	_ =	shalt  }
0x60: {  	_ =	shalt  }
0x61: {  	_ =	shalt  }
0x62: {  	_ =	shalt  }
0x63: {  	_ =	shalt  }
0x64: {  	_ =	shalt  }
0x65: {  	_ =	shalt  }
0x66: {  	_ =	shalt  }
0x67: {  	_ =	shalt  }
0x68: {  	_ =	shalt  }
0x69: {  	_ =	shalt  }
0x6a: {  	_ =	shalt  }
0x6b: {  	_ =	shalt  }
0x6c: {  	_ =	shalt  }
0x6d: {  	_ =	shalt  }
0x6e: {  	_ =	shalt  }
0x6f: {  	_ =	shalt  }
0x70: {  	_ =	shalt  }
0x71: {  	_ =	shalt  }
0x72: {  	_ =	shalt  }
0x73: {  	_ =	shalt  }
0x74: {  	_ =	shalt  }
0x75: {  	_ =	shalt  }
0x76: {  	_ =	shalt  }
0x77: {  	_ =	shalt  }
0x78: {  	_ =	shalt  }
0x79: {  	_ =	shalt  }
0x7a: {  	_ =	shalt  }
0x7b: {  	_ =	shalt  }
0x7c: {  	_ =	shalt  }
0x7d: {  	_ =	shalt  }
0x7e: {  	_ =	shalt  }
0x7f: {  	_ =	shalt  }
0x80: {  	_ =	shalt  }
0x81: {  	_ =	shalt  }
0x82: {  	_ =	shalt  }
0x83: {  	_ =	shalt  }
0x84: {  	_ =	shalt  }
0x85: {  	_ =	shalt  }
0x86: {  	_ =	shalt  }
0x87: {  	_ =	shalt  }
.Lfunc_end0:
.L_simem_size_0:
called_computation.1_lowered:
.L_overlay_start_0:
0x88: {  	s2 =	sld [smem:$0x3FD9]  }
0x89: {  	s3 =	sld [smem:$0x3FFE];
	_ =	sdelay $0x1  }
0x8a: {  	s1 =	srdreg.scid  }
0x8b: {  	s0 =	sand.u32 $0x1, s1  }
0x8c: {  	s17 =	sshll.u32 s0, $0xA;
	s2 =	sadd.s32 s3, s2  }
0x8d: {  	s2 =	sadd.s32 s2, s17  }
0x8e: {  	[smem:$0x3FC2] =	sst s2  }
0x8f: {  	_ = 	snop  }
0x90: {  	s2 =	sld [smem:$0x3FD0];
	(tm) =	ssettm $0x1  }
0x91: {  	s18 =	sld [smem:$0x3FFB];
	_ =	sdelay $0x3  }
0x92: {  	_ =	strace s18  }
0x93: {  	s3 =	sld [smem:$0x3FFC];
	_ =	sdelay $0x3  }
0x94: {  	_ =	strace s3  }
0x95: {  	s3 =	sld [smem:$0x3FFD];
	_ =	sdelay $0x3  }
0x96: {  	_ =	strace s3  }
0x97: {  	_ =	strace $0x8FFFFFFF  }
0x98: {  	s19 =	sld [smem:$0x3FDB];
	_ =	sdelay $0x1  }
0x99: {  	s4 =	simm.s32 $_scs_section_size  }
0x9a: {  	s5 =	simm.s32 $_size__tile_overlayer_lowered;
	s6 =	simm.s32 $_tile_overlayer_lowered  }
0x9b: {  	s22 =	simm.s32 $0x1BFF;
	s21 =	sshll.u32 s6, $0x1;
	s3 =	sadd.s32 s4, s19  }
0x9c: {  	s7 =	simm.s32 $0x0;
	s20 =	sshll.u32 s5, $0x1;
	s5 =	sadd.s32 s21, s3  }
0x9d: {  	[timem:s7], [sflag:s22] =	dma.local [hbm:s5], s20  }
0x9e: {  	_ =	swait.ge [sflag:s22], s20  }
0x9f: {  	s4 =	ssub.s32 $0x0, s20;
	[sflag:s22] =	ssyncset.done $0x0  }
0xa0: {  	[sflag:s22] =	ssyncadd.s32 s4;
	_ =	sdelay $0x1  }
0xa1: {  	s23 =	simm.s32 $0x1B8B  }
0xa2: {  	_ =	swait.ge [sflag:s23], $0x1  }
0xa3: {  	[sflag:s23] =	ssyncset.done $0x0  }
0xa4: {  	s25 =	simm.s32 $0x1B8E;
	s24 =	sld [smem:$0x3FFE];
	[sflag:s23] =	ssyncadd.s32 $0xFFFFFFFF  }
0xa5: {  	s26 =	simm.s32 $execute0_lowered;
	[smem:$0x3FD2] =	sst s25  }
0xa6: {  	s5 =	sshll.u32 s26, $0x1;
	_ =	strace $0x80000049;
	[dreg:$0x1] =	wrdreg $0xFFFFFFFF  }
0xa7: {  	s28 =	simm.s32 $_size_execute0_lowered;
	s3 =	sadd.s32 s3, s5;
	[dreg:$0x0] =	wrdreg $0x0  }
0xa8: {  	s5 =	sshll.u32 s28, $0x1;
	[dreg:$0x2] =	wrdreg s3  }
0xa9: {  	[dreg:$0x3] =	wrdreg s5  }
0xaa: {  	[dreg:$0x4] =	wrdreg $0xC0  }
0xab: {  	_ =	task [dreg:s7], $0x5FFFF  }
0xac: {  	[dreg:$0x1] =	wrdreg $0xFFFFFFFF  }
0xad: {  	[dreg:$0x0] =	wrdreg $0x60  }
0xae: {  	[dreg:$0x2] =	wrdreg s2  }
0xaf: {  	[dreg:$0x3] =	wrdreg s24  }
0xb0: {  	[dreg:$0x4] =	wrdreg $0xB8000  }
0xb1: {  	[dreg:$0x5] =	wrdreg $0x9  }
0xb2: {  	_ =	task.clear_ibuf [dreg:s7], $0x6FFFF;
	_ =	strace $0x90000049  }
0xb3: {  	s29 =	simm.s32 $0x9;
	_ =	strace $0x8000004B  }
0xb4: {  	_ =	swait.ge [sflag:s29], $0x1  }
0xb5: {  	[sflag:s29] =	ssyncadd.s32 $0xFFFFFFFF  }
0xb6: {  	_ =	strace $0x9000004B  }
0xb7: {  	_ =	sfence  }
0xb8: {  	s30 =	sld [smem:$0x0];
	_ =	sdelay $0x2  }
0xb9: {  	s31 =	sshll.u32 s1, $0xD;
	s1 =	sshrl.u32 s1, $0x2  }
0xba: {  	s3 =	sand.u32 $0x4000, s31;
	s1 =	sadd.s32 s1, s30  }
0xbb: {  	s0 =	sor.u32 s3, s0;
	s1 =	sshll.u32 s1, $0x11  }
0xbc: {  	s0 =	sor.u32 s1, s0  }
0xbd: {  	s0 =	sadd.s32 $0x8F2B, s0  }
0xbe: {  	[sflag:s0] =	ssyncadd.remote.s32 $0x1  }
0xbf: {  	_ =	sfence.sel $0xFFFF  }
0xc0: {  	[dreg:$0x0] =	wrdreg $0xFFFFFFFF;
	(pc) =	sbr.abs _section_cstart, $3  }
0xc1: {  	[dreg:$0x1] =	wrdreg $0xFFFFFFFF  }
0xc2: {  	_ =	task.clear_ibuf [dreg:s7], $0x2FFFF;
	_ =	strace $0x9FFFFFFF  }
0xc3: {  	(tm) =	ssettm $0x7FFFFFFF  }
tec
execute0_lowered:
.L_overlay_start_1:
0x0: {  	(tag) =	ssettag $0x1  }
0x1: {  	s9 =	stileid.u32  }
0x2: {  	s3 =	smul.u32 $0x2800, s9  }
0x3: {  	s7 =	smul.u32 $0x13C00, s9  }
0x4: {  	s1 =	rddreg [dreg:$0x0];
	s9 =	smul.u32 $0x4F000, s9  }
0x5: {  	s2 =	rddreg [dreg:$0x1]  }
0x6: {  	s4 =	rddreg [dreg:$0x2];
	s5 =	simm.s32 $0x0;
	s9 =	sshrl.u32 s9, $0x2  }
0x7: {  	[smem:$0x7FF] =	sst s5;
	s16 =	sadd.s32 s7, s4;
	s9 =	sadd.s32 s9, s4  }
0x8: {  	_ =	strace $0x8000004A;
	[dreg:$0x4] =	wrdreg s16;
	s19 =	sadd.s32 $0x800, s9  }
0x9: {  	s20 =	sadd.s32 $0x1000, s9;
	[dreg:$0x5] =	wrdreg s19  }
0xa: {  	s21 =	sadd.s32 $0x1800, s9;
	[dreg:$0x6] =	wrdreg s20  }
0xb: {  	s0 =	srdreg.scid;
	s22 =	sadd.s32 $0x2000, s9;
	[dreg:$0x7] =	wrdreg s21  }
0xc: {  	s0 =	sand.u32 $0x1, s0;
	s23 =	sadd.s32 $0x2800, s9;
	[dreg:$0x8] =	wrdreg s22  }
0xd: {  	s6 =	smul.u32 $0x28000, s0;
	s24 =	sadd.s32 $0x3000, s9;
	[dreg:$0x9] =	wrdreg s23  }
0xe: {  	s8 =	smul.u32 $0x13C000, s0;
	s25 =	sadd.s32 $0x3800, s9;
	[dreg:$0xa] =	wrdreg s24  }
0xf: {  	s0 =	ssub.s32 $0x2, s0;
	s26 =	sadd.s32 $0x4000, s9;
	[dreg:$0xb] =	wrdreg s25  }
0x10: {  	s18 =	sshrl.u32 s0, $0x1;
	s11 =	sadd.s32 $0x5000, s9;
	[dreg:$0xc] =	wrdreg s26  }
0x11: {  	s6 =	sadd.s32 s3, s6;
	s12 =	sadd.s32 $0x5800, s9;
	[dreg:$0xe] =	wrdreg s11  }
0x12: {  	s8 =	sadd.s32 s7, s8;
	s13 =	sadd.s32 $0x6000, s9;
	[dreg:$0xf] =	wrdreg s12  }
0x13: {  	s0 =	ssub.s32 s0, s18;
	s14 =	sadd.s32 $0x6800, s9;
	[dreg:$0x10] =	wrdreg s13  }
0x14: {  	s6 =	sshrl.u32 s6, $0x3;
	s15 =	sadd.s32 $0x7000, s9;
	[dreg:$0x11] =	wrdreg s14  }
0x15: {  	s8 =	sshrl.u32 s8, $0x3;
	s17 =	sadd.s32 $0x7800, s9;
	[dreg:$0x12] =	wrdreg s15  }
0x16: {  	s18 =	sadd.s32 $0x8000, s9;
	s0 =	smax.u32 s0, $0x1;
	[dreg:$0x13] =	wrdreg s17  }
0x17: {  	s10 =	sadd.s32 s6, s2;
	s6 =	sadd.s32 $0x1B400, s2;
	[dreg:$0x14] =	wrdreg s18  }
0x18: {  	s2 =	sadd.s32 s8, s2;
	s8 =	sadd.s32 $0x4800, s9;
	[smem:$0x7FD] =	sst s0  }
0x19: {  	s19 =	sadd.s32 $0x8800, s9;
	[dreg:$0xd] =	wrdreg s8  }
0x1a: {  	s20 =	sadd.s32 $0x9000, s9;
	[dreg:$0x15] =	wrdreg s19  }
0x1b: {  	s21 =	sadd.s32 $0x9800, s9;
	[dreg:$0x16] =	wrdreg s20  }
0x1c: {  	s22 =	sadd.s32 $0xA000, s9;
	[dreg:$0x17] =	wrdreg s21  }
0x1d: {  	s23 =	sadd.s32 $0xA800, s9;
	[dreg:$0x18] =	wrdreg s22  }
0x1e: {  	s24 =	sadd.s32 $0xB000, s9;
	[dreg:$0x19] =	wrdreg s23  }
0x1f: {  	s25 =	sadd.s32 $0xB800, s9;
	[dreg:$0x1a] =	wrdreg s24  }
0x20: {  	s26 =	sadd.s32 $0xC000, s9;
	[dreg:$0x1b] =	wrdreg s25  }
0x21: {  	s11 =	sadd.s32 $0xD000, s9;
	[dreg:$0x1c] =	wrdreg s26  }
0x22: {  	s12 =	sadd.s32 $0xD800, s9;
	[dreg:$0x1e] =	wrdreg s11  }
0x23: {  	s13 =	sadd.s32 $0xE000, s9;
	[dreg:$0x1f] =	wrdreg s12  }
0x24: {  	s14 =	sadd.s32 $0xE800, s9;
	[smem:$0x7EF] =	sst s13  }
0x25: {  	s15 =	sadd.s32 $0xF000, s9;
	[smem:$0x7F0] =	sst s14  }
0x26: {  	s17 =	sadd.s32 $0xF800, s9;
	[smem:$0x7F1] =	sst s15  }
0x27: {  	s18 =	sadd.s32 $0x10000, s9;
	[smem:$0x7F2] =	sst s17  }
0x28: {  	s8 =	sadd.s32 $0xC800, s9;
	[smem:$0x7F3] =	sst s18  }
0x29: {  	s28 =	simm.s32 $0x3;
	s19 =	sadd.s32 $0x10800, s9;
	[dreg:$0x1d] =	wrdreg s8  }
0x2a: {  	s29 =	simm.s32 $0x40;
	s20 =	sadd.s32 $0x11000, s9;
	[smem:$0x7F4] =	sst s19  }
0x2b: {  	s30 =	simm.s32 $0x3000;
	s21 =	sadd.s32 $0x11800, s9;
	[smem:$0x7F5] =	sst s20  }
0x2c: {  	s31 =	simm.s32 $0x5000;
	s22 =	sadd.s32 $0x12000, s9;
	[smem:$0x7F6] =	sst s21  }
0x2d: {  	s0 =	simm.s32 $0x9000;
	s23 =	sadd.s32 $0x12800, s9;
	[smem:$0x7F7] =	sst s22  }
0x2e: {  	s24 =	sadd.s32 $0x13000, s9;
	s25 =	sadd.s32 $0x13800, s9;
	[smem:$0x7F8] =	sst s23  }
0x2f: {  	s26 =	sadd.s32 $0x11400, s10;
	s2 =	sadd.s32 $0x6F400, s2;
	[smem:$0x7F9] =	sst s24  }
0x30: {  	s9 =	simm.s32 $0x1;
	s10 =	simm.s32 $0x2840;
	[smem:$0x7FA] =	sst s25  }
0x31: {  	s11 =	simm.s32 $0x2;
	s12 =	simm.s32 $0x2880;
	[smem:$0x7FB] =	sst s26  }
0x32: {  	s13 =	simm.s32 $0x28C0;
	[smem:$0x7FC] =	sst s2;
	s25 =	simm.s32 $0xB000  }
0x33: {  	v0 =	vimm.f32 $0.0e+00;
	s26 =	simm.s32 $0x4;
	s2 =	simm.s32 $0x7000;
	s8 =	simm.s32 $0x2800  }
.LBB2_1:
0x34: {  	s14 =	simm.s32 $0x0;
	s15 =	simm.s32 $0x200  }
.LBB2_2:
0x35: {  	p0 =	sne.s32 s15, $0x1E00;
	[tilespmem:s14+$0xB070] =	vst v0  }
0x36: {  	[tilespmem:s14+$0xB000] =	vst v0  }
0x37: {  	[tilespmem:s14+$0xB010] =	vst v0  }
.Ltmp0:
0x38: {  	[tilespmem:s14+$0xB020] =	vst v0;
	(pc) =	sbr.rel @p0 .LBB2_2-.Ltmp0, $4  }
0x39: {  	[tilespmem:s14+$0xB030] =	vst v0  }
0x3a: {  	[tilespmem:s14+$0xB040] =	vst v0  }
0x3b: {  	[tilespmem:s14+$0xB050] =	vst v0  }
0x3c: {  	[tilespmem:s14+$0xB060] =	vst v0;
	s14 =	sshra.s32 s15, $0x2;
	s15 =	sadd.s32 $0x200, s15  }
0x3d: {  	[tilespmem:s14+$0xB070] =	vst v0  }
0x3e: {  	[tilespmem:s14+$0xB000] =	vst v0  }
0x3f: {  	[tilespmem:s14+$0xB010] =	vst v0  }
0x40: {  	[tilespmem:s14+$0xB020] =	vst v0  }
0x41: {  	[tilespmem:s14+$0xB030] =	vst v0  }
0x42: {  	[tilespmem:s14+$0xB040] =	vst v0  }
0x43: {  	[tilespmem:s14+$0xB050] =	vst v0  }
0x44: {  	[tilespmem:s14+$0xB060] =	vst v0;
	s7 =	rddreg [dreg:$0x5]  }
0x45: {  	[spmem:s16] =	stream.linear.scatter [tilespmem:s25], [sflag:$0x3], $0x800, $0x38;
	[tilespmem:$0x1F400] =	vst v63  }
0x46: {  	s17 =	rddreg [dreg:$0x6]  }
0x47: {  	[spmem:s7] =	stream.linear.scatter [tilespmem:s25], [sflag:$0x3], $0x800, $0x38;
	[tilespmem:$0x1F400] =	vst v63  }
0x48: {  	s18 =	rddreg [dreg:$0x7]  }
0x49: {  	[spmem:s17] =	stream.linear.scatter [tilespmem:s25], [sflag:$0x3], $0x800, $0x38;
	[tilespmem:$0x1F400] =	vst v63  }
0x4a: {  	s19 =	rddreg [dreg:$0x8]  }
0x4b: {  	[spmem:s18] =	stream.linear.scatter [tilespmem:s25], [sflag:$0x3], $0x800, $0x38;
	[tilespmem:$0x1F400] =	vst v63  }
0x4c: {  	s20 =	rddreg [dreg:$0x9]  }
0x4d: {  	[spmem:s19] =	stream.linear.scatter [tilespmem:s25], [sflag:$0x3], $0x800, $0x38;
	[tilespmem:$0x1F400] =	vst v63  }
0x4e: {  	s21 =	rddreg [dreg:$0xa]  }
0x4f: {  	[spmem:s20] =	stream.linear.scatter [tilespmem:s25], [sflag:$0x3], $0x800, $0x38;
	[tilespmem:$0x1F400] =	vst v63  }
0x50: {  	s22 =	rddreg [dreg:$0xb]  }
0x51: {  	[spmem:s21] =	stream.linear.scatter [tilespmem:s25], [sflag:$0x3], $0x800, $0x38;
	[tilespmem:$0x1F400] =	vst v63  }
0x52: {  	s23 =	rddreg [dreg:$0xc]  }
0x53: {  	[spmem:s22] =	stream.linear.scatter [tilespmem:s25], [sflag:$0x3], $0x800, $0x38;
	[tilespmem:$0x1F400] =	vst v63  }
0x54: {  	s24 =	rddreg [dreg:$0xd]  }
0x55: {  	[spmem:s23] =	stream.linear.scatter [tilespmem:s25], [sflag:$0x3], $0x800, $0x38;
	[tilespmem:$0x1F400] =	vst v63  }
0x56: {  	s14 =	rddreg [dreg:$0xe]  }
0x57: {  	[spmem:s24] =	stream.linear.scatter [tilespmem:s25], [sflag:$0x3], $0x800, $0x38;
	[tilespmem:$0x1F400] =	vst v63  }
0x58: {  	s15 =	rddreg [dreg:$0xf]  }
0x59: {  	[spmem:s14] =	stream.linear.scatter [tilespmem:s25], [sflag:$0x3], $0x800, $0x38;
	[tilespmem:$0x1F400] =	vst v63  }
0x5a: {  	s16 =	rddreg [dreg:$0x10]  }
0x5b: {  	[spmem:s15] =	stream.linear.scatter [tilespmem:s25], [sflag:$0x3], $0x800, $0x38;
	[tilespmem:$0x1F400] =	vst v63  }
0x5c: {  	s17 =	rddreg [dreg:$0x11]  }
0x5d: {  	[spmem:s16] =	stream.linear.scatter [tilespmem:s25], [sflag:$0x3], $0x800, $0x38;
	[tilespmem:$0x1F400] =	vst v63  }
0x5e: {  	s18 =	rddreg [dreg:$0x12]  }
0x5f: {  	[spmem:s17] =	stream.linear.scatter [tilespmem:s25], [sflag:$0x3], $0x800, $0x38;
	[tilespmem:$0x1F400] =	vst v63  }
0x60: {  	s19 =	rddreg [dreg:$0x13]  }
0x61: {  	[spmem:s18] =	stream.linear.scatter [tilespmem:s25], [sflag:$0x3], $0x800, $0x38;
	[tilespmem:$0x1F400] =	vst v63  }
0x62: {  	s20 =	rddreg [dreg:$0x14]  }
0x63: {  	[spmem:s19] =	stream.linear.scatter [tilespmem:s25], [sflag:$0x3], $0x800, $0x38;
	[tilespmem:$0x1F400] =	vst v63  }
0x64: {  	s21 =	rddreg [dreg:$0x15]  }
0x65: {  	[spmem:s20] =	stream.linear.scatter [tilespmem:s25], [sflag:$0x3], $0x800, $0x38;
	[tilespmem:$0x1F400] =	vst v63  }
0x66: {  	s22 =	rddreg [dreg:$0x16]  }
0x67: {  	[spmem:s21] =	stream.linear.scatter [tilespmem:s25], [sflag:$0x3], $0x800, $0x38;
	[tilespmem:$0x1F400] =	vst v63  }
0x68: {  	s23 =	rddreg [dreg:$0x17]  }
0x69: {  	[spmem:s22] =	stream.linear.scatter [tilespmem:s25], [sflag:$0x3], $0x800, $0x38;
	[tilespmem:$0x1F400] =	vst v63  }
0x6a: {  	s24 =	rddreg [dreg:$0x18]  }
0x6b: {  	[spmem:s23] =	stream.linear.scatter [tilespmem:s25], [sflag:$0x3], $0x800, $0x38;
	[tilespmem:$0x1F400] =	vst v63  }
0x6c: {  	s14 =	rddreg [dreg:$0x19]  }
0x6d: {  	[spmem:s24] =	stream.linear.scatter [tilespmem:s25], [sflag:$0x3], $0x800, $0x38;
	[tilespmem:$0x1F400] =	vst v63  }
0x6e: {  	s15 =	rddreg [dreg:$0x1a]  }
0x6f: {  	[spmem:s14] =	stream.linear.scatter [tilespmem:s25], [sflag:$0x3], $0x800, $0x38;
	[tilespmem:$0x1F400] =	vst v63  }
0x70: {  	s16 =	rddreg [dreg:$0x1b]  }
0x71: {  	[spmem:s15] =	stream.linear.scatter [tilespmem:s25], [sflag:$0x3], $0x800, $0x38;
	[tilespmem:$0x1F400] =	vst v63  }
0x72: {  	s17 =	rddreg [dreg:$0x1c]  }
0x73: {  	[spmem:s16] =	stream.linear.scatter [tilespmem:s25], [sflag:$0x3], $0x800, $0x38;
	[tilespmem:$0x1F400] =	vst v63  }
0x74: {  	s18 =	rddreg [dreg:$0x1d]  }
0x75: {  	[spmem:s17] =	stream.linear.scatter [tilespmem:s25], [sflag:$0x3], $0x800, $0x38;
	[tilespmem:$0x1F400] =	vst v63  }
0x76: {  	s19 =	rddreg [dreg:$0x1e]  }
0x77: {  	[spmem:s18] =	stream.linear.scatter [tilespmem:s25], [sflag:$0x3], $0x800, $0x38;
	[tilespmem:$0x1F400] =	vst v63  }
0x78: {  	s20 =	rddreg [dreg:$0x1f]  }
0x79: {  	[spmem:s19] =	stream.linear.scatter [tilespmem:s25], [sflag:$0x3], $0x800, $0x38;
	[tilespmem:$0x1F400] =	vst v63  }
0x7a: {  	s21 =	sld [smem:$0x7EF]  }
0x7b: {  	[spmem:s20] =	stream.linear.scatter [tilespmem:s25], [sflag:$0x3], $0x800, $0x38;
	[tilespmem:$0x1F400] =	vst v63  }
0x7c: {  	s22 =	sld [smem:$0x7F0]  }
0x7d: {  	[spmem:s21] =	stream.linear.scatter [tilespmem:s25], [sflag:$0x3], $0x800, $0x38;
	[tilespmem:$0x1F400] =	vst v63  }
0x7e: {  	s23 =	sld [smem:$0x7F1]  }
0x7f: {  	[spmem:s22] =	stream.linear.scatter [tilespmem:s25], [sflag:$0x3], $0x800, $0x38;
	[tilespmem:$0x1F400] =	vst v63  }
0x80: {  	s24 =	sld [smem:$0x7F2]  }
0x81: {  	[spmem:s23] =	stream.linear.scatter [tilespmem:s25], [sflag:$0x3], $0x800, $0x38;
	[tilespmem:$0x1F400] =	vst v63  }
0x82: {  	s14 =	sld [smem:$0x7F3]  }
0x83: {  	[spmem:s24] =	stream.linear.scatter [tilespmem:s25], [sflag:$0x3], $0x800, $0x38;
	[tilespmem:$0x1F400] =	vst v63  }
0x84: {  	s15 =	sld [smem:$0x7F4]  }
0x85: {  	[spmem:s14] =	stream.linear.scatter [tilespmem:s25], [sflag:$0x3], $0x800, $0x38;
	[tilespmem:$0x1F400] =	vst v63  }
0x86: {  	s16 =	sld [smem:$0x7F5]  }
0x87: {  	[spmem:s15] =	stream.linear.scatter [tilespmem:s25], [sflag:$0x3], $0x800, $0x38;
	[tilespmem:$0x1F400] =	vst v63  }
0x88: {  	s17 =	sld [smem:$0x7F6]  }
0x89: {  	[spmem:s16] =	stream.linear.scatter [tilespmem:s25], [sflag:$0x3], $0x800, $0x38;
	[tilespmem:$0x1F400] =	vst v63  }
0x8a: {  	s18 =	sld [smem:$0x7F7]  }
0x8b: {  	[spmem:s17] =	stream.linear.scatter [tilespmem:s25], [sflag:$0x3], $0x800, $0x38;
	[tilespmem:$0x1F400] =	vst v63  }
0x8c: {  	s19 =	sld [smem:$0x7F8]  }
0x8d: {  	[spmem:s18] =	stream.linear.scatter [tilespmem:s25], [sflag:$0x3], $0x800, $0x38;
	[tilespmem:$0x1F400] =	vst v63  }
0x8e: {  	s20 =	sld [smem:$0x7F9]  }
0x8f: {  	[spmem:s19] =	stream.linear.scatter [tilespmem:s25], [sflag:$0x3], $0x800, $0x38;
	[tilespmem:$0x1F400] =	vst v63  }
0x90: {  	s21 =	sld [smem:$0x7FA]  }
0x91: {  	[spmem:s20] =	stream.linear.scatter [tilespmem:s25], [sflag:$0x3], $0x800, $0x38;
	[tilespmem:$0x1F400] =	vst v63  }
0x92: {  	s22 =	sld [smem:$0x7FB]  }
0x93: {  	[spmem:s21] =	stream.linear.scatter [tilespmem:s25], [sflag:$0x3], $0x400, $0x38;
	[tilespmem:$0x1F400] =	vst v63  }
0x94: {  	s14 =	simm.s32 $0x0  }
0x95: {  	[tilespmem:s14], [sflag:$0x4] =	stream.linear.gather [hbm4b:s22+s14], $0x2800, $0x38;
	[tilespmem:$0x1F400] =	vst v63  }
0x96: {  	_ =	swait.ge [sflag:s26], $0x2800  }
0x97: {  	[sflag:s26] =	ssyncset.done $0x0  }
0x98: {  	[sflag:s26] =	ssyncadd.s32 $0xFFFFD800  }
0x99: {  	_ =	swait.ge [sflag:s28], $0x800  }
0x9a: {  	[sflag:s28] =	ssyncset.done $0x0  }
0x9b: {  	[sflag:s28] =	ssyncadd.s32 $0xFFFFF800  }
0x9c: {  	_ =	swait.ge [sflag:s28], $0x800  }
0x9d: {  	[sflag:s28] =	ssyncset.done $0x0  }
0x9e: {  	[sflag:s28] =	ssyncadd.s32 $0xFFFFF800  }
0x9f: {  	_ =	swait.ge [sflag:s28], $0x800  }
0xa0: {  	[sflag:s28] =	ssyncset.done $0x0  }
0xa1: {  	[sflag:s28] =	ssyncadd.s32 $0xFFFFF800  }
0xa2: {  	_ =	swait.ge [sflag:s28], $0x800  }
0xa3: {  	[sflag:s28] =	ssyncset.done $0x0  }
0xa4: {  	[sflag:s28] =	ssyncadd.s32 $0xFFFFF800  }
0xa5: {  	_ =	swait.ge [sflag:s28], $0x800  }
0xa6: {  	[sflag:s28] =	ssyncset.done $0x0  }
0xa7: {  	[sflag:s28] =	ssyncadd.s32 $0xFFFFF800  }
0xa8: {  	_ =	swait.ge [sflag:s28], $0x800  }
0xa9: {  	[sflag:s28] =	ssyncset.done $0x0  }
0xaa: {  	[sflag:s28] =	ssyncadd.s32 $0xFFFFF800  }
0xab: {  	_ =	swait.ge [sflag:s28], $0x800  }
0xac: {  	[sflag:s28] =	ssyncset.done $0x0  }
0xad: {  	[sflag:s28] =	ssyncadd.s32 $0xFFFFF800  }
0xae: {  	_ =	swait.ge [sflag:s28], $0x800  }
0xaf: {  	[sflag:s28] =	ssyncset.done $0x0  }
0xb0: {  	[sflag:s28] =	ssyncadd.s32 $0xFFFFF800  }
0xb1: {  	_ =	swait.ge [sflag:s28], $0x800  }
0xb2: {  	[sflag:s28] =	ssyncset.done $0x0  }
0xb3: {  	[sflag:s28] =	ssyncadd.s32 $0xFFFFF800  }
0xb4: {  	_ =	swait.ge [sflag:s28], $0x800  }
0xb5: {  	[sflag:s28] =	ssyncset.done $0x0  }
0xb6: {  	[sflag:s28] =	ssyncadd.s32 $0xFFFFF800  }
0xb7: {  	_ =	swait.ge [sflag:s28], $0x800  }
0xb8: {  	[sflag:s28] =	ssyncset.done $0x0  }
0xb9: {  	[sflag:s28] =	ssyncadd.s32 $0xFFFFF800  }
0xba: {  	_ =	swait.ge [sflag:s28], $0x800  }
0xbb: {  	[sflag:s28] =	ssyncset.done $0x0  }
0xbc: {  	[sflag:s28] =	ssyncadd.s32 $0xFFFFF800  }
0xbd: {  	_ =	swait.ge [sflag:s28], $0x800  }
0xbe: {  	[sflag:s28] =	ssyncset.done $0x0  }
0xbf: {  	[sflag:s28] =	ssyncadd.s32 $0xFFFFF800  }
0xc0: {  	_ =	swait.ge [sflag:s28], $0x800  }
0xc1: {  	[sflag:s28] =	ssyncset.done $0x0  }
0xc2: {  	[sflag:s28] =	ssyncadd.s32 $0xFFFFF800  }
0xc3: {  	_ =	swait.ge [sflag:s28], $0x800  }
0xc4: {  	[sflag:s28] =	ssyncset.done $0x0  }
0xc5: {  	[sflag:s28] =	ssyncadd.s32 $0xFFFFF800  }
0xc6: {  	_ =	swait.ge [sflag:s28], $0x800  }
0xc7: {  	[sflag:s28] =	ssyncset.done $0x0  }
0xc8: {  	[sflag:s28] =	ssyncadd.s32 $0xFFFFF800  }
0xc9: {  	_ =	swait.ge [sflag:s28], $0x800  }
0xca: {  	[sflag:s28] =	ssyncset.done $0x0  }
0xcb: {  	[sflag:s28] =	ssyncadd.s32 $0xFFFFF800  }
0xcc: {  	_ =	swait.ge [sflag:s28], $0x800  }
0xcd: {  	[sflag:s28] =	ssyncset.done $0x0  }
0xce: {  	[sflag:s28] =	ssyncadd.s32 $0xFFFFF800  }
0xcf: {  	_ =	swait.ge [sflag:s28], $0x800  }
0xd0: {  	[sflag:s28] =	ssyncset.done $0x0  }
0xd1: {  	[sflag:s28] =	ssyncadd.s32 $0xFFFFF800  }
0xd2: {  	_ =	swait.ge [sflag:s28], $0x800  }
0xd3: {  	[sflag:s28] =	ssyncset.done $0x0  }
0xd4: {  	[sflag:s28] =	ssyncadd.s32 $0xFFFFF800  }
0xd5: {  	_ =	swait.ge [sflag:s28], $0x800  }
0xd6: {  	[sflag:s28] =	ssyncset.done $0x0  }
0xd7: {  	[sflag:s28] =	ssyncadd.s32 $0xFFFFF800  }
0xd8: {  	_ =	swait.ge [sflag:s28], $0x800  }
0xd9: {  	[sflag:s28] =	ssyncset.done $0x0  }
0xda: {  	[sflag:s28] =	ssyncadd.s32 $0xFFFFF800  }
0xdb: {  	_ =	swait.ge [sflag:s28], $0x800  }
0xdc: {  	[sflag:s28] =	ssyncset.done $0x0  }
0xdd: {  	[sflag:s28] =	ssyncadd.s32 $0xFFFFF800  }
0xde: {  	_ =	swait.ge [sflag:s28], $0x800  }
0xdf: {  	[sflag:s28] =	ssyncset.done $0x0  }
0xe0: {  	[sflag:s28] =	ssyncadd.s32 $0xFFFFF800  }
0xe1: {  	_ =	swait.ge [sflag:s28], $0x800  }
0xe2: {  	[sflag:s28] =	ssyncset.done $0x0  }
0xe3: {  	[sflag:s28] =	ssyncadd.s32 $0xFFFFF800  }
0xe4: {  	_ =	swait.ge [sflag:s28], $0x800  }
0xe5: {  	[sflag:s28] =	ssyncset.done $0x0  }
0xe6: {  	[sflag:s28] =	ssyncadd.s32 $0xFFFFF800  }
0xe7: {  	_ =	swait.ge [sflag:s28], $0x800  }
0xe8: {  	[sflag:s28] =	ssyncset.done $0x0  }
0xe9: {  	[sflag:s28] =	ssyncadd.s32 $0xFFFFF800  }
0xea: {  	_ =	swait.ge [sflag:s28], $0x800  }
0xeb: {  	[sflag:s28] =	ssyncset.done $0x0  }
0xec: {  	[sflag:s28] =	ssyncadd.s32 $0xFFFFF800  }
0xed: {  	_ =	swait.ge [sflag:s28], $0x800  }
0xee: {  	[sflag:s28] =	ssyncset.done $0x0  }
0xef: {  	[sflag:s28] =	ssyncadd.s32 $0xFFFFF800  }
0xf0: {  	_ =	swait.ge [sflag:s28], $0x800  }
0xf1: {  	[sflag:s28] =	ssyncset.done $0x0  }
0xf2: {  	[sflag:s28] =	ssyncadd.s32 $0xFFFFF800  }
0xf3: {  	_ =	swait.ge [sflag:s28], $0x800  }
0xf4: {  	[sflag:s28] =	ssyncset.done $0x0  }
0xf5: {  	[sflag:s28] =	ssyncadd.s32 $0xFFFFF800  }
0xf6: {  	_ =	swait.ge [sflag:s28], $0x800  }
0xf7: {  	[sflag:s28] =	ssyncset.done $0x0  }
0xf8: {  	[sflag:s28] =	ssyncadd.s32 $0xFFFFF800  }
0xf9: {  	_ =	swait.ge [sflag:s28], $0x800  }
0xfa: {  	[sflag:s28] =	ssyncset.done $0x0  }
0xfb: {  	[sflag:s28] =	ssyncadd.s32 $0xFFFFF800  }
0xfc: {  	_ =	swait.ge [sflag:s28], $0x800  }
0xfd: {  	[sflag:s28] =	ssyncset.done $0x0  }
0xfe: {  	[sflag:s28] =	ssyncadd.s32 $0xFFFFF800  }
0xff: {  	_ =	swait.ge [sflag:s28], $0x800  }
0x100: {  	[sflag:s28] =	ssyncset.done $0x0  }
0x101: {  	[sflag:s28] =	ssyncadd.s32 $0xFFFFF800  }
0x102: {  	_ =	swait.ge [sflag:s28], $0x800  }
0x103: {  	[sflag:s28] =	ssyncset.done $0x0  }
0x104: {  	[sflag:s28] =	ssyncadd.s32 $0xFFFFF800  }
0x105: {  	_ =	swait.ge [sflag:s28], $0x800  }
0x106: {  	[sflag:s28] =	ssyncset.done $0x0  }
0x107: {  	[sflag:s28] =	ssyncadd.s32 $0xFFFFF800  }
0x108: {  	_ =	swait.ge [sflag:s28], $0x800  }
0x109: {  	[sflag:s28] =	ssyncset.done $0x0  }
0x10a: {  	[sflag:s28] =	ssyncadd.s32 $0xFFFFF800  }
0x10b: {  	_ =	swait.ge [sflag:s28], $0x800  }
0x10c: {  	[sflag:s28] =	ssyncset.done $0x0  }
0x10d: {  	[sflag:s28] =	ssyncadd.s32 $0xFFFFF800  }
0x10e: {  	_ =	swait.ge [sflag:s28], $0x400  }
0x10f: {  	[sflag:s28] =	ssyncset.done $0x0  }
0x110: {  	[sflag:s28] =	ssyncadd.s32 $0xFFFFFC00  }
0x111: {  	[bflag:$0x0] =	sbarrier.arrive $0xFFFF  }
0x112: {  	[tilespmem:s30], [sflag:$0x1] =	stream.indirect.gather [hbm4b:s1+s29], $0x80, s14, s29, $0xb8;
	[tilespmem:$0x1F400] =	vst v63  }
0x113: {  	_ = 	snop  }
0x114: {  	[tilespmem:s31], [sflag:$0x1] =	stream.indirect.gather [hbm4b:s1+s29], $0x80, s29, s29, $0xb8;
	[tilespmem:$0x1F400] =	vst v63  }
0x115: {  	s23 =	simm.s32 $0x80;
	s24 =	simm.s32 $0xC0  }
0x116: {  	[tilespmem:s2], [sflag:$0x1] =	stream.indirect.gather [hbm4b:s1+s29], $0x80, s23, s29, $0xb8;
	[tilespmem:$0x1F400] =	vst v63  }
0x117: {  	s16 =	simm.s32 $0x0;
	s17 =	simm.s32 $0x0;
	s19 =	simm.s32 $0x7  }
0x118: {  	[tilespmem:s0], [sflag:$0x1] =	stream.indirect.gather [hbm4b:s1+s29], $0x80, s24, s29, $0xb8;
	[tilespmem:$0x1F400] =	vst v63  }
.LBB2_4:
0x119: {  	p0 =	seq.s32 s17, $0x0  }
0x11a: {  	s15 =	simm.s32 @!p0 $0x2  }
0x11b: {  	_ =	swait.ge @!p0 [sflag:s15], $0x2000  }
0x11c: {  	s18 =	sshll.u32 @!p0 s17, $0xB;
	[sflag:s15] =	ssyncset.done @!p0 $0x0  }
0x11d: {  	s21 =	sshll.u32 s17, $0xB;
	[sflag:s15] =	ssyncadd.s32 @!p0 $0xFFFFE000;
	s15 =	sand.u32 @!p0 $0x3FFFF800, s18  }
0x11e: {  	s20 =	simm.s32 @!p0 $0x9000;
	s18 =	simm.s32 @!p0 $0x40;
	s15 =	sor.u32 @!p0 $0xC0, s15  }
0x11f: {  	[tilespmem:s20], [sflag:$0x1] =	stream.indirect.gather @!p0 [hbm4b:s1+s18], $0x80, s15, s18, $0xb8;
	[tilespmem:$0x1F400] =	vst v63  }
0x120: {  	s15 =	sadd.s32 s3, s21  }
0x121: {  	s15 =	sshrl.u32 s15, $0x3  }
0x122: {  	s15 =	sadd.s32 s6, s15  }
0x123: {  	[tilespmem:s8], [sflag:$0x4] =	stream.linear.gather [hbm4b:s15+s14], $0x800, $0x38;
	[tilespmem:$0x1F400] =	vst v63  }
0x124: {  	_ =	swait.ge [sflag:s26], $0x800  }
0x125: {  	[sflag:s26] =	ssyncset.done $0x0  }
0x126: {  	[sflag:s26] =	ssyncadd.s32 $0xFFFFF800  }
0x127: {  	_ =	swait.ge [sflag:s9], $0x2000  }
0x128: {  	[sflag:s9] =	ssyncset.done $0x0  }
0x129: {  	[sflag:s9] =	ssyncadd.s32 $0xFFFFE000  }
0x12a: {  	[spmem:s4] =	stream.indirect.scatter.add.f32 [tilespmem:s30], [sflag:$0x2], $0x80, s8, s29, $0xb8;
	[tilespmem:$0x1F400] =	vst v63  }
0x12b: {  	_ =	swait.ge [sflag:s9], $0x2000  }
0x12c: {  	[sflag:s9] =	ssyncset.done $0x0  }
0x12d: {  	[sflag:s9] =	ssyncadd.s32 $0xFFFFE000  }
0x12e: {  	[spmem:s4] =	stream.indirect.scatter.add.f32 [tilespmem:s31], [sflag:$0x2], $0x80, s10, s29, $0xb8;
	[tilespmem:$0x1F400] =	vst v63  }
0x12f: {  	s22 =	sshll.u32 s17, $0xD;
	_ =	swait.ge [sflag:s11], $0x2000  }
0x130: {  	s15 =	sshra.s32 s22, $0x2;
	[sflag:s11] =	ssyncset.done $0x0  }
0x131: {  	s23 =	sor.u32 $0x100, s15;
	[sflag:s11] =	ssyncadd.s32 $0xFFFFE000  }
0x132: {  	[tilespmem:s30], [sflag:$0x1] =	stream.indirect.gather [hbm4b:s1+s29], $0x80, s23, s29, $0xb8;
	[tilespmem:$0x1F400] =	vst v63  }
0x133: {  	_ =	swait.ge [sflag:s9], $0x2000  }
0x134: {  	[sflag:s9] =	ssyncset.done $0x0  }
0x135: {  	[sflag:s9] =	ssyncadd.s32 $0xFFFFE000  }
0x136: {  	[spmem:s4] =	stream.indirect.scatter.add.f32 [tilespmem:s2], [sflag:$0x2], $0x80, s12, s29, $0xb8;
	[tilespmem:$0x1F400] =	vst v63  }
0x137: {  	_ =	swait.ge [sflag:s11], $0x2000  }
0x138: {  	[sflag:s11] =	ssyncset.done $0x0  }
0x139: {  	s24 =	sor.u32 $0x140, s15;
	[sflag:s11] =	ssyncadd.s32 $0xFFFFE000  }
0x13a: {  	[tilespmem:s31], [sflag:$0x1] =	stream.indirect.gather [hbm4b:s1+s29], $0x80, s24, s29, $0xb8;
	[tilespmem:$0x1F400] =	vst v63  }
0x13b: {  	_ =	swait.ge [sflag:s9], $0x2000  }
0x13c: {  	[sflag:s9] =	ssyncset.done $0x0  }
0x13d: {  	[sflag:s9] =	ssyncadd.s32 $0xFFFFE000  }
0x13e: {  	[spmem:s4] =	stream.indirect.scatter.add.f32 [tilespmem:s0], [sflag:$0x2], $0x80, s13, s29, $0xb8;
	[tilespmem:$0x1F400] =	vst v63  }
0x13f: {  	_ =	swait.ge [sflag:s11], $0x2000  }
0x140: {  	[sflag:s11] =	ssyncset.done $0x0  }
0x141: {  	s15 =	sor.u32 $0x180, s15;
	[sflag:s11] =	ssyncadd.s32 $0xFFFFE000  }
0x142: {  	[tilespmem:s2], [sflag:$0x1] =	stream.indirect.gather [hbm4b:s1+s29], $0x80, s15, s29, $0xb8;
	[tilespmem:$0x1F400] =	vst v63  }
0x143: {  	_ =	swait.ge [sflag:s9], $0x2000  }
0x144: {  	[sflag:s9] =	ssyncset.done $0x0  }
0x145: {  	s7 =	simm.s32 $0x2900;
	[sflag:s9] =	ssyncadd.s32 $0xFFFFE000  }
0x146: {  	[spmem:s4] =	stream.indirect.scatter.add.f32 [tilespmem:s30], [sflag:$0x2], $0x80, s7, s29, $0xb8;
	[tilespmem:$0x1F400] =	vst v63  }
0x147: {  	_ =	swait.ge [sflag:s11], $0x2000  }
0x148: {  	s18 =	sadd.s32 $0x0, s16;
	[sflag:s11] =	ssyncset.done $0x0  }
0x149: {  	s15 =	sadd.s32 $0x1C0, s18;
	[sflag:s11] =	ssyncadd.s32 $0xFFFFE000  }
0x14a: {  	[tilespmem:s0], [sflag:$0x1] =	stream.indirect.gather [hbm4b:s1+s29], $0x80, s15, s29, $0xb8;
	[tilespmem:$0x1F400] =	vst v63  }
0x14b: {  	s20 =	sadd.s32 $0xFFFFFFFE, s19;
	_ =	swait.ge [sflag:s9], $0x2000  }
0x14c: {  	p0 =	sgt.u32 s20, $0x9C;
	[sflag:s9] =	ssyncset.done $0x0  }
0x14d: {  	s21 =	simm.s32 $0x2940;
	s18 =	simm.s32 @!p0 $0x2;
	[sflag:s9] =	ssyncadd.s32 $0xFFFFE000  }
0x14e: {  	[spmem:s4] =	stream.indirect.scatter.add.f32 [tilespmem:s31], [sflag:$0x2], $0x80, s21, s29, $0xb8;
	[tilespmem:$0x1F400] =	vst v63  }
0x14f: {  	_ =	swait.ge @!p0 [sflag:s18], $0x2000  }
0x150: {  	s20 =	simm.s32 @!p0 $0x3000;
	s15 =	sadd.s32 @!p0 $0x0, s16;
	[sflag:s18] =	ssyncset.done @!p0 $0x0  }
0x151: {  	s15 =	sadd.s32 @!p0 $0x200, s15;
	s21 =	simm.s32 @!p0 $0x40;
	[sflag:s18] =	ssyncadd.s32 @!p0 $0xFFFFE000  }
0x152: {  	[tilespmem:s20], [sflag:$0x1] =	stream.indirect.gather @!p0 [hbm4b:s1+s21], $0x80, s15, s21, $0xb8;
	[tilespmem:$0x1F400] =	vst v63  }
0x153: {  	s22 =	sadd.s32 $0xFFFFFFFF, s19;
	_ =	swait.ge [sflag:s9], $0x2000  }
0x154: {  	p0 =	sgt.u32 s22, $0x9C;
	[sflag:s9] =	ssyncset.done $0x0  }
0x155: {  	s23 =	simm.s32 $0x2980;
	s18 =	simm.s32 @!p0 $0x2;
	[sflag:s9] =	ssyncadd.s32 $0xFFFFE000  }
0x156: {  	[spmem:s4] =	stream.indirect.scatter.add.f32 [tilespmem:s2], [sflag:$0x2], $0x80, s23, s29, $0xb8;
	[tilespmem:$0x1F400] =	vst v63  }
0x157: {  	_ =	swait.ge @!p0 [sflag:s18], $0x2000  }
0x158: {  	s15 =	sadd.s32 @!p0 $0x0, s16;
	s20 =	simm.s32 @!p0 $0x5000;
	[sflag:s18] =	ssyncset.done @!p0 $0x0  }
0x159: {  	s21 =	simm.s32 @!p0 $0x40;
	s15 =	sadd.s32 @!p0 $0x240, s15;
	[sflag:s18] =	ssyncadd.s32 @!p0 $0xFFFFE000  }
0x15a: {  	[tilespmem:s20], [sflag:$0x1] =	stream.indirect.gather @!p0 [hbm4b:s1+s21], $0x80, s15, s21, $0xb8;
	[tilespmem:$0x1F400] =	vst v63  }
0x15b: {  	p1 =	sgt.u32 s19, $0x9C;
	_ =	swait.ge [sflag:s9], $0x2000  }
0x15c: {  	s24 =	simm.s32 $0x29C0;
	s22 =	simm.s32 @!p1 $0x7000;
	[sflag:s9] =	ssyncset.done $0x0  }
0x15d: {  	s21 =	simm.s32 @!p1 $0x2;
	s15 =	sadd.s32 @!p1 $0x0, s16;
	[sflag:s9] =	ssyncadd.s32 $0xFFFFE000  }
0x15e: {  	[spmem:s4] =	stream.indirect.scatter.add.f32 [tilespmem:s0], [sflag:$0x2], $0x80, s24, s29, $0xb8;
	[tilespmem:$0x1F400] =	vst v63  }
0x15f: {  	s18 =	simm.s32 $0x400;
	s23 =	sadd.s32 @!p1 $0x280, s15;
	_ =	swait.ge @!p1 [sflag:s21], $0x2000  }
0x160: {  	s15 =	smov.u32 s19;
	s24 =	simm.s32 @!p1 $0x40;
	[sflag:s21] =	ssyncset.done @!p1 $0x0  }
.LBB2_5:
0x161: {  	[sflag:s21] =	ssyncadd.s32 @!p1 $0xFFFFE000  }
0x162: {  	s15 =	sadd.s32 $0x4, s15;
	s20 =	smov.u32 s18;
	s18 =	sadd.s32 $0x400, s18  }
0x163: {  	[tilespmem:s22], [sflag:$0x1] =	stream.indirect.gather @!p1 [hbm4b:s1+s24], $0x80, s23, s24, $0xb8;
	[tilespmem:$0x1F400] =	vst v63  }
0x164: {  	s21 =	sshra.s32 s20, $0x2;
	p0 =	sne.s32 s18, $0x1C00;
	_ =	swait.ge [sflag:s9], $0x2000  }
0x165: {  	s22 =	sadd.s32 $0x2900, s21;
	s23 =	sadd.s32 s21, s16;
	[sflag:s9] =	ssyncset.done $0x0  }
0x166: {  	[sflag:s9] =	ssyncadd.s32 $0xFFFFE000  }
0x167: {  	[spmem:s4] =	stream.indirect.scatter.add.f32 [tilespmem:s30], [sflag:$0x2], $0x80, s22, s29, $0xb8;
	[tilespmem:$0x1F400] =	vst v63  }
0x168: {  	_ =	swait.ge [sflag:s11], $0x2000  }
0x169: {  	s22 =	sadd.s32 $0x1C0, s23;
	[sflag:s11] =	ssyncset.done $0x0  }
0x16a: {  	[sflag:s11] =	ssyncadd.s32 $0xFFFFE000  }
0x16b: {  	[tilespmem:s0], [sflag:$0x1] =	stream.indirect.gather [hbm4b:s1+s29], $0x80, s22, s29, $0xb8;
	[tilespmem:$0x1F400] =	vst v63  }
0x16c: {  	s22 =	sadd.s32 $0xFFFFFFFE, s15;
	_ =	swait.ge [sflag:s9], $0x2000  }
0x16d: {  	s23 =	sadd.s32 $0x2940, s21;
	p1 =	sgt.u32 s22, $0x9C;
	[sflag:s9] =	ssyncset.done $0x0  }
0x16e: {  	s22 =	simm.s32 @!p1 $0x2;
	s24 =	sshra.s32 @!p1 s20, $0x2;
	[sflag:s9] =	ssyncadd.s32 $0xFFFFE000  }
0x16f: {  	[spmem:s4] =	stream.indirect.scatter.add.f32 [tilespmem:s31], [sflag:$0x2], $0x80, s23, s29, $0xb8;
	[tilespmem:$0x1F400] =	vst v63  }
0x170: {  	s23 =	sadd.s32 @!p1 s24, s16;
	s24 =	simm.s32 @!p1 $0x3000;
	_ =	swait.ge @!p1 [sflag:s22], $0x2000  }
0x171: {  	s7 =	simm.s32 @!p1 $0x40;
	s23 =	sadd.s32 @!p1 $0x200, s23;
	[sflag:s22] =	ssyncset.done @!p1 $0x0  }
0x172: {  	[sflag:s22] =	ssyncadd.s32 @!p1 $0xFFFFE000  }
0x173: {  	[tilespmem:s24], [sflag:$0x1] =	stream.indirect.gather @!p1 [hbm4b:s1+s7], $0x80, s23, s7, $0xb8;
	[tilespmem:$0x1F400] =	vst v63  }
0x174: {  	s7 =	sadd.s32 $0xFFFFFFFF, s15;
	_ =	swait.ge [sflag:s9], $0x2000  }
0x175: {  	s22 =	sadd.s32 $0x2980, s21;
	p1 =	sgt.u32 s7, $0x9C;
	[sflag:s9] =	ssyncset.done $0x0  }
0x176: {  	s7 =	simm.s32 @!p1 $0x2;
	s23 =	sshra.s32 @!p1 s20, $0x2;
	[sflag:s9] =	ssyncadd.s32 $0xFFFFE000  }
0x177: {  	[spmem:s4] =	stream.indirect.scatter.add.f32 [tilespmem:s2], [sflag:$0x2], $0x80, s22, s29, $0xb8;
	[tilespmem:$0x1F400] =	vst v63  }
0x178: {  	s22 =	sadd.s32 @!p1 s23, s16;
	s23 =	simm.s32 @!p1 $0x5000;
	_ =	swait.ge @!p1 [sflag:s7], $0x2000  }
0x179: {  	s24 =	simm.s32 @!p1 $0x40;
	s22 =	sadd.s32 @!p1 $0x240, s22;
	[sflag:s7] =	ssyncset.done @!p1 $0x0  }
0x17a: {  	[sflag:s7] =	ssyncadd.s32 @!p1 $0xFFFFE000  }
0x17b: {  	[tilespmem:s23], [sflag:$0x1] =	stream.indirect.gather @!p1 [hbm4b:s1+s24], $0x80, s22, s24, $0xb8;
	[tilespmem:$0x1F400] =	vst v63  }
0x17c: {  	p1 =	sgt.u32 s15, $0x9C;
	_ =	swait.ge [sflag:s9], $0x2000  }
.Ltmp1:
0x17d: {  	s7 =	sadd.s32 $0x29C0, s21;
	[sflag:s9] =	ssyncset.done $0x0;
	(pc) =	sbr.rel @p0 .LBB2_5-.Ltmp1, $4  }
0x17e: {  	s21 =	simm.s32 @!p1 $0x2;
	s20 =	sshra.s32 @!p1 s20, $0x2;
	[sflag:s9] =	ssyncadd.s32 $0xFFFFE000  }
0x17f: {  	[spmem:s4] =	stream.indirect.scatter.add.f32 [tilespmem:s0], [sflag:$0x2], $0x80, s7, s29, $0xb8;
	[tilespmem:$0x1F400] =	vst v63  }
0x180: {  	s22 =	simm.s32 @!p1 $0x7000;
	s7 =	sadd.s32 @!p1 s20, s16;
	_ =	swait.ge @!p1 [sflag:s21], $0x2000  }
0x181: {  	s24 =	simm.s32 @!p1 $0x40;
	s23 =	sadd.s32 @!p1 $0x280, s7;
	[sflag:s21] =	ssyncset.done @!p1 $0x0  }
0x182: {  	s17 =	sadd.s32 $0x1, s17  }
0x183: {  	p0 =	sne.s32 s17, $0x5  }
.Ltmp2:
0x184: {  	_ = 	snop;
	(pc) =	sbr.rel @p0 .LBB2_4-.Ltmp2, $3  }
0x185: {  	_ =	sdelay $0x1  }
0x186: {  	[sflag:s21] =	ssyncadd.s32 @!p1 $0xFFFFE000;
	s16 =	sadd.s32 $0x800, s16;
	s19 =	sadd.s32 $0x20, s19  }
0x187: {  	[tilespmem:s22], [sflag:$0x1] =	stream.indirect.gather @!p1 [hbm4b:s1+s24], $0x80, s23, s24, $0xb8;
	[tilespmem:$0x1F400] =	vst v63  }
0x188: {  	_ =	swait.ge [sflag:s11], $0x2000  }
0x189: {  	[sflag:s11] =	ssyncset.done $0x0  }
0x18a: {  	[sflag:s11] =	ssyncadd.s32 $0xFFFFE000  }
0x18b: {  	_ =	swait.ge [sflag:s11], $0x2000  }
0x18c: {  	[sflag:s11] =	ssyncset.done $0x0  }
0x18d: {  	[sflag:s11] =	ssyncadd.s32 $0xFFFFE000  }
0x18e: {  	_ =	swait.ge [sflag:s11], $0x2000  }
0x18f: {  	[sflag:s11] =	ssyncset.done $0x0  }
0x190: {  	[sflag:s11] =	ssyncadd.s32 $0xFFFFE000  }
0x191: {  	_ =	swait.ge [sflag:s11], $0x2000  }
0x192: {  	[sflag:s11] =	ssyncset.done $0x0  }
0x193: {  	[sflag:s11] =	ssyncadd.s32 $0xFFFFE000  }
0x194: {  	[bflag:$0x0] =	sbarrier.arrive $0xFFFF  }
0x195: {  	s7 =	stileid.u32;
	s15 =	sld [smem:$0x7FC]  }
0x196: {  	s7 =	sshll.u32 s7, $0x6;
	s16 =	rddreg [dreg:$0x4]  }
0x197: {  	s7 =	sor.u32 $0x1C04, s7;
	s14 =	sshrl.u32 s16, $0x3  }
0x198: {  	[hbm:s15], [sflag:s7] =	dma.local [spmem:s14], $0x2780  }
0x199: {  	_ =	swait.ge [sflag:s26], $0x2780  }
0x19a: {  	s24 =	sld [smem:$0x7FD];
	_ =	sdelay $0x1  }
0x19b: {  	s5 =	sadd.s32 $0x1, s5  }
0x19c: {  	p0 =	sne.s32 s5, s24  }
.Ltmp3:
0x19d: {  	_ = 	snop;
	(pc) =	sbr.rel @p0 .LBB2_1-.Ltmp3, $3  }
0x19e: {  	_ =	sdelay $0x1  }
0x19f: {  	[sflag:s26] =	ssyncset.done $0x0  }
0x1a0: {  	[sflag:s26] =	ssyncadd.s32 $0xFFFFD880  }
0x1a1: {  	_ =	sfence.sel $0x180000  }
0x1a2: {  	[bflag:$0x0] =	sbarrier.arrive $0xFFFF  }
0x1a3: {  	_ =	strace $0x9000004A  }
0x1a4: {  	s0 =	stileid.u32;
	[bflag:$0x2] =	sbarrier.arrive $0xFFFF  }
0x1a5: {  	p0 =	sne.s32 s0, $0x0;
	s0 =	rddreg [dreg:$0x3]  }
0x1a6: {  	s0 =	sadd.s32 @!p0 $0x100000, s0  }
0x1a7: {  	[sflag:s0] =	ssyncadd.tile.s32 @!p0 $0x1;
	_ =	shalt  }
.Lfunc_end2:
_tile_overlayer_lowered:
.L_overlay_start_2:
0x1a8: {  	(tag) =	ssettag $0x2  }
0x1a9: {  	s0 =	rddreg [dreg:$0x0];
	s2 =	stileid.u32  }
0x1aa: {  	s1 =	rddreg [dreg:$0x1];
	p0 =	sne.s32 s2, $0x0  }
0x1ab: {  	s3 =	rddreg [dreg:$0x2];
	[bflag:$0x3] =	sbarrier.arrive $0xFFFF;
	s2 =	simm.s32 @!p0 $0x1C04  }
0x1ac: {  	[timem:s3], [sflag:s2] =	dma.local @!p0 [hbm:s0], s1  }
0x1ad: {  	s0 =	simm.s32 @!p0 $0x4  }
0x1ae: {  	_ =	swait.ge @!p0 [sflag:s0], s1  }
0x1af: {  	s1 =	ssub.s32 @!p0 $0x0, s1;
	[sflag:s0] =	ssyncset.done @!p0 $0x0  }
0x1b0: {  	[sflag:s0] =	ssyncadd.s32 @!p0 s1  }
0x1b1: {  	[bflag:$0x3] =	sbarrier.arrive $0xFFFF  }
0x1b2: {  	_ =	shalt  }

</sc_bundles>
